<compile_context>
chip_gen: v7x
topology: tpu7x:2x2x1
jax: 0.10.2.dev20260603
libtpu: 0.0.44.dev20260713+nightly
codegen_flags: <defaults>
</compile_context>

<pallas_src>
import functools

import jax
import jax.numpy as jnp
from jax import lax
from jax.experimental import pallas as pl
from jax.experimental.pallas import tpu as pltpu
from jax.experimental.pallas import tpu_sc as plsc

J = 512
C = 2
K = 256
O = 4096
ROW = C * K
NTILES = 32
O_PER = O // NTILES
JC = 64
NCH = J // JC
LANES = 16
LUT_N = J * ROW


def _lut_body(xg_ref, cb_ref, lut_ref):
    res = lax.dot_general(
        xg_ref[...], cb_ref[...].reshape(C * K, 8),
        dimension_numbers=(((1,), (1,)), ((), ())),
        preferred_element_type=jnp.float32)
    lut_ref[...] = res.reshape(J * 4, 128)


def _compute_lut(xg, codebooks):
    return pl.pallas_call(
        _lut_body,
        out_shape=jax.ShapeDtypeStruct((J * 4, 128), jnp.float32),
    )(xg, codebooks)


_mesh = plsc.VectorSubcoreMesh(core_axis_name="c", subcore_axis_name="s")


@functools.partial(
    pl.kernel,
    mesh=_mesh,
    compiler_params=pltpu.CompilerParams(
        needs_layout_passes=False, use_tc_tiling_on_sc=False),
    out_type=jax.ShapeDtypeStruct((O,), jnp.float32),
    scratch_types=[
        pltpu.VMEM_SHARED((LUT_N,), jnp.float32),
        pltpu.VMEM((JC * ROW,), jnp.float32),
        pltpu.VMEM((JC * ROW,), jnp.float32),
        pltpu.VMEM((JC, 2 * O_PER), jnp.int32),
        pltpu.VMEM((JC, 2 * O_PER), jnp.int32),
        pltpu.VMEM((O_PER,), jnp.float32),
        pltpu.VMEM((O_PER,), jnp.float32),
        pltpu.SemaphoreType.DMA,
        pltpu.SemaphoreType.DMA,
        pltpu.SemaphoreType.DMA,
        pltpu.SemaphoreType.DMA,
        pltpu.SemaphoreType.DMA,
    ],
)
def _sc_gather(lut_hbm, codes_hbm, scales_hbm, out_hbm,
               lut_sh, lut_v0, lut_v1, codes_v0, codes_v1, scl_v, out_v,
               sem_l0, sem_l1, sem_c0, sem_c1, sem_st):
    sid = lax.axis_index("s")
    wid = sid * 2 + lax.axis_index("c")
    o_base = wid * O_PER

    lut_sems = (sem_l0, sem_l1)
    code_sems = (sem_c0, sem_c1)
    lut_bufs = (lut_v0, lut_v1)
    code_bufs = (codes_v0, codes_v1)

    shard = LUT_N // 16
    pltpu.async_copy(lut_hbm.at[pl.ds(sid * shard, shard)],
                     lut_sh.at[pl.ds(sid * shard, shard)], sem_st).wait()
    plsc.subcore_barrier()

    def start(ci, b):
        lc = pltpu.async_copy(lut_sh.at[pl.ds(ci * JC * ROW, JC * ROW)],
                              lut_bufs[b], lut_sems[b])

        @plsc.parallel_loop(0, JC, unroll=8)
        def _(jr, _ci=ci, _b=b):
            pltpu.async_copy(
                codes_hbm.at[(_ci * JC + jr) * (O // O_PER) + wid],
                code_bufs[_b].at[jr], code_sems[_b])

        return lc

    def wait_codes(b):
        pltpu.make_async_copy(
            codes_hbm.at[pl.ds(0, JC), :],
            code_bufs[b], code_sems[b]).wait()

    pend = {0: start(0, 0), 1: start(1, 1)}
    pltpu.sync_copy(scales_hbm.at[pl.ds(o_base, O_PER)], scl_v)

    accs = [jnp.zeros((LANES,), jnp.float32) for _ in range(16)]
    for ci in range(NCH):
        b = ci % 2
        pend[b].wait()
        wait_codes(b)

        @plsc.parallel_loop(0, JC, unroll=2, carry=tuple(accs))
        def accs(j, acc, _lut=lut_bufs[b], _codes=code_bufs[b]):
            base0 = jnp.full((LANES,), j * ROW, jnp.int32)
            base1 = base0 + K
            new = []
            for c in range(2):
                base = base0 if c == 0 else base1
                for g in range(8):
                    cvec = _codes[j, pl.ds(c * O_PER + g * LANES, LANES)]
                    gval = plsc.load_gather(_lut, [cvec + base])
                    new.append(acc[c * 8 + g] + gval)
            return tuple(new)
        if ci + 2 < NCH:
            pend[b] = start(ci + 2, b)

    for g in range(8):
        s = (accs[g] + accs[8 + g]) * scl_v[pl.ds(g * LANES, LANES)]
        out_v[pl.ds(g * LANES, LANES)] = s
    pltpu.sync_copy(out_v, out_hbm.at[pl.ds(o_base, O_PER)])


def kernel(x, codebooks, codes, scales):
    xg = x.reshape(J, 8)
    lut = _compute_lut(xg, codebooks).reshape(LUT_N)
    codes_sc = codes.reshape(J, 32, O_PER, C).transpose(0, 1, 3, 2)
    codes_sc = codes_sc.reshape(J * 32, C * O_PER)
    scales_flat = scales.reshape(O)
    out = _sc_gather(lut, codes_sc, scales_flat)
    return out.reshape(1, O)

# --- scband reference (transcript-rebuilt; emitter-appended) ---
"""Pipeline reference for scband-quantized-linear-36679020708432 (READ-ONLY COPY).

The authoritative reference and input builder live on the scoring server;
editing this copy changes nothing except your own understanding.
"""

import jax, jax.numpy as jnp
import numpy as np

IN_FEATURES = 4096
OUT_FEATURES = 4096
IN_GROUP = 8
OUT_GROUP = 1
NUM_CODEBOOKS = 2
NBITS = 8
CODEBOOK_SIZE = 2 ** NBITS
NUM_IN_GROUPS = IN_FEATURES // IN_GROUP
NUM_OUT_GROUPS = OUT_FEATURES // OUT_GROUP


def setup_inputs(seed: int = 0) -> dict:
    key = jax.random.key(seed)
    k1, k2, k3, k4 = jax.random.split(key, 4)
    x = jax.random.normal(k1, (1, IN_FEATURES), dtype=jnp.float32)
    # codebooks ~ U[0,1)/1e5, shape (num_codebooks, codebook_size, out_group_size, in_group_size)
    codebooks = jax.random.uniform(k2, (NUM_CODEBOOKS, CODEBOOK_SIZE, OUT_GROUP, IN_GROUP), dtype=jnp.float32) / 100000.0
    # codes already in the permuted 'codes_alt' layout: (num_in_groups, num_out_groups, num_codebooks)
    codes = jax.random.randint(k3, (NUM_IN_GROUPS, NUM_OUT_GROUPS, NUM_CODEBOOKS), 0, CODEBOOK_SIZE, dtype=jnp.int32)
    scales = jnp.ones((NUM_OUT_GROUPS, 1, 1, 1), dtype=jnp.float32)
    return {"x": x, "codebooks": codebooks, "codes": codes, "scales": scales}


def reference(x, codebooks, codes, scales):
    # LUT: inner products of every input group with every codebook entry
    lut = x.reshape(-1, IN_GROUP) @ codebooks.reshape(-1, IN_GROUP).T  # (J, C*K)
    lut = lut.reshape(NUM_IN_GROUPS, NUM_CODEBOOKS, CODEBOOK_SIZE)      # (J, C, K)
    # vals[j, c, o] = lut[j, c, codes[j, o, c]]
    codes_t = jnp.transpose(codes, (0, 2, 1)).astype(jnp.int32)         # (J, C, O)
    vals = jnp.take_along_axis(lut, codes_t, axis=2)                    # (J, C, O)
    out = vals.sum(axis=(0, 1)) * scales.reshape(-1)                    # (O,)
    return out.reshape(x.shape[:-1] + (-1,))

if __name__ == "__main__":
    import jax
    _d = setup_inputs()
    print(jax.jit(kernel)(*tuple(_d.values())))

</pallas_src>

<mosaic_0001>
#map = affine_map<(d0, d1) -> (0)>
#map1 = affine_map<(d0, d1) -> (0, 0)>
module attributes {stable_mosaic.version = 14 : i64} {
  func.func @_sc_gather(%arg0: i32, %arg1: i32, %arg2: memref<262144xf32, #tpu.memory_space<hbm>>, %arg3: memref<16384x256xi32, #tpu.memory_space<hbm>>, %arg4: memref<4096xf32, #tpu.memory_space<hbm>>, %arg5: memref<4096xf32, #tpu.memory_space<hbm>>, %arg6: memref<262144xf32, #tpu.memory_space<vmem_shared>>, %arg7: memref<32768xf32, #tpu.memory_space<vmem>>, %arg8: memref<32768xf32, #tpu.memory_space<vmem>>, %arg9: memref<64x256xi32, #tpu.memory_space<vmem>>, %arg10: memref<64x256xi32, #tpu.memory_space<vmem>>, %arg11: memref<128xf32, #tpu.memory_space<vmem>>, %arg12: memref<128xf32, #tpu.memory_space<vmem>>, %arg13: memref<!tpu.dma_semaphore, #tpu.memory_space<semaphore_mem>>, %arg14: memref<!tpu.dma_semaphore, #tpu.memory_space<semaphore_mem>>, %arg15: memref<!tpu.dma_semaphore, #tpu.memory_space<semaphore_mem>>, %arg16: memref<!tpu.dma_semaphore, #tpu.memory_space<semaphore_mem>>, %arg17: memref<!tpu.dma_semaphore, #tpu.memory_space<semaphore_mem>>) attributes {dimension_semantics = [#tpu.dimension_semantics<core_parallel>, #tpu.dimension_semantics<subcore_parallel>], iteration_bounds = array<i64: 2, 16>, scalar_prefetch = 0 : i64, scratch_operands = 12 : i64, tpu.core_type = #tpu.core_type<sc_vector_subcore>, window_params = [{transform_indices = #map}, {transform_indices = #map1}, {transform_indices = #map}, {transform_indices = #map}]} {
    %mul3A = arith.constant 2 : i32
    %mul3A_0 = arith.muli %arg1, %mul3A : i32
    %add3A = arith.addi %mul3A_0, %arg0 : i32
    %mul3A_1 = arith.constant 128 : i32
    %mul3A_2 = arith.muli %add3A, %mul3A_1 : i32
    %mul3A_3 = arith.constant 16384 : i32
    %mul3A_4 = arith.muli %arg1, %mul3A_3 : i32
    %mul3A_5 = arith.constant 16384 : i32
    %mul3A_6 = arith.muli %arg1, %mul3A_5 : i32
    %dma_start3A = tpu.memref_slice %arg6[%mul3A_6] : memref<262144xf32, #tpu.memory_space<vmem_shared>> -> memref<16384xf32, #tpu.memory_space<vmem_shared>>
    %dma_start3A_7 = tpu.memref_slice %arg2[%mul3A_4] : memref<262144xf32, #tpu.memory_space<hbm>> -> memref<16384xf32, #tpu.memory_space<hbm>>
    tpu.enqueue_dma source(%dma_start3A_7 : memref<16384xf32, #tpu.memory_space<hbm>>) target(%dma_start3A : memref<16384xf32, #tpu.memory_space<vmem_shared>>) target_semaphore(%arg17 : memref<!tpu.dma_semaphore, #tpu.memory_space<semaphore_mem>>)
    %dma_wait3A = tpu.memref_slice %arg6[%mul3A_6] : memref<262144xf32, #tpu.memory_space<vmem_shared>> -> memref<16384xf32, #tpu.memory_space<vmem_shared>>
    %dma_wait3A_8 = tpu.memref_slice %arg2[%mul3A_4] : memref<262144xf32, #tpu.memory_space<hbm>> -> memref<16384xf32, #tpu.memory_space<hbm>>
    tpu.wait_dma2 semaphore(%arg17 : memref<!tpu.dma_semaphore, #tpu.memory_space<semaphore_mem>>) src(%dma_wait3A_8 : memref<16384xf32, #tpu.memory_space<hbm>>) dst(%dma_wait3A : memref<16384xf32, #tpu.memory_space<vmem_shared>>)
    %barrier3A = arith.constant 0 : index
    tpu.barrier barrier_id(%barrier3A)
    %dma_start3A_9 = arith.constant 0 : i32
    %dma_start3A_10 = tpu.memref_slice %arg6[%dma_start3A_9] : memref<262144xf32, #tpu.memory_space<vmem_shared>> -> memref<32768xf32, #tpu.memory_space<vmem_shared>>
    %dma_start3A_11 = arith.constant 0 : i32
    %dma_start3A_12 = tpu.memref_slice %arg6[%dma_start3A_11] : memref<262144xf32, #tpu.memory_space<vmem_shared>> -> memref<32768xf32, #tpu.memory_space<vmem_shared>>
    tpu.enqueue_dma source(%dma_start3A_12 : memref<32768xf32, #tpu.memory_space<vmem_shared>>) target(%arg7 : memref<32768xf32, #tpu.memory_space<vmem>>) target_semaphore(%arg13 : memref<!tpu.dma_semaphore, #tpu.memory_space<semaphore_mem>>)
    %parallel_loop3A = arith.constant 0 : i32
    %parallel_loop3A_13 = arith.constant 64 : i32
    %parallel_loop3A_14 = arith.constant 1 : i32
    scf.for %parallel_loop3A_253 = %parallel_loop3A to %parallel_loop3A_13 step %parallel_loop3A_14  : i32 {
      %parallel_loop3A_254 = arith.constant 0 : i32
      %parallel_loop3A_255 = arith.addi %parallel_loop3A_254, %parallel_loop3A_253 : i32
      %parallel_loop3A_256 = arith.constant 32 : i32
      %parallel_loop3A_257 = arith.muli %parallel_loop3A_255, %parallel_loop3A_256 : i32
      %parallel_loop3A_258 = arith.addi %parallel_loop3A_257, %add3A : i32
      %parallel_loop3A_259 = arith.constant 0 : i32
      %parallel_loop3A_260 = tpu.memref_slice %arg9[%parallel_loop3A_253, %parallel_loop3A_259] : memref<64x256xi32, #tpu.memory_space<vmem>> -> memref<1x256xi32, #tpu.memory_space<vmem>>
      %parallel_loop3A_261 = tpu.memref_squeeze %parallel_loop3A_260 : memref<1x256xi32, #tpu.memory_space<vmem>> -> memref<256xi32, #tpu.memory_space<vmem>>
      %parallel_loop3A_262 = arith.constant 0 : i32
      %parallel_loop3A_263 = tpu.memref_slice %arg3[%parallel_loop3A_258, %parallel_loop3A_262] : memref<16384x256xi32, #tpu.memory_space<hbm>> -> memref<1x256xi32, #tpu.memory_space<hbm>>
      %parallel_loop3A_264 = tpu.memref_squeeze %parallel_loop3A_263 : memref<1x256xi32, #tpu.memory_space<hbm>> -> memref<256xi32, #tpu.memory_space<hbm>>
      %parallel_loop3A_265 = arith.constant 0 : i32
      %parallel_loop3A_266 = tpu.memref_slice %arg9[%parallel_loop3A_253, %parallel_loop3A_265] : memref<64x256xi32, #tpu.memory_space<vmem>> -> memref<1x256xi32, #tpu.memory_space<vmem>>
      %parallel_loop3A_267 = tpu.memref_squeeze %parallel_loop3A_266 : memref<1x256xi32, #tpu.memory_space<vmem>> -> memref<256xi32, #tpu.memory_space<vmem>>
      %parallel_loop3A_268 = arith.constant 0 : i32
      %parallel_loop3A_269 = tpu.memref_slice %arg3[%parallel_loop3A_258, %parallel_loop3A_268] : memref<16384x256xi32, #tpu.memory_space<hbm>> -> memref<1x256xi32, #tpu.memory_space<hbm>>
      %parallel_loop3A_270 = tpu.memref_squeeze %parallel_loop3A_269 : memref<1x256xi32, #tpu.memory_space<hbm>> -> memref<256xi32, #tpu.memory_space<hbm>>
      tpu.enqueue_dma source(%parallel_loop3A_270 : memref<256xi32, #tpu.memory_space<hbm>>) target(%parallel_loop3A_267 : memref<256xi32, #tpu.memory_space<vmem>>) target_semaphore(%arg15 : memref<!tpu.dma_semaphore, #tpu.memory_space<semaphore_mem>>)
    } {sc.loop_unroll_factor = 8 : i64, sc.parallel_access}
    %dma_start3A_15 = arith.constant 32768 : i32
    %dma_start3A_16 = tpu.memref_slice %arg6[%dma_start3A_15] : memref<262144xf32, #tpu.memory_space<vmem_shared>> -> memref<32768xf32, #tpu.memory_space<vmem_shared>>
    %dma_start3A_17 = arith.constant 32768 : i32
    %dma_start3A_18 = tpu.memref_slice %arg6[%dma_start3A_17] : memref<262144xf32, #tpu.memory_space<vmem_shared>> -> memref<32768xf32, #tpu.memory_space<vmem_shared>>
    tpu.enqueue_dma source(%dma_start3A_18 : memref<32768xf32, #tpu.memory_space<vmem_shared>>) target(%arg8 : memref<32768xf32, #tpu.memory_space<vmem>>) target_semaphore(%arg14 : memref<!tpu.dma_semaphore, #tpu.memory_space<semaphore_mem>>)
    %parallel_loop3A_19 = arith.constant 0 : i32
    %parallel_loop3A_20 = arith.constant 64 : i32
    %parallel_loop3A_21 = arith.constant 1 : i32
    scf.for %parallel_loop3A_253 = %parallel_loop3A_19 to %parallel_loop3A_20 step %parallel_loop3A_21  : i32 {
      %parallel_loop3A_254 = arith.constant 64 : i32
      %parallel_loop3A_255 = arith.addi %parallel_loop3A_254, %parallel_loop3A_253 : i32
      %parallel_loop3A_256 = arith.constant 32 : i32
      %parallel_loop3A_257 = arith.muli %parallel_loop3A_255, %parallel_loop3A_256 : i32
      %parallel_loop3A_258 = arith.addi %parallel_loop3A_257, %add3A : i32
      %parallel_loop3A_259 = arith.constant 0 : i32
      %parallel_loop3A_260 = tpu.memref_slice %arg10[%parallel_loop3A_253, %parallel_loop3A_259] : memref<64x256xi32, #tpu.memory_space<vmem>> -> memref<1x256xi32, #tpu.memory_space<vmem>>
      %parallel_loop3A_261 = tpu.memref_squeeze %parallel_loop3A_260 : memref<1x256xi32, #tpu.memory_space<vmem>> -> memref<256xi32, #tpu.memory_space<vmem>>
      %parallel_loop3A_262 = arith.constant 0 : i32
      %parallel_loop3A_263 = tpu.memref_slice %arg3[%parallel_loop3A_258, %parallel_loop3A_262] : memref<16384x256xi32, #tpu.memory_space<hbm>> -> memref<1x256xi32, #tpu.memory_space<hbm>>
      %parallel_loop3A_264 = tpu.memref_squeeze %parallel_loop3A_263 : memref<1x256xi32, #tpu.memory_space<hbm>> -> memref<256xi32, #tpu.memory_space<hbm>>
      %parallel_loop3A_265 = arith.constant 0 : i32
      %parallel_loop3A_266 = tpu.memref_slice %arg10[%parallel_loop3A_253, %parallel_loop3A_265] : memref<64x256xi32, #tpu.memory_space<vmem>> -> memref<1x256xi32, #tpu.memory_space<vmem>>
      %parallel_loop3A_267 = tpu.memref_squeeze %parallel_loop3A_266 : memref<1x256xi32, #tpu.memory_space<vmem>> -> memref<256xi32, #tpu.memory_space<vmem>>
      %parallel_loop3A_268 = arith.constant 0 : i32
      %parallel_loop3A_269 = tpu.memref_slice %arg3[%parallel_loop3A_258, %parallel_loop3A_268] : memref<16384x256xi32, #tpu.memory_space<hbm>> -> memref<1x256xi32, #tpu.memory_space<hbm>>
      %parallel_loop3A_270 = tpu.memref_squeeze %parallel_loop3A_269 : memref<1x256xi32, #tpu.memory_space<hbm>> -> memref<256xi32, #tpu.memory_space<hbm>>
      tpu.enqueue_dma source(%parallel_loop3A_270 : memref<256xi32, #tpu.memory_space<hbm>>) target(%parallel_loop3A_267 : memref<256xi32, #tpu.memory_space<vmem>>) target_semaphore(%arg16 : memref<!tpu.dma_semaphore, #tpu.memory_space<semaphore_mem>>)
    } {sc.loop_unroll_factor = 8 : i64, sc.parallel_access}
    "tpu.region"() ({
      %run_scoped3A = tpu.sem_alloc : memref<!tpu.dma_semaphore, #tpu.memory_space<semaphore_mem>>
      %dma_start3A_253 = tpu.memref_slice %arg4[%mul3A_2] : memref<4096xf32, #tpu.memory_space<hbm>> -> memref<128xf32, #tpu.memory_space<hbm>>
      %dma_start3A_254 = tpu.memref_slice %arg4[%mul3A_2] : memref<4096xf32, #tpu.memory_space<hbm>> -> memref<128xf32, #tpu.memory_space<hbm>>
      tpu.enqueue_dma source(%dma_start3A_254 : memref<128xf32, #tpu.memory_space<hbm>>) target(%arg11 : memref<128xf32, #tpu.memory_space<vmem>>) target_semaphore(%run_scoped3A : memref<!tpu.dma_semaphore, #tpu.memory_space<semaphore_mem>>)
      %dma_wait3A_255 = tpu.memref_slice %arg4[%mul3A_2] : memref<4096xf32, #tpu.memory_space<hbm>> -> memref<128xf32, #tpu.memory_space<hbm>>
      %dma_wait3A_256 = tpu.memref_slice %arg4[%mul3A_2] : memref<4096xf32, #tpu.memory_space<hbm>> -> memref<128xf32, #tpu.memory_space<hbm>>
      tpu.wait_dma2 semaphore(%run_scoped3A : memref<!tpu.dma_semaphore, #tpu.memory_space<semaphore_mem>>) src(%dma_wait3A_256 : memref<128xf32, #tpu.memory_space<hbm>>) dst(%arg11 : memref<128xf32, #tpu.memory_space<vmem>>)
      tpu.yield
    }) : () -> ()
    %broadcast_in_dim3A = arith.constant 0.000000e+00 : f32
    %broadcast_in_dim3A_22 = vector.broadcast %broadcast_in_dim3A : f32 to vector<16xf32>
    %broadcast_in_dim3A_23 = arith.constant 0.000000e+00 : f32
    %broadcast_in_dim3A_24 = vector.broadcast %broadcast_in_dim3A_23 : f32 to vector<16xf32>
    %broadcast_in_dim3A_25 = arith.constant 0.000000e+00 : f32
    %broadcast_in_dim3A_26 = vector.broadcast %broadcast_in_dim3A_25 : f32 to vector<16xf32>
    %broadcast_in_dim3A_27 = arith.constant 0.000000e+00 : f32
    %broadcast_in_dim3A_28 = vector.broadcast %broadcast_in_dim3A_27 : f32 to vector<16xf32>
    %broadcast_in_dim3A_29 = arith.constant 0.000000e+00 : f32
    %broadcast_in_dim3A_30 = vector.broadcast %broadcast_in_dim3A_29 : f32 to vector<16xf32>
    %broadcast_in_dim3A_31 = arith.constant 0.000000e+00 : f32
    %broadcast_in_dim3A_32 = vector.broadcast %broadcast_in_dim3A_31 : f32 to vector<16xf32>
    %broadcast_in_dim3A_33 = arith.constant 0.000000e+00 : f32
    %broadcast_in_dim3A_34 = vector.broadcast %broadcast_in_dim3A_33 : f32 to vector<16xf32>
    %broadcast_in_dim3A_35 = arith.constant 0.000000e+00 : f32
    %broadcast_in_dim3A_36 = vector.broadcast %broadcast_in_dim3A_35 : f32 to vector<16xf32>
    %broadcast_in_dim3A_37 = arith.constant 0.000000e+00 : f32
    %broadcast_in_dim3A_38 = vector.broadcast %broadcast_in_dim3A_37 : f32 to vector<16xf32>
    %broadcast_in_dim3A_39 = arith.constant 0.000000e+00 : f32
    %broadcast_in_dim3A_40 = vector.broadcast %broadcast_in_dim3A_39 : f32 to vector<16xf32>
    %broadcast_in_dim3A_41 = arith.constant 0.000000e+00 : f32
    %broadcast_in_dim3A_42 = vector.broadcast %broadcast_in_dim3A_41 : f32 to vector<16xf32>
    %broadcast_in_dim3A_43 = arith.constant 0.000000e+00 : f32
    %broadcast_in_dim3A_44 = vector.broadcast %broadcast_in_dim3A_43 : f32 to vector<16xf32>
    %broadcast_in_dim3A_45 = arith.constant 0.000000e+00 : f32
    %broadcast_in_dim3A_46 = vector.broadcast %broadcast_in_dim3A_45 : f32 to vector<16xf32>
    %broadcast_in_dim3A_47 = arith.constant 0.000000e+00 : f32
    %broadcast_in_dim3A_48 = vector.broadcast %broadcast_in_dim3A_47 : f32 to vector<16xf32>
    %broadcast_in_dim3A_49 = arith.constant 0.000000e+00 : f32
    %broadcast_in_dim3A_50 = vector.broadcast %broadcast_in_dim3A_49 : f32 to vector<16xf32>
    %broadcast_in_dim3A_51 = arith.constant 0.000000e+00 : f32
    %broadcast_in_dim3A_52 = vector.broadcast %broadcast_in_dim3A_51 : f32 to vector<16xf32>
    %dma_wait3A_53 = arith.constant 0 : i32
    %dma_wait3A_54 = tpu.memref_slice %arg6[%dma_wait3A_53] : memref<262144xf32, #tpu.memory_space<vmem_shared>> -> memref<32768xf32, #tpu.memory_space<vmem_shared>>
    %dma_wait3A_55 = arith.constant 0 : i32
    %dma_wait3A_56 = tpu.memref_slice %arg6[%dma_wait3A_55] : memref<262144xf32, #tpu.memory_space<vmem_shared>> -> memref<32768xf32, #tpu.memory_space<vmem_shared>>
    tpu.wait_dma2 semaphore(%arg13 : memref<!tpu.dma_semaphore, #tpu.memory_space<semaphore_mem>>) src(%dma_wait3A_56 : memref<32768xf32, #tpu.memory_space<vmem_shared>>) dst(%arg7 : memref<32768xf32, #tpu.memory_space<vmem>>)
    %dma_wait3A_57 = arith.constant 0 : i32
    %dma_wait3A_58 = arith.constant 0 : i32
    %dma_wait3A_59 = tpu.memref_slice %arg3[%dma_wait3A_57, %dma_wait3A_58] : memref<16384x256xi32, #tpu.memory_space<hbm>> -> memref<64x256xi32, #tpu.memory_space<hbm>>
    %dma_wait3A_60 = arith.constant 0 : i32
    %dma_wait3A_61 = arith.constant 0 : i32
    %dma_wait3A_62 = tpu.memref_slice %arg3[%dma_wait3A_60, %dma_wait3A_61] : memref<16384x256xi32, #tpu.memory_space<hbm>> -> memref<64x256xi32, #tpu.memory_space<hbm>>
    tpu.wait_dma2 semaphore(%arg15 : memref<!tpu.dma_semaphore, #tpu.memory_space<semaphore_mem>>) src(%dma_wait3A_62 : memref<64x256xi32, #tpu.memory_space<hbm>>) dst(%arg9 : memref<64x256xi32, #tpu.memory_space<vmem>>)
    %parallel_loop3A_63 = arith.constant 0 : i32
    %parallel_loop3A_64 = arith.constant 64 : i32
    %parallel_loop3A_65 = arith.constant 1 : i32
    %parallel_loop3A_66:16 = scf.for %parallel_loop3A_253 = %parallel_loop3A_63 to %parallel_loop3A_64 step %parallel_loop3A_65 iter_args(%parallel_loop3A_254 = %broadcast_in_dim3A_22, %parallel_loop3A_255 = %broadcast_in_dim3A_24, %parallel_loop3A_256 = %broadcast_in_dim3A_26, %parallel_loop3A_257 = %broadcast_in_dim3A_28, %parallel_loop3A_258 = %broadcast_in_dim3A_30, %parallel_loop3A_259 = %broadcast_in_dim3A_32, %parallel_loop3A_260 = %broadcast_in_dim3A_34, %parallel_loop3A_261 = %broadcast_in_dim3A_36, %parallel_loop3A_262 = %broadcast_in_dim3A_38, %parallel_loop3A_263 = %broadcast_in_dim3A_40, %parallel_loop3A_264 = %broadcast_in_dim3A_42, %parallel_loop3A_265 = %broadcast_in_dim3A_44, %parallel_loop3A_266 = %broadcast_in_dim3A_46, %parallel_loop3A_267 = %broadcast_in_dim3A_48, %parallel_loop3A_268 = %broadcast_in_dim3A_50, %parallel_loop3A_269 = %broadcast_in_dim3A_52) -> (vector<16xf32>, vector<16xf32>, vector<16xf32>, vector<16xf32>, vector<16xf32>, vector<16xf32>, vector<16xf32>, vector<16xf32>, vector<16xf32>, vector<16xf32>, vector<16xf32>, vector<16xf32>, vector<16xf32>, vector<16xf32>, vector<16xf32>, vector<16xf32>)  : i32 {
      %parallel_loop3A_270 = arith.constant 512 : i32
      %parallel_loop3A_271 = arith.muli %parallel_loop3A_253, %parallel_loop3A_270 : i32
      %parallel_loop3A_272 = vector.broadcast %parallel_loop3A_271 : i32 to vector<16xi32>
      %parallel_loop3A_273 = arith.constant 256 : i32
      %parallel_loop3A_274 = vector.broadcast %parallel_loop3A_273 : i32 to vector<16xi32>
      %parallel_loop3A_275 = arith.addi %parallel_loop3A_272, %parallel_loop3A_274 : vector<16xi32>
      %parallel_loop3A_276 = arith.index_cast %parallel_loop3A_253 : i32 to index
      %parallel_loop3A_277 = arith.constant 0 : index
      %parallel_loop3A_278 = tpu.vector_load %arg9[%parallel_loop3A_276, %parallel_loop3A_277] {strides = array<i32>} : memref<64x256xi32, #tpu.memory_space<vmem>>, vector<16xi32>,
      %parallel_loop3A_279 = arith.addi %parallel_loop3A_278, %parallel_loop3A_272 : vector<16xi32>
      %parallel_loop3A_280 = tpu.vector_load_idx %arg7[%parallel_loop3A_279] : memref<32768xf32, #tpu.memory_space<vmem>>[vector<16xi32>], vector<16xf32>,
      %parallel_loop3A_281 = arith.addf %parallel_loop3A_254, %parallel_loop3A_280 : vector<16xf32>
      %parallel_loop3A_282 = arith.index_cast %parallel_loop3A_253 : i32 to index
      %parallel_loop3A_283 = arith.constant 16 : index
      %parallel_loop3A_284 = tpu.vector_load %arg9[%parallel_loop3A_282, %parallel_loop3A_283] {strides = array<i32>} : memref<64x256xi32, #tpu.memory_space<vmem>>, vector<16xi32>,
      %parallel_loop3A_285 = arith.addi %parallel_loop3A_284, %parallel_loop3A_272 : vector<16xi32>
      %parallel_loop3A_286 = tpu.vector_load_idx %arg7[%parallel_loop3A_285] : memref<32768xf32, #tpu.memory_space<vmem>>[vector<16xi32>], vector<16xf32>,
      %parallel_loop3A_287 = arith.addf %parallel_loop3A_255, %parallel_loop3A_286 : vector<16xf32>
      %parallel_loop3A_288 = arith.index_cast %parallel_loop3A_253 : i32 to index
      %parallel_loop3A_289 = arith.constant 32 : index
      %parallel_loop3A_290 = tpu.vector_load %arg9[%parallel_loop3A_288, %parallel_loop3A_289] {strides = array<i32>} : memref<64x256xi32, #tpu.memory_space<vmem>>, vector<16xi32>,
      %parallel_loop3A_291 = arith.addi %parallel_loop3A_290, %parallel_loop3A_272 : vector<16xi32>
      %parallel_loop3A_292 = tpu.vector_load_idx %arg7[%parallel_loop3A_291] : memref<32768xf32, #tpu.memory_space<vmem>>[vector<16xi32>], vector<16xf32>,
      %parallel_loop3A_293 = arith.addf %parallel_loop3A_256, %parallel_loop3A_292 : vector<16xf32>
      %parallel_loop3A_294 = arith.index_cast %parallel_loop3A_253 : i32 to index
      %parallel_loop3A_295 = arith.constant 48 : index
      %parallel_loop3A_296 = tpu.vector_load %arg9[%parallel_loop3A_294, %parallel_loop3A_295] {strides = array<i32>} : memref<64x256xi32, #tpu.memory_space<vmem>>, vector<16xi32>,
      %parallel_loop3A_297 = arith.addi %parallel_loop3A_296, %parallel_loop3A_272 : vector<16xi32>
      %parallel_loop3A_298 = tpu.vector_load_idx %arg7[%parallel_loop3A_297] : memref<32768xf32, #tpu.memory_space<vmem>>[vector<16xi32>], vector<16xf32>,
      %parallel_loop3A_299 = arith.addf %parallel_loop3A_257, %parallel_loop3A_298 : vector<16xf32>
      %parallel_loop3A_300 = arith.index_cast %parallel_loop3A_253 : i32 to index
      %parallel_loop3A_301 = arith.constant 64 : index
      %parallel_loop3A_302 = tpu.vector_load %arg9[%parallel_loop3A_300, %parallel_loop3A_301] {strides = array<i32>} : memref<64x256xi32, #tpu.memory_space<vmem>>, vector<16xi32>,
      %parallel_loop3A_303 = arith.addi %parallel_loop3A_302, %parallel_loop3A_272 : vector<16xi32>
      %parallel_loop3A_304 = tpu.vector_load_idx %arg7[%parallel_loop3A_303] : memref<32768xf32, #tpu.memory_space<vmem>>[vector<16xi32>], vector<16xf32>,
      %parallel_loop3A_305 = arith.addf %parallel_loop3A_258, %parallel_loop3A_304 : vector<16xf32>
      %parallel_loop3A_306 = arith.index_cast %parallel_loop3A_253 : i32 to index
      %parallel_loop3A_307 = arith.constant 80 : index
      %parallel_loop3A_308 = tpu.vector_load %arg9[%parallel_loop3A_306, %parallel_loop3A_307] {strides = array<i32>} : memref<64x256xi32, #tpu.memory_space<vmem>>, vector<16xi32>,
      %parallel_loop3A_309 = arith.addi %parallel_loop3A_308, %parallel_loop3A_272 : vector<16xi32>
      %parallel_loop3A_310 = tpu.vector_load_idx %arg7[%parallel_loop3A_309] : memref<32768xf32, #tpu.memory_space<vmem>>[vector<16xi32>], vector<16xf32>,
      %parallel_loop3A_311 = arith.addf %parallel_loop3A_259, %parallel_loop3A_310 : vector<16xf32>
      %parallel_loop3A_312 = arith.index_cast %parallel_loop3A_253 : i32 to index
      %parallel_loop3A_313 = arith.constant 96 : index
      %parallel_loop3A_314 = tpu.vector_load %arg9[%parallel_loop3A_312, %parallel_loop3A_313] {strides = array<i32>} : memref<64x256xi32, #tpu.memory_space<vmem>>, vector<16xi32>,
      %parallel_loop3A_315 = arith.addi %parallel_loop3A_314, %parallel_loop3A_272 : vector<16xi32>
      %parallel_loop3A_316 = tpu.vector_load_idx %arg7[%parallel_loop3A_315] : memref<32768xf32, #tpu.memory_space<vmem>>[vector<16xi32>], vector<16xf32>,
      %parallel_loop3A_317 = arith.addf %parallel_loop3A_260, %parallel_loop3A_316 : vector<16xf32>
      %parallel_loop3A_318 = arith.index_cast %parallel_loop3A_253 : i32 to index
      %parallel_loop3A_319 = arith.constant 112 : index
      %parallel_loop3A_320 = tpu.vector_load %arg9[%parallel_loop3A_318, %parallel_loop3A_319] {strides = array<i32>} : memref<64x256xi32, #tpu.memory_space<vmem>>, vector<16xi32>,
      %parallel_loop3A_321 = arith.addi %parallel_loop3A_320, %parallel_loop3A_272 : vector<16xi32>
      %parallel_loop3A_322 = tpu.vector_load_idx %arg7[%parallel_loop3A_321] : memref<32768xf32, #tpu.memory_space<vmem>>[vector<16xi32>], vector<16xf32>,
      %parallel_loop3A_323 = arith.addf %parallel_loop3A_261, %parallel_loop3A_322 : vector<16xf32>
      %parallel_loop3A_324 = arith.index_cast %parallel_loop3A_253 : i32 to index
      %parallel_loop3A_325 = arith.constant 128 : index
      %parallel_loop3A_326 = tpu.vector_load %arg9[%parallel_loop3A_324, %parallel_loop3A_325] {strides = array<i32>} : memref<64x256xi32, #tpu.memory_space<vmem>>, vector<16xi32>,
      %parallel_loop3A_327 = arith.addi %parallel_loop3A_326, %parallel_loop3A_275 : vector<16xi32>
      %parallel_loop3A_328 = tpu.vector_load_idx %arg7[%parallel_loop3A_327] : memref<32768xf32, #tpu.memory_space<vmem>>[vector<16xi32>], vector<16xf32>,
      %parallel_loop3A_329 = arith.addf %parallel_loop3A_262, %parallel_loop3A_328 : vector<16xf32>
      %parallel_loop3A_330 = arith.index_cast %parallel_loop3A_253 : i32 to index
      %parallel_loop3A_331 = arith.constant 144 : index
      %parallel_loop3A_332 = tpu.vector_load %arg9[%parallel_loop3A_330, %parallel_loop3A_331] {strides = array<i32>} : memref<64x256xi32, #tpu.memory_space<vmem>>, vector<16xi32>,
      %parallel_loop3A_333 = arith.addi %parallel_loop3A_332, %parallel_loop3A_275 : vector<16xi32>
      %parallel_loop3A_334 = tpu.vector_load_idx %arg7[%parallel_loop3A_333] : memref<32768xf32, #tpu.memory_space<vmem>>[vector<16xi32>], vector<16xf32>,
      %parallel_loop3A_335 = arith.addf %parallel_loop3A_263, %parallel_loop3A_334 : vector<16xf32>
      %parallel_loop3A_336 = arith.index_cast %parallel_loop3A_253 : i32 to index
      %parallel_loop3A_337 = arith.constant 160 : index
      %parallel_loop3A_338 = tpu.vector_load %arg9[%parallel_loop3A_336, %parallel_loop3A_337] {strides = array<i32>} : memref<64x256xi32, #tpu.memory_space<vmem>>, vector<16xi32>,
      %parallel_loop3A_339 = arith.addi %parallel_loop3A_338, %parallel_loop3A_275 : vector<16xi32>
      %parallel_loop3A_340 = tpu.vector_load_idx %arg7[%parallel_loop3A_339] : memref<32768xf32, #tpu.memory_space<vmem>>[vector<16xi32>], vector<16xf32>,
      %parallel_loop3A_341 = arith.addf %parallel_loop3A_264, %parallel_loop3A_340 : vector<16xf32>
      %parallel_loop3A_342 = arith.index_cast %parallel_loop3A_253 : i32 to index
      %parallel_loop3A_343 = arith.constant 176 : index
      %parallel_loop3A_344 = tpu.vector_load %arg9[%parallel_loop3A_342, %parallel_loop3A_343] {strides = array<i32>} : memref<64x256xi32, #tpu.memory_space<vmem>>, vector<16xi32>,
      %parallel_loop3A_345 = arith.addi %parallel_loop3A_344, %parallel_loop3A_275 : vector<16xi32>
      %parallel_loop3A_346 = tpu.vector_load_idx %arg7[%parallel_loop3A_345] : memref<32768xf32, #tpu.memory_space<vmem>>[vector<16xi32>], vector<16xf32>,
      %parallel_loop3A_347 = arith.addf %parallel_loop3A_265, %parallel_loop3A_346 : vector<16xf32>
      %parallel_loop3A_348 = arith.index_cast %parallel_loop3A_253 : i32 to index
      %parallel_loop3A_349 = arith.constant 192 : index
      %parallel_loop3A_350 = tpu.vector_load %arg9[%parallel_loop3A_348, %parallel_loop3A_349] {strides = array<i32>} : memref<64x256xi32, #tpu.memory_space<vmem>>, vector<16xi32>,
      %parallel_loop3A_351 = arith.addi %parallel_loop3A_350, %parallel_loop3A_275 : vector<16xi32>
      %parallel_loop3A_352 = tpu.vector_load_idx %arg7[%parallel_loop3A_351] : memref<32768xf32, #tpu.memory_space<vmem>>[vector<16xi32>], vector<16xf32>,
      %parallel_loop3A_353 = arith.addf %parallel_loop3A_266, %parallel_loop3A_352 : vector<16xf32>
      %parallel_loop3A_354 = arith.index_cast %parallel_loop3A_253 : i32 to index
      %parallel_loop3A_355 = arith.constant 208 : index
      %parallel_loop3A_356 = tpu.vector_load %arg9[%parallel_loop3A_354, %parallel_loop3A_355] {strides = array<i32>} : memref<64x256xi32, #tpu.memory_space<vmem>>, vector<16xi32>,
      %parallel_loop3A_357 = arith.addi %parallel_loop3A_356, %parallel_loop3A_275 : vector<16xi32>
      %parallel_loop3A_358 = tpu.vector_load_idx %arg7[%parallel_loop3A_357] : memref<32768xf32, #tpu.memory_space<vmem>>[vector<16xi32>], vector<16xf32>,
      %parallel_loop3A_359 = arith.addf %parallel_loop3A_267, %parallel_loop3A_358 : vector<16xf32>
      %parallel_loop3A_360 = arith.index_cast %parallel_loop3A_253 : i32 to index
      %parallel_loop3A_361 = arith.constant 224 : index
      %parallel_loop3A_362 = tpu.vector_load %arg9[%parallel_loop3A_360, %parallel_loop3A_361] {strides = array<i32>} : memref<64x256xi32, #tpu.memory_space<vmem>>, vector<16xi32>,
      %parallel_loop3A_363 = arith.addi %parallel_loop3A_362, %parallel_loop3A_275 : vector<16xi32>
      %parallel_loop3A_364 = tpu.vector_load_idx %arg7[%parallel_loop3A_363] : memref<32768xf32, #tpu.memory_space<vmem>>[vector<16xi32>], vector<16xf32>,
      %parallel_loop3A_365 = arith.addf %parallel_loop3A_268, %parallel_loop3A_364 : vector<16xf32>
      %parallel_loop3A_366 = arith.index_cast %parallel_loop3A_253 : i32 to index
      %parallel_loop3A_367 = arith.constant 240 : index
      %parallel_loop3A_368 = tpu.vector_load %arg9[%parallel_loop3A_366, %parallel_loop3A_367] {strides = array<i32>} : memref<64x256xi32, #tpu.memory_space<vmem>>, vector<16xi32>,
      %parallel_loop3A_369 = arith.addi %parallel_loop3A_368, %parallel_loop3A_275 : vector<16xi32>
      %parallel_loop3A_370 = tpu.vector_load_idx %arg7[%parallel_loop3A_369] : memref<32768xf32, #tpu.memory_space<vmem>>[vector<16xi32>], vector<16xf32>,
      %parallel_loop3A_371 = arith.addf %parallel_loop3A_269, %parallel_loop3A_370 : vector<16xf32>
      scf.yield %parallel_loop3A_281, %parallel_loop3A_287, %parallel_loop3A_293, %parallel_loop3A_299, %parallel_loop3A_305, %parallel_loop3A_311, %parallel_loop3A_317, %parallel_loop3A_323, %parallel_loop3A_329, %parallel_loop3A_335, %parallel_loop3A_341, %parallel_loop3A_347, %parallel_loop3A_353, %parallel_loop3A_359, %parallel_loop3A_365, %parallel_loop3A_371 : vector<16xf32>, vector<16xf32>, vector<16xf32>, vector<16xf32>, vector<16xf32>, vector<16xf32>, vector<16xf32>, vector<16xf32>, vector<16xf32>, vector<16xf32>, vector<16xf32>, vector<16xf32>, vector<16xf32>, vector<16xf32>, vector<16xf32>, vector<16xf32>
    } {sc.loop_unroll_factor = 2 : i64, sc.parallel_access}
    %dma_start3A_67 = arith.constant 65536 : i32
    %dma_start3A_68 = tpu.memref_slice %arg6[%dma_start3A_67] : memref<262144xf32, #tpu.memory_space<vmem_shared>> -> memref<32768xf32, #tpu.memory_space<vmem_shared>>
    %dma_start3A_69 = arith.constant 65536 : i32
    %dma_start3A_70 = tpu.memref_slice %arg6[%dma_start3A_69] : memref<262144xf32, #tpu.memory_space<vmem_shared>> -> memref<32768xf32, #tpu.memory_space<vmem_shared>>
    tpu.enqueue_dma source(%dma_start3A_70 : memref<32768xf32, #tpu.memory_space<vmem_shared>>) target(%arg7 : memref<32768xf32, #tpu.memory_space<vmem>>) target_semaphore(%arg13 : memref<!tpu.dma_semaphore, #tpu.memory_space<semaphore_mem>>)
    %parallel_loop3A_71 = arith.constant 0 : i32
    %parallel_loop3A_72 = arith.constant 64 : i32
    %parallel_loop3A_73 = arith.constant 1 : i32
    scf.for %parallel_loop3A_253 = %parallel_loop3A_71 to %parallel_loop3A_72 step %parallel_loop3A_73  : i32 {
      %parallel_loop3A_254 = arith.constant 128 : i32
      %parallel_loop3A_255 = arith.addi %parallel_loop3A_254, %parallel_loop3A_253 : i32
      %parallel_loop3A_256 = arith.constant 32 : i32
      %parallel_loop3A_257 = arith.muli %parallel_loop3A_255, %parallel_loop3A_256 : i32
      %parallel_loop3A_258 = arith.addi %parallel_loop3A_257, %add3A : i32
      %parallel_loop3A_259 = arith.constant 0 : i32
      %parallel_loop3A_260 = tpu.memref_slice %arg9[%parallel_loop3A_253, %parallel_loop3A_259] : memref<64x256xi32, #tpu.memory_space<vmem>> -> memref<1x256xi32, #tpu.memory_space<vmem>>
      %parallel_loop3A_261 = tpu.memref_squeeze %parallel_loop3A_260 : memref<1x256xi32, #tpu.memory_space<vmem>> -> memref<256xi32, #tpu.memory_space<vmem>>
      %parallel_loop3A_262 = arith.constant 0 : i32
      %parallel_loop3A_263 = tpu.memref_slice %arg3[%parallel_loop3A_258, %parallel_loop3A_262] : memref<16384x256xi32, #tpu.memory_space<hbm>> -> memref<1x256xi32, #tpu.memory_space<hbm>>
      %parallel_loop3A_264 = tpu.memref_squeeze %parallel_loop3A_263 : memref<1x256xi32, #tpu.memory_space<hbm>> -> memref<256xi32, #tpu.memory_space<hbm>>
      %parallel_loop3A_265 = arith.constant 0 : i32
      %parallel_loop3A_266 = tpu.memref_slice %arg9[%parallel_loop3A_253, %parallel_loop3A_265] : memref<64x256xi32, #tpu.memory_space<vmem>> -> memref<1x256xi32, #tpu.memory_space<vmem>>
      %parallel_loop3A_267 = tpu.memref_squeeze %parallel_loop3A_266 : memref<1x256xi32, #tpu.memory_space<vmem>> -> memref<256xi32, #tpu.memory_space<vmem>>
      %parallel_loop3A_268 = arith.constant 0 : i32
      %parallel_loop3A_269 = tpu.memref_slice %arg3[%parallel_loop3A_258, %parallel_loop3A_268] : memref<16384x256xi32, #tpu.memory_space<hbm>> -> memref<1x256xi32, #tpu.memory_space<hbm>>
      %parallel_loop3A_270 = tpu.memref_squeeze %parallel_loop3A_269 : memref<1x256xi32, #tpu.memory_space<hbm>> -> memref<256xi32, #tpu.memory_space<hbm>>
      tpu.enqueue_dma source(%parallel_loop3A_270 : memref<256xi32, #tpu.memory_space<hbm>>) target(%parallel_loop3A_267 : memref<256xi32, #tpu.memory_space<vmem>>) target_semaphore(%arg15 : memref<!tpu.dma_semaphore, #tpu.memory_space<semaphore_mem>>)
    } {sc.loop_unroll_factor = 8 : i64, sc.parallel_access}
    %dma_wait3A_74 = arith.constant 32768 : i32
    %dma_wait3A_75 = tpu.memref_slice %arg6[%dma_wait3A_74] : memref<262144xf32, #tpu.memory_space<vmem_shared>> -> memref<32768xf32, #tpu.memory_space<vmem_shared>>
    %dma_wait3A_76 = arith.constant 32768 : i32
    %dma_wait3A_77 = tpu.memref_slice %arg6[%dma_wait3A_76] : memref<262144xf32, #tpu.memory_space<vmem_shared>> -> memref<32768xf32, #tpu.memory_space<vmem_shared>>
    tpu.wait_dma2 semaphore(%arg14 : memref<!tpu.dma_semaphore, #tpu.memory_space<semaphore_mem>>) src(%dma_wait3A_77 : memref<32768xf32, #tpu.memory_space<vmem_shared>>) dst(%arg8 : memref<32768xf32, #tpu.memory_space<vmem>>)
    %dma_wait3A_78 = arith.constant 0 : i32
    %dma_wait3A_79 = arith.constant 0 : i32
    %dma_wait3A_80 = tpu.memref_slice %arg3[%dma_wait3A_78, %dma_wait3A_79] : memref<16384x256xi32, #tpu.memory_space<hbm>> -> memref<64x256xi32, #tpu.memory_space<hbm>>
    %dma_wait3A_81 = arith.constant 0 : i32
    %dma_wait3A_82 = arith.constant 0 : i32
    %dma_wait3A_83 = tpu.memref_slice %arg3[%dma_wait3A_81, %dma_wait3A_82] : memref<16384x256xi32, #tpu.memory_space<hbm>> -> memref<64x256xi32, #tpu.memory_space<hbm>>
    tpu.wait_dma2 semaphore(%arg16 : memref<!tpu.dma_semaphore, #tpu.memory_space<semaphore_mem>>) src(%dma_wait3A_83 : memref<64x256xi32, #tpu.memory_space<hbm>>) dst(%arg10 : memref<64x256xi32, #tpu.memory_space<vmem>>)
    %parallel_loop3A_84 = arith.constant 0 : i32
    %parallel_loop3A_85 = arith.constant 64 : i32
    %parallel_loop3A_86 = arith.constant 1 : i32
    %parallel_loop3A_87:16 = scf.for %parallel_loop3A_253 = %parallel_loop3A_84 to %parallel_loop3A_85 step %parallel_loop3A_86 iter_args(%parallel_loop3A_254 = %parallel_loop3A_66#0, %parallel_loop3A_255 = %parallel_loop3A_66#1, %parallel_loop3A_256 = %parallel_loop3A_66#2, %parallel_loop3A_257 = %parallel_loop3A_66#3, %parallel_loop3A_258 = %parallel_loop3A_66#4, %parallel_loop3A_259 = %parallel_loop3A_66#5, %parallel_loop3A_260 = %parallel_loop3A_66#6, %parallel_loop3A_261 = %parallel_loop3A_66#7, %parallel_loop3A_262 = %parallel_loop3A_66#8, %parallel_loop3A_263 = %parallel_loop3A_66#9, %parallel_loop3A_264 = %parallel_loop3A_66#10, %parallel_loop3A_265 = %parallel_loop3A_66#11, %parallel_loop3A_266 = %parallel_loop3A_66#12, %parallel_loop3A_267 = %parallel_loop3A_66#13, %parallel_loop3A_268 = %parallel_loop3A_66#14, %parallel_loop3A_269 = %parallel_loop3A_66#15) -> (vector<16xf32>, vector<16xf32>, vector<16xf32>, vector<16xf32>, vector<16xf32>, vector<16xf32>, vector<16xf32>, vector<16xf32>, vector<16xf32>, vector<16xf32>, vector<16xf32>, vector<16xf32>, vector<16xf32>, vector<16xf32>, vector<16xf32>, vector<16xf32>)  : i32 {
      %parallel_loop3A_270 = arith.constant 512 : i32
      %parallel_loop3A_271 = arith.muli %parallel_loop3A_253, %parallel_loop3A_270 : i32
      %parallel_loop3A_272 = vector.broadcast %parallel_loop3A_271 : i32 to vector<16xi32>
      %parallel_loop3A_273 = arith.constant 256 : i32
      %parallel_loop3A_274 = vector.broadcast %parallel_loop3A_273 : i32 to vector<16xi32>
      %parallel_loop3A_275 = arith.addi %parallel_loop3A_272, %parallel_loop3A_274 : vector<16xi32>
      %parallel_loop3A_276 = arith.index_cast %parallel_loop3A_253 : i32 to index
      %parallel_loop3A_277 = arith.constant 0 : index
      %parallel_loop3A_278 = tpu.vector_load %arg10[%parallel_loop3A_276, %parallel_loop3A_277] {strides = array<i32>} : memref<64x256xi32, #tpu.memory_space<vmem>>, vector<16xi32>,
      %parallel_loop3A_279 = arith.addi %parallel_loop3A_278, %parallel_loop3A_272 : vector<16xi32>
      %parallel_loop3A_280 = tpu.vector_load_idx %arg8[%parallel_loop3A_279] : memref<32768xf32, #tpu.memory_space<vmem>>[vector<16xi32>], vector<16xf32>,
      %parallel_loop3A_281 = arith.addf %parallel_loop3A_254, %parallel_loop3A_280 : vector<16xf32>
      %parallel_loop3A_282 = arith.index_cast %parallel_loop3A_253 : i32 to index
      %parallel_loop3A_283 = arith.constant 16 : index
      %parallel_loop3A_284 = tpu.vector_load %arg10[%parallel_loop3A_282, %parallel_loop3A_283] {strides = array<i32>} : memref<64x256xi32, #tpu.memory_space<vmem>>, vector<16xi32>,
      %parallel_loop3A_285 = arith.addi %parallel_loop3A_284, %parallel_loop3A_272 : vector<16xi32>
      %parallel_loop3A_286 = tpu.vector_load_idx %arg8[%parallel_loop3A_285] : memref<32768xf32, #tpu.memory_space<vmem>>[vector<16xi32>], vector<16xf32>,
      %parallel_loop3A_287 = arith.addf %parallel_loop3A_255, %parallel_loop3A_286 : vector<16xf32>
      %parallel_loop3A_288 = arith.index_cast %parallel_loop3A_253 : i32 to index
      %parallel_loop3A_289 = arith.constant 32 : index
      %parallel_loop3A_290 = tpu.vector_load %arg10[%parallel_loop3A_288, %parallel_loop3A_289] {strides = array<i32>} : memref<64x256xi32, #tpu.memory_space<vmem>>, vector<16xi32>,
      %parallel_loop3A_291 = arith.addi %parallel_loop3A_290, %parallel_loop3A_272 : vector<16xi32>
      %parallel_loop3A_292 = tpu.vector_load_idx %arg8[%parallel_loop3A_291] : memref<32768xf32, #tpu.memory_space<vmem>>[vector<16xi32>], vector<16xf32>,
      %parallel_loop3A_293 = arith.addf %parallel_loop3A_256, %parallel_loop3A_292 : vector<16xf32>
      %parallel_loop3A_294 = arith.index_cast %parallel_loop3A_253 : i32 to index
      %parallel_loop3A_295 = arith.constant 48 : index
      %parallel_loop3A_296 = tpu.vector_load %arg10[%parallel_loop3A_294, %parallel_loop3A_295] {strides = array<i32>} : memref<64x256xi32, #tpu.memory_space<vmem>>, vector<16xi32>,
      %parallel_loop3A_297 = arith.addi %parallel_loop3A_296, %parallel_loop3A_272 : vector<16xi32>
      %parallel_loop3A_298 = tpu.vector_load_idx %arg8[%parallel_loop3A_297] : memref<32768xf32, #tpu.memory_space<vmem>>[vector<16xi32>], vector<16xf32>,
      %parallel_loop3A_299 = arith.addf %parallel_loop3A_257, %parallel_loop3A_298 : vector<16xf32>
      %parallel_loop3A_300 = arith.index_cast %parallel_loop3A_253 : i32 to index
      %parallel_loop3A_301 = arith.constant 64 : index
      %parallel_loop3A_302 = tpu.vector_load %arg10[%parallel_loop3A_300, %parallel_loop3A_301] {strides = array<i32>} : memref<64x256xi32, #tpu.memory_space<vmem>>, vector<16xi32>,
      %parallel_loop3A_303 = arith.addi %parallel_loop3A_302, %parallel_loop3A_272 : vector<16xi32>
      %parallel_loop3A_304 = tpu.vector_load_idx %arg8[%parallel_loop3A_303] : memref<32768xf32, #tpu.memory_space<vmem>>[vector<16xi32>], vector<16xf32>,
      %parallel_loop3A_305 = arith.addf %parallel_loop3A_258, %parallel_loop3A_304 : vector<16xf32>
      %parallel_loop3A_306 = arith.index_cast %parallel_loop3A_253 : i32 to index
      %parallel_loop3A_307 = arith.constant 80 : index
      %parallel_loop3A_308 = tpu.vector_load %arg10[%parallel_loop3A_306, %parallel_loop3A_307] {strides = array<i32>} : memref<64x256xi32, #tpu.memory_space<vmem>>, vector<16xi32>,
      %parallel_loop3A_309 = arith.addi %parallel_loop3A_308, %parallel_loop3A_272 : vector<16xi32>
      %parallel_loop3A_310 = tpu.vector_load_idx %arg8[%parallel_loop3A_309] : memref<32768xf32, #tpu.memory_space<vmem>>[vector<16xi32>], vector<16xf32>,
      %parallel_loop3A_311 = arith.addf %parallel_loop3A_259, %parallel_loop3A_310 : vector<16xf32>
      %parallel_loop3A_312 = arith.index_cast %parallel_loop3A_253 : i32 to index
      %parallel_loop3A_313 = arith.constant 96 : index
      %parallel_loop3A_314 = tpu.vector_load %arg10[%parallel_loop3A_312, %parallel_loop3A_313] {strides = array<i32>} : memref<64x256xi32, #tpu.memory_space<vmem>>, vector<16xi32>,
      %parallel_loop3A_315 = arith.addi %parallel_loop3A_314, %parallel_loop3A_272 : vector<16xi32>
      %parallel_loop3A_316 = tpu.vector_load_idx %arg8[%parallel_loop3A_315] : memref<32768xf32, #tpu.memory_space<vmem>>[vector<16xi32>], vector<16xf32>,
      %parallel_loop3A_317 = arith.addf %parallel_loop3A_260, %parallel_loop3A_316 : vector<16xf32>
      %parallel_loop3A_318 = arith.index_cast %parallel_loop3A_253 : i32 to index
      %parallel_loop3A_319 = arith.constant 112 : index
      %parallel_loop3A_320 = tpu.vector_load %arg10[%parallel_loop3A_318, %parallel_loop3A_319] {strides = array<i32>} : memref<64x256xi32, #tpu.memory_space<vmem>>, vector<16xi32>,
      %parallel_loop3A_321 = arith.addi %parallel_loop3A_320, %parallel_loop3A_272 : vector<16xi32>
      %parallel_loop3A_322 = tpu.vector_load_idx %arg8[%parallel_loop3A_321] : memref<32768xf32, #tpu.memory_space<vmem>>[vector<16xi32>], vector<16xf32>,
      %parallel_loop3A_323 = arith.addf %parallel_loop3A_261, %parallel_loop3A_322 : vector<16xf32>
      %parallel_loop3A_324 = arith.index_cast %parallel_loop3A_253 : i32 to index
      %parallel_loop3A_325 = arith.constant 128 : index
      %parallel_loop3A_326 = tpu.vector_load %arg10[%parallel_loop3A_324, %parallel_loop3A_325] {strides = array<i32>} : memref<64x256xi32, #tpu.memory_space<vmem>>, vector<16xi32>,
      %parallel_loop3A_327 = arith.addi %parallel_loop3A_326, %parallel_loop3A_275 : vector<16xi32>
      %parallel_loop3A_328 = tpu.vector_load_idx %arg8[%parallel_loop3A_327] : memref<32768xf32, #tpu.memory_space<vmem>>[vector<16xi32>], vector<16xf32>,
      %parallel_loop3A_329 = arith.addf %parallel_loop3A_262, %parallel_loop3A_328 : vector<16xf32>
      %parallel_loop3A_330 = arith.index_cast %parallel_loop3A_253 : i32 to index
      %parallel_loop3A_331 = arith.constant 144 : index
      %parallel_loop3A_332 = tpu.vector_load %arg10[%parallel_loop3A_330, %parallel_loop3A_331] {strides = array<i32>} : memref<64x256xi32, #tpu.memory_space<vmem>>, vector<16xi32>,
      %parallel_loop3A_333 = arith.addi %parallel_loop3A_332, %parallel_loop3A_275 : vector<16xi32>
      %parallel_loop3A_334 = tpu.vector_load_idx %arg8[%parallel_loop3A_333] : memref<32768xf32, #tpu.memory_space<vmem>>[vector<16xi32>], vector<16xf32>,
      %parallel_loop3A_335 = arith.addf %parallel_loop3A_263, %parallel_loop3A_334 : vector<16xf32>
      %parallel_loop3A_336 = arith.index_cast %parallel_loop3A_253 : i32 to index
      %parallel_loop3A_337 = arith.constant 160 : index
      %parallel_loop3A_338 = tpu.vector_load %arg10[%parallel_loop3A_336, %parallel_loop3A_337] {strides = array<i32>} : memref<64x256xi32, #tpu.memory_space<vmem>>, vector<16xi32>,
      %parallel_loop3A_339 = arith.addi %parallel_loop3A_338, %parallel_loop3A_275 : vector<16xi32>
      %parallel_loop3A_340 = tpu.vector_load_idx %arg8[%parallel_loop3A_339] : memref<32768xf32, #tpu.memory_space<vmem>>[vector<16xi32>], vector<16xf32>,
      %parallel_loop3A_341 = arith.addf %parallel_loop3A_264, %parallel_loop3A_340 : vector<16xf32>
      %parallel_loop3A_342 = arith.index_cast %parallel_loop3A_253 : i32 to index
      %parallel_loop3A_343 = arith.constant 176 : index
      %parallel_loop3A_344 = tpu.vector_load %arg10[%parallel_loop3A_342, %parallel_loop3A_343] {strides = array<i32>} : memref<64x256xi32, #tpu.memory_space<vmem>>, vector<16xi32>,
      %parallel_loop3A_345 = arith.addi %parallel_loop3A_344, %parallel_loop3A_275 : vector<16xi32>
      %parallel_loop3A_346 = tpu.vector_load_idx %arg8[%parallel_loop3A_345] : memref<32768xf32, #tpu.memory_space<vmem>>[vector<16xi32>], vector<16xf32>,
      %parallel_loop3A_347 = arith.addf %parallel_loop3A_265, %parallel_loop3A_346 : vector<16xf32>
      %parallel_loop3A_348 = arith.index_cast %parallel_loop3A_253 : i32 to index
      %parallel_loop3A_349 = arith.constant 192 : index
      %parallel_loop3A_350 = tpu.vector_load %arg10[%parallel_loop3A_348, %parallel_loop3A_349] {strides = array<i32>} : memref<64x256xi32, #tpu.memory_space<vmem>>, vector<16xi32>,
      %parallel_loop3A_351 = arith.addi %parallel_loop3A_350, %parallel_loop3A_275 : vector<16xi32>
      %parallel_loop3A_352 = tpu.vector_load_idx %arg8[%parallel_loop3A_351] : memref<32768xf32, #tpu.memory_space<vmem>>[vector<16xi32>], vector<16xf32>,
      %parallel_loop3A_353 = arith.addf %parallel_loop3A_266, %parallel_loop3A_352 : vector<16xf32>
      %parallel_loop3A_354 = arith.index_cast %parallel_loop3A_253 : i32 to index
      %parallel_loop3A_355 = arith.constant 208 : index
      %parallel_loop3A_356 = tpu.vector_load %arg10[%parallel_loop3A_354, %parallel_loop3A_355] {strides = array<i32>} : memref<64x256xi32, #tpu.memory_space<vmem>>, vector<16xi32>,
      %parallel_loop3A_357 = arith.addi %parallel_loop3A_356, %parallel_loop3A_275 : vector<16xi32>
      %parallel_loop3A_358 = tpu.vector_load_idx %arg8[%parallel_loop3A_357] : memref<32768xf32, #tpu.memory_space<vmem>>[vector<16xi32>], vector<16xf32>,
      %parallel_loop3A_359 = arith.addf %parallel_loop3A_267, %parallel_loop3A_358 : vector<16xf32>
      %parallel_loop3A_360 = arith.index_cast %parallel_loop3A_253 : i32 to index
      %parallel_loop3A_361 = arith.constant 224 : index
      %parallel_loop3A_362 = tpu.vector_load %arg10[%parallel_loop3A_360, %parallel_loop3A_361] {strides = array<i32>} : memref<64x256xi32, #tpu.memory_space<vmem>>, vector<16xi32>,
      %parallel_loop3A_363 = arith.addi %parallel_loop3A_362, %parallel_loop3A_275 : vector<16xi32>
      %parallel_loop3A_364 = tpu.vector_load_idx %arg8[%parallel_loop3A_363] : memref<32768xf32, #tpu.memory_space<vmem>>[vector<16xi32>], vector<16xf32>,
      %parallel_loop3A_365 = arith.addf %parallel_loop3A_268, %parallel_loop3A_364 : vector<16xf32>
      %parallel_loop3A_366 = arith.index_cast %parallel_loop3A_253 : i32 to index
      %parallel_loop3A_367 = arith.constant 240 : index
      %parallel_loop3A_368 = tpu.vector_load %arg10[%parallel_loop3A_366, %parallel_loop3A_367] {strides = array<i32>} : memref<64x256xi32, #tpu.memory_space<vmem>>, vector<16xi32>,
      %parallel_loop3A_369 = arith.addi %parallel_loop3A_368, %parallel_loop3A_275 : vector<16xi32>
      %parallel_loop3A_370 = tpu.vector_load_idx %arg8[%parallel_loop3A_369] : memref<32768xf32, #tpu.memory_space<vmem>>[vector<16xi32>], vector<16xf32>,
      %parallel_loop3A_371 = arith.addf %parallel_loop3A_269, %parallel_loop3A_370 : vector<16xf32>
      scf.yield %parallel_loop3A_281, %parallel_loop3A_287, %parallel_loop3A_293, %parallel_loop3A_299, %parallel_loop3A_305, %parallel_loop3A_311, %parallel_loop3A_317, %parallel_loop3A_323, %parallel_loop3A_329, %parallel_loop3A_335, %parallel_loop3A_341, %parallel_loop3A_347, %parallel_loop3A_353, %parallel_loop3A_359, %parallel_loop3A_365, %parallel_loop3A_371 : vector<16xf32>, vector<16xf32>, vector<16xf32>, vector<16xf32>, vector<16xf32>, vector<16xf32>, vector<16xf32>, vector<16xf32>, vector<16xf32>, vector<16xf32>, vector<16xf32>, vector<16xf32>, vector<16xf32>, vector<16xf32>, vector<16xf32>, vector<16xf32>
    } {sc.loop_unroll_factor = 2 : i64, sc.parallel_access}
    %dma_start3A_88 = arith.constant 98304 : i32
    %dma_start3A_89 = tpu.memref_slice %arg6[%dma_start3A_88] : memref<262144xf32, #tpu.memory_space<vmem_shared>> -> memref<32768xf32, #tpu.memory_space<vmem_shared>>
    %dma_start3A_90 = arith.constant 98304 : i32
    %dma_start3A_91 = tpu.memref_slice %arg6[%dma_start3A_90] : memref<262144xf32, #tpu.memory_space<vmem_shared>> -> memref<32768xf32, #tpu.memory_space<vmem_shared>>
    tpu.enqueue_dma source(%dma_start3A_91 : memref<32768xf32, #tpu.memory_space<vmem_shared>>) target(%arg8 : memref<32768xf32, #tpu.memory_space<vmem>>) target_semaphore(%arg14 : memref<!tpu.dma_semaphore, #tpu.memory_space<semaphore_mem>>)
    %parallel_loop3A_92 = arith.constant 0 : i32
    %parallel_loop3A_93 = arith.constant 64 : i32
    %parallel_loop3A_94 = arith.constant 1 : i32
    scf.for %parallel_loop3A_253 = %parallel_loop3A_92 to %parallel_loop3A_93 step %parallel_loop3A_94  : i32 {
      %parallel_loop3A_254 = arith.constant 192 : i32
      %parallel_loop3A_255 = arith.addi %parallel_loop3A_254, %parallel_loop3A_253 : i32
      %parallel_loop3A_256 = arith.constant 32 : i32
      %parallel_loop3A_257 = arith.muli %parallel_loop3A_255, %parallel_loop3A_256 : i32
      %parallel_loop3A_258 = arith.addi %parallel_loop3A_257, %add3A : i32
      %parallel_loop3A_259 = arith.constant 0 : i32
      %parallel_loop3A_260 = tpu.memref_slice %arg10[%parallel_loop3A_253, %parallel_loop3A_259] : memref<64x256xi32, #tpu.memory_space<vmem>> -> memref<1x256xi32, #tpu.memory_space<vmem>>
      %parallel_loop3A_261 = tpu.memref_squeeze %parallel_loop3A_260 : memref<1x256xi32, #tpu.memory_space<vmem>> -> memref<256xi32, #tpu.memory_space<vmem>>
      %parallel_loop3A_262 = arith.constant 0 : i32
      %parallel_loop3A_263 = tpu.memref_slice %arg3[%parallel_loop3A_258, %parallel_loop3A_262] : memref<16384x256xi32, #tpu.memory_space<hbm>> -> memref<1x256xi32, #tpu.memory_space<hbm>>
      %parallel_loop3A_264 = tpu.memref_squeeze %parallel_loop3A_263 : memref<1x256xi32, #tpu.memory_space<hbm>> -> memref<256xi32, #tpu.memory_space<hbm>>
      %parallel_loop3A_265 = arith.constant 0 : i32
      %parallel_loop3A_266 = tpu.memref_slice %arg10[%parallel_loop3A_253, %parallel_loop3A_265] : memref<64x256xi32, #tpu.memory_space<vmem>> -> memref<1x256xi32, #tpu.memory_space<vmem>>
      %parallel_loop3A_267 = tpu.memref_squeeze %parallel_loop3A_266 : memref<1x256xi32, #tpu.memory_space<vmem>> -> memref<256xi32, #tpu.memory_space<vmem>>
      %parallel_loop3A_268 = arith.constant 0 : i32
      %parallel_loop3A_269 = tpu.memref_slice %arg3[%parallel_loop3A_258, %parallel_loop3A_268] : memref<16384x256xi32, #tpu.memory_space<hbm>> -> memref<1x256xi32, #tpu.memory_space<hbm>>
      %parallel_loop3A_270 = tpu.memref_squeeze %parallel_loop3A_269 : memref<1x256xi32, #tpu.memory_space<hbm>> -> memref<256xi32, #tpu.memory_space<hbm>>
      tpu.enqueue_dma source(%parallel_loop3A_270 : memref<256xi32, #tpu.memory_space<hbm>>) target(%parallel_loop3A_267 : memref<256xi32, #tpu.memory_space<vmem>>) target_semaphore(%arg16 : memref<!tpu.dma_semaphore, #tpu.memory_space<semaphore_mem>>)
    } {sc.loop_unroll_factor = 8 : i64, sc.parallel_access}
    %dma_wait3A_95 = arith.constant 65536 : i32
    %dma_wait3A_96 = tpu.memref_slice %arg6[%dma_wait3A_95] : memref<262144xf32, #tpu.memory_space<vmem_shared>> -> memref<32768xf32, #tpu.memory_space<vmem_shared>>
    %dma_wait3A_97 = arith.constant 65536 : i32
    %dma_wait3A_98 = tpu.memref_slice %arg6[%dma_wait3A_97] : memref<262144xf32, #tpu.memory_space<vmem_shared>> -> memref<32768xf32, #tpu.memory_space<vmem_shared>>
    tpu.wait_dma2 semaphore(%arg13 : memref<!tpu.dma_semaphore, #tpu.memory_space<semaphore_mem>>) src(%dma_wait3A_98 : memref<32768xf32, #tpu.memory_space<vmem_shared>>) dst(%arg7 : memref<32768xf32, #tpu.memory_space<vmem>>)
    %dma_wait3A_99 = arith.constant 0 : i32
    %dma_wait3A_100 = arith.constant 0 : i32
    %dma_wait3A_101 = tpu.memref_slice %arg3[%dma_wait3A_99, %dma_wait3A_100] : memref<16384x256xi32, #tpu.memory_space<hbm>> -> memref<64x256xi32, #tpu.memory_space<hbm>>
    %dma_wait3A_102 = arith.constant 0 : i32
    %dma_wait3A_103 = arith.constant 0 : i32
    %dma_wait3A_104 = tpu.memref_slice %arg3[%dma_wait3A_102, %dma_wait3A_103] : memref<16384x256xi32, #tpu.memory_space<hbm>> -> memref<64x256xi32, #tpu.memory_space<hbm>>
    tpu.wait_dma2 semaphore(%arg15 : memref<!tpu.dma_semaphore, #tpu.memory_space<semaphore_mem>>) src(%dma_wait3A_104 : memref<64x256xi32, #tpu.memory_space<hbm>>) dst(%arg9 : memref<64x256xi32, #tpu.memory_space<vmem>>)
    %parallel_loop3A_105 = arith.constant 0 : i32
    %parallel_loop3A_106 = arith.constant 64 : i32
    %parallel_loop3A_107 = arith.constant 1 : i32
    %parallel_loop3A_108:16 = scf.for %parallel_loop3A_253 = %parallel_loop3A_105 to %parallel_loop3A_106 step %parallel_loop3A_107 iter_args(%parallel_loop3A_254 = %parallel_loop3A_87#0, %parallel_loop3A_255 = %parallel_loop3A_87#1, %parallel_loop3A_256 = %parallel_loop3A_87#2, %parallel_loop3A_257 = %parallel_loop3A_87#3, %parallel_loop3A_258 = %parallel_loop3A_87#4, %parallel_loop3A_259 = %parallel_loop3A_87#5, %parallel_loop3A_260 = %parallel_loop3A_87#6, %parallel_loop3A_261 = %parallel_loop3A_87#7, %parallel_loop3A_262 = %parallel_loop3A_87#8, %parallel_loop3A_263 = %parallel_loop3A_87#9, %parallel_loop3A_264 = %parallel_loop3A_87#10, %parallel_loop3A_265 = %parallel_loop3A_87#11, %parallel_loop3A_266 = %parallel_loop3A_87#12, %parallel_loop3A_267 = %parallel_loop3A_87#13, %parallel_loop3A_268 = %parallel_loop3A_87#14, %parallel_loop3A_269 = %parallel_loop3A_87#15) -> (vector<16xf32>, vector<16xf32>, vector<16xf32>, vector<16xf32>, vector<16xf32>, vector<16xf32>, vector<16xf32>, vector<16xf32>, vector<16xf32>, vector<16xf32>, vector<16xf32>, vector<16xf32>, vector<16xf32>, vector<16xf32>, vector<16xf32>, vector<16xf32>)  : i32 {
      %parallel_loop3A_270 = arith.constant 512 : i32
      %parallel_loop3A_271 = arith.muli %parallel_loop3A_253, %parallel_loop3A_270 : i32
      %parallel_loop3A_272 = vector.broadcast %parallel_loop3A_271 : i32 to vector<16xi32>
      %parallel_loop3A_273 = arith.constant 256 : i32
      %parallel_loop3A_274 = vector.broadcast %parallel_loop3A_273 : i32 to vector<16xi32>
      %parallel_loop3A_275 = arith.addi %parallel_loop3A_272, %parallel_loop3A_274 : vector<16xi32>
      %parallel_loop3A_276 = arith.index_cast %parallel_loop3A_253 : i32 to index
      %parallel_loop3A_277 = arith.constant 0 : index
      %parallel_loop3A_278 = tpu.vector_load %arg9[%parallel_loop3A_276, %parallel_loop3A_277] {strides = array<i32>} : memref<64x256xi32, #tpu.memory_space<vmem>>, vector<16xi32>,
      %parallel_loop3A_279 = arith.addi %parallel_loop3A_278, %parallel_loop3A_272 : vector<16xi32>
      %parallel_loop3A_280 = tpu.vector_load_idx %arg7[%parallel_loop3A_279] : memref<32768xf32, #tpu.memory_space<vmem>>[vector<16xi32>], vector<16xf32>,
      %parallel_loop3A_281 = arith.addf %parallel_loop3A_254, %parallel_loop3A_280 : vector<16xf32>
      %parallel_loop3A_282 = arith.index_cast %parallel_loop3A_253 : i32 to index
      %parallel_loop3A_283 = arith.constant 16 : index
      %parallel_loop3A_284 = tpu.vector_load %arg9[%parallel_loop3A_282, %parallel_loop3A_283] {strides = array<i32>} : memref<64x256xi32, #tpu.memory_space<vmem>>, vector<16xi32>,
      %parallel_loop3A_285 = arith.addi %parallel_loop3A_284, %parallel_loop3A_272 : vector<16xi32>
      %parallel_loop3A_286 = tpu.vector_load_idx %arg7[%parallel_loop3A_285] : memref<32768xf32, #tpu.memory_space<vmem>>[vector<16xi32>], vector<16xf32>,
      %parallel_loop3A_287 = arith.addf %parallel_loop3A_255, %parallel_loop3A_286 : vector<16xf32>
      %parallel_loop3A_288 = arith.index_cast %parallel_loop3A_253 : i32 to index
      %parallel_loop3A_289 = arith.constant 32 : index
      %parallel_loop3A_290 = tpu.vector_load %arg9[%parallel_loop3A_288, %parallel_loop3A_289] {strides = array<i32>} : memref<64x256xi32, #tpu.memory_space<vmem>>, vector<16xi32>,
      %parallel_loop3A_291 = arith.addi %parallel_loop3A_290, %parallel_loop3A_272 : vector<16xi32>
      %parallel_loop3A_292 = tpu.vector_load_idx %arg7[%parallel_loop3A_291] : memref<32768xf32, #tpu.memory_space<vmem>>[vector<16xi32>], vector<16xf32>,
      %parallel_loop3A_293 = arith.addf %parallel_loop3A_256, %parallel_loop3A_292 : vector<16xf32>
      %parallel_loop3A_294 = arith.index_cast %parallel_loop3A_253 : i32 to index
      %parallel_loop3A_295 = arith.constant 48 : index
      %parallel_loop3A_296 = tpu.vector_load %arg9[%parallel_loop3A_294, %parallel_loop3A_295] {strides = array<i32>} : memref<64x256xi32, #tpu.memory_space<vmem>>, vector<16xi32>,
      %parallel_loop3A_297 = arith.addi %parallel_loop3A_296, %parallel_loop3A_272 : vector<16xi32>
      %parallel_loop3A_298 = tpu.vector_load_idx %arg7[%parallel_loop3A_297] : memref<32768xf32, #tpu.memory_space<vmem>>[vector<16xi32>], vector<16xf32>,
      %parallel_loop3A_299 = arith.addf %parallel_loop3A_257, %parallel_loop3A_298 : vector<16xf32>
      %parallel_loop3A_300 = arith.index_cast %parallel_loop3A_253 : i32 to index
      %parallel_loop3A_301 = arith.constant 64 : index
      %parallel_loop3A_302 = tpu.vector_load %arg9[%parallel_loop3A_300, %parallel_loop3A_301] {strides = array<i32>} : memref<64x256xi32, #tpu.memory_space<vmem>>, vector<16xi32>,
      %parallel_loop3A_303 = arith.addi %parallel_loop3A_302, %parallel_loop3A_272 : vector<16xi32>
      %parallel_loop3A_304 = tpu.vector_load_idx %arg7[%parallel_loop3A_303] : memref<32768xf32, #tpu.memory_space<vmem>>[vector<16xi32>], vector<16xf32>,
      %parallel_loop3A_305 = arith.addf %parallel_loop3A_258, %parallel_loop3A_304 : vector<16xf32>
      %parallel_loop3A_306 = arith.index_cast %parallel_loop3A_253 : i32 to index
      %parallel_loop3A_307 = arith.constant 80 : index
      %parallel_loop3A_308 = tpu.vector_load %arg9[%parallel_loop3A_306, %parallel_loop3A_307] {strides = array<i32>} : memref<64x256xi32, #tpu.memory_space<vmem>>, vector<16xi32>,
      %parallel_loop3A_309 = arith.addi %parallel_loop3A_308, %parallel_loop3A_272 : vector<16xi32>
      %parallel_loop3A_310 = tpu.vector_load_idx %arg7[%parallel_loop3A_309] : memref<32768xf32, #tpu.memory_space<vmem>>[vector<16xi32>], vector<16xf32>,
      %parallel_loop3A_311 = arith.addf %parallel_loop3A_259, %parallel_loop3A_310 : vector<16xf32>
      %parallel_loop3A_312 = arith.index_cast %parallel_loop3A_253 : i32 to index
      %parallel_loop3A_313 = arith.constant 96 : index
      %parallel_loop3A_314 = tpu.vector_load %arg9[%parallel_loop3A_312, %parallel_loop3A_313] {strides = array<i32>} : memref<64x256xi32, #tpu.memory_space<vmem>>, vector<16xi32>,
      %parallel_loop3A_315 = arith.addi %parallel_loop3A_314, %parallel_loop3A_272 : vector<16xi32>
      %parallel_loop3A_316 = tpu.vector_load_idx %arg7[%parallel_loop3A_315] : memref<32768xf32, #tpu.memory_space<vmem>>[vector<16xi32>], vector<16xf32>,
      %parallel_loop3A_317 = arith.addf %parallel_loop3A_260, %parallel_loop3A_316 : vector<16xf32>
      %parallel_loop3A_318 = arith.index_cast %parallel_loop3A_253 : i32 to index
      %parallel_loop3A_319 = arith.constant 112 : index
      %parallel_loop3A_320 = tpu.vector_load %arg9[%parallel_loop3A_318, %parallel_loop3A_319] {strides = array<i32>} : memref<64x256xi32, #tpu.memory_space<vmem>>, vector<16xi32>,
      %parallel_loop3A_321 = arith.addi %parallel_loop3A_320, %parallel_loop3A_272 : vector<16xi32>
      %parallel_loop3A_322 = tpu.vector_load_idx %arg7[%parallel_loop3A_321] : memref<32768xf32, #tpu.memory_space<vmem>>[vector<16xi32>], vector<16xf32>,
      %parallel_loop3A_323 = arith.addf %parallel_loop3A_261, %parallel_loop3A_322 : vector<16xf32>
      %parallel_loop3A_324 = arith.index_cast %parallel_loop3A_253 : i32 to index
      %parallel_loop3A_325 = arith.constant 128 : index
      %parallel_loop3A_326 = tpu.vector_load %arg9[%parallel_loop3A_324, %parallel_loop3A_325] {strides = array<i32>} : memref<64x256xi32, #tpu.memory_space<vmem>>, vector<16xi32>,
      %parallel_loop3A_327 = arith.addi %parallel_loop3A_326, %parallel_loop3A_275 : vector<16xi32>
      %parallel_loop3A_328 = tpu.vector_load_idx %arg7[%parallel_loop3A_327] : memref<32768xf32, #tpu.memory_space<vmem>>[vector<16xi32>], vector<16xf32>,
      %parallel_loop3A_329 = arith.addf %parallel_loop3A_262, %parallel_loop3A_328 : vector<16xf32>
      %parallel_loop3A_330 = arith.index_cast %parallel_loop3A_253 : i32 to index
      %parallel_loop3A_331 = arith.constant 144 : index
      %parallel_loop3A_332 = tpu.vector_load %arg9[%parallel_loop3A_330, %parallel_loop3A_331] {strides = array<i32>} : memref<64x256xi32, #tpu.memory_space<vmem>>, vector<16xi32>,
      %parallel_loop3A_333 = arith.addi %parallel_loop3A_332, %parallel_loop3A_275 : vector<16xi32>
      %parallel_loop3A_334 = tpu.vector_load_idx %arg7[%parallel_loop3A_333] : memref<32768xf32, #tpu.memory_space<vmem>>[vector<16xi32>], vector<16xf32>,
      %parallel_loop3A_335 = arith.addf %parallel_loop3A_263, %parallel_loop3A_334 : vector<16xf32>
      %parallel_loop3A_336 = arith.index_cast %parallel_loop3A_253 : i32 to index
      %parallel_loop3A_337 = arith.constant 160 : index
      %parallel_loop3A_338 = tpu.vector_load %arg9[%parallel_loop3A_336, %parallel_loop3A_337] {strides = array<i32>} : memref<64x256xi32, #tpu.memory_space<vmem>>, vector<16xi32>,
      %parallel_loop3A_339 = arith.addi %parallel_loop3A_338, %parallel_loop3A_275 : vector<16xi32>
      %parallel_loop3A_340 = tpu.vector_load_idx %arg7[%parallel_loop3A_339] : memref<32768xf32, #tpu.memory_space<vmem>>[vector<16xi32>], vector<16xf32>,
      %parallel_loop3A_341 = arith.addf %parallel_loop3A_264, %parallel_loop3A_340 : vector<16xf32>
      %parallel_loop3A_342 = arith.index_cast %parallel_loop3A_253 : i32 to index
      %parallel_loop3A_343 = arith.constant 176 : index
      %parallel_loop3A_344 = tpu.vector_load %arg9[%parallel_loop3A_342, %parallel_loop3A_343] {strides = array<i32>} : memref<64x256xi32, #tpu.memory_space<vmem>>, vector<16xi32>,
      %parallel_loop3A_345 = arith.addi %parallel_loop3A_344, %parallel_loop3A_275 : vector<16xi32>
      %parallel_loop3A_346 = tpu.vector_load_idx %arg7[%parallel_loop3A_345] : memref<32768xf32, #tpu.memory_space<vmem>>[vector<16xi32>], vector<16xf32>,
      %parallel_loop3A_347 = arith.addf %parallel_loop3A_265, %parallel_loop3A_346 : vector<16xf32>
      %parallel_loop3A_348 = arith.index_cast %parallel_loop3A_253 : i32 to index
      %parallel_loop3A_349 = arith.constant 192 : index
      %parallel_loop3A_350 = tpu.vector_load %arg9[%parallel_loop3A_348, %parallel_loop3A_349] {strides = array<i32>} : memref<64x256xi32, #tpu.memory_space<vmem>>, vector<16xi32>,
      %parallel_loop3A_351 = arith.addi %parallel_loop3A_350, %parallel_loop3A_275 : vector<16xi32>
      %parallel_loop3A_352 = tpu.vector_load_idx %arg7[%parallel_loop3A_351] : memref<32768xf32, #tpu.memory_space<vmem>>[vector<16xi32>], vector<16xf32>,
      %parallel_loop3A_353 = arith.addf %parallel_loop3A_266, %parallel_loop3A_352 : vector<16xf32>
      %parallel_loop3A_354 = arith.index_cast %parallel_loop3A_253 : i32 to index
      %parallel_loop3A_355 = arith.constant 208 : index
      %parallel_loop3A_356 = tpu.vector_load %arg9[%parallel_loop3A_354, %parallel_loop3A_355] {strides = array<i32>} : memref<64x256xi32, #tpu.memory_space<vmem>>, vector<16xi32>,
      %parallel_loop3A_357 = arith.addi %parallel_loop3A_356, %parallel_loop3A_275 : vector<16xi32>
      %parallel_loop3A_358 = tpu.vector_load_idx %arg7[%parallel_loop3A_357] : memref<32768xf32, #tpu.memory_space<vmem>>[vector<16xi32>], vector<16xf32>,
      %parallel_loop3A_359 = arith.addf %parallel_loop3A_267, %parallel_loop3A_358 : vector<16xf32>
      %parallel_loop3A_360 = arith.index_cast %parallel_loop3A_253 : i32 to index
      %parallel_loop3A_361 = arith.constant 224 : index
      %parallel_loop3A_362 = tpu.vector_load %arg9[%parallel_loop3A_360, %parallel_loop3A_361] {strides = array<i32>} : memref<64x256xi32, #tpu.memory_space<vmem>>, vector<16xi32>,
      %parallel_loop3A_363 = arith.addi %parallel_loop3A_362, %parallel_loop3A_275 : vector<16xi32>
      %parallel_loop3A_364 = tpu.vector_load_idx %arg7[%parallel_loop3A_363] : memref<32768xf32, #tpu.memory_space<vmem>>[vector<16xi32>], vector<16xf32>,
      %parallel_loop3A_365 = arith.addf %parallel_loop3A_268, %parallel_loop3A_364 : vector<16xf32>
      %parallel_loop3A_366 = arith.index_cast %parallel_loop3A_253 : i32 to index
      %parallel_loop3A_367 = arith.constant 240 : index
      %parallel_loop3A_368 = tpu.vector_load %arg9[%parallel_loop3A_366, %parallel_loop3A_367] {strides = array<i32>} : memref<64x256xi32, #tpu.memory_space<vmem>>, vector<16xi32>,
      %parallel_loop3A_369 = arith.addi %parallel_loop3A_368, %parallel_loop3A_275 : vector<16xi32>
      %parallel_loop3A_370 = tpu.vector_load_idx %arg7[%parallel_loop3A_369] : memref<32768xf32, #tpu.memory_space<vmem>>[vector<16xi32>], vector<16xf32>,
      %parallel_loop3A_371 = arith.addf %parallel_loop3A_269, %parallel_loop3A_370 : vector<16xf32>
      scf.yield %parallel_loop3A_281, %parallel_loop3A_287, %parallel_loop3A_293, %parallel_loop3A_299, %parallel_loop3A_305, %parallel_loop3A_311, %parallel_loop3A_317, %parallel_loop3A_323, %parallel_loop3A_329, %parallel_loop3A_335, %parallel_loop3A_341, %parallel_loop3A_347, %parallel_loop3A_353, %parallel_loop3A_359, %parallel_loop3A_365, %parallel_loop3A_371 : vector<16xf32>, vector<16xf32>, vector<16xf32>, vector<16xf32>, vector<16xf32>, vector<16xf32>, vector<16xf32>, vector<16xf32>, vector<16xf32>, vector<16xf32>, vector<16xf32>, vector<16xf32>, vector<16xf32>, vector<16xf32>, vector<16xf32>, vector<16xf32>
    } {sc.loop_unroll_factor = 2 : i64, sc.parallel_access}
    %dma_start3A_109 = arith.constant 131072 : i32
    %dma_start3A_110 = tpu.memref_slice %arg6[%dma_start3A_109] : memref<262144xf32, #tpu.memory_space<vmem_shared>> -> memref<32768xf32, #tpu.memory_space<vmem_shared>>
    %dma_start3A_111 = arith.constant 131072 : i32
    %dma_start3A_112 = tpu.memref_slice %arg6[%dma_start3A_111] : memref<262144xf32, #tpu.memory_space<vmem_shared>> -> memref<32768xf32, #tpu.memory_space<vmem_shared>>
    tpu.enqueue_dma source(%dma_start3A_112 : memref<32768xf32, #tpu.memory_space<vmem_shared>>) target(%arg7 : memref<32768xf32, #tpu.memory_space<vmem>>) target_semaphore(%arg13 : memref<!tpu.dma_semaphore, #tpu.memory_space<semaphore_mem>>)
    %parallel_loop3A_113 = arith.constant 0 : i32
    %parallel_loop3A_114 = arith.constant 64 : i32
    %parallel_loop3A_115 = arith.constant 1 : i32
    scf.for %parallel_loop3A_253 = %parallel_loop3A_113 to %parallel_loop3A_114 step %parallel_loop3A_115  : i32 {
      %parallel_loop3A_254 = arith.constant 256 : i32
      %parallel_loop3A_255 = arith.addi %parallel_loop3A_254, %parallel_loop3A_253 : i32
      %parallel_loop3A_256 = arith.constant 32 : i32
      %parallel_loop3A_257 = arith.muli %parallel_loop3A_255, %parallel_loop3A_256 : i32
      %parallel_loop3A_258 = arith.addi %parallel_loop3A_257, %add3A : i32
      %parallel_loop3A_259 = arith.constant 0 : i32
      %parallel_loop3A_260 = tpu.memref_slice %arg9[%parallel_loop3A_253, %parallel_loop3A_259] : memref<64x256xi32, #tpu.memory_space<vmem>> -> memref<1x256xi32, #tpu.memory_space<vmem>>
      %parallel_loop3A_261 = tpu.memref_squeeze %parallel_loop3A_260 : memref<1x256xi32, #tpu.memory_space<vmem>> -> memref<256xi32, #tpu.memory_space<vmem>>
      %parallel_loop3A_262 = arith.constant 0 : i32
      %parallel_loop3A_263 = tpu.memref_slice %arg3[%parallel_loop3A_258, %parallel_loop3A_262] : memref<16384x256xi32, #tpu.memory_space<hbm>> -> memref<1x256xi32, #tpu.memory_space<hbm>>
      %parallel_loop3A_264 = tpu.memref_squeeze %parallel_loop3A_263 : memref<1x256xi32, #tpu.memory_space<hbm>> -> memref<256xi32, #tpu.memory_space<hbm>>
      %parallel_loop3A_265 = arith.constant 0 : i32
      %parallel_loop3A_266 = tpu.memref_slice %arg9[%parallel_loop3A_253, %parallel_loop3A_265] : memref<64x256xi32, #tpu.memory_space<vmem>> -> memref<1x256xi32, #tpu.memory_space<vmem>>
      %parallel_loop3A_267 = tpu.memref_squeeze %parallel_loop3A_266 : memref<1x256xi32, #tpu.memory_space<vmem>> -> memref<256xi32, #tpu.memory_space<vmem>>
      %parallel_loop3A_268 = arith.constant 0 : i32
      %parallel_loop3A_269 = tpu.memref_slice %arg3[%parallel_loop3A_258, %parallel_loop3A_268] : memref<16384x256xi32, #tpu.memory_space<hbm>> -> memref<1x256xi32, #tpu.memory_space<hbm>>
      %parallel_loop3A_270 = tpu.memref_squeeze %parallel_loop3A_269 : memref<1x256xi32, #tpu.memory_space<hbm>> -> memref<256xi32, #tpu.memory_space<hbm>>
      tpu.enqueue_dma source(%parallel_loop3A_270 : memref<256xi32, #tpu.memory_space<hbm>>) target(%parallel_loop3A_267 : memref<256xi32, #tpu.memory_space<vmem>>) target_semaphore(%arg15 : memref<!tpu.dma_semaphore, #tpu.memory_space<semaphore_mem>>)
    } {sc.loop_unroll_factor = 8 : i64, sc.parallel_access}
    %dma_wait3A_116 = arith.constant 98304 : i32
    %dma_wait3A_117 = tpu.memref_slice %arg6[%dma_wait3A_116] : memref<262144xf32, #tpu.memory_space<vmem_shared>> -> memref<32768xf32, #tpu.memory_space<vmem_shared>>
    %dma_wait3A_118 = arith.constant 98304 : i32
    %dma_wait3A_119 = tpu.memref_slice %arg6[%dma_wait3A_118] : memref<262144xf32, #tpu.memory_space<vmem_shared>> -> memref<32768xf32, #tpu.memory_space<vmem_shared>>
    tpu.wait_dma2 semaphore(%arg14 : memref<!tpu.dma_semaphore, #tpu.memory_space<semaphore_mem>>) src(%dma_wait3A_119 : memref<32768xf32, #tpu.memory_space<vmem_shared>>) dst(%arg8 : memref<32768xf32, #tpu.memory_space<vmem>>)
    %dma_wait3A_120 = arith.constant 0 : i32
    %dma_wait3A_121 = arith.constant 0 : i32
    %dma_wait3A_122 = tpu.memref_slice %arg3[%dma_wait3A_120, %dma_wait3A_121] : memref<16384x256xi32, #tpu.memory_space<hbm>> -> memref<64x256xi32, #tpu.memory_space<hbm>>
    %dma_wait3A_123 = arith.constant 0 : i32
    %dma_wait3A_124 = arith.constant 0 : i32
    %dma_wait3A_125 = tpu.memref_slice %arg3[%dma_wait3A_123, %dma_wait3A_124] : memref<16384x256xi32, #tpu.memory_space<hbm>> -> memref<64x256xi32, #tpu.memory_space<hbm>>
    tpu.wait_dma2 semaphore(%arg16 : memref<!tpu.dma_semaphore, #tpu.memory_space<semaphore_mem>>) src(%dma_wait3A_125 : memref<64x256xi32, #tpu.memory_space<hbm>>) dst(%arg10 : memref<64x256xi32, #tpu.memory_space<vmem>>)
    %parallel_loop3A_126 = arith.constant 0 : i32
    %parallel_loop3A_127 = arith.constant 64 : i32
    %parallel_loop3A_128 = arith.constant 1 : i32
    %parallel_loop3A_129:16 = scf.for %parallel_loop3A_253 = %parallel_loop3A_126 to %parallel_loop3A_127 step %parallel_loop3A_128 iter_args(%parallel_loop3A_254 = %parallel_loop3A_108#0, %parallel_loop3A_255 = %parallel_loop3A_108#1, %parallel_loop3A_256 = %parallel_loop3A_108#2, %parallel_loop3A_257 = %parallel_loop3A_108#3, %parallel_loop3A_258 = %parallel_loop3A_108#4, %parallel_loop3A_259 = %parallel_loop3A_108#5, %parallel_loop3A_260 = %parallel_loop3A_108#6, %parallel_loop3A_261 = %parallel_loop3A_108#7, %parallel_loop3A_262 = %parallel_loop3A_108#8, %parallel_loop3A_263 = %parallel_loop3A_108#9, %parallel_loop3A_264 = %parallel_loop3A_108#10, %parallel_loop3A_265 = %parallel_loop3A_108#11, %parallel_loop3A_266 = %parallel_loop3A_108#12, %parallel_loop3A_267 = %parallel_loop3A_108#13, %parallel_loop3A_268 = %parallel_loop3A_108#14, %parallel_loop3A_269 = %parallel_loop3A_108#15) -> (vector<16xf32>, vector<16xf32>, vector<16xf32>, vector<16xf32>, vector<16xf32>, vector<16xf32>, vector<16xf32>, vector<16xf32>, vector<16xf32>, vector<16xf32>, vector<16xf32>, vector<16xf32>, vector<16xf32>, vector<16xf32>, vector<16xf32>, vector<16xf32>)  : i32 {
      %parallel_loop3A_270 = arith.constant 512 : i32
      %parallel_loop3A_271 = arith.muli %parallel_loop3A_253, %parallel_loop3A_270 : i32
      %parallel_loop3A_272 = vector.broadcast %parallel_loop3A_271 : i32 to vector<16xi32>
      %parallel_loop3A_273 = arith.constant 256 : i32
      %parallel_loop3A_274 = vector.broadcast %parallel_loop3A_273 : i32 to vector<16xi32>
      %parallel_loop3A_275 = arith.addi %parallel_loop3A_272, %parallel_loop3A_274 : vector<16xi32>
      %parallel_loop3A_276 = arith.index_cast %parallel_loop3A_253 : i32 to index
      %parallel_loop3A_277 = arith.constant 0 : index
      %parallel_loop3A_278 = tpu.vector_load %arg10[%parallel_loop3A_276, %parallel_loop3A_277] {strides = array<i32>} : memref<64x256xi32, #tpu.memory_space<vmem>>, vector<16xi32>,
      %parallel_loop3A_279 = arith.addi %parallel_loop3A_278, %parallel_loop3A_272 : vector<16xi32>
      %parallel_loop3A_280 = tpu.vector_load_idx %arg8[%parallel_loop3A_279] : memref<32768xf32, #tpu.memory_space<vmem>>[vector<16xi32>], vector<16xf32>,
      %parallel_loop3A_281 = arith.addf %parallel_loop3A_254, %parallel_loop3A_280 : vector<16xf32>
      %parallel_loop3A_282 = arith.index_cast %parallel_loop3A_253 : i32 to index
      %parallel_loop3A_283 = arith.constant 16 : index
      %parallel_loop3A_284 = tpu.vector_load %arg10[%parallel_loop3A_282, %parallel_loop3A_283] {strides = array<i32>} : memref<64x256xi32, #tpu.memory_space<vmem>>, vector<16xi32>,
      %parallel_loop3A_285 = arith.addi %parallel_loop3A_284, %parallel_loop3A_272 : vector<16xi32>
      %parallel_loop3A_286 = tpu.vector_load_idx %arg8[%parallel_loop3A_285] : memref<32768xf32, #tpu.memory_space<vmem>>[vector<16xi32>], vector<16xf32>,
      %parallel_loop3A_287 = arith.addf %parallel_loop3A_255, %parallel_loop3A_286 : vector<16xf32>
      %parallel_loop3A_288 = arith.index_cast %parallel_loop3A_253 : i32 to index
      %parallel_loop3A_289 = arith.constant 32 : index
      %parallel_loop3A_290 = tpu.vector_load %arg10[%parallel_loop3A_288, %parallel_loop3A_289] {strides = array<i32>} : memref<64x256xi32, #tpu.memory_space<vmem>>, vector<16xi32>,
      %parallel_loop3A_291 = arith.addi %parallel_loop3A_290, %parallel_loop3A_272 : vector<16xi32>
      %parallel_loop3A_292 = tpu.vector_load_idx %arg8[%parallel_loop3A_291] : memref<32768xf32, #tpu.memory_space<vmem>>[vector<16xi32>], vector<16xf32>,
      %parallel_loop3A_293 = arith.addf %parallel_loop3A_256, %parallel_loop3A_292 : vector<16xf32>
      %parallel_loop3A_294 = arith.index_cast %parallel_loop3A_253 : i32 to index
      %parallel_loop3A_295 = arith.constant 48 : index
      %parallel_loop3A_296 = tpu.vector_load %arg10[%parallel_loop3A_294, %parallel_loop3A_295] {strides = array<i32>} : memref<64x256xi32, #tpu.memory_space<vmem>>, vector<16xi32>,
      %parallel_loop3A_297 = arith.addi %parallel_loop3A_296, %parallel_loop3A_272 : vector<16xi32>
      %parallel_loop3A_298 = tpu.vector_load_idx %arg8[%parallel_loop3A_297] : memref<32768xf32, #tpu.memory_space<vmem>>[vector<16xi32>], vector<16xf32>,
      %parallel_loop3A_299 = arith.addf %parallel_loop3A_257, %parallel_loop3A_298 : vector<16xf32>
      %parallel_loop3A_300 = arith.index_cast %parallel_loop3A_253 : i32 to index
      %parallel_loop3A_301 = arith.constant 64 : index
      %parallel_loop3A_302 = tpu.vector_load %arg10[%parallel_loop3A_300, %parallel_loop3A_301] {strides = array<i32>} : memref<64x256xi32, #tpu.memory_space<vmem>>, vector<16xi32>,
      %parallel_loop3A_303 = arith.addi %parallel_loop3A_302, %parallel_loop3A_272 : vector<16xi32>
      %parallel_loop3A_304 = tpu.vector_load_idx %arg8[%parallel_loop3A_303] : memref<32768xf32, #tpu.memory_space<vmem>>[vector<16xi32>], vector<16xf32>,
      %parallel_loop3A_305 = arith.addf %parallel_loop3A_258, %parallel_loop3A_304 : vector<16xf32>
      %parallel_loop3A_306 = arith.index_cast %parallel_loop3A_253 : i32 to index
      %parallel_loop3A_307 = arith.constant 80 : index
      %parallel_loop3A_308 = tpu.vector_load %arg10[%parallel_loop3A_306, %parallel_loop3A_307] {strides = array<i32>} : memref<64x256xi32, #tpu.memory_space<vmem>>, vector<16xi32>,
      %parallel_loop3A_309 = arith.addi %parallel_loop3A_308, %parallel_loop3A_272 : vector<16xi32>
      %parallel_loop3A_310 = tpu.vector_load_idx %arg8[%parallel_loop3A_309] : memref<32768xf32, #tpu.memory_space<vmem>>[vector<16xi32>], vector<16xf32>,
      %parallel_loop3A_311 = arith.addf %parallel_loop3A_259, %parallel_loop3A_310 : vector<16xf32>
      %parallel_loop3A_312 = arith.index_cast %parallel_loop3A_253 : i32 to index
      %parallel_loop3A_313 = arith.constant 96 : index
      %parallel_loop3A_314 = tpu.vector_load %arg10[%parallel_loop3A_312, %parallel_loop3A_313] {strides = array<i32>} : memref<64x256xi32, #tpu.memory_space<vmem>>, vector<16xi32>,
      %parallel_loop3A_315 = arith.addi %parallel_loop3A_314, %parallel_loop3A_272 : vector<16xi32>
      %parallel_loop3A_316 = tpu.vector_load_idx %arg8[%parallel_loop3A_315] : memref<32768xf32, #tpu.memory_space<vmem>>[vector<16xi32>], vector<16xf32>,
      %parallel_loop3A_317 = arith.addf %parallel_loop3A_260, %parallel_loop3A_316 : vector<16xf32>
      %parallel_loop3A_318 = arith.index_cast %parallel_loop3A_253 : i32 to index
      %parallel_loop3A_319 = arith.constant 112 : index
      %parallel_loop3A_320 = tpu.vector_load %arg10[%parallel_loop3A_318, %parallel_loop3A_319] {strides = array<i32>} : memref<64x256xi32, #tpu.memory_space<vmem>>, vector<16xi32>,
      %parallel_loop3A_321 = arith.addi %parallel_loop3A_320, %parallel_loop3A_272 : vector<16xi32>
      %parallel_loop3A_322 = tpu.vector_load_idx %arg8[%parallel_loop3A_321] : memref<32768xf32, #tpu.memory_space<vmem>>[vector<16xi32>], vector<16xf32>,
      %parallel_loop3A_323 = arith.addf %parallel_loop3A_261, %parallel_loop3A_322 : vector<16xf32>
      %parallel_loop3A_324 = arith.index_cast %parallel_loop3A_253 : i32 to index
      %parallel_loop3A_325 = arith.constant 128 : index
      %parallel_loop3A_326 = tpu.vector_load %arg10[%parallel_loop3A_324, %parallel_loop3A_325] {strides = array<i32>} : memref<64x256xi32, #tpu.memory_space<vmem>>, vector<16xi32>,
      %parallel_loop3A_327 = arith.addi %parallel_loop3A_326, %parallel_loop3A_275 : vector<16xi32>
      %parallel_loop3A_328 = tpu.vector_load_idx %arg8[%parallel_loop3A_327] : memref<32768xf32, #tpu.memory_space<vmem>>[vector<16xi32>], vector<16xf32>,
      %parallel_loop3A_329 = arith.addf %parallel_loop3A_262, %parallel_loop3A_328 : vector<16xf32>
      %parallel_loop3A_330 = arith.index_cast %parallel_loop3A_253 : i32 to index
      %parallel_loop3A_331 = arith.constant 144 : index
      %parallel_loop3A_332 = tpu.vector_load %arg10[%parallel_loop3A_330, %parallel_loop3A_331] {strides = array<i32>} : memref<64x256xi32, #tpu.memory_space<vmem>>, vector<16xi32>,
      %parallel_loop3A_333 = arith.addi %parallel_loop3A_332, %parallel_loop3A_275 : vector<16xi32>
      %parallel_loop3A_334 = tpu.vector_load_idx %arg8[%parallel_loop3A_333] : memref<32768xf32, #tpu.memory_space<vmem>>[vector<16xi32>], vector<16xf32>,
      %parallel_loop3A_335 = arith.addf %parallel_loop3A_263, %parallel_loop3A_334 : vector<16xf32>
      %parallel_loop3A_336 = arith.index_cast %parallel_loop3A_253 : i32 to index
      %parallel_loop3A_337 = arith.constant 160 : index
      %parallel_loop3A_338 = tpu.vector_load %arg10[%parallel_loop3A_336, %parallel_loop3A_337] {strides = array<i32>} : memref<64x256xi32, #tpu.memory_space<vmem>>, vector<16xi32>,
      %parallel_loop3A_339 = arith.addi %parallel_loop3A_338, %parallel_loop3A_275 : vector<16xi32>
      %parallel_loop3A_340 = tpu.vector_load_idx %arg8[%parallel_loop3A_339] : memref<32768xf32, #tpu.memory_space<vmem>>[vector<16xi32>], vector<16xf32>,
      %parallel_loop3A_341 = arith.addf %parallel_loop3A_264, %parallel_loop3A_340 : vector<16xf32>
      %parallel_loop3A_342 = arith.index_cast %parallel_loop3A_253 : i32 to index
      %parallel_loop3A_343 = arith.constant 176 : index
      %parallel_loop3A_344 = tpu.vector_load %arg10[%parallel_loop3A_342, %parallel_loop3A_343] {strides = array<i32>} : memref<64x256xi32, #tpu.memory_space<vmem>>, vector<16xi32>,
      %parallel_loop3A_345 = arith.addi %parallel_loop3A_344, %parallel_loop3A_275 : vector<16xi32>
      %parallel_loop3A_346 = tpu.vector_load_idx %arg8[%parallel_loop3A_345] : memref<32768xf32, #tpu.memory_space<vmem>>[vector<16xi32>], vector<16xf32>,
      %parallel_loop3A_347 = arith.addf %parallel_loop3A_265, %parallel_loop3A_346 : vector<16xf32>
      %parallel_loop3A_348 = arith.index_cast %parallel_loop3A_253 : i32 to index
      %parallel_loop3A_349 = arith.constant 192 : index
      %parallel_loop3A_350 = tpu.vector_load %arg10[%parallel_loop3A_348, %parallel_loop3A_349] {strides = array<i32>} : memref<64x256xi32, #tpu.memory_space<vmem>>, vector<16xi32>,
      %parallel_loop3A_351 = arith.addi %parallel_loop3A_350, %parallel_loop3A_275 : vector<16xi32>
      %parallel_loop3A_352 = tpu.vector_load_idx %arg8[%parallel_loop3A_351] : memref<32768xf32, #tpu.memory_space<vmem>>[vector<16xi32>], vector<16xf32>,
      %parallel_loop3A_353 = arith.addf %parallel_loop3A_266, %parallel_loop3A_352 : vector<16xf32>
      %parallel_loop3A_354 = arith.index_cast %parallel_loop3A_253 : i32 to index
      %parallel_loop3A_355 = arith.constant 208 : index
      %parallel_loop3A_356 = tpu.vector_load %arg10[%parallel_loop3A_354, %parallel_loop3A_355] {strides = array<i32>} : memref<64x256xi32, #tpu.memory_space<vmem>>, vector<16xi32>,
      %parallel_loop3A_357 = arith.addi %parallel_loop3A_356, %parallel_loop3A_275 : vector<16xi32>
      %parallel_loop3A_358 = tpu.vector_load_idx %arg8[%parallel_loop3A_357] : memref<32768xf32, #tpu.memory_space<vmem>>[vector<16xi32>], vector<16xf32>,
      %parallel_loop3A_359 = arith.addf %parallel_loop3A_267, %parallel_loop3A_358 : vector<16xf32>
      %parallel_loop3A_360 = arith.index_cast %parallel_loop3A_253 : i32 to index
      %parallel_loop3A_361 = arith.constant 224 : index
      %parallel_loop3A_362 = tpu.vector_load %arg10[%parallel_loop3A_360, %parallel_loop3A_361] {strides = array<i32>} : memref<64x256xi32, #tpu.memory_space<vmem>>, vector<16xi32>,
      %parallel_loop3A_363 = arith.addi %parallel_loop3A_362, %parallel_loop3A_275 : vector<16xi32>
      %parallel_loop3A_364 = tpu.vector_load_idx %arg8[%parallel_loop3A_363] : memref<32768xf32, #tpu.memory_space<vmem>>[vector<16xi32>], vector<16xf32>,
      %parallel_loop3A_365 = arith.addf %parallel_loop3A_268, %parallel_loop3A_364 : vector<16xf32>
      %parallel_loop3A_366 = arith.index_cast %parallel_loop3A_253 : i32 to index
      %parallel_loop3A_367 = arith.constant 240 : index
      %parallel_loop3A_368 = tpu.vector_load %arg10[%parallel_loop3A_366, %parallel_loop3A_367] {strides = array<i32>} : memref<64x256xi32, #tpu.memory_space<vmem>>, vector<16xi32>,
      %parallel_loop3A_369 = arith.addi %parallel_loop3A_368, %parallel_loop3A_275 : vector<16xi32>
      %parallel_loop3A_370 = tpu.vector_load_idx %arg8[%parallel_loop3A_369] : memref<32768xf32, #tpu.memory_space<vmem>>[vector<16xi32>], vector<16xf32>,
      %parallel_loop3A_371 = arith.addf %parallel_loop3A_269, %parallel_loop3A_370 : vector<16xf32>
      scf.yield %parallel_loop3A_281, %parallel_loop3A_287, %parallel_loop3A_293, %parallel_loop3A_299, %parallel_loop3A_305, %parallel_loop3A_311, %parallel_loop3A_317, %parallel_loop3A_323, %parallel_loop3A_329, %parallel_loop3A_335, %parallel_loop3A_341, %parallel_loop3A_347, %parallel_loop3A_353, %parallel_loop3A_359, %parallel_loop3A_365, %parallel_loop3A_371 : vector<16xf32>, vector<16xf32>, vector<16xf32>, vector<16xf32>, vector<16xf32>, vector<16xf32>, vector<16xf32>, vector<16xf32>, vector<16xf32>, vector<16xf32>, vector<16xf32>, vector<16xf32>, vector<16xf32>, vector<16xf32>, vector<16xf32>, vector<16xf32>
    } {sc.loop_unroll_factor = 2 : i64, sc.parallel_access}
    %dma_start3A_130 = arith.constant 163840 : i32
    %dma_start3A_131 = tpu.memref_slice %arg6[%dma_start3A_130] : memref<262144xf32, #tpu.memory_space<vmem_shared>> -> memref<32768xf32, #tpu.memory_space<vmem_shared>>
    %dma_start3A_132 = arith.constant 163840 : i32
    %dma_start3A_133 = tpu.memref_slice %arg6[%dma_start3A_132] : memref<262144xf32, #tpu.memory_space<vmem_shared>> -> memref<32768xf32, #tpu.memory_space<vmem_shared>>
    tpu.enqueue_dma source(%dma_start3A_133 : memref<32768xf32, #tpu.memory_space<vmem_shared>>) target(%arg8 : memref<32768xf32, #tpu.memory_space<vmem>>) target_semaphore(%arg14 : memref<!tpu.dma_semaphore, #tpu.memory_space<semaphore_mem>>)
    %parallel_loop3A_134 = arith.constant 0 : i32
    %parallel_loop3A_135 = arith.constant 64 : i32
    %parallel_loop3A_136 = arith.constant 1 : i32
    scf.for %parallel_loop3A_253 = %parallel_loop3A_134 to %parallel_loop3A_135 step %parallel_loop3A_136  : i32 {
      %parallel_loop3A_254 = arith.constant 320 : i32
      %parallel_loop3A_255 = arith.addi %parallel_loop3A_254, %parallel_loop3A_253 : i32
      %parallel_loop3A_256 = arith.constant 32 : i32
      %parallel_loop3A_257 = arith.muli %parallel_loop3A_255, %parallel_loop3A_256 : i32
      %parallel_loop3A_258 = arith.addi %parallel_loop3A_257, %add3A : i32
      %parallel_loop3A_259 = arith.constant 0 : i32
      %parallel_loop3A_260 = tpu.memref_slice %arg10[%parallel_loop3A_253, %parallel_loop3A_259] : memref<64x256xi32, #tpu.memory_space<vmem>> -> memref<1x256xi32, #tpu.memory_space<vmem>>
      %parallel_loop3A_261 = tpu.memref_squeeze %parallel_loop3A_260 : memref<1x256xi32, #tpu.memory_space<vmem>> -> memref<256xi32, #tpu.memory_space<vmem>>
      %parallel_loop3A_262 = arith.constant 0 : i32
      %parallel_loop3A_263 = tpu.memref_slice %arg3[%parallel_loop3A_258, %parallel_loop3A_262] : memref<16384x256xi32, #tpu.memory_space<hbm>> -> memref<1x256xi32, #tpu.memory_space<hbm>>
      %parallel_loop3A_264 = tpu.memref_squeeze %parallel_loop3A_263 : memref<1x256xi32, #tpu.memory_space<hbm>> -> memref<256xi32, #tpu.memory_space<hbm>>
      %parallel_loop3A_265 = arith.constant 0 : i32
      %parallel_loop3A_266 = tpu.memref_slice %arg10[%parallel_loop3A_253, %parallel_loop3A_265] : memref<64x256xi32, #tpu.memory_space<vmem>> -> memref<1x256xi32, #tpu.memory_space<vmem>>
      %parallel_loop3A_267 = tpu.memref_squeeze %parallel_loop3A_266 : memref<1x256xi32, #tpu.memory_space<vmem>> -> memref<256xi32, #tpu.memory_space<vmem>>
      %parallel_loop3A_268 = arith.constant 0 : i32
      %parallel_loop3A_269 = tpu.memref_slice %arg3[%parallel_loop3A_258, %parallel_loop3A_268] : memref<16384x256xi32, #tpu.memory_space<hbm>> -> memref<1x256xi32, #tpu.memory_space<hbm>>
      %parallel_loop3A_270 = tpu.memref_squeeze %parallel_loop3A_269 : memref<1x256xi32, #tpu.memory_space<hbm>> -> memref<256xi32, #tpu.memory_space<hbm>>
      tpu.enqueue_dma source(%parallel_loop3A_270 : memref<256xi32, #tpu.memory_space<hbm>>) target(%parallel_loop3A_267 : memref<256xi32, #tpu.memory_space<vmem>>) target_semaphore(%arg16 : memref<!tpu.dma_semaphore, #tpu.memory_space<semaphore_mem>>)
    } {sc.loop_unroll_factor = 8 : i64, sc.parallel_access}
    %dma_wait3A_137 = arith.constant 131072 : i32
    %dma_wait3A_138 = tpu.memref_slice %arg6[%dma_wait3A_137] : memref<262144xf32, #tpu.memory_space<vmem_shared>> -> memref<32768xf32, #tpu.memory_space<vmem_shared>>
    %dma_wait3A_139 = arith.constant 131072 : i32
    %dma_wait3A_140 = tpu.memref_slice %arg6[%dma_wait3A_139] : memref<262144xf32, #tpu.memory_space<vmem_shared>> -> memref<32768xf32, #tpu.memory_space<vmem_shared>>
    tpu.wait_dma2 semaphore(%arg13 : memref<!tpu.dma_semaphore, #tpu.memory_space<semaphore_mem>>) src(%dma_wait3A_140 : memref<32768xf32, #tpu.memory_space<vmem_shared>>) dst(%arg7 : memref<32768xf32, #tpu.memory_space<vmem>>)
    %dma_wait3A_141 = arith.constant 0 : i32
    %dma_wait3A_142 = arith.constant 0 : i32
    %dma_wait3A_143 = tpu.memref_slice %arg3[%dma_wait3A_141, %dma_wait3A_142] : memref<16384x256xi32, #tpu.memory_space<hbm>> -> memref<64x256xi32, #tpu.memory_space<hbm>>
    %dma_wait3A_144 = arith.constant 0 : i32
    %dma_wait3A_145 = arith.constant 0 : i32
    %dma_wait3A_146 = tpu.memref_slice %arg3[%dma_wait3A_144, %dma_wait3A_145] : memref<16384x256xi32, #tpu.memory_space<hbm>> -> memref<64x256xi32, #tpu.memory_space<hbm>>
    tpu.wait_dma2 semaphore(%arg15 : memref<!tpu.dma_semaphore, #tpu.memory_space<semaphore_mem>>) src(%dma_wait3A_146 : memref<64x256xi32, #tpu.memory_space<hbm>>) dst(%arg9 : memref<64x256xi32, #tpu.memory_space<vmem>>)
    %parallel_loop3A_147 = arith.constant 0 : i32
    %parallel_loop3A_148 = arith.constant 64 : i32
    %parallel_loop3A_149 = arith.constant 1 : i32
    %parallel_loop3A_150:16 = scf.for %parallel_loop3A_253 = %parallel_loop3A_147 to %parallel_loop3A_148 step %parallel_loop3A_149 iter_args(%parallel_loop3A_254 = %parallel_loop3A_129#0, %parallel_loop3A_255 = %parallel_loop3A_129#1, %parallel_loop3A_256 = %parallel_loop3A_129#2, %parallel_loop3A_257 = %parallel_loop3A_129#3, %parallel_loop3A_258 = %parallel_loop3A_129#4, %parallel_loop3A_259 = %parallel_loop3A_129#5, %parallel_loop3A_260 = %parallel_loop3A_129#6, %parallel_loop3A_261 = %parallel_loop3A_129#7, %parallel_loop3A_262 = %parallel_loop3A_129#8, %parallel_loop3A_263 = %parallel_loop3A_129#9, %parallel_loop3A_264 = %parallel_loop3A_129#10, %parallel_loop3A_265 = %parallel_loop3A_129#11, %parallel_loop3A_266 = %parallel_loop3A_129#12, %parallel_loop3A_267 = %parallel_loop3A_129#13, %parallel_loop3A_268 = %parallel_loop3A_129#14, %parallel_loop3A_269 = %parallel_loop3A_129#15) -> (vector<16xf32>, vector<16xf32>, vector<16xf32>, vector<16xf32>, vector<16xf32>, vector<16xf32>, vector<16xf32>, vector<16xf32>, vector<16xf32>, vector<16xf32>, vector<16xf32>, vector<16xf32>, vector<16xf32>, vector<16xf32>, vector<16xf32>, vector<16xf32>)  : i32 {
      %parallel_loop3A_270 = arith.constant 512 : i32
      %parallel_loop3A_271 = arith.muli %parallel_loop3A_253, %parallel_loop3A_270 : i32
      %parallel_loop3A_272 = vector.broadcast %parallel_loop3A_271 : i32 to vector<16xi32>
      %parallel_loop3A_273 = arith.constant 256 : i32
      %parallel_loop3A_274 = vector.broadcast %parallel_loop3A_273 : i32 to vector<16xi32>
      %parallel_loop3A_275 = arith.addi %parallel_loop3A_272, %parallel_loop3A_274 : vector<16xi32>
      %parallel_loop3A_276 = arith.index_cast %parallel_loop3A_253 : i32 to index
      %parallel_loop3A_277 = arith.constant 0 : index
      %parallel_loop3A_278 = tpu.vector_load %arg9[%parallel_loop3A_276, %parallel_loop3A_277] {strides = array<i32>} : memref<64x256xi32, #tpu.memory_space<vmem>>, vector<16xi32>,
      %parallel_loop3A_279 = arith.addi %parallel_loop3A_278, %parallel_loop3A_272 : vector<16xi32>
      %parallel_loop3A_280 = tpu.vector_load_idx %arg7[%parallel_loop3A_279] : memref<32768xf32, #tpu.memory_space<vmem>>[vector<16xi32>], vector<16xf32>,
      %parallel_loop3A_281 = arith.addf %parallel_loop3A_254, %parallel_loop3A_280 : vector<16xf32>
      %parallel_loop3A_282 = arith.index_cast %parallel_loop3A_253 : i32 to index
      %parallel_loop3A_283 = arith.constant 16 : index
      %parallel_loop3A_284 = tpu.vector_load %arg9[%parallel_loop3A_282, %parallel_loop3A_283] {strides = array<i32>} : memref<64x256xi32, #tpu.memory_space<vmem>>, vector<16xi32>,
      %parallel_loop3A_285 = arith.addi %parallel_loop3A_284, %parallel_loop3A_272 : vector<16xi32>
      %parallel_loop3A_286 = tpu.vector_load_idx %arg7[%parallel_loop3A_285] : memref<32768xf32, #tpu.memory_space<vmem>>[vector<16xi32>], vector<16xf32>,
      %parallel_loop3A_287 = arith.addf %parallel_loop3A_255, %parallel_loop3A_286 : vector<16xf32>
      %parallel_loop3A_288 = arith.index_cast %parallel_loop3A_253 : i32 to index
      %parallel_loop3A_289 = arith.constant 32 : index
      %parallel_loop3A_290 = tpu.vector_load %arg9[%parallel_loop3A_288, %parallel_loop3A_289] {strides = array<i32>} : memref<64x256xi32, #tpu.memory_space<vmem>>, vector<16xi32>,
      %parallel_loop3A_291 = arith.addi %parallel_loop3A_290, %parallel_loop3A_272 : vector<16xi32>
      %parallel_loop3A_292 = tpu.vector_load_idx %arg7[%parallel_loop3A_291] : memref<32768xf32, #tpu.memory_space<vmem>>[vector<16xi32>], vector<16xf32>,
      %parallel_loop3A_293 = arith.addf %parallel_loop3A_256, %parallel_loop3A_292 : vector<16xf32>
      %parallel_loop3A_294 = arith.index_cast %parallel_loop3A_253 : i32 to index
      %parallel_loop3A_295 = arith.constant 48 : index
      %parallel_loop3A_296 = tpu.vector_load %arg9[%parallel_loop3A_294, %parallel_loop3A_295] {strides = array<i32>} : memref<64x256xi32, #tpu.memory_space<vmem>>, vector<16xi32>,
      %parallel_loop3A_297 = arith.addi %parallel_loop3A_296, %parallel_loop3A_272 : vector<16xi32>
      %parallel_loop3A_298 = tpu.vector_load_idx %arg7[%parallel_loop3A_297] : memref<32768xf32, #tpu.memory_space<vmem>>[vector<16xi32>], vector<16xf32>,
      %parallel_loop3A_299 = arith.addf %parallel_loop3A_257, %parallel_loop3A_298 : vector<16xf32>
      %parallel_loop3A_300 = arith.index_cast %parallel_loop3A_253 : i32 to index
      %parallel_loop3A_301 = arith.constant 64 : index
      %parallel_loop3A_302 = tpu.vector_load %arg9[%parallel_loop3A_300, %parallel_loop3A_301] {strides = array<i32>} : memref<64x256xi32, #tpu.memory_space<vmem>>, vector<16xi32>,
      %parallel_loop3A_303 = arith.addi %parallel_loop3A_302, %parallel_loop3A_272 : vector<16xi32>
      %parallel_loop3A_304 = tpu.vector_load_idx %arg7[%parallel_loop3A_303] : memref<32768xf32, #tpu.memory_space<vmem>>[vector<16xi32>], vector<16xf32>,
      %parallel_loop3A_305 = arith.addf %parallel_loop3A_258, %parallel_loop3A_304 : vector<16xf32>
      %parallel_loop3A_306 = arith.index_cast %parallel_loop3A_253 : i32 to index
      %parallel_loop3A_307 = arith.constant 80 : index
      %parallel_loop3A_308 = tpu.vector_load %arg9[%parallel_loop3A_306, %parallel_loop3A_307] {strides = array<i32>} : memref<64x256xi32, #tpu.memory_space<vmem>>, vector<16xi32>,
      %parallel_loop3A_309 = arith.addi %parallel_loop3A_308, %parallel_loop3A_272 : vector<16xi32>
      %parallel_loop3A_310 = tpu.vector_load_idx %arg7[%parallel_loop3A_309] : memref<32768xf32, #tpu.memory_space<vmem>>[vector<16xi32>], vector<16xf32>,
      %parallel_loop3A_311 = arith.addf %parallel_loop3A_259, %parallel_loop3A_310 : vector<16xf32>
      %parallel_loop3A_312 = arith.index_cast %parallel_loop3A_253 : i32 to index
      %parallel_loop3A_313 = arith.constant 96 : index
      %parallel_loop3A_314 = tpu.vector_load %arg9[%parallel_loop3A_312, %parallel_loop3A_313] {strides = array<i32>} : memref<64x256xi32, #tpu.memory_space<vmem>>, vector<16xi32>,
      %parallel_loop3A_315 = arith.addi %parallel_loop3A_314, %parallel_loop3A_272 : vector<16xi32>
      %parallel_loop3A_316 = tpu.vector_load_idx %arg7[%parallel_loop3A_315] : memref<32768xf32, #tpu.memory_space<vmem>>[vector<16xi32>], vector<16xf32>,
      %parallel_loop3A_317 = arith.addf %parallel_loop3A_260, %parallel_loop3A_316 : vector<16xf32>
      %parallel_loop3A_318 = arith.index_cast %parallel_loop3A_253 : i32 to index
      %parallel_loop3A_319 = arith.constant 112 : index
      %parallel_loop3A_320 = tpu.vector_load %arg9[%parallel_loop3A_318, %parallel_loop3A_319] {strides = array<i32>} : memref<64x256xi32, #tpu.memory_space<vmem>>, vector<16xi32>,
      %parallel_loop3A_321 = arith.addi %parallel_loop3A_320, %parallel_loop3A_272 : vector<16xi32>
      %parallel_loop3A_322 = tpu.vector_load_idx %arg7[%parallel_loop3A_321] : memref<32768xf32, #tpu.memory_space<vmem>>[vector<16xi32>], vector<16xf32>,
      %parallel_loop3A_323 = arith.addf %parallel_loop3A_261, %parallel_loop3A_322 : vector<16xf32>
      %parallel_loop3A_324 = arith.index_cast %parallel_loop3A_253 : i32 to index
      %parallel_loop3A_325 = arith.constant 128 : index
      %parallel_loop3A_326 = tpu.vector_load %arg9[%parallel_loop3A_324, %parallel_loop3A_325] {strides = array<i32>} : memref<64x256xi32, #tpu.memory_space<vmem>>, vector<16xi32>,
      %parallel_loop3A_327 = arith.addi %parallel_loop3A_326, %parallel_loop3A_275 : vector<16xi32>
      %parallel_loop3A_328 = tpu.vector_load_idx %arg7[%parallel_loop3A_327] : memref<32768xf32, #tpu.memory_space<vmem>>[vector<16xi32>], vector<16xf32>,
      %parallel_loop3A_329 = arith.addf %parallel_loop3A_262, %parallel_loop3A_328 : vector<16xf32>
      %parallel_loop3A_330 = arith.index_cast %parallel_loop3A_253 : i32 to index
      %parallel_loop3A_331 = arith.constant 144 : index
      %parallel_loop3A_332 = tpu.vector_load %arg9[%parallel_loop3A_330, %parallel_loop3A_331] {strides = array<i32>} : memref<64x256xi32, #tpu.memory_space<vmem>>, vector<16xi32>,
      %parallel_loop3A_333 = arith.addi %parallel_loop3A_332, %parallel_loop3A_275 : vector<16xi32>
      %parallel_loop3A_334 = tpu.vector_load_idx %arg7[%parallel_loop3A_333] : memref<32768xf32, #tpu.memory_space<vmem>>[vector<16xi32>], vector<16xf32>,
      %parallel_loop3A_335 = arith.addf %parallel_loop3A_263, %parallel_loop3A_334 : vector<16xf32>
      %parallel_loop3A_336 = arith.index_cast %parallel_loop3A_253 : i32 to index
      %parallel_loop3A_337 = arith.constant 160 : index
      %parallel_loop3A_338 = tpu.vector_load %arg9[%parallel_loop3A_336, %parallel_loop3A_337] {strides = array<i32>} : memref<64x256xi32, #tpu.memory_space<vmem>>, vector<16xi32>,
      %parallel_loop3A_339 = arith.addi %parallel_loop3A_338, %parallel_loop3A_275 : vector<16xi32>
      %parallel_loop3A_340 = tpu.vector_load_idx %arg7[%parallel_loop3A_339] : memref<32768xf32, #tpu.memory_space<vmem>>[vector<16xi32>], vector<16xf32>,
      %parallel_loop3A_341 = arith.addf %parallel_loop3A_264, %parallel_loop3A_340 : vector<16xf32>
      %parallel_loop3A_342 = arith.index_cast %parallel_loop3A_253 : i32 to index
      %parallel_loop3A_343 = arith.constant 176 : index
      %parallel_loop3A_344 = tpu.vector_load %arg9[%parallel_loop3A_342, %parallel_loop3A_343] {strides = array<i32>} : memref<64x256xi32, #tpu.memory_space<vmem>>, vector<16xi32>,
      %parallel_loop3A_345 = arith.addi %parallel_loop3A_344, %parallel_loop3A_275 : vector<16xi32>
      %parallel_loop3A_346 = tpu.vector_load_idx %arg7[%parallel_loop3A_345] : memref<32768xf32, #tpu.memory_space<vmem>>[vector<16xi32>], vector<16xf32>,
      %parallel_loop3A_347 = arith.addf %parallel_loop3A_265, %parallel_loop3A_346 : vector<16xf32>
      %parallel_loop3A_348 = arith.index_cast %parallel_loop3A_253 : i32 to index
      %parallel_loop3A_349 = arith.constant 192 : index
      %parallel_loop3A_350 = tpu.vector_load %arg9[%parallel_loop3A_348, %parallel_loop3A_349] {strides = array<i32>} : memref<64x256xi32, #tpu.memory_space<vmem>>, vector<16xi32>,
      %parallel_loop3A_351 = arith.addi %parallel_loop3A_350, %parallel_loop3A_275 : vector<16xi32>
      %parallel_loop3A_352 = tpu.vector_load_idx %arg7[%parallel_loop3A_351] : memref<32768xf32, #tpu.memory_space<vmem>>[vector<16xi32>], vector<16xf32>,
      %parallel_loop3A_353 = arith.addf %parallel_loop3A_266, %parallel_loop3A_352 : vector<16xf32>
      %parallel_loop3A_354 = arith.index_cast %parallel_loop3A_253 : i32 to index
      %parallel_loop3A_355 = arith.constant 208 : index
      %parallel_loop3A_356 = tpu.vector_load %arg9[%parallel_loop3A_354, %parallel_loop3A_355] {strides = array<i32>} : memref<64x256xi32, #tpu.memory_space<vmem>>, vector<16xi32>,
      %parallel_loop3A_357 = arith.addi %parallel_loop3A_356, %parallel_loop3A_275 : vector<16xi32>
      %parallel_loop3A_358 = tpu.vector_load_idx %arg7[%parallel_loop3A_357] : memref<32768xf32, #tpu.memory_space<vmem>>[vector<16xi32>], vector<16xf32>,
      %parallel_loop3A_359 = arith.addf %parallel_loop3A_267, %parallel_loop3A_358 : vector<16xf32>
      %parallel_loop3A_360 = arith.index_cast %parallel_loop3A_253 : i32 to index
      %parallel_loop3A_361 = arith.constant 224 : index
      %parallel_loop3A_362 = tpu.vector_load %arg9[%parallel_loop3A_360, %parallel_loop3A_361] {strides = array<i32>} : memref<64x256xi32, #tpu.memory_space<vmem>>, vector<16xi32>,
      %parallel_loop3A_363 = arith.addi %parallel_loop3A_362, %parallel_loop3A_275 : vector<16xi32>
      %parallel_loop3A_364 = tpu.vector_load_idx %arg7[%parallel_loop3A_363] : memref<32768xf32, #tpu.memory_space<vmem>>[vector<16xi32>], vector<16xf32>,
      %parallel_loop3A_365 = arith.addf %parallel_loop3A_268, %parallel_loop3A_364 : vector<16xf32>
      %parallel_loop3A_366 = arith.index_cast %parallel_loop3A_253 : i32 to index
      %parallel_loop3A_367 = arith.constant 240 : index
      %parallel_loop3A_368 = tpu.vector_load %arg9[%parallel_loop3A_366, %parallel_loop3A_367] {strides = array<i32>} : memref<64x256xi32, #tpu.memory_space<vmem>>, vector<16xi32>,
      %parallel_loop3A_369 = arith.addi %parallel_loop3A_368, %parallel_loop3A_275 : vector<16xi32>
      %parallel_loop3A_370 = tpu.vector_load_idx %arg7[%parallel_loop3A_369] : memref<32768xf32, #tpu.memory_space<vmem>>[vector<16xi32>], vector<16xf32>,
      %parallel_loop3A_371 = arith.addf %parallel_loop3A_269, %parallel_loop3A_370 : vector<16xf32>
      scf.yield %parallel_loop3A_281, %parallel_loop3A_287, %parallel_loop3A_293, %parallel_loop3A_299, %parallel_loop3A_305, %parallel_loop3A_311, %parallel_loop3A_317, %parallel_loop3A_323, %parallel_loop3A_329, %parallel_loop3A_335, %parallel_loop3A_341, %parallel_loop3A_347, %parallel_loop3A_353, %parallel_loop3A_359, %parallel_loop3A_365, %parallel_loop3A_371 : vector<16xf32>, vector<16xf32>, vector<16xf32>, vector<16xf32>, vector<16xf32>, vector<16xf32>, vector<16xf32>, vector<16xf32>, vector<16xf32>, vector<16xf32>, vector<16xf32>, vector<16xf32>, vector<16xf32>, vector<16xf32>, vector<16xf32>, vector<16xf32>
    } {sc.loop_unroll_factor = 2 : i64, sc.parallel_access}
    %dma_start3A_151 = arith.constant 196608 : i32
    %dma_start3A_152 = tpu.memref_slice %arg6[%dma_start3A_151] : memref<262144xf32, #tpu.memory_space<vmem_shared>> -> memref<32768xf32, #tpu.memory_space<vmem_shared>>
    %dma_start3A_153 = arith.constant 196608 : i32
    %dma_start3A_154 = tpu.memref_slice %arg6[%dma_start3A_153] : memref<262144xf32, #tpu.memory_space<vmem_shared>> -> memref<32768xf32, #tpu.memory_space<vmem_shared>>
    tpu.enqueue_dma source(%dma_start3A_154 : memref<32768xf32, #tpu.memory_space<vmem_shared>>) target(%arg7 : memref<32768xf32, #tpu.memory_space<vmem>>) target_semaphore(%arg13 : memref<!tpu.dma_semaphore, #tpu.memory_space<semaphore_mem>>)
    %parallel_loop3A_155 = arith.constant 0 : i32
    %parallel_loop3A_156 = arith.constant 64 : i32
    %parallel_loop3A_157 = arith.constant 1 : i32
    scf.for %parallel_loop3A_253 = %parallel_loop3A_155 to %parallel_loop3A_156 step %parallel_loop3A_157  : i32 {
      %parallel_loop3A_254 = arith.constant 384 : i32
      %parallel_loop3A_255 = arith.addi %parallel_loop3A_254, %parallel_loop3A_253 : i32
      %parallel_loop3A_256 = arith.constant 32 : i32
      %parallel_loop3A_257 = arith.muli %parallel_loop3A_255, %parallel_loop3A_256 : i32
      %parallel_loop3A_258 = arith.addi %parallel_loop3A_257, %add3A : i32
      %parallel_loop3A_259 = arith.constant 0 : i32
      %parallel_loop3A_260 = tpu.memref_slice %arg9[%parallel_loop3A_253, %parallel_loop3A_259] : memref<64x256xi32, #tpu.memory_space<vmem>> -> memref<1x256xi32, #tpu.memory_space<vmem>>
      %parallel_loop3A_261 = tpu.memref_squeeze %parallel_loop3A_260 : memref<1x256xi32, #tpu.memory_space<vmem>> -> memref<256xi32, #tpu.memory_space<vmem>>
      %parallel_loop3A_262 = arith.constant 0 : i32
      %parallel_loop3A_263 = tpu.memref_slice %arg3[%parallel_loop3A_258, %parallel_loop3A_262] : memref<16384x256xi32, #tpu.memory_space<hbm>> -> memref<1x256xi32, #tpu.memory_space<hbm>>
      %parallel_loop3A_264 = tpu.memref_squeeze %parallel_loop3A_263 : memref<1x256xi32, #tpu.memory_space<hbm>> -> memref<256xi32, #tpu.memory_space<hbm>>
      %parallel_loop3A_265 = arith.constant 0 : i32
      %parallel_loop3A_266 = tpu.memref_slice %arg9[%parallel_loop3A_253, %parallel_loop3A_265] : memref<64x256xi32, #tpu.memory_space<vmem>> -> memref<1x256xi32, #tpu.memory_space<vmem>>
      %parallel_loop3A_267 = tpu.memref_squeeze %parallel_loop3A_266 : memref<1x256xi32, #tpu.memory_space<vmem>> -> memref<256xi32, #tpu.memory_space<vmem>>
      %parallel_loop3A_268 = arith.constant 0 : i32
      %parallel_loop3A_269 = tpu.memref_slice %arg3[%parallel_loop3A_258, %parallel_loop3A_268] : memref<16384x256xi32, #tpu.memory_space<hbm>> -> memref<1x256xi32, #tpu.memory_space<hbm>>
      %parallel_loop3A_270 = tpu.memref_squeeze %parallel_loop3A_269 : memref<1x256xi32, #tpu.memory_space<hbm>> -> memref<256xi32, #tpu.memory_space<hbm>>
      tpu.enqueue_dma source(%parallel_loop3A_270 : memref<256xi32, #tpu.memory_space<hbm>>) target(%parallel_loop3A_267 : memref<256xi32, #tpu.memory_space<vmem>>) target_semaphore(%arg15 : memref<!tpu.dma_semaphore, #tpu.memory_space<semaphore_mem>>)
    } {sc.loop_unroll_factor = 8 : i64, sc.parallel_access}
    %dma_wait3A_158 = arith.constant 163840 : i32
    %dma_wait3A_159 = tpu.memref_slice %arg6[%dma_wait3A_158] : memref<262144xf32, #tpu.memory_space<vmem_shared>> -> memref<32768xf32, #tpu.memory_space<vmem_shared>>
    %dma_wait3A_160 = arith.constant 163840 : i32
    %dma_wait3A_161 = tpu.memref_slice %arg6[%dma_wait3A_160] : memref<262144xf32, #tpu.memory_space<vmem_shared>> -> memref<32768xf32, #tpu.memory_space<vmem_shared>>
    tpu.wait_dma2 semaphore(%arg14 : memref<!tpu.dma_semaphore, #tpu.memory_space<semaphore_mem>>) src(%dma_wait3A_161 : memref<32768xf32, #tpu.memory_space<vmem_shared>>) dst(%arg8 : memref<32768xf32, #tpu.memory_space<vmem>>)
    %dma_wait3A_162 = arith.constant 0 : i32
    %dma_wait3A_163 = arith.constant 0 : i32
    %dma_wait3A_164 = tpu.memref_slice %arg3[%dma_wait3A_162, %dma_wait3A_163] : memref<16384x256xi32, #tpu.memory_space<hbm>> -> memref<64x256xi32, #tpu.memory_space<hbm>>
    %dma_wait3A_165 = arith.constant 0 : i32
    %dma_wait3A_166 = arith.constant 0 : i32
    %dma_wait3A_167 = tpu.memref_slice %arg3[%dma_wait3A_165, %dma_wait3A_166] : memref<16384x256xi32, #tpu.memory_space<hbm>> -> memref<64x256xi32, #tpu.memory_space<hbm>>
    tpu.wait_dma2 semaphore(%arg16 : memref<!tpu.dma_semaphore, #tpu.memory_space<semaphore_mem>>) src(%dma_wait3A_167 : memref<64x256xi32, #tpu.memory_space<hbm>>) dst(%arg10 : memref<64x256xi32, #tpu.memory_space<vmem>>)
    %parallel_loop3A_168 = arith.constant 0 : i32
    %parallel_loop3A_169 = arith.constant 64 : i32
    %parallel_loop3A_170 = arith.constant 1 : i32
    %parallel_loop3A_171:16 = scf.for %parallel_loop3A_253 = %parallel_loop3A_168 to %parallel_loop3A_169 step %parallel_loop3A_170 iter_args(%parallel_loop3A_254 = %parallel_loop3A_150#0, %parallel_loop3A_255 = %parallel_loop3A_150#1, %parallel_loop3A_256 = %parallel_loop3A_150#2, %parallel_loop3A_257 = %parallel_loop3A_150#3, %parallel_loop3A_258 = %parallel_loop3A_150#4, %parallel_loop3A_259 = %parallel_loop3A_150#5, %parallel_loop3A_260 = %parallel_loop3A_150#6, %parallel_loop3A_261 = %parallel_loop3A_150#7, %parallel_loop3A_262 = %parallel_loop3A_150#8, %parallel_loop3A_263 = %parallel_loop3A_150#9, %parallel_loop3A_264 = %parallel_loop3A_150#10, %parallel_loop3A_265 = %parallel_loop3A_150#11, %parallel_loop3A_266 = %parallel_loop3A_150#12, %parallel_loop3A_267 = %parallel_loop3A_150#13, %parallel_loop3A_268 = %parallel_loop3A_150#14, %parallel_loop3A_269 = %parallel_loop3A_150#15) -> (vector<16xf32>, vector<16xf32>, vector<16xf32>, vector<16xf32>, vector<16xf32>, vector<16xf32>, vector<16xf32>, vector<16xf32>, vector<16xf32>, vector<16xf32>, vector<16xf32>, vector<16xf32>, vector<16xf32>, vector<16xf32>, vector<16xf32>, vector<16xf32>)  : i32 {
      %parallel_loop3A_270 = arith.constant 512 : i32
      %parallel_loop3A_271 = arith.muli %parallel_loop3A_253, %parallel_loop3A_270 : i32
      %parallel_loop3A_272 = vector.broadcast %parallel_loop3A_271 : i32 to vector<16xi32>
      %parallel_loop3A_273 = arith.constant 256 : i32
      %parallel_loop3A_274 = vector.broadcast %parallel_loop3A_273 : i32 to vector<16xi32>
      %parallel_loop3A_275 = arith.addi %parallel_loop3A_272, %parallel_loop3A_274 : vector<16xi32>
      %parallel_loop3A_276 = arith.index_cast %parallel_loop3A_253 : i32 to index
      %parallel_loop3A_277 = arith.constant 0 : index
      %parallel_loop3A_278 = tpu.vector_load %arg10[%parallel_loop3A_276, %parallel_loop3A_277] {strides = array<i32>} : memref<64x256xi32, #tpu.memory_space<vmem>>, vector<16xi32>,
      %parallel_loop3A_279 = arith.addi %parallel_loop3A_278, %parallel_loop3A_272 : vector<16xi32>
      %parallel_loop3A_280 = tpu.vector_load_idx %arg8[%parallel_loop3A_279] : memref<32768xf32, #tpu.memory_space<vmem>>[vector<16xi32>], vector<16xf32>,
      %parallel_loop3A_281 = arith.addf %parallel_loop3A_254, %parallel_loop3A_280 : vector<16xf32>
      %parallel_loop3A_282 = arith.index_cast %parallel_loop3A_253 : i32 to index
      %parallel_loop3A_283 = arith.constant 16 : index
      %parallel_loop3A_284 = tpu.vector_load %arg10[%parallel_loop3A_282, %parallel_loop3A_283] {strides = array<i32>} : memref<64x256xi32, #tpu.memory_space<vmem>>, vector<16xi32>,
      %parallel_loop3A_285 = arith.addi %parallel_loop3A_284, %parallel_loop3A_272 : vector<16xi32>
      %parallel_loop3A_286 = tpu.vector_load_idx %arg8[%parallel_loop3A_285] : memref<32768xf32, #tpu.memory_space<vmem>>[vector<16xi32>], vector<16xf32>,
      %parallel_loop3A_287 = arith.addf %parallel_loop3A_255, %parallel_loop3A_286 : vector<16xf32>
      %parallel_loop3A_288 = arith.index_cast %parallel_loop3A_253 : i32 to index
      %parallel_loop3A_289 = arith.constant 32 : index
      %parallel_loop3A_290 = tpu.vector_load %arg10[%parallel_loop3A_288, %parallel_loop3A_289] {strides = array<i32>} : memref<64x256xi32, #tpu.memory_space<vmem>>, vector<16xi32>,
      %parallel_loop3A_291 = arith.addi %parallel_loop3A_290, %parallel_loop3A_272 : vector<16xi32>
      %parallel_loop3A_292 = tpu.vector_load_idx %arg8[%parallel_loop3A_291] : memref<32768xf32, #tpu.memory_space<vmem>>[vector<16xi32>], vector<16xf32>,
      %parallel_loop3A_293 = arith.addf %parallel_loop3A_256, %parallel_loop3A_292 : vector<16xf32>
      %parallel_loop3A_294 = arith.index_cast %parallel_loop3A_253 : i32 to index
      %parallel_loop3A_295 = arith.constant 48 : index
      %parallel_loop3A_296 = tpu.vector_load %arg10[%parallel_loop3A_294, %parallel_loop3A_295] {strides = array<i32>} : memref<64x256xi32, #tpu.memory_space<vmem>>, vector<16xi32>,
      %parallel_loop3A_297 = arith.addi %parallel_loop3A_296, %parallel_loop3A_272 : vector<16xi32>
      %parallel_loop3A_298 = tpu.vector_load_idx %arg8[%parallel_loop3A_297] : memref<32768xf32, #tpu.memory_space<vmem>>[vector<16xi32>], vector<16xf32>,
      %parallel_loop3A_299 = arith.addf %parallel_loop3A_257, %parallel_loop3A_298 : vector<16xf32>
      %parallel_loop3A_300 = arith.index_cast %parallel_loop3A_253 : i32 to index
      %parallel_loop3A_301 = arith.constant 64 : index
      %parallel_loop3A_302 = tpu.vector_load %arg10[%parallel_loop3A_300, %parallel_loop3A_301] {strides = array<i32>} : memref<64x256xi32, #tpu.memory_space<vmem>>, vector<16xi32>,
      %parallel_loop3A_303 = arith.addi %parallel_loop3A_302, %parallel_loop3A_272 : vector<16xi32>
      %parallel_loop3A_304 = tpu.vector_load_idx %arg8[%parallel_loop3A_303] : memref<32768xf32, #tpu.memory_space<vmem>>[vector<16xi32>], vector<16xf32>,
      %parallel_loop3A_305 = arith.addf %parallel_loop3A_258, %parallel_loop3A_304 : vector<16xf32>
      %parallel_loop3A_306 = arith.index_cast %parallel_loop3A_253 : i32 to index
      %parallel_loop3A_307 = arith.constant 80 : index
      %parallel_loop3A_308 = tpu.vector_load %arg10[%parallel_loop3A_306, %parallel_loop3A_307] {strides = array<i32>} : memref<64x256xi32, #tpu.memory_space<vmem>>, vector<16xi32>,
      %parallel_loop3A_309 = arith.addi %parallel_loop3A_308, %parallel_loop3A_272 : vector<16xi32>
      %parallel_loop3A_310 = tpu.vector_load_idx %arg8[%parallel_loop3A_309] : memref<32768xf32, #tpu.memory_space<vmem>>[vector<16xi32>], vector<16xf32>,
      %parallel_loop3A_311 = arith.addf %parallel_loop3A_259, %parallel_loop3A_310 : vector<16xf32>
      %parallel_loop3A_312 = arith.index_cast %parallel_loop3A_253 : i32 to index
      %parallel_loop3A_313 = arith.constant 96 : index
      %parallel_loop3A_314 = tpu.vector_load %arg10[%parallel_loop3A_312, %parallel_loop3A_313] {strides = array<i32>} : memref<64x256xi32, #tpu.memory_space<vmem>>, vector<16xi32>,
      %parallel_loop3A_315 = arith.addi %parallel_loop3A_314, %parallel_loop3A_272 : vector<16xi32>
      %parallel_loop3A_316 = tpu.vector_load_idx %arg8[%parallel_loop3A_315] : memref<32768xf32, #tpu.memory_space<vmem>>[vector<16xi32>], vector<16xf32>,
      %parallel_loop3A_317 = arith.addf %parallel_loop3A_260, %parallel_loop3A_316 : vector<16xf32>
      %parallel_loop3A_318 = arith.index_cast %parallel_loop3A_253 : i32 to index
      %parallel_loop3A_319 = arith.constant 112 : index
      %parallel_loop3A_320 = tpu.vector_load %arg10[%parallel_loop3A_318, %parallel_loop3A_319] {strides = array<i32>} : memref<64x256xi32, #tpu.memory_space<vmem>>, vector<16xi32>,
      %parallel_loop3A_321 = arith.addi %parallel_loop3A_320, %parallel_loop3A_272 : vector<16xi32>
      %parallel_loop3A_322 = tpu.vector_load_idx %arg8[%parallel_loop3A_321] : memref<32768xf32, #tpu.memory_space<vmem>>[vector<16xi32>], vector<16xf32>,
      %parallel_loop3A_323 = arith.addf %parallel_loop3A_261, %parallel_loop3A_322 : vector<16xf32>
      %parallel_loop3A_324 = arith.index_cast %parallel_loop3A_253 : i32 to index
      %parallel_loop3A_325 = arith.constant 128 : index
      %parallel_loop3A_326 = tpu.vector_load %arg10[%parallel_loop3A_324, %parallel_loop3A_325] {strides = array<i32>} : memref<64x256xi32, #tpu.memory_space<vmem>>, vector<16xi32>,
      %parallel_loop3A_327 = arith.addi %parallel_loop3A_326, %parallel_loop3A_275 : vector<16xi32>
      %parallel_loop3A_328 = tpu.vector_load_idx %arg8[%parallel_loop3A_327] : memref<32768xf32, #tpu.memory_space<vmem>>[vector<16xi32>], vector<16xf32>,
      %parallel_loop3A_329 = arith.addf %parallel_loop3A_262, %parallel_loop3A_328 : vector<16xf32>
      %parallel_loop3A_330 = arith.index_cast %parallel_loop3A_253 : i32 to index
      %parallel_loop3A_331 = arith.constant 144 : index
      %parallel_loop3A_332 = tpu.vector_load %arg10[%parallel_loop3A_330, %parallel_loop3A_331] {strides = array<i32>} : memref<64x256xi32, #tpu.memory_space<vmem>>, vector<16xi32>,
      %parallel_loop3A_333 = arith.addi %parallel_loop3A_332, %parallel_loop3A_275 : vector<16xi32>
      %parallel_loop3A_334 = tpu.vector_load_idx %arg8[%parallel_loop3A_333] : memref<32768xf32, #tpu.memory_space<vmem>>[vector<16xi32>], vector<16xf32>,
      %parallel_loop3A_335 = arith.addf %parallel_loop3A_263, %parallel_loop3A_334 : vector<16xf32>
      %parallel_loop3A_336 = arith.index_cast %parallel_loop3A_253 : i32 to index
      %parallel_loop3A_337 = arith.constant 160 : index
      %parallel_loop3A_338 = tpu.vector_load %arg10[%parallel_loop3A_336, %parallel_loop3A_337] {strides = array<i32>} : memref<64x256xi32, #tpu.memory_space<vmem>>, vector<16xi32>,
      %parallel_loop3A_339 = arith.addi %parallel_loop3A_338, %parallel_loop3A_275 : vector<16xi32>
      %parallel_loop3A_340 = tpu.vector_load_idx %arg8[%parallel_loop3A_339] : memref<32768xf32, #tpu.memory_space<vmem>>[vector<16xi32>], vector<16xf32>,
      %parallel_loop3A_341 = arith.addf %parallel_loop3A_264, %parallel_loop3A_340 : vector<16xf32>
      %parallel_loop3A_342 = arith.index_cast %parallel_loop3A_253 : i32 to index
      %parallel_loop3A_343 = arith.constant 176 : index
      %parallel_loop3A_344 = tpu.vector_load %arg10[%parallel_loop3A_342, %parallel_loop3A_343] {strides = array<i32>} : memref<64x256xi32, #tpu.memory_space<vmem>>, vector<16xi32>,
      %parallel_loop3A_345 = arith.addi %parallel_loop3A_344, %parallel_loop3A_275 : vector<16xi32>
      %parallel_loop3A_346 = tpu.vector_load_idx %arg8[%parallel_loop3A_345] : memref<32768xf32, #tpu.memory_space<vmem>>[vector<16xi32>], vector<16xf32>,
      %parallel_loop3A_347 = arith.addf %parallel_loop3A_265, %parallel_loop3A_346 : vector<16xf32>
      %parallel_loop3A_348 = arith.index_cast %parallel_loop3A_253 : i32 to index
      %parallel_loop3A_349 = arith.constant 192 : index
      %parallel_loop3A_350 = tpu.vector_load %arg10[%parallel_loop3A_348, %parallel_loop3A_349] {strides = array<i32>} : memref<64x256xi32, #tpu.memory_space<vmem>>, vector<16xi32>,
      %parallel_loop3A_351 = arith.addi %parallel_loop3A_350, %parallel_loop3A_275 : vector<16xi32>
      %parallel_loop3A_352 = tpu.vector_load_idx %arg8[%parallel_loop3A_351] : memref<32768xf32, #tpu.memory_space<vmem>>[vector<16xi32>], vector<16xf32>,
      %parallel_loop3A_353 = arith.addf %parallel_loop3A_266, %parallel_loop3A_352 : vector<16xf32>
      %parallel_loop3A_354 = arith.index_cast %parallel_loop3A_253 : i32 to index
      %parallel_loop3A_355 = arith.constant 208 : index
      %parallel_loop3A_356 = tpu.vector_load %arg10[%parallel_loop3A_354, %parallel_loop3A_355] {strides = array<i32>} : memref<64x256xi32, #tpu.memory_space<vmem>>, vector<16xi32>,
      %parallel_loop3A_357 = arith.addi %parallel_loop3A_356, %parallel_loop3A_275 : vector<16xi32>
      %parallel_loop3A_358 = tpu.vector_load_idx %arg8[%parallel_loop3A_357] : memref<32768xf32, #tpu.memory_space<vmem>>[vector<16xi32>], vector<16xf32>,
      %parallel_loop3A_359 = arith.addf %parallel_loop3A_267, %parallel_loop3A_358 : vector<16xf32>
      %parallel_loop3A_360 = arith.index_cast %parallel_loop3A_253 : i32 to index
      %parallel_loop3A_361 = arith.constant 224 : index
      %parallel_loop3A_362 = tpu.vector_load %arg10[%parallel_loop3A_360, %parallel_loop3A_361] {strides = array<i32>} : memref<64x256xi32, #tpu.memory_space<vmem>>, vector<16xi32>,
      %parallel_loop3A_363 = arith.addi %parallel_loop3A_362, %parallel_loop3A_275 : vector<16xi32>
      %parallel_loop3A_364 = tpu.vector_load_idx %arg8[%parallel_loop3A_363] : memref<32768xf32, #tpu.memory_space<vmem>>[vector<16xi32>], vector<16xf32>,
      %parallel_loop3A_365 = arith.addf %parallel_loop3A_268, %parallel_loop3A_364 : vector<16xf32>
      %parallel_loop3A_366 = arith.index_cast %parallel_loop3A_253 : i32 to index
      %parallel_loop3A_367 = arith.constant 240 : index
      %parallel_loop3A_368 = tpu.vector_load %arg10[%parallel_loop3A_366, %parallel_loop3A_367] {strides = array<i32>} : memref<64x256xi32, #tpu.memory_space<vmem>>, vector<16xi32>,
      %parallel_loop3A_369 = arith.addi %parallel_loop3A_368, %parallel_loop3A_275 : vector<16xi32>
      %parallel_loop3A_370 = tpu.vector_load_idx %arg8[%parallel_loop3A_369] : memref<32768xf32, #tpu.memory_space<vmem>>[vector<16xi32>], vector<16xf32>,
      %parallel_loop3A_371 = arith.addf %parallel_loop3A_269, %parallel_loop3A_370 : vector<16xf32>
      scf.yield %parallel_loop3A_281, %parallel_loop3A_287, %parallel_loop3A_293, %parallel_loop3A_299, %parallel_loop3A_305, %parallel_loop3A_311, %parallel_loop3A_317, %parallel_loop3A_323, %parallel_loop3A_329, %parallel_loop3A_335, %parallel_loop3A_341, %parallel_loop3A_347, %parallel_loop3A_353, %parallel_loop3A_359, %parallel_loop3A_365, %parallel_loop3A_371 : vector<16xf32>, vector<16xf32>, vector<16xf32>, vector<16xf32>, vector<16xf32>, vector<16xf32>, vector<16xf32>, vector<16xf32>, vector<16xf32>, vector<16xf32>, vector<16xf32>, vector<16xf32>, vector<16xf32>, vector<16xf32>, vector<16xf32>, vector<16xf32>
    } {sc.loop_unroll_factor = 2 : i64, sc.parallel_access}
    %dma_start3A_172 = arith.constant 229376 : i32
    %dma_start3A_173 = tpu.memref_slice %arg6[%dma_start3A_172] : memref<262144xf32, #tpu.memory_space<vmem_shared>> -> memref<32768xf32, #tpu.memory_space<vmem_shared>>
    %dma_start3A_174 = arith.constant 229376 : i32
    %dma_start3A_175 = tpu.memref_slice %arg6[%dma_start3A_174] : memref<262144xf32, #tpu.memory_space<vmem_shared>> -> memref<32768xf32, #tpu.memory_space<vmem_shared>>
    tpu.enqueue_dma source(%dma_start3A_175 : memref<32768xf32, #tpu.memory_space<vmem_shared>>) target(%arg8 : memref<32768xf32, #tpu.memory_space<vmem>>) target_semaphore(%arg14 : memref<!tpu.dma_semaphore, #tpu.memory_space<semaphore_mem>>)
    %parallel_loop3A_176 = arith.constant 0 : i32
    %parallel_loop3A_177 = arith.constant 64 : i32
    %parallel_loop3A_178 = arith.constant 1 : i32
    scf.for %parallel_loop3A_253 = %parallel_loop3A_176 to %parallel_loop3A_177 step %parallel_loop3A_178  : i32 {
      %parallel_loop3A_254 = arith.constant 448 : i32
      %parallel_loop3A_255 = arith.addi %parallel_loop3A_254, %parallel_loop3A_253 : i32
      %parallel_loop3A_256 = arith.constant 32 : i32
      %parallel_loop3A_257 = arith.muli %parallel_loop3A_255, %parallel_loop3A_256 : i32
      %parallel_loop3A_258 = arith.addi %parallel_loop3A_257, %add3A : i32
      %parallel_loop3A_259 = arith.constant 0 : i32
      %parallel_loop3A_260 = tpu.memref_slice %arg10[%parallel_loop3A_253, %parallel_loop3A_259] : memref<64x256xi32, #tpu.memory_space<vmem>> -> memref<1x256xi32, #tpu.memory_space<vmem>>
      %parallel_loop3A_261 = tpu.memref_squeeze %parallel_loop3A_260 : memref<1x256xi32, #tpu.memory_space<vmem>> -> memref<256xi32, #tpu.memory_space<vmem>>
      %parallel_loop3A_262 = arith.constant 0 : i32
      %parallel_loop3A_263 = tpu.memref_slice %arg3[%parallel_loop3A_258, %parallel_loop3A_262] : memref<16384x256xi32, #tpu.memory_space<hbm>> -> memref<1x256xi32, #tpu.memory_space<hbm>>
      %parallel_loop3A_264 = tpu.memref_squeeze %parallel_loop3A_263 : memref<1x256xi32, #tpu.memory_space<hbm>> -> memref<256xi32, #tpu.memory_space<hbm>>
      %parallel_loop3A_265 = arith.constant 0 : i32
      %parallel_loop3A_266 = tpu.memref_slice %arg10[%parallel_loop3A_253, %parallel_loop3A_265] : memref<64x256xi32, #tpu.memory_space<vmem>> -> memref<1x256xi32, #tpu.memory_space<vmem>>
      %parallel_loop3A_267 = tpu.memref_squeeze %parallel_loop3A_266 : memref<1x256xi32, #tpu.memory_space<vmem>> -> memref<256xi32, #tpu.memory_space<vmem>>
      %parallel_loop3A_268 = arith.constant 0 : i32
      %parallel_loop3A_269 = tpu.memref_slice %arg3[%parallel_loop3A_258, %parallel_loop3A_268] : memref<16384x256xi32, #tpu.memory_space<hbm>> -> memref<1x256xi32, #tpu.memory_space<hbm>>
      %parallel_loop3A_270 = tpu.memref_squeeze %parallel_loop3A_269 : memref<1x256xi32, #tpu.memory_space<hbm>> -> memref<256xi32, #tpu.memory_space<hbm>>
      tpu.enqueue_dma source(%parallel_loop3A_270 : memref<256xi32, #tpu.memory_space<hbm>>) target(%parallel_loop3A_267 : memref<256xi32, #tpu.memory_space<vmem>>) target_semaphore(%arg16 : memref<!tpu.dma_semaphore, #tpu.memory_space<semaphore_mem>>)
    } {sc.loop_unroll_factor = 8 : i64, sc.parallel_access}
    %dma_wait3A_179 = arith.constant 196608 : i32
    %dma_wait3A_180 = tpu.memref_slice %arg6[%dma_wait3A_179] : memref<262144xf32, #tpu.memory_space<vmem_shared>> -> memref<32768xf32, #tpu.memory_space<vmem_shared>>
    %dma_wait3A_181 = arith.constant 196608 : i32
    %dma_wait3A_182 = tpu.memref_slice %arg6[%dma_wait3A_181] : memref<262144xf32, #tpu.memory_space<vmem_shared>> -> memref<32768xf32, #tpu.memory_space<vmem_shared>>
    tpu.wait_dma2 semaphore(%arg13 : memref<!tpu.dma_semaphore, #tpu.memory_space<semaphore_mem>>) src(%dma_wait3A_182 : memref<32768xf32, #tpu.memory_space<vmem_shared>>) dst(%arg7 : memref<32768xf32, #tpu.memory_space<vmem>>)
    %dma_wait3A_183 = arith.constant 0 : i32
    %dma_wait3A_184 = arith.constant 0 : i32
    %dma_wait3A_185 = tpu.memref_slice %arg3[%dma_wait3A_183, %dma_wait3A_184] : memref<16384x256xi32, #tpu.memory_space<hbm>> -> memref<64x256xi32, #tpu.memory_space<hbm>>
    %dma_wait3A_186 = arith.constant 0 : i32
    %dma_wait3A_187 = arith.constant 0 : i32
    %dma_wait3A_188 = tpu.memref_slice %arg3[%dma_wait3A_186, %dma_wait3A_187] : memref<16384x256xi32, #tpu.memory_space<hbm>> -> memref<64x256xi32, #tpu.memory_space<hbm>>
    tpu.wait_dma2 semaphore(%arg15 : memref<!tpu.dma_semaphore, #tpu.memory_space<semaphore_mem>>) src(%dma_wait3A_188 : memref<64x256xi32, #tpu.memory_space<hbm>>) dst(%arg9 : memref<64x256xi32, #tpu.memory_space<vmem>>)
    %parallel_loop3A_189 = arith.constant 0 : i32
    %parallel_loop3A_190 = arith.constant 64 : i32
    %parallel_loop3A_191 = arith.constant 1 : i32
    %parallel_loop3A_192:16 = scf.for %parallel_loop3A_253 = %parallel_loop3A_189 to %parallel_loop3A_190 step %parallel_loop3A_191 iter_args(%parallel_loop3A_254 = %parallel_loop3A_171#0, %parallel_loop3A_255 = %parallel_loop3A_171#1, %parallel_loop3A_256 = %parallel_loop3A_171#2, %parallel_loop3A_257 = %parallel_loop3A_171#3, %parallel_loop3A_258 = %parallel_loop3A_171#4, %parallel_loop3A_259 = %parallel_loop3A_171#5, %parallel_loop3A_260 = %parallel_loop3A_171#6, %parallel_loop3A_261 = %parallel_loop3A_171#7, %parallel_loop3A_262 = %parallel_loop3A_171#8, %parallel_loop3A_263 = %parallel_loop3A_171#9, %parallel_loop3A_264 = %parallel_loop3A_171#10, %parallel_loop3A_265 = %parallel_loop3A_171#11, %parallel_loop3A_266 = %parallel_loop3A_171#12, %parallel_loop3A_267 = %parallel_loop3A_171#13, %parallel_loop3A_268 = %parallel_loop3A_171#14, %parallel_loop3A_269 = %parallel_loop3A_171#15) -> (vector<16xf32>, vector<16xf32>, vector<16xf32>, vector<16xf32>, vector<16xf32>, vector<16xf32>, vector<16xf32>, vector<16xf32>, vector<16xf32>, vector<16xf32>, vector<16xf32>, vector<16xf32>, vector<16xf32>, vector<16xf32>, vector<16xf32>, vector<16xf32>)  : i32 {
      %parallel_loop3A_270 = arith.constant 512 : i32
      %parallel_loop3A_271 = arith.muli %parallel_loop3A_253, %parallel_loop3A_270 : i32
      %parallel_loop3A_272 = vector.broadcast %parallel_loop3A_271 : i32 to vector<16xi32>
      %parallel_loop3A_273 = arith.constant 256 : i32
      %parallel_loop3A_274 = vector.broadcast %parallel_loop3A_273 : i32 to vector<16xi32>
      %parallel_loop3A_275 = arith.addi %parallel_loop3A_272, %parallel_loop3A_274 : vector<16xi32>
      %parallel_loop3A_276 = arith.index_cast %parallel_loop3A_253 : i32 to index
      %parallel_loop3A_277 = arith.constant 0 : index
      %parallel_loop3A_278 = tpu.vector_load %arg9[%parallel_loop3A_276, %parallel_loop3A_277] {strides = array<i32>} : memref<64x256xi32, #tpu.memory_space<vmem>>, vector<16xi32>,
      %parallel_loop3A_279 = arith.addi %parallel_loop3A_278, %parallel_loop3A_272 : vector<16xi32>
      %parallel_loop3A_280 = tpu.vector_load_idx %arg7[%parallel_loop3A_279] : memref<32768xf32, #tpu.memory_space<vmem>>[vector<16xi32>], vector<16xf32>,
      %parallel_loop3A_281 = arith.addf %parallel_loop3A_254, %parallel_loop3A_280 : vector<16xf32>
      %parallel_loop3A_282 = arith.index_cast %parallel_loop3A_253 : i32 to index
      %parallel_loop3A_283 = arith.constant 16 : index
      %parallel_loop3A_284 = tpu.vector_load %arg9[%parallel_loop3A_282, %parallel_loop3A_283] {strides = array<i32>} : memref<64x256xi32, #tpu.memory_space<vmem>>, vector<16xi32>,
      %parallel_loop3A_285 = arith.addi %parallel_loop3A_284, %parallel_loop3A_272 : vector<16xi32>
      %parallel_loop3A_286 = tpu.vector_load_idx %arg7[%parallel_loop3A_285] : memref<32768xf32, #tpu.memory_space<vmem>>[vector<16xi32>], vector<16xf32>,
      %parallel_loop3A_287 = arith.addf %parallel_loop3A_255, %parallel_loop3A_286 : vector<16xf32>
      %parallel_loop3A_288 = arith.index_cast %parallel_loop3A_253 : i32 to index
      %parallel_loop3A_289 = arith.constant 32 : index
      %parallel_loop3A_290 = tpu.vector_load %arg9[%parallel_loop3A_288, %parallel_loop3A_289] {strides = array<i32>} : memref<64x256xi32, #tpu.memory_space<vmem>>, vector<16xi32>,
      %parallel_loop3A_291 = arith.addi %parallel_loop3A_290, %parallel_loop3A_272 : vector<16xi32>
      %parallel_loop3A_292 = tpu.vector_load_idx %arg7[%parallel_loop3A_291] : memref<32768xf32, #tpu.memory_space<vmem>>[vector<16xi32>], vector<16xf32>,
      %parallel_loop3A_293 = arith.addf %parallel_loop3A_256, %parallel_loop3A_292 : vector<16xf32>
      %parallel_loop3A_294 = arith.index_cast %parallel_loop3A_253 : i32 to index
      %parallel_loop3A_295 = arith.constant 48 : index
      %parallel_loop3A_296 = tpu.vector_load %arg9[%parallel_loop3A_294, %parallel_loop3A_295] {strides = array<i32>} : memref<64x256xi32, #tpu.memory_space<vmem>>, vector<16xi32>,
      %parallel_loop3A_297 = arith.addi %parallel_loop3A_296, %parallel_loop3A_272 : vector<16xi32>
      %parallel_loop3A_298 = tpu.vector_load_idx %arg7[%parallel_loop3A_297] : memref<32768xf32, #tpu.memory_space<vmem>>[vector<16xi32>], vector<16xf32>,
      %parallel_loop3A_299 = arith.addf %parallel_loop3A_257, %parallel_loop3A_298 : vector<16xf32>
      %parallel_loop3A_300 = arith.index_cast %parallel_loop3A_253 : i32 to index
      %parallel_loop3A_301 = arith.constant 64 : index
      %parallel_loop3A_302 = tpu.vector_load %arg9[%parallel_loop3A_300, %parallel_loop3A_301] {strides = array<i32>} : memref<64x256xi32, #tpu.memory_space<vmem>>, vector<16xi32>,
      %parallel_loop3A_303 = arith.addi %parallel_loop3A_302, %parallel_loop3A_272 : vector<16xi32>
      %parallel_loop3A_304 = tpu.vector_load_idx %arg7[%parallel_loop3A_303] : memref<32768xf32, #tpu.memory_space<vmem>>[vector<16xi32>], vector<16xf32>,
      %parallel_loop3A_305 = arith.addf %parallel_loop3A_258, %parallel_loop3A_304 : vector<16xf32>
      %parallel_loop3A_306 = arith.index_cast %parallel_loop3A_253 : i32 to index
      %parallel_loop3A_307 = arith.constant 80 : index
      %parallel_loop3A_308 = tpu.vector_load %arg9[%parallel_loop3A_306, %parallel_loop3A_307] {strides = array<i32>} : memref<64x256xi32, #tpu.memory_space<vmem>>, vector<16xi32>,
      %parallel_loop3A_309 = arith.addi %parallel_loop3A_308, %parallel_loop3A_272 : vector<16xi32>
      %parallel_loop3A_310 = tpu.vector_load_idx %arg7[%parallel_loop3A_309] : memref<32768xf32, #tpu.memory_space<vmem>>[vector<16xi32>], vector<16xf32>,
      %parallel_loop3A_311 = arith.addf %parallel_loop3A_259, %parallel_loop3A_310 : vector<16xf32>
      %parallel_loop3A_312 = arith.index_cast %parallel_loop3A_253 : i32 to index
      %parallel_loop3A_313 = arith.constant 96 : index
      %parallel_loop3A_314 = tpu.vector_load %arg9[%parallel_loop3A_312, %parallel_loop3A_313] {strides = array<i32>} : memref<64x256xi32, #tpu.memory_space<vmem>>, vector<16xi32>,
      %parallel_loop3A_315 = arith.addi %parallel_loop3A_314, %parallel_loop3A_272 : vector<16xi32>
      %parallel_loop3A_316 = tpu.vector_load_idx %arg7[%parallel_loop3A_315] : memref<32768xf32, #tpu.memory_space<vmem>>[vector<16xi32>], vector<16xf32>,
      %parallel_loop3A_317 = arith.addf %parallel_loop3A_260, %parallel_loop3A_316 : vector<16xf32>
      %parallel_loop3A_318 = arith.index_cast %parallel_loop3A_253 : i32 to index
      %parallel_loop3A_319 = arith.constant 112 : index
      %parallel_loop3A_320 = tpu.vector_load %arg9[%parallel_loop3A_318, %parallel_loop3A_319] {strides = array<i32>} : memref<64x256xi32, #tpu.memory_space<vmem>>, vector<16xi32>,
      %parallel_loop3A_321 = arith.addi %parallel_loop3A_320, %parallel_loop3A_272 : vector<16xi32>
      %parallel_loop3A_322 = tpu.vector_load_idx %arg7[%parallel_loop3A_321] : memref<32768xf32, #tpu.memory_space<vmem>>[vector<16xi32>], vector<16xf32>,
      %parallel_loop3A_323 = arith.addf %parallel_loop3A_261, %parallel_loop3A_322 : vector<16xf32>
      %parallel_loop3A_324 = arith.index_cast %parallel_loop3A_253 : i32 to index
      %parallel_loop3A_325 = arith.constant 128 : index
      %parallel_loop3A_326 = tpu.vector_load %arg9[%parallel_loop3A_324, %parallel_loop3A_325] {strides = array<i32>} : memref<64x256xi32, #tpu.memory_space<vmem>>, vector<16xi32>,
      %parallel_loop3A_327 = arith.addi %parallel_loop3A_326, %parallel_loop3A_275 : vector<16xi32>
      %parallel_loop3A_328 = tpu.vector_load_idx %arg7[%parallel_loop3A_327] : memref<32768xf32, #tpu.memory_space<vmem>>[vector<16xi32>], vector<16xf32>,
      %parallel_loop3A_329 = arith.addf %parallel_loop3A_262, %parallel_loop3A_328 : vector<16xf32>
      %parallel_loop3A_330 = arith.index_cast %parallel_loop3A_253 : i32 to index
      %parallel_loop3A_331 = arith.constant 144 : index
      %parallel_loop3A_332 = tpu.vector_load %arg9[%parallel_loop3A_330, %parallel_loop3A_331] {strides = array<i32>} : memref<64x256xi32, #tpu.memory_space<vmem>>, vector<16xi32>,
      %parallel_loop3A_333 = arith.addi %parallel_loop3A_332, %parallel_loop3A_275 : vector<16xi32>
      %parallel_loop3A_334 = tpu.vector_load_idx %arg7[%parallel_loop3A_333] : memref<32768xf32, #tpu.memory_space<vmem>>[vector<16xi32>], vector<16xf32>,
      %parallel_loop3A_335 = arith.addf %parallel_loop3A_263, %parallel_loop3A_334 : vector<16xf32>
      %parallel_loop3A_336 = arith.index_cast %parallel_loop3A_253 : i32 to index
      %parallel_loop3A_337 = arith.constant 160 : index
      %parallel_loop3A_338 = tpu.vector_load %arg9[%parallel_loop3A_336, %parallel_loop3A_337] {strides = array<i32>} : memref<64x256xi32, #tpu.memory_space<vmem>>, vector<16xi32>,
      %parallel_loop3A_339 = arith.addi %parallel_loop3A_338, %parallel_loop3A_275 : vector<16xi32>
      %parallel_loop3A_340 = tpu.vector_load_idx %arg7[%parallel_loop3A_339] : memref<32768xf32, #tpu.memory_space<vmem>>[vector<16xi32>], vector<16xf32>,
      %parallel_loop3A_341 = arith.addf %parallel_loop3A_264, %parallel_loop3A_340 : vector<16xf32>
      %parallel_loop3A_342 = arith.index_cast %parallel_loop3A_253 : i32 to index
      %parallel_loop3A_343 = arith.constant 176 : index
      %parallel_loop3A_344 = tpu.vector_load %arg9[%parallel_loop3A_342, %parallel_loop3A_343] {strides = array<i32>} : memref<64x256xi32, #tpu.memory_space<vmem>>, vector<16xi32>,
      %parallel_loop3A_345 = arith.addi %parallel_loop3A_344, %parallel_loop3A_275 : vector<16xi32>
      %parallel_loop3A_346 = tpu.vector_load_idx %arg7[%parallel_loop3A_345] : memref<32768xf32, #tpu.memory_space<vmem>>[vector<16xi32>], vector<16xf32>,
      %parallel_loop3A_347 = arith.addf %parallel_loop3A_265, %parallel_loop3A_346 : vector<16xf32>
      %parallel_loop3A_348 = arith.index_cast %parallel_loop3A_253 : i32 to index
      %parallel_loop3A_349 = arith.constant 192 : index
      %parallel_loop3A_350 = tpu.vector_load %arg9[%parallel_loop3A_348, %parallel_loop3A_349] {strides = array<i32>} : memref<64x256xi32, #tpu.memory_space<vmem>>, vector<16xi32>,
      %parallel_loop3A_351 = arith.addi %parallel_loop3A_350, %parallel_loop3A_275 : vector<16xi32>
      %parallel_loop3A_352 = tpu.vector_load_idx %arg7[%parallel_loop3A_351] : memref<32768xf32, #tpu.memory_space<vmem>>[vector<16xi32>], vector<16xf32>,
      %parallel_loop3A_353 = arith.addf %parallel_loop3A_266, %parallel_loop3A_352 : vector<16xf32>
      %parallel_loop3A_354 = arith.index_cast %parallel_loop3A_253 : i32 to index
      %parallel_loop3A_355 = arith.constant 208 : index
      %parallel_loop3A_356 = tpu.vector_load %arg9[%parallel_loop3A_354, %parallel_loop3A_355] {strides = array<i32>} : memref<64x256xi32, #tpu.memory_space<vmem>>, vector<16xi32>,
      %parallel_loop3A_357 = arith.addi %parallel_loop3A_356, %parallel_loop3A_275 : vector<16xi32>
      %parallel_loop3A_358 = tpu.vector_load_idx %arg7[%parallel_loop3A_357] : memref<32768xf32, #tpu.memory_space<vmem>>[vector<16xi32>], vector<16xf32>,
      %parallel_loop3A_359 = arith.addf %parallel_loop3A_267, %parallel_loop3A_358 : vector<16xf32>
      %parallel_loop3A_360 = arith.index_cast %parallel_loop3A_253 : i32 to index
      %parallel_loop3A_361 = arith.constant 224 : index
      %parallel_loop3A_362 = tpu.vector_load %arg9[%parallel_loop3A_360, %parallel_loop3A_361] {strides = array<i32>} : memref<64x256xi32, #tpu.memory_space<vmem>>, vector<16xi32>,
      %parallel_loop3A_363 = arith.addi %parallel_loop3A_362, %parallel_loop3A_275 : vector<16xi32>
      %parallel_loop3A_364 = tpu.vector_load_idx %arg7[%parallel_loop3A_363] : memref<32768xf32, #tpu.memory_space<vmem>>[vector<16xi32>], vector<16xf32>,
      %parallel_loop3A_365 = arith.addf %parallel_loop3A_268, %parallel_loop3A_364 : vector<16xf32>
      %parallel_loop3A_366 = arith.index_cast %parallel_loop3A_253 : i32 to index
      %parallel_loop3A_367 = arith.constant 240 : index
      %parallel_loop3A_368 = tpu.vector_load %arg9[%parallel_loop3A_366, %parallel_loop3A_367] {strides = array<i32>} : memref<64x256xi32, #tpu.memory_space<vmem>>, vector<16xi32>,
      %parallel_loop3A_369 = arith.addi %parallel_loop3A_368, %parallel_loop3A_275 : vector<16xi32>
      %parallel_loop3A_370 = tpu.vector_load_idx %arg7[%parallel_loop3A_369] : memref<32768xf32, #tpu.memory_space<vmem>>[vector<16xi32>], vector<16xf32>,
      %parallel_loop3A_371 = arith.addf %parallel_loop3A_269, %parallel_loop3A_370 : vector<16xf32>
      scf.yield %parallel_loop3A_281, %parallel_loop3A_287, %parallel_loop3A_293, %parallel_loop3A_299, %parallel_loop3A_305, %parallel_loop3A_311, %parallel_loop3A_317, %parallel_loop3A_323, %parallel_loop3A_329, %parallel_loop3A_335, %parallel_loop3A_341, %parallel_loop3A_347, %parallel_loop3A_353, %parallel_loop3A_359, %parallel_loop3A_365, %parallel_loop3A_371 : vector<16xf32>, vector<16xf32>, vector<16xf32>, vector<16xf32>, vector<16xf32>, vector<16xf32>, vector<16xf32>, vector<16xf32>, vector<16xf32>, vector<16xf32>, vector<16xf32>, vector<16xf32>, vector<16xf32>, vector<16xf32>, vector<16xf32>, vector<16xf32>
    } {sc.loop_unroll_factor = 2 : i64, sc.parallel_access}
    %dma_wait3A_193 = arith.constant 229376 : i32
    %dma_wait3A_194 = tpu.memref_slice %arg6[%dma_wait3A_193] : memref<262144xf32, #tpu.memory_space<vmem_shared>> -> memref<32768xf32, #tpu.memory_space<vmem_shared>>
    %dma_wait3A_195 = arith.constant 229376 : i32
    %dma_wait3A_196 = tpu.memref_slice %arg6[%dma_wait3A_195] : memref<262144xf32, #tpu.memory_space<vmem_shared>> -> memref<32768xf32, #tpu.memory_space<vmem_shared>>
    tpu.wait_dma2 semaphore(%arg14 : memref<!tpu.dma_semaphore, #tpu.memory_space<semaphore_mem>>) src(%dma_wait3A_196 : memref<32768xf32, #tpu.memory_space<vmem_shared>>) dst(%arg8 : memref<32768xf32, #tpu.memory_space<vmem>>)
    %dma_wait3A_197 = arith.constant 0 : i32
    %dma_wait3A_198 = arith.constant 0 : i32
    %dma_wait3A_199 = tpu.memref_slice %arg3[%dma_wait3A_197, %dma_wait3A_198] : memref<16384x256xi32, #tpu.memory_space<hbm>> -> memref<64x256xi32, #tpu.memory_space<hbm>>
    %dma_wait3A_200 = arith.constant 0 : i32
    %dma_wait3A_201 = arith.constant 0 : i32
    %dma_wait3A_202 = tpu.memref_slice %arg3[%dma_wait3A_200, %dma_wait3A_201] : memref<16384x256xi32, #tpu.memory_space<hbm>> -> memref<64x256xi32, #tpu.memory_space<hbm>>
    tpu.wait_dma2 semaphore(%arg16 : memref<!tpu.dma_semaphore, #tpu.memory_space<semaphore_mem>>) src(%dma_wait3A_202 : memref<64x256xi32, #tpu.memory_space<hbm>>) dst(%arg10 : memref<64x256xi32, #tpu.memory_space<vmem>>)
    %parallel_loop3A_203 = arith.constant 0 : i32
    %parallel_loop3A_204 = arith.constant 64 : i32
    %parallel_loop3A_205 = arith.constant 1 : i32
    %parallel_loop3A_206:16 = scf.for %parallel_loop3A_253 = %parallel_loop3A_203 to %parallel_loop3A_204 step %parallel_loop3A_205 iter_args(%parallel_loop3A_254 = %parallel_loop3A_192#0, %parallel_loop3A_255 = %parallel_loop3A_192#1, %parallel_loop3A_256 = %parallel_loop3A_192#2, %parallel_loop3A_257 = %parallel_loop3A_192#3, %parallel_loop3A_258 = %parallel_loop3A_192#4, %parallel_loop3A_259 = %parallel_loop3A_192#5, %parallel_loop3A_260 = %parallel_loop3A_192#6, %parallel_loop3A_261 = %parallel_loop3A_192#7, %parallel_loop3A_262 = %parallel_loop3A_192#8, %parallel_loop3A_263 = %parallel_loop3A_192#9, %parallel_loop3A_264 = %parallel_loop3A_192#10, %parallel_loop3A_265 = %parallel_loop3A_192#11, %parallel_loop3A_266 = %parallel_loop3A_192#12, %parallel_loop3A_267 = %parallel_loop3A_192#13, %parallel_loop3A_268 = %parallel_loop3A_192#14, %parallel_loop3A_269 = %parallel_loop3A_192#15) -> (vector<16xf32>, vector<16xf32>, vector<16xf32>, vector<16xf32>, vector<16xf32>, vector<16xf32>, vector<16xf32>, vector<16xf32>, vector<16xf32>, vector<16xf32>, vector<16xf32>, vector<16xf32>, vector<16xf32>, vector<16xf32>, vector<16xf32>, vector<16xf32>)  : i32 {
      %parallel_loop3A_270 = arith.constant 512 : i32
      %parallel_loop3A_271 = arith.muli %parallel_loop3A_253, %parallel_loop3A_270 : i32
      %parallel_loop3A_272 = vector.broadcast %parallel_loop3A_271 : i32 to vector<16xi32>
      %parallel_loop3A_273 = arith.constant 256 : i32
      %parallel_loop3A_274 = vector.broadcast %parallel_loop3A_273 : i32 to vector<16xi32>
      %parallel_loop3A_275 = arith.addi %parallel_loop3A_272, %parallel_loop3A_274 : vector<16xi32>
      %parallel_loop3A_276 = arith.index_cast %parallel_loop3A_253 : i32 to index
      %parallel_loop3A_277 = arith.constant 0 : index
      %parallel_loop3A_278 = tpu.vector_load %arg10[%parallel_loop3A_276, %parallel_loop3A_277] {strides = array<i32>} : memref<64x256xi32, #tpu.memory_space<vmem>>, vector<16xi32>,
      %parallel_loop3A_279 = arith.addi %parallel_loop3A_278, %parallel_loop3A_272 : vector<16xi32>
      %parallel_loop3A_280 = tpu.vector_load_idx %arg8[%parallel_loop3A_279] : memref<32768xf32, #tpu.memory_space<vmem>>[vector<16xi32>], vector<16xf32>,
      %parallel_loop3A_281 = arith.addf %parallel_loop3A_254, %parallel_loop3A_280 : vector<16xf32>
      %parallel_loop3A_282 = arith.index_cast %parallel_loop3A_253 : i32 to index
      %parallel_loop3A_283 = arith.constant 16 : index
      %parallel_loop3A_284 = tpu.vector_load %arg10[%parallel_loop3A_282, %parallel_loop3A_283] {strides = array<i32>} : memref<64x256xi32, #tpu.memory_space<vmem>>, vector<16xi32>,
      %parallel_loop3A_285 = arith.addi %parallel_loop3A_284, %parallel_loop3A_272 : vector<16xi32>
      %parallel_loop3A_286 = tpu.vector_load_idx %arg8[%parallel_loop3A_285] : memref<32768xf32, #tpu.memory_space<vmem>>[vector<16xi32>], vector<16xf32>,
      %parallel_loop3A_287 = arith.addf %parallel_loop3A_255, %parallel_loop3A_286 : vector<16xf32>
      %parallel_loop3A_288 = arith.index_cast %parallel_loop3A_253 : i32 to index
      %parallel_loop3A_289 = arith.constant 32 : index
      %parallel_loop3A_290 = tpu.vector_load %arg10[%parallel_loop3A_288, %parallel_loop3A_289] {strides = array<i32>} : memref<64x256xi32, #tpu.memory_space<vmem>>, vector<16xi32>,
      %parallel_loop3A_291 = arith.addi %parallel_loop3A_290, %parallel_loop3A_272 : vector<16xi32>
      %parallel_loop3A_292 = tpu.vector_load_idx %arg8[%parallel_loop3A_291] : memref<32768xf32, #tpu.memory_space<vmem>>[vector<16xi32>], vector<16xf32>,
      %parallel_loop3A_293 = arith.addf %parallel_loop3A_256, %parallel_loop3A_292 : vector<16xf32>
      %parallel_loop3A_294 = arith.index_cast %parallel_loop3A_253 : i32 to index
      %parallel_loop3A_295 = arith.constant 48 : index
      %parallel_loop3A_296 = tpu.vector_load %arg10[%parallel_loop3A_294, %parallel_loop3A_295] {strides = array<i32>} : memref<64x256xi32, #tpu.memory_space<vmem>>, vector<16xi32>,
      %parallel_loop3A_297 = arith.addi %parallel_loop3A_296, %parallel_loop3A_272 : vector<16xi32>
      %parallel_loop3A_298 = tpu.vector_load_idx %arg8[%parallel_loop3A_297] : memref<32768xf32, #tpu.memory_space<vmem>>[vector<16xi32>], vector<16xf32>,
      %parallel_loop3A_299 = arith.addf %parallel_loop3A_257, %parallel_loop3A_298 : vector<16xf32>
      %parallel_loop3A_300 = arith.index_cast %parallel_loop3A_253 : i32 to index
      %parallel_loop3A_301 = arith.constant 64 : index
      %parallel_loop3A_302 = tpu.vector_load %arg10[%parallel_loop3A_300, %parallel_loop3A_301] {strides = array<i32>} : memref<64x256xi32, #tpu.memory_space<vmem>>, vector<16xi32>,
      %parallel_loop3A_303 = arith.addi %parallel_loop3A_302, %parallel_loop3A_272 : vector<16xi32>
      %parallel_loop3A_304 = tpu.vector_load_idx %arg8[%parallel_loop3A_303] : memref<32768xf32, #tpu.memory_space<vmem>>[vector<16xi32>], vector<16xf32>,
      %parallel_loop3A_305 = arith.addf %parallel_loop3A_258, %parallel_loop3A_304 : vector<16xf32>
      %parallel_loop3A_306 = arith.index_cast %parallel_loop3A_253 : i32 to index
      %parallel_loop3A_307 = arith.constant 80 : index
      %parallel_loop3A_308 = tpu.vector_load %arg10[%parallel_loop3A_306, %parallel_loop3A_307] {strides = array<i32>} : memref<64x256xi32, #tpu.memory_space<vmem>>, vector<16xi32>,
      %parallel_loop3A_309 = arith.addi %parallel_loop3A_308, %parallel_loop3A_272 : vector<16xi32>
      %parallel_loop3A_310 = tpu.vector_load_idx %arg8[%parallel_loop3A_309] : memref<32768xf32, #tpu.memory_space<vmem>>[vector<16xi32>], vector<16xf32>,
      %parallel_loop3A_311 = arith.addf %parallel_loop3A_259, %parallel_loop3A_310 : vector<16xf32>
      %parallel_loop3A_312 = arith.index_cast %parallel_loop3A_253 : i32 to index
      %parallel_loop3A_313 = arith.constant 96 : index
      %parallel_loop3A_314 = tpu.vector_load %arg10[%parallel_loop3A_312, %parallel_loop3A_313] {strides = array<i32>} : memref<64x256xi32, #tpu.memory_space<vmem>>, vector<16xi32>,
      %parallel_loop3A_315 = arith.addi %parallel_loop3A_314, %parallel_loop3A_272 : vector<16xi32>
      %parallel_loop3A_316 = tpu.vector_load_idx %arg8[%parallel_loop3A_315] : memref<32768xf32, #tpu.memory_space<vmem>>[vector<16xi32>], vector<16xf32>,
      %parallel_loop3A_317 = arith.addf %parallel_loop3A_260, %parallel_loop3A_316 : vector<16xf32>
      %parallel_loop3A_318 = arith.index_cast %parallel_loop3A_253 : i32 to index
      %parallel_loop3A_319 = arith.constant 112 : index
      %parallel_loop3A_320 = tpu.vector_load %arg10[%parallel_loop3A_318, %parallel_loop3A_319] {strides = array<i32>} : memref<64x256xi32, #tpu.memory_space<vmem>>, vector<16xi32>,
      %parallel_loop3A_321 = arith.addi %parallel_loop3A_320, %parallel_loop3A_272 : vector<16xi32>
      %parallel_loop3A_322 = tpu.vector_load_idx %arg8[%parallel_loop3A_321] : memref<32768xf32, #tpu.memory_space<vmem>>[vector<16xi32>], vector<16xf32>,
      %parallel_loop3A_323 = arith.addf %parallel_loop3A_261, %parallel_loop3A_322 : vector<16xf32>
      %parallel_loop3A_324 = arith.index_cast %parallel_loop3A_253 : i32 to index
      %parallel_loop3A_325 = arith.constant 128 : index
      %parallel_loop3A_326 = tpu.vector_load %arg10[%parallel_loop3A_324, %parallel_loop3A_325] {strides = array<i32>} : memref<64x256xi32, #tpu.memory_space<vmem>>, vector<16xi32>,
      %parallel_loop3A_327 = arith.addi %parallel_loop3A_326, %parallel_loop3A_275 : vector<16xi32>
      %parallel_loop3A_328 = tpu.vector_load_idx %arg8[%parallel_loop3A_327] : memref<32768xf32, #tpu.memory_space<vmem>>[vector<16xi32>], vector<16xf32>,
      %parallel_loop3A_329 = arith.addf %parallel_loop3A_262, %parallel_loop3A_328 : vector<16xf32>
      %parallel_loop3A_330 = arith.index_cast %parallel_loop3A_253 : i32 to index
      %parallel_loop3A_331 = arith.constant 144 : index
      %parallel_loop3A_332 = tpu.vector_load %arg10[%parallel_loop3A_330, %parallel_loop3A_331] {strides = array<i32>} : memref<64x256xi32, #tpu.memory_space<vmem>>, vector<16xi32>,
      %parallel_loop3A_333 = arith.addi %parallel_loop3A_332, %parallel_loop3A_275 : vector<16xi32>
      %parallel_loop3A_334 = tpu.vector_load_idx %arg8[%parallel_loop3A_333] : memref<32768xf32, #tpu.memory_space<vmem>>[vector<16xi32>], vector<16xf32>,
      %parallel_loop3A_335 = arith.addf %parallel_loop3A_263, %parallel_loop3A_334 : vector<16xf32>
      %parallel_loop3A_336 = arith.index_cast %parallel_loop3A_253 : i32 to index
      %parallel_loop3A_337 = arith.constant 160 : index
      %parallel_loop3A_338 = tpu.vector_load %arg10[%parallel_loop3A_336, %parallel_loop3A_337] {strides = array<i32>} : memref<64x256xi32, #tpu.memory_space<vmem>>, vector<16xi32>,
      %parallel_loop3A_339 = arith.addi %parallel_loop3A_338, %parallel_loop3A_275 : vector<16xi32>
      %parallel_loop3A_340 = tpu.vector_load_idx %arg8[%parallel_loop3A_339] : memref<32768xf32, #tpu.memory_space<vmem>>[vector<16xi32>], vector<16xf32>,
      %parallel_loop3A_341 = arith.addf %parallel_loop3A_264, %parallel_loop3A_340 : vector<16xf32>
      %parallel_loop3A_342 = arith.index_cast %parallel_loop3A_253 : i32 to index
      %parallel_loop3A_343 = arith.constant 176 : index
      %parallel_loop3A_344 = tpu.vector_load %arg10[%parallel_loop3A_342, %parallel_loop3A_343] {strides = array<i32>} : memref<64x256xi32, #tpu.memory_space<vmem>>, vector<16xi32>,
      %parallel_loop3A_345 = arith.addi %parallel_loop3A_344, %parallel_loop3A_275 : vector<16xi32>
      %parallel_loop3A_346 = tpu.vector_load_idx %arg8[%parallel_loop3A_345] : memref<32768xf32, #tpu.memory_space<vmem>>[vector<16xi32>], vector<16xf32>,
      %parallel_loop3A_347 = arith.addf %parallel_loop3A_265, %parallel_loop3A_346 : vector<16xf32>
      %parallel_loop3A_348 = arith.index_cast %parallel_loop3A_253 : i32 to index
      %parallel_loop3A_349 = arith.constant 192 : index
      %parallel_loop3A_350 = tpu.vector_load %arg10[%parallel_loop3A_348, %parallel_loop3A_349] {strides = array<i32>} : memref<64x256xi32, #tpu.memory_space<vmem>>, vector<16xi32>,
      %parallel_loop3A_351 = arith.addi %parallel_loop3A_350, %parallel_loop3A_275 : vector<16xi32>
      %parallel_loop3A_352 = tpu.vector_load_idx %arg8[%parallel_loop3A_351] : memref<32768xf32, #tpu.memory_space<vmem>>[vector<16xi32>], vector<16xf32>,
      %parallel_loop3A_353 = arith.addf %parallel_loop3A_266, %parallel_loop3A_352 : vector<16xf32>
      %parallel_loop3A_354 = arith.index_cast %parallel_loop3A_253 : i32 to index
      %parallel_loop3A_355 = arith.constant 208 : index
      %parallel_loop3A_356 = tpu.vector_load %arg10[%parallel_loop3A_354, %parallel_loop3A_355] {strides = array<i32>} : memref<64x256xi32, #tpu.memory_space<vmem>>, vector<16xi32>,
      %parallel_loop3A_357 = arith.addi %parallel_loop3A_356, %parallel_loop3A_275 : vector<16xi32>
      %parallel_loop3A_358 = tpu.vector_load_idx %arg8[%parallel_loop3A_357] : memref<32768xf32, #tpu.memory_space<vmem>>[vector<16xi32>], vector<16xf32>,
      %parallel_loop3A_359 = arith.addf %parallel_loop3A_267, %parallel_loop3A_358 : vector<16xf32>
      %parallel_loop3A_360 = arith.index_cast %parallel_loop3A_253 : i32 to index
      %parallel_loop3A_361 = arith.constant 224 : index
      %parallel_loop3A_362 = tpu.vector_load %arg10[%parallel_loop3A_360, %parallel_loop3A_361] {strides = array<i32>} : memref<64x256xi32, #tpu.memory_space<vmem>>, vector<16xi32>,
      %parallel_loop3A_363 = arith.addi %parallel_loop3A_362, %parallel_loop3A_275 : vector<16xi32>
      %parallel_loop3A_364 = tpu.vector_load_idx %arg8[%parallel_loop3A_363] : memref<32768xf32, #tpu.memory_space<vmem>>[vector<16xi32>], vector<16xf32>,
      %parallel_loop3A_365 = arith.addf %parallel_loop3A_268, %parallel_loop3A_364 : vector<16xf32>
      %parallel_loop3A_366 = arith.index_cast %parallel_loop3A_253 : i32 to index
      %parallel_loop3A_367 = arith.constant 240 : index
      %parallel_loop3A_368 = tpu.vector_load %arg10[%parallel_loop3A_366, %parallel_loop3A_367] {strides = array<i32>} : memref<64x256xi32, #tpu.memory_space<vmem>>, vector<16xi32>,
      %parallel_loop3A_369 = arith.addi %parallel_loop3A_368, %parallel_loop3A_275 : vector<16xi32>
      %parallel_loop3A_370 = tpu.vector_load_idx %arg8[%parallel_loop3A_369] : memref<32768xf32, #tpu.memory_space<vmem>>[vector<16xi32>], vector<16xf32>,
      %parallel_loop3A_371 = arith.addf %parallel_loop3A_269, %parallel_loop3A_370 : vector<16xf32>
      scf.yield %parallel_loop3A_281, %parallel_loop3A_287, %parallel_loop3A_293, %parallel_loop3A_299, %parallel_loop3A_305, %parallel_loop3A_311, %parallel_loop3A_317, %parallel_loop3A_323, %parallel_loop3A_329, %parallel_loop3A_335, %parallel_loop3A_341, %parallel_loop3A_347, %parallel_loop3A_353, %parallel_loop3A_359, %parallel_loop3A_365, %parallel_loop3A_371 : vector<16xf32>, vector<16xf32>, vector<16xf32>, vector<16xf32>, vector<16xf32>, vector<16xf32>, vector<16xf32>, vector<16xf32>, vector<16xf32>, vector<16xf32>, vector<16xf32>, vector<16xf32>, vector<16xf32>, vector<16xf32>, vector<16xf32>, vector<16xf32>
    } {sc.loop_unroll_factor = 2 : i64, sc.parallel_access}
    %add3A_207 = arith.addf %parallel_loop3A_206#0, %parallel_loop3A_206#8 : vector<16xf32>
    %get3A = arith.constant 0 : index
    %get3A_208 = tpu.vector_load %arg11[%get3A] {strides = array<i32>} : memref<128xf32, #tpu.memory_space<vmem>>, vector<16xf32>,
    %mul3A_209 = arith.mulf %add3A_207, %get3A_208 : vector<16xf32>
    %swap3A = arith.constant 0 : index
    %swap3A_210 = tpu.vector_load %arg12[%swap3A] {strides = array<i32>} : memref<128xf32, #tpu.memory_space<vmem>>, vector<16xf32>,
    tpu.vector_store %arg12[%swap3A], %mul3A_209 {strides = array<i32>} : memref<128xf32, #tpu.memory_space<vmem>>, vector<16xf32>,
    %add3A_211 = arith.addf %parallel_loop3A_206#1, %parallel_loop3A_206#9 : vector<16xf32>
    %get3A_212 = arith.constant 16 : index
    %get3A_213 = tpu.vector_load %arg11[%get3A_212] {strides = array<i32>} : memref<128xf32, #tpu.memory_space<vmem>>, vector<16xf32>,
    %mul3A_214 = arith.mulf %add3A_211, %get3A_213 : vector<16xf32>
    %swap3A_215 = arith.constant 16 : index
    %swap3A_216 = tpu.vector_load %arg12[%swap3A_215] {strides = array<i32>} : memref<128xf32, #tpu.memory_space<vmem>>, vector<16xf32>,
    tpu.vector_store %arg12[%swap3A_215], %mul3A_214 {strides = array<i32>} : memref<128xf32, #tpu.memory_space<vmem>>, vector<16xf32>,
    %add3A_217 = arith.addf %parallel_loop3A_206#2, %parallel_loop3A_206#10 : vector<16xf32>
    %get3A_218 = arith.constant 32 : index
    %get3A_219 = tpu.vector_load %arg11[%get3A_218] {strides = array<i32>} : memref<128xf32, #tpu.memory_space<vmem>>, vector<16xf32>,
    %mul3A_220 = arith.mulf %add3A_217, %get3A_219 : vector<16xf32>
    %swap3A_221 = arith.constant 32 : index
    %swap3A_222 = tpu.vector_load %arg12[%swap3A_221] {strides = array<i32>} : memref<128xf32, #tpu.memory_space<vmem>>, vector<16xf32>,
    tpu.vector_store %arg12[%swap3A_221], %mul3A_220 {strides = array<i32>} : memref<128xf32, #tpu.memory_space<vmem>>, vector<16xf32>,
    %add3A_223 = arith.addf %parallel_loop3A_206#3, %parallel_loop3A_206#11 : vector<16xf32>
    %get3A_224 = arith.constant 48 : index
    %get3A_225 = tpu.vector_load %arg11[%get3A_224] {strides = array<i32>} : memref<128xf32, #tpu.memory_space<vmem>>, vector<16xf32>,
    %mul3A_226 = arith.mulf %add3A_223, %get3A_225 : vector<16xf32>
    %swap3A_227 = arith.constant 48 : index
    %swap3A_228 = tpu.vector_load %arg12[%swap3A_227] {strides = array<i32>} : memref<128xf32, #tpu.memory_space<vmem>>, vector<16xf32>,
    tpu.vector_store %arg12[%swap3A_227], %mul3A_226 {strides = array<i32>} : memref<128xf32, #tpu.memory_space<vmem>>, vector<16xf32>,
    %add3A_229 = arith.addf %parallel_loop3A_206#4, %parallel_loop3A_206#12 : vector<16xf32>
    %get3A_230 = arith.constant 64 : index
    %get3A_231 = tpu.vector_load %arg11[%get3A_230] {strides = array<i32>} : memref<128xf32, #tpu.memory_space<vmem>>, vector<16xf32>,
    %mul3A_232 = arith.mulf %add3A_229, %get3A_231 : vector<16xf32>
    %swap3A_233 = arith.constant 64 : index
    %swap3A_234 = tpu.vector_load %arg12[%swap3A_233] {strides = array<i32>} : memref<128xf32, #tpu.memory_space<vmem>>, vector<16xf32>,
    tpu.vector_store %arg12[%swap3A_233], %mul3A_232 {strides = array<i32>} : memref<128xf32, #tpu.memory_space<vmem>>, vector<16xf32>,
    %add3A_235 = arith.addf %parallel_loop3A_206#5, %parallel_loop3A_206#13 : vector<16xf32>
    %get3A_236 = arith.constant 80 : index
    %get3A_237 = tpu.vector_load %arg11[%get3A_236] {strides = array<i32>} : memref<128xf32, #tpu.memory_space<vmem>>, vector<16xf32>,
    %mul3A_238 = arith.mulf %add3A_235, %get3A_237 : vector<16xf32>
    %swap3A_239 = arith.constant 80 : index
    %swap3A_240 = tpu.vector_load %arg12[%swap3A_239] {strides = array<i32>} : memref<128xf32, #tpu.memory_space<vmem>>, vector<16xf32>,
    tpu.vector_store %arg12[%swap3A_239], %mul3A_238 {strides = array<i32>} : memref<128xf32, #tpu.memory_space<vmem>>, vector<16xf32>,
    %add3A_241 = arith.addf %parallel_loop3A_206#6, %parallel_loop3A_206#14 : vector<16xf32>
    %get3A_242 = arith.constant 96 : index
    %get3A_243 = tpu.vector_load %arg11[%get3A_242] {strides = array<i32>} : memref<128xf32, #tpu.memory_space<vmem>>, vector<16xf32>,
    %mul3A_244 = arith.mulf %add3A_241, %get3A_243 : vector<16xf32>
    %swap3A_245 = arith.constant 96 : index
    %swap3A_246 = tpu.vector_load %arg12[%swap3A_245] {strides = array<i32>} : memref<128xf32, #tpu.memory_space<vmem>>, vector<16xf32>,
    tpu.vector_store %arg12[%swap3A_245], %mul3A_244 {strides = array<i32>} : memref<128xf32, #tpu.memory_space<vmem>>, vector<16xf32>,
    %add3A_247 = arith.addf %parallel_loop3A_206#7, %parallel_loop3A_206#15 : vector<16xf32>
    %get3A_248 = arith.constant 112 : index
    %get3A_249 = tpu.vector_load %arg11[%get3A_248] {strides = array<i32>} : memref<128xf32, #tpu.memory_space<vmem>>, vector<16xf32>,
    %mul3A_250 = arith.mulf %add3A_247, %get3A_249 : vector<16xf32>
    %swap3A_251 = arith.constant 112 : index
    %swap3A_252 = tpu.vector_load %arg12[%swap3A_251] {strides = array<i32>} : memref<128xf32, #tpu.memory_space<vmem>>, vector<16xf32>,
    tpu.vector_store %arg12[%swap3A_251], %mul3A_250 {strides = array<i32>} : memref<128xf32, #tpu.memory_space<vmem>>, vector<16xf32>,
    "tpu.region"() ({
      %run_scoped3A = tpu.sem_alloc : memref<!tpu.dma_semaphore, #tpu.memory_space<semaphore_mem>>
      %dma_start3A_253 = tpu.memref_slice %arg5[%mul3A_2] : memref<4096xf32, #tpu.memory_space<hbm>> -> memref<128xf32, #tpu.memory_space<hbm>>
      %dma_start3A_254 = tpu.memref_slice %arg5[%mul3A_2] : memref<4096xf32, #tpu.memory_space<hbm>> -> memref<128xf32, #tpu.memory_space<hbm>>
      tpu.enqueue_dma source(%arg12 : memref<128xf32, #tpu.memory_space<vmem>>) target(%dma_start3A_254 : memref<128xf32, #tpu.memory_space<hbm>>) target_semaphore(%run_scoped3A : memref<!tpu.dma_semaphore, #tpu.memory_space<semaphore_mem>>)
      %dma_wait3A_255 = tpu.memref_slice %arg5[%mul3A_2] : memref<4096xf32, #tpu.memory_space<hbm>> -> memref<128xf32, #tpu.memory_space<hbm>>
      %dma_wait3A_256 = tpu.memref_slice %arg5[%mul3A_2] : memref<4096xf32, #tpu.memory_space<hbm>> -> memref<128xf32, #tpu.memory_space<hbm>>
      tpu.wait_dma2 semaphore(%run_scoped3A : memref<!tpu.dma_semaphore, #tpu.memory_space<semaphore_mem>>) src(%arg12 : memref<128xf32, #tpu.memory_space<vmem>>) dst(%dma_wait3A_256 : memref<128xf32, #tpu.memory_space<hbm>>)
      tpu.yield
    }) : () -> ()
    return
  }
}

module attributes {stable_mosaic.version = 14 : i64} {
  func.func @_lut_body(%arg0: memref<512x8xf32, #tpu.memory_space<vmem>>, %arg1: memref<2x256x1x8xf32, #tpu.memory_space<vmem>>, %arg2: memref<2048x128xf32, #tpu.memory_space<vmem>>) attributes {dimension_semantics = [], scalar_prefetch = 0 : i64, scratch_operands = 0 : i64, tpu.core_type = #tpu.core_type<tc>} {
    %get3A = arith.constant 0 : index
    %get3A_0 = arith.constant 0 : index
    %get3A_1 = vector.load %arg0[%get3A, %get3A_0] : memref<512x8xf32, #tpu.memory_space<vmem>>, vector<512x8xf32>
    %get3A_2 = arith.constant 0 : index
    %get3A_3 = arith.constant 0 : index
    %get3A_4 = arith.constant 0 : index
    %get3A_5 = arith.constant 0 : index
    %get3A_6 = vector.load %arg1[%get3A_2, %get3A_3, %get3A_4, %get3A_5] : memref<2x256x1x8xf32, #tpu.memory_space<vmem>>, vector<2x256x1x8xf32>
    %reshape3A = vector.shape_cast %get3A_6 : vector<2x256x1x8xf32> to vector<512x8xf32>
    %dot_general3A = arith.constant dense<0.000000e+00> : vector<512x512xf32>
    %dot_general3A_7 = tpu.matmul %get3A_1, %reshape3A, %dot_general3A {dimension_numbers = #tpu.dot_dimension_numbers<[1], [1], [0], [0], [0, 0, 1, 0], [], []>, transpose_lhs_hint = false} : vector<512x8xf32>, vector<512x8xf32>, vector<512x512xf32> -> vector<512x512xf32>
    %reshape3A_8 = vector.shape_cast %dot_general3A_7 : vector<512x512xf32> to vector<2048x128xf32>
    %swap3A = arith.constant 0 : index
    %swap3A_9 = arith.constant 0 : index
    %swap3A_10 = vector.load %arg2[%swap3A, %swap3A_9] : memref<2048x128xf32, #tpu.memory_space<vmem>>, vector<2048x128xf32>
    tpu.vector_store %arg2[%swap3A, %swap3A_9], %reshape3A_8 {strides = array<i32>} : memref<2048x128xf32, #tpu.memory_space<vmem>>, vector<2048x128xf32>,
    return
  }
}

</mosaic_0001>

<sc_bundles>
// kernel: kernel.4.cloned.1.call-start
scs
__scs_entry_jumppad:
0x0: {  	(pc) =	sbr.rel $0x88, $3  }
0x1: {  	(tag) =	ssettag $0x0;
	lr =	simm.s32 $0x1  }
0x2: {  	[smem:$0x3F9D] =	sst lr;
	_ =	strace $0xD0000000  }
0x3: {  	_ = 	snop  }
0x4: {  	_ = 	snop  }
0x5: {  	_ = 	snop  }
0x6: {  	_ = 	snop  }
0x7: {  	_ = 	snop  }
__scs_overlays_trampoline_lowered:
0x8: {  	[smem:$0x3FAC] =	sst s0  }
0x9: {  	[smem:$0x3FAD] =	sst s1  }
0xa: {  	[smem:$0x3FAE] =	sst s2  }
0xb: {  	[smem:$0x3FAF] =	sst s3  }
0xc: {  	[smem:$0x3FB0] =	sst s4  }
0xd: {  	[smem:$0x3FB1] =	sst s5  }
0xe: {  	[smem:$0x3FB2] =	sst s6  }
0xf: {  	[smem:$0x3FB3] =	sst s7  }
0x10: {  	[smem:$0x3FB4] =	sst s8  }
0x11: {  	[smem:$0x3FB5] =	sst s9;
	s0 =	simm.s32 @!p0 $0x0  }
0x12: {  	s1 =	sld [smem:$0x3F9B];
	s0 =	simm.s32 @p0 $0x1  }
0x13: {  	[smem:$0x3FB6] =	sst s0;
	s0 =	simm.s32 @!p1 $0x0  }
0x14: {  	s2 =	sld [smem:$0x3F9A];
	s0 =	simm.s32 @p1 $0x1  }
0x15: {  	[smem:$0x3FB7] =	sst s0;
	s0 =	simm.s32 @!p2 $0x0  }
0x16: {  	s3 =	sld [smem:$0x3FDB];
	s0 =	simm.s32 @p2 $0x1  }
0x17: {  	s4 =	simm.s32 $0x1BF5;
	[smem:$0x3FB9] =	sst s0  }
0x18: {  	s0 =	sld [smem:$0x3F9C];
	_ =	swait.ge [sflag:s4], $0x0  }
0x19: {  	s7 =	sld [smem:$0x3F9D]  }
0x1a: {  	s8 =	sadd.s32 $0xFFFFE003, lr  }
0x1b: {  	s9 =	sadd.s32 $0xFFFFFEF7, lr;
	s5 =	simm.s32 $0xFFFFFFFF;
	p2 =	slt.u32 s8, $0xFFFFF086  }
0x1c: {  	p1 =	slt.u32 s9, $0xF7A;
	s5 =	simm.s32 @!p2 $0x0  }
0x1d: {  	s5 =	simm.s32 @p1 $0x1;
	p0 =	seq.s32 s7, s2  }
0x1e: {  	s7 =	smul.u32 @!p0 $0xF7A, s2;
	p2 =	seq.s32 @!p0 s5, $0x0  }
0x1f: {  	s9 =	smul.u32 $0xF7A, s1;
	s8 =	simm.s32 @!p0 $0x1BF5;
	p2 =	por !p2, p0  }
0x20: {  	[sflag:s8] =	ssyncset.s32 @!p0 $0xFFFFF086;
	s6 =	sadd.s32 @!p0 s3, s7;
	s7 =	simm.s32 @!p0 $0x108  }
0x21: {  	s3 =	sadd.s32 s3, s9;
	s6 =	sadd.s32 @!p0 $0x88, s6;
	s7 =	simm.s32 @p2 $0x1082  }
0x22: {  	[simem:s7], [sflag:s8] =	dma.local @!p0 [hbm:s6], $0xF7A  }
0x23: {  	s9 =	sor.u32 $0xD0000000, s2;
	s6 =	simm.s32 $0x108;
	_ =	swait.ge @!p0 [sflag:s8], $0x0  }
0x24: {  	s3 =	sadd.s32 $0x88, s3;
	s6 =	simm.s32 @!p1 $0x1082;
	[sflag:s4] =	ssyncset.s32 $0xFFFFF086  }
0x25: {  	[simem:s6], [sflag:s4] =	dma.local [hbm:s3], $0xF7A  }
0x26: {  	[smem:$0x3F9D] =	sst s1;
	(tag) =	ssettag s2;
	_ =	strace s9  }
0x27: {  	s1 =	sld [smem:$0x3FAD]  }
0x28: {  	s2 =	sld [smem:$0x3FAE]  }
0x29: {  	s4 =	sld [smem:$0x3FB0]  }
0x2a: {  	p0 =	seq.s32 s5, $0x0;
	s5 =	sld [smem:$0x3FB1]  }
0x2b: {  	s6 =	sld [smem:$0x3FB2]  }
0x2c: {  	s7 =	sld [smem:$0x3FB3]  }
0x2d: {  	s3 =	simm.s32 $0x108;
	s8 =	sld [smem:$0x3FB4]  }
0x2e: {  	s3 =	simm.s32 @!p0 $0x1082;
	s9 =	sld [smem:$0x3FB5]  }
0x2f: {  	lr =	sadd.s32 s0, s3;
	s0 =	sld [smem:$0x3FAC]  }
0x30: {  	s3 =	sld [smem:$0x3FAF]  }
0x31: {  	[smem:$0x3FB8] =	sst s10  }
0x32: {  	s10 =	sld [smem:$0x3FB6];
	_ =	sdelay $0x3  }
0x33: {  	p0 =	seq.s32 s10, $0x1;
	s10 =	sld [smem:$0x3FB8];
	_ =	sdelay $0x3  }
0x34: {  	[smem:$0x3FB8] =	sst s10  }
0x35: {  	s10 =	sld [smem:$0x3FB7];
	_ =	sdelay $0x3  }
0x36: {  	p1 =	seq.s32 s10, $0x1;
	s10 =	sld [smem:$0x3FB8];
	_ =	sdelay $0x3  }
0x37: {  	[smem:$0x3FB8] =	sst s10  }
0x38: {  	s10 =	sld [smem:$0x3FB9]  }
0x39: {  	_ = 	snop;
	(pc) =	sbr.ind lr, $3  }
0x3a: {  	_ = 	snop  }
0x3b: {  	_ = 	snop  }
0x3c: {  	p2 =	seq.s32 s10, $0x1;
	s10 =	sld [smem:$0x3FB8]  }
0x3d: {  	_ =	shalt  }
0x3e: {  	_ =	shalt  }
0x3f: {  	_ =	shalt  }
0x40: {  	_ =	shalt  }
0x41: {  	_ =	shalt  }
0x42: {  	_ =	shalt  }
0x43: {  	_ =	shalt  }
0x44: {  	_ =	shalt  }
0x45: {  	_ =	shalt  }
0x46: {  	_ =	shalt  }
0x47: {  	_ =	shalt  }
0x48: {  	_ =	shalt  }
0x49: {  	_ =	shalt  }
0x4a: {  	_ =	shalt  }
0x4b: {  	_ =	shalt  }
0x4c: {  	_ =	shalt  }
0x4d: {  	_ =	shalt  }
0x4e: {  	_ =	shalt  }
0x4f: {  	_ =	shalt  }
0x50: {  	_ =	shalt  }
0x51: {  	_ =	shalt  }
0x52: {  	_ =	shalt  }
0x53: {  	_ =	shalt  }
0x54: {  	_ =	shalt  }
0x55: {  	_ =	shalt  }
0x56: {  	_ =	shalt  }
0x57: {  	_ =	shalt  }
0x58: {  	_ =	shalt  }
0x59: {  	_ =	shalt  }
0x5a: {  	_ =	shalt  }
0x5b: {  	_ =	shalt  }
0x5c: {  	_ =	shalt  }
0x5d: {  	_ =	shalt  }
0x5e: {  	_ =	shalt  }
0x5f: {  	_ =	shalt  }
0x60: {  	_ =	shalt  }
0x61: {  	_ =	shalt  }
0x62: {  	_ =	shalt  }
0x63: {  	_ =	shalt  }
0x64: {  	_ =	shalt  }
0x65: {  	_ =	shalt  }
0x66: {  	_ =	shalt  }
0x67: {  	_ =	shalt  }
0x68: {  	_ =	shalt  }
0x69: {  	_ =	shalt  }
0x6a: {  	_ =	shalt  }
0x6b: {  	_ =	shalt  }
0x6c: {  	_ =	shalt  }
0x6d: {  	_ =	shalt  }
0x6e: {  	_ =	shalt  }
0x6f: {  	_ =	shalt  }
0x70: {  	_ =	shalt  }
0x71: {  	_ =	shalt  }
0x72: {  	_ =	shalt  }
0x73: {  	_ =	shalt  }
0x74: {  	_ =	shalt  }
0x75: {  	_ =	shalt  }
0x76: {  	_ =	shalt  }
0x77: {  	_ =	shalt  }
0x78: {  	_ =	shalt  }
0x79: {  	_ =	shalt  }
0x7a: {  	_ =	shalt  }
0x7b: {  	_ =	shalt  }
0x7c: {  	_ =	shalt  }
0x7d: {  	_ =	shalt  }
0x7e: {  	_ =	shalt  }
0x7f: {  	_ =	shalt  }
0x80: {  	_ =	shalt  }
0x81: {  	_ =	shalt  }
0x82: {  	_ =	shalt  }
0x83: {  	_ =	shalt  }
0x84: {  	_ =	shalt  }
0x85: {  	_ =	shalt  }
0x86: {  	_ =	shalt  }
0x87: {  	_ =	shalt  }
.Lfunc_end0:
.L_simem_size_0:
called_computation_lowered:
.L_overlay_start_0:
0x88: {  	s2 =	sld [smem:$0x3FD9]  }
0x89: {  	s3 =	sld [smem:$0x3FFE];
	_ =	sdelay $0x1  }
0x8a: {  	s1 =	srdreg.scid  }
0x8b: {  	s0 =	sand.u32 $0x1, s1  }
0x8c: {  	s17 =	sshll.u32 s0, $0xA;
	s2 =	sadd.s32 s3, s2  }
0x8d: {  	s2 =	sadd.s32 s2, s17  }
0x8e: {  	[smem:$0x3FC4] =	sst s2  }
0x8f: {  	_ = 	snop  }
0x90: {  	s2 =	sld [smem:$0x3FC7]  }
0x91: {  	s18 =	sld [smem:$0x3FC6]  }
0x92: {  	s4 =	sld [smem:$0x3FD0];
	(tm) =	ssettm $0x1  }
0x93: {  	s5 =	sld [smem:$0x3FFB];
	_ =	sdelay $0x3  }
0x94: {  	_ =	strace s5  }
0x95: {  	s5 =	sld [smem:$0x3FFC];
	_ =	sdelay $0x3  }
0x96: {  	_ =	strace s5  }
0x97: {  	s5 =	sld [smem:$0x3FFD];
	_ =	sdelay $0x3  }
0x98: {  	_ =	strace s5  }
0x99: {  	_ =	strace $0x8FFFFFFF  }
0x9a: {  	s19 =	sld [smem:$0x3FDB];
	_ =	sdelay $0x1  }
0x9b: {  	s6 =	simm.s32 $_scs_section_size  }
0x9c: {  	s7 =	simm.s32 $_size__tile_overlayer_lowered;
	s8 =	simm.s32 $_tile_overlayer_lowered  }
0x9d: {  	s22 =	simm.s32 $0x1BFF;
	s21 =	sshll.u32 s8, $0x1;
	s5 =	sadd.s32 s6, s19  }
0x9e: {  	s9 =	simm.s32 $0x0;
	s20 =	sshll.u32 s7, $0x1;
	s7 =	sadd.s32 s21, s5  }
0x9f: {  	[timem:s9], [sflag:s22] =	dma.local [hbm:s7], s20  }
0xa0: {  	_ =	swait.ge [sflag:s22], s20  }
0xa1: {  	s6 =	ssub.s32 $0x0, s20;
	[sflag:s22] =	ssyncset.done $0x0  }
0xa2: {  	[sflag:s22] =	ssyncadd.s32 s6;
	_ =	sdelay $0x1  }
0xa3: {  	s23 =	simm.s32 $0x1B8B  }
0xa4: {  	_ =	swait.ge [sflag:s23], $0x1  }
0xa5: {  	[sflag:s23] =	ssyncset.done $0x0  }
0xa6: {  	s25 =	simm.s32 $0x1B8E;
	s24 =	sld [smem:$0x3FFE];
	[sflag:s23] =	ssyncadd.s32 $0xFFFFFFFF  }
0xa7: {  	s26 =	simm.s32 $execute0_lowered;
	[smem:$0x3FD2] =	sst s25  }
0xa8: {  	s7 =	sshll.u32 s26, $0x1;
	_ =	strace $0x80000046;
	[dreg:$0x1] =	wrdreg $0xFFFFFFFF  }
0xa9: {  	s28 =	simm.s32 $_size_execute0_lowered;
	s5 =	sadd.s32 s5, s7;
	[dreg:$0x0] =	wrdreg $0x0  }
0xaa: {  	s7 =	sshll.u32 s28, $0x1;
	[dreg:$0x2] =	wrdreg s5  }
0xab: {  	[dreg:$0x3] =	wrdreg s7  }
0xac: {  	[dreg:$0x4] =	wrdreg $0xC0  }
0xad: {  	_ =	task [dreg:s9], $0x5FFFF  }
0xae: {  	[dreg:$0x1] =	wrdreg $0xFFFFFFFF  }
0xaf: {  	[dreg:$0x0] =	wrdreg $0x60  }
0xb0: {  	[dreg:$0x2] =	wrdreg s24  }
0xb1: {  	[dreg:$0x3] =	wrdreg s2  }
0xb2: {  	[dreg:$0x4] =	wrdreg s18  }
0xb3: {  	[dreg:$0x5] =	wrdreg s4  }
0xb4: {  	[dreg:$0x6] =	wrdreg $0x0  }
0xb5: {  	[dreg:$0x7] =	wrdreg $0x9  }
0xb6: {  	_ =	task.clear_ibuf [dreg:s9], $0x8FFFF;
	_ =	strace $0x90000046  }
0xb7: {  	s29 =	simm.s32 $0x9;
	_ =	strace $0x80000048  }
0xb8: {  	_ =	swait.ge [sflag:s29], $0x1  }
0xb9: {  	[sflag:s29] =	ssyncadd.s32 $0xFFFFFFFF  }
0xba: {  	_ =	strace $0x90000048  }
0xbb: {  	_ =	sfence  }
0xbc: {  	s30 =	sld [smem:$0x0];
	_ =	sdelay $0x2  }
0xbd: {  	s31 =	sshll.u32 s1, $0xD;
	s1 =	sshrl.u32 s1, $0x2  }
0xbe: {  	s3 =	sand.u32 $0x4000, s31;
	s1 =	sadd.s32 s1, s30  }
0xbf: {  	s0 =	sor.u32 s3, s0;
	s1 =	sshll.u32 s1, $0x11  }
0xc0: {  	s0 =	sor.u32 s1, s0  }
0xc1: {  	s0 =	sadd.s32 $0x8F2B, s0  }
0xc2: {  	[sflag:s0] =	ssyncadd.remote.s32 $0x1  }
0xc3: {  	_ =	sfence.sel $0xFFFF  }
0xc4: {  	[dreg:$0x0] =	wrdreg $0xFFFFFFFF;
	(pc) =	sbr.abs _section_cstart, $3  }
0xc5: {  	[dreg:$0x1] =	wrdreg $0xFFFFFFFF  }
0xc6: {  	_ =	task.clear_ibuf [dreg:s9], $0x2FFFF;
	_ =	strace $0x9FFFFFFF  }
0xc7: {  	(tm) =	ssettm $0x7FFFFFFF  }
tec
execute0_lowered:
.L_overlay_start_1:
0x0: {  	(tag) =	ssettag $0x1  }
0x1: {  	s0 =	rddreg [dreg:$0x0]  }
0x2: {  	s2 =	rddreg [dreg:$0x1]  }
0x3: {  	s7 =	rddreg [dreg:$0x2]  }
0x4: {  	s14 =	rddreg [dreg:$0x3]  }
0x5: {  	s1 =	rddreg [dreg:$0x4];
	s3 =	simm.s32 $0x0;
	s4 =	srdreg.scid  }
0x6: {  	s8 =	stileid.u32;
	s19 =	simm.s32 $0x4000;
	s20 =	simm.s32 $0xC000  }
0x7: {  	s22 =	simm.s32 $0x6;
	s23 =	simm.s32 $0x1;
	s24 =	simm.s32 $0x3  }
0x8: {  	s29 =	simm.s32 $0x0;
	[smem:$0x7FF] =	sst s3;
	s15 =	sand.u32 $0x1, s4  }
0x9: {  	s25 =	sshll.u32 s8, $0xB;
	s6 =	sshll.u32 s8, $0xE;
	s28 =	sshll.u32 s8, $0x6  }
0xa: {  	s8 =	sshll.u32 s8, $0x5;
	s10 =	sadd.s32 $0x20000, s1;
	s11 =	sadd.s32 $0x28000, s1  }
0xb: {  	s12 =	sadd.s32 $0x30000, s1;
	s13 =	sadd.s32 $0x38000, s1;
	_ =	strace $0x80000047  }
0xc: {  	s5 =	ssub.s32 $0x2, s15;
	s0 =	sadd.s32 s25, s0;
	s17 =	sadd.s32 s6, s1  }
0xd: {  	s9 =	sshll.u32 s15, $0x4;
	s30 =	sor.u32 $0x1C05, s28;
	s6 =	sadd.s32 $0x8000, s1  }
0xe: {  	s31 =	sshll.u32 s15, $0x5;
	s25 =	simm.s32 $0x2;
	s26 =	sshrl.u32 s5, $0x1  }
0xf: {  	s0 =	sadd.s32 $0x200, s0;
	[dreg:$0x7] =	wrdreg s30;
	s18 =	sor.u32 s9, s8  }
0x10: {  	s8 =	sadd.s32 $0x10000, s1;
	s9 =	sadd.s32 $0x18000, s1;
	s17 =	sshrl.u32 s17, $0x3  }
0x11: {  	s16 =	ssub.s32 s5, s26;
	[dreg:$0x6] =	wrdreg s0;
	s7 =	sadd.s32 s7, s18  }
0x12: {  	s0 =	sadd.s32 s28, s2;
	s14 =	sadd.s32 s14, s18;
	s18 =	simm.s32 $0x5  }
0x13: {  	s26 =	simm.s32 $0x4;
	s15 =	smax.u32 s16, $0x1;
	s16 =	sadd.s32 s31, s0  }
.LBB2_1:
0x14: {  	s0 =	rddreg [dreg:$0x6]  }
0x15: {  	s1 =	rddreg [dreg:$0x7]  }
0x16: {  	[spmem:s17], [sflag:s1] =	dma.local [hbm:s0], $0x800  }
0x17: {  	_ =	swait.ge [sflag:s18], $0x800  }
0x18: {  	[sflag:s18] =	ssyncset.done $0x0  }
0x19: {  	[sflag:s18] =	ssyncadd.s32 $0xFFFFF800  }
0x1a: {  	[bflag:$0x0] =	sbarrier.arrive $0xFFFF  }
0x1b: {  	s2 =	rddreg [dreg:$0x4]  }
0x1c: {  	[tilespmem:s19], [sflag:$0x1] =	stream.linear.gather [spmem:s2], $0x8000, $0x38;
	[tilespmem:$0x1C100] =	vst v63  }
0x1d: {  	s28 =	sadd.s32 $0x0, s16;
	s4 =	simm.s32 $0x14000  }
0x1e: {  	[tilespmem:s4], [sflag:$0x3] =	stream.linear.gather [hbm4b:s28+s3], $0x100, $0x38;
	[tilespmem:$0x1C100] =	vst v63  }
0x1f: {  	s5 =	simm.s32 $0x14100;
	s2 =	sadd.s32 $0x400, s28  }
0x20: {  	[tilespmem:s5], [sflag:$0x3] =	stream.linear.gather [hbm4b:s2+s3], $0x100, $0x38;
	[tilespmem:$0x1C100] =	vst v63  }
0x21: {  	s21 =	simm.s32 $0x14200;
	s1 =	sadd.s32 $0x800, s28  }
0x22: {  	[tilespmem:s21], [sflag:$0x3] =	stream.linear.gather [hbm4b:s1+s3], $0x100, $0x38;
	[tilespmem:$0x1C100] =	vst v63  }
0x23: {  	s4 =	simm.s32 $0x14300;
	s5 =	sadd.s32 $0xC00, s28  }
0x24: {  	[tilespmem:s4], [sflag:$0x3] =	stream.linear.gather [hbm4b:s5+s3], $0x100, $0x38;
	[tilespmem:$0x1C100] =	vst v63  }
0x25: {  	s30 =	sadd.s32 $0x2000, s16;
	s21 =	simm.s32 $0x14400;
	s1 =	sadd.s32 $0x1000, s28  }
0x26: {  	[tilespmem:s21], [sflag:$0x3] =	stream.linear.gather [hbm4b:s1+s3], $0x100, $0x38;
	[tilespmem:$0x1C100] =	vst v63  }
0x27: {  	s31 =	simm.s32 $0x4000;
	s2 =	simm.s32 $0x14500;
	s4 =	sadd.s32 $0x1400, s28  }
0x28: {  	[tilespmem:s2], [sflag:$0x3] =	stream.linear.gather [hbm4b:s4+s3], $0x100, $0x38;
	[tilespmem:$0x1C100] =	vst v63  }
0x29: {  	s0 =	simm.s32 $0x800;
	s5 =	simm.s32 $0x14600;
	s21 =	sadd.s32 $0x1800, s28  }
0x2a: {  	[tilespmem:s5], [sflag:$0x3] =	stream.linear.gather [hbm4b:s21+s3], $0x100, $0x38;
	[tilespmem:$0x1C100] =	vst v63  }
0x2b: {  	s28 =	sadd.s32 $0x1C00, s28;
	s2 =	simm.s32 $0x8;
	s21 =	simm.s32 $0x14700  }
.LBB2_2:
0x2c: {  	[tilespmem:s21], [sflag:$0x3] =	stream.linear.gather [hbm4b:s28+s3], $0x100, $0x38;
	[tilespmem:$0x1C100] =	vst v63  }
0x2d: {  	s21 =	sadd.s32 $0x14000, s0;
	s28 =	sadd.s32 $0x14100, s0;
	s1 =	sadd.s32 $0x14300, s0  }
0x2e: {  	[tilespmem:s21], [sflag:$0x3] =	stream.linear.gather [hbm4b:s30+s3], $0x100, $0x38;
	[tilespmem:$0x1C100] =	vst v63  }
0x2f: {  	s4 =	sshra.s32 s31, $0x2;
	s5 =	sadd.s32 $0x400, s30;
	s21 =	sadd.s32 $0x14700, s0  }
0x30: {  	[tilespmem:s28], [sflag:$0x3] =	stream.linear.gather [hbm4b:s5+s3], $0x100, $0x38;
	[tilespmem:$0x1C100] =	vst v63  }
0x31: {  	s2 =	sadd.s32 $0x8, s2;
	s5 =	sadd.s32 $0x14200, s0;
	s28 =	sadd.s32 $0x800, s30  }
0x32: {  	[tilespmem:s5], [sflag:$0x3] =	stream.linear.gather [hbm4b:s28+s3], $0x100, $0x38;
	[tilespmem:$0x1C100] =	vst v63  }
0x33: {  	p0 =	slt.u32 s2, $0x38;
	s5 =	sadd.s32 $0xC00, s30  }
0x34: {  	[tilespmem:s1], [sflag:$0x3] =	stream.linear.gather [hbm4b:s5+s3], $0x100, $0x38;
	[tilespmem:$0x1C100] =	vst v63  }
0x35: {  	s1 =	sadd.s32 $0x14400, s0;
	s5 =	sadd.s32 $0x1000, s30  }
0x36: {  	[tilespmem:s1], [sflag:$0x3] =	stream.linear.gather [hbm4b:s5+s3], $0x100, $0x38;
	[tilespmem:$0x1C100] =	vst v63  }
.Ltmp0:
0x37: {  	s1 =	sadd.s32 $0x14500, s0;
	s5 =	sadd.s32 $0x1400, s30;
	(pc) =	sbr.rel @p0 .LBB2_2-.Ltmp0, $4  }
0x38: {  	[tilespmem:s1], [sflag:$0x3] =	stream.linear.gather [hbm4b:s5+s3], $0x100, $0x38;
	[tilespmem:$0x1C100] =	vst v63  }
0x39: {  	s1 =	sadd.s32 $0x14600, s0;
	s5 =	sadd.s32 $0x1800, s30;
	s0 =	smov.u32 s4  }
0x3a: {  	[tilespmem:s1], [sflag:$0x3] =	stream.linear.gather [hbm4b:s5+s3], $0x100, $0x38;
	[tilespmem:$0x1C100] =	vst v63  }
0x3b: {  	s28 =	sadd.s32 $0x1C00, s30;
	s30 =	sadd.s32 s31, s16;
	s31 =	sadd.s32 $0x2000, s31  }
0x3c: {  	[tilespmem:s21], [sflag:$0x3] =	stream.linear.gather [hbm4b:s28+s3], $0x100, $0x38;
	[tilespmem:$0x1C100] =	vst v63  }
0x3d: {  	s1 =	sadd.s32 $0x14000, s0  }
0x3e: {  	[tilespmem:s1], [sflag:$0x3] =	stream.linear.gather [hbm4b:s30+s3], $0x100, $0x38;
	[tilespmem:$0x1C100] =	vst v63  }
0x3f: {  	s4 =	sadd.s32 $0x14100, s0;
	s2 =	sadd.s32 $0x400, s30  }
0x40: {  	[tilespmem:s4], [sflag:$0x3] =	stream.linear.gather [hbm4b:s2+s3], $0x100, $0x38;
	[tilespmem:$0x1C100] =	vst v63  }
0x41: {  	s5 =	sadd.s32 $0x14200, s0;
	s21 =	sadd.s32 $0x800, s30  }
0x42: {  	[tilespmem:s5], [sflag:$0x3] =	stream.linear.gather [hbm4b:s21+s3], $0x100, $0x38;
	[tilespmem:$0x1C100] =	vst v63  }
0x43: {  	s2 =	sadd.s32 $0x14300, s0;
	s4 =	sadd.s32 $0xC00, s30  }
0x44: {  	[tilespmem:s2], [sflag:$0x3] =	stream.linear.gather [hbm4b:s4+s3], $0x100, $0x38;
	[tilespmem:$0x1C100] =	vst v63  }
0x45: {  	s5 =	sadd.s32 $0x14400, s0;
	s21 =	sadd.s32 $0x1000, s30  }
0x46: {  	[tilespmem:s5], [sflag:$0x3] =	stream.linear.gather [hbm4b:s21+s3], $0x100, $0x38;
	[tilespmem:$0x1C100] =	vst v63  }
0x47: {  	s2 =	sadd.s32 $0x14500, s0;
	s4 =	sadd.s32 $0x1400, s30  }
0x48: {  	[tilespmem:s2], [sflag:$0x3] =	stream.linear.gather [hbm4b:s4+s3], $0x100, $0x38;
	[tilespmem:$0x1C100] =	vst v63  }
0x49: {  	s5 =	sadd.s32 $0x14600, s0;
	s21 =	sadd.s32 $0x1800, s30  }
0x4a: {  	[tilespmem:s5], [sflag:$0x3] =	stream.linear.gather [hbm4b:s21+s3], $0x100, $0x38;
	[tilespmem:$0x1C100] =	vst v63  }
0x4b: {  	s2 =	sadd.s32 $0x14700, s0;
	s4 =	sadd.s32 $0x1C00, s30  }
0x4c: {  	[tilespmem:s2], [sflag:$0x3] =	stream.linear.gather [hbm4b:s4+s3], $0x100, $0x38;
	[tilespmem:$0x1C100] =	vst v63  }
0x4d: {  	s1 =	sadd.s32 $0x0, s16  }
0x4e: {  	[tilespmem:s20], [sflag:$0x2] =	stream.linear.gather [spmem:s6], $0x8000, $0x38;
	[tilespmem:$0x1C100] =	vst v63  }
0x4f: {  	s5 =	simm.s32 $0x18000;
	s21 =	sadd.s32 $0x10000, s1  }
0x50: {  	[tilespmem:s5], [sflag:$0x4] =	stream.linear.gather [hbm4b:s21+s3], $0x100, $0x38;
	[tilespmem:$0x1C100] =	vst v63  }
0x51: {  	s2 =	simm.s32 $0x18100;
	s4 =	sadd.s32 $0x10400, s1  }
0x52: {  	[tilespmem:s2], [sflag:$0x4] =	stream.linear.gather [hbm4b:s4+s3], $0x100, $0x38;
	[tilespmem:$0x1C100] =	vst v63  }
0x53: {  	s5 =	simm.s32 $0x18200;
	s21 =	sadd.s32 $0x10800, s1  }
0x54: {  	[tilespmem:s5], [sflag:$0x4] =	stream.linear.gather [hbm4b:s21+s3], $0x100, $0x38;
	[tilespmem:$0x1C100] =	vst v63  }
0x55: {  	s2 =	simm.s32 $0x18300;
	s4 =	sadd.s32 $0x10C00, s1  }
0x56: {  	[tilespmem:s2], [sflag:$0x4] =	stream.linear.gather [hbm4b:s4+s3], $0x100, $0x38;
	[tilespmem:$0x1C100] =	vst v63  }
0x57: {  	s31 =	simm.s32 $0x8;
	s5 =	simm.s32 $0x18400;
	s21 =	sadd.s32 $0x11000, s1  }
0x58: {  	[tilespmem:s5], [sflag:$0x4] =	stream.linear.gather [hbm4b:s21+s3], $0x100, $0x38;
	[tilespmem:$0x1C100] =	vst v63  }
0x59: {  	s28 =	sadd.s32 $0x11C00, s1;
	s2 =	simm.s32 $0x18500;
	s4 =	sadd.s32 $0x11400, s1  }
0x5a: {  	[tilespmem:s2], [sflag:$0x4] =	stream.linear.gather [hbm4b:s4+s3], $0x100, $0x38;
	[tilespmem:$0x1C100] =	vst v63  }
0x5b: {  	s0 =	sadd.s32 $0x2000, s16;
	s5 =	simm.s32 $0x18600;
	s21 =	sadd.s32 $0x11800, s1  }
0x5c: {  	[tilespmem:s5], [sflag:$0x4] =	stream.linear.gather [hbm4b:s21+s3], $0x100, $0x38;
	[tilespmem:$0x1C100] =	vst v63  }
0x5d: {  	s30 =	simm.s32 $0x800;
	s2 =	simm.s32 $0x4000;
	s21 =	simm.s32 $0x18700  }
.LBB2_4:
0x5e: {  	[tilespmem:s21], [sflag:$0x4] =	stream.linear.gather [hbm4b:s28+s3], $0x100, $0x38;
	[tilespmem:$0x1C100] =	vst v63  }
0x5f: {  	s1 =	smov.u32 s0;
	s4 =	smov.u32 s30  }
0x60: {  	s0 =	sadd.s32 s2, s16;
	s5 =	sadd.s32 $0x18000, s4;
	s21 =	sadd.s32 $0x10000, s1  }
0x61: {  	[tilespmem:s5], [sflag:$0x4] =	stream.linear.gather [hbm4b:s21+s3], $0x100, $0x38;
	[tilespmem:$0x1C100] =	vst v63  }
0x62: {  	s30 =	sshra.s32 s2, $0x2;
	s5 =	sadd.s32 $0x18100, s4;
	s21 =	sadd.s32 $0x10400, s1  }
0x63: {  	[tilespmem:s5], [sflag:$0x4] =	stream.linear.gather [hbm4b:s21+s3], $0x100, $0x38;
	[tilespmem:$0x1C100] =	vst v63  }
0x64: {  	s31 =	sadd.s32 $0x8, s31;
	s5 =	sadd.s32 $0x18200, s4;
	s21 =	sadd.s32 $0x10800, s1  }
0x65: {  	[tilespmem:s5], [sflag:$0x4] =	stream.linear.gather [hbm4b:s21+s3], $0x100, $0x38;
	[tilespmem:$0x1C100] =	vst v63  }
0x66: {  	p0 =	slt.u32 s31, $0x38;
	s5 =	sadd.s32 $0x18300, s4;
	s21 =	sadd.s32 $0x10C00, s1  }
0x67: {  	[tilespmem:s5], [sflag:$0x4] =	stream.linear.gather [hbm4b:s21+s3], $0x100, $0x38;
	[tilespmem:$0x1C100] =	vst v63  }
0x68: {  	s5 =	sadd.s32 $0x18400, s4;
	s21 =	sadd.s32 $0x11000, s1  }
0x69: {  	[tilespmem:s5], [sflag:$0x4] =	stream.linear.gather [hbm4b:s21+s3], $0x100, $0x38;
	[tilespmem:$0x1C100] =	vst v63  }
.Ltmp1:
0x6a: {  	s5 =	sadd.s32 $0x18500, s4;
	s21 =	sadd.s32 $0x11400, s1;
	(pc) =	sbr.rel @p0 .LBB2_4-.Ltmp1, $4  }
0x6b: {  	[tilespmem:s5], [sflag:$0x4] =	stream.linear.gather [hbm4b:s21+s3], $0x100, $0x38;
	[tilespmem:$0x1C100] =	vst v63  }
0x6c: {  	s5 =	sadd.s32 $0x18600, s4;
	s21 =	sadd.s32 $0x11800, s1  }
0x6d: {  	[tilespmem:s5], [sflag:$0x4] =	stream.linear.gather [hbm4b:s21+s3], $0x100, $0x38;
	[tilespmem:$0x1C100] =	vst v63  }
0x6e: {  	s2 =	sadd.s32 $0x2000, s2;
	s28 =	sadd.s32 $0x11C00, s1;
	s21 =	sadd.s32 $0x18700, s4  }
0x6f: {  	[tilespmem:s21], [sflag:$0x4] =	stream.linear.gather [hbm4b:s28+s3], $0x100, $0x38;
	[tilespmem:$0x1C100] =	vst v63  }
0x70: {  	s1 =	sadd.s32 $0x18000, s30;
	s2 =	sadd.s32 $0x10000, s0  }
0x71: {  	[tilespmem:s1], [sflag:$0x4] =	stream.linear.gather [hbm4b:s2+s3], $0x100, $0x38;
	[tilespmem:$0x1C100] =	vst v63  }
0x72: {  	s4 =	sadd.s32 $0x18100, s30;
	s5 =	sadd.s32 $0x10400, s0  }
0x73: {  	[tilespmem:s4], [sflag:$0x4] =	stream.linear.gather [hbm4b:s5+s3], $0x100, $0x38;
	[tilespmem:$0x1C100] =	vst v63  }
0x74: {  	s21 =	sadd.s32 $0x18200, s30;
	s28 =	sadd.s32 $0x10800, s0  }
0x75: {  	[tilespmem:s21], [sflag:$0x4] =	stream.linear.gather [hbm4b:s28+s3], $0x100, $0x38;
	[tilespmem:$0x1C100] =	vst v63  }
0x76: {  	s4 =	sadd.s32 $0x18300, s30;
	s5 =	sadd.s32 $0x10C00, s0  }
0x77: {  	[tilespmem:s4], [sflag:$0x4] =	stream.linear.gather [hbm4b:s5+s3], $0x100, $0x38;
	[tilespmem:$0x1C100] =	vst v63  }
0x78: {  	s21 =	sadd.s32 $0x18400, s30;
	s28 =	sadd.s32 $0x11000, s0  }
0x79: {  	[tilespmem:s21], [sflag:$0x4] =	stream.linear.gather [hbm4b:s28+s3], $0x100, $0x38;
	[tilespmem:$0x1C100] =	vst v63  }
0x7a: {  	s4 =	sadd.s32 $0x18500, s30;
	s5 =	sadd.s32 $0x11400, s0  }
0x7b: {  	[tilespmem:s4], [sflag:$0x4] =	stream.linear.gather [hbm4b:s5+s3], $0x100, $0x38;
	[tilespmem:$0x1C100] =	vst v63  }
0x7c: {  	s21 =	sadd.s32 $0x18600, s30;
	s28 =	sadd.s32 $0x11800, s0  }
0x7d: {  	[tilespmem:s21], [sflag:$0x4] =	stream.linear.gather [hbm4b:s28+s3], $0x100, $0x38;
	[tilespmem:$0x1C100] =	vst v63  }
0x7e: {  	s2 =	sadd.s32 $0x18700, s30;
	s4 =	sadd.s32 $0x11C00, s0  }
0x7f: {  	[tilespmem:s2], [sflag:$0x4] =	stream.linear.gather [hbm4b:s4+s3], $0x100, $0x38;
	[tilespmem:$0x1C100] =	vst v63  }
0x80: {  	s30 =	simm.s32 $0x0;
	s5 =	simm.s32 $0x1C000  }
0x81: {  	[tilespmem:s5], [sflag:$0x6] =	stream.linear.gather [hbm4b:s7+s30], $0x80, $0x38;
	[tilespmem:$0x1C100] =	vst v63  }
0x82: {  	_ =	swait.ge [sflag:s22], $0x80  }
0x83: {  	[sflag:s22] =	ssyncset.done $0x0  }
0x84: {  	[sflag:s22] =	ssyncadd.s32 $0xFFFFFF80  }
0x85: {  	_ =	swait.ge [sflag:s23], $0x8000  }
0x86: {  	[sflag:s23] =	ssyncset.done $0x0  }
0x87: {  	[sflag:s23] =	ssyncadd.s32 $0xFFFF8000  }
0x88: {  	_ =	swait.ge [sflag:s24], $0x4000  }
0x89: {  	[sflag:s24] =	ssyncset.done $0x0  }
0x8a: {  	s21 =	simm.s32 $0x14100;
	[sflag:s24] =	ssyncadd.s32 $0xFFFFC000  }
0x8b: {  	v0 =	vld [tilespmem:s21+$0x0]  }
0x8c: {  	v1 =	vld [tilespmem:s21+$0x10]  }
0x8d: {  	v2 =	vld [tilespmem:s21+$0x20]  }
0x8e: {  	v3 =	vld [tilespmem:s21+$0x30]  }
0x8f: {  	v4 =	vld [tilespmem:s21+$0x40]  }
0x90: {  	v5 =	vld [tilespmem:s21+$0x50]  }
0x91: {  	v6 =	vld [tilespmem:s21+$0x60]  }
0x92: {  	v7 =	vld [tilespmem:s21+$0x70]  }
0x93: {  	v8 =	vld [tilespmem:s21+$0x80]  }
0x94: {  	v9 =	vld [tilespmem:s21+$0x90]  }
0x95: {  	v10 =	vld [tilespmem:s21+$0xA0]  }
0x96: {  	v11 =	vld [tilespmem:s21+$0xB0]  }
0x97: {  	v12 =	vld [tilespmem:s21+$0xC0]  }
0x98: {  	v13 =	vld [tilespmem:s21+$0xD0]  }
0x99: {  	v14 =	vld [tilespmem:s21+$0xE0]  }
0x9a: {  	v15 =	vld [tilespmem:s21+$0xF0]  }
0x9b: {  	v16 =	vld [tilespmem:s21+$0xFFFFFF00]  }
0x9c: {  	v18 =	vld [tilespmem:s21+$0xFFFFFF10]  }
0x9d: {  	v21 =	vld [tilespmem:s21+$0xFFFFFF20]  }
0x9e: {  	v22 =	vld [tilespmem:s21+$0xFFFFFF30]  }
0x9f: {  	v23 =	vld [tilespmem:s21+$0xFFFFFF40]  }
0xa0: {  	v24 =	vld [tilespmem:s21+$0xFFFFFF50]  }
0xa1: {  	v25 =	vld [tilespmem:s21+$0xFFFFFF60]  }
0xa2: {  	v26 =	vld [tilespmem:s21+$0xFFFFFF70]  }
0xa3: {  	v27 =	vld [tilespmem:s21+$0xFFFFFF80]  }
0xa4: {  	v28 =	vld [tilespmem:s21+$0xFFFFFF90]  }
0xa5: {  	s28 =	simm.s32 $0x200;
	v29 =	vld [tilespmem:s21+$0xFFFFFFA0]  }
0xa6: {  	v30 =	vld [tilespmem:s21+$0xFFFFFFB0];
	v0 =	vadd.s32 s28, v0  }
0xa7: {  	v31 =	vld [tilespmem:s21+$0xFFFFFFC0];
	v1 =	vadd.s32 s28, v1  }
0xa8: {  	v32 =	vld [tilespmem:s21+$0xFFFFFFD0];
	v2 =	vadd.s32 s28, v2  }
0xa9: {  	v33 =	vld [tilespmem:s21+$0xFFFFFFE0];
	v3 =	vadd.s32 s28, v3  }
0xaa: {  	v34 =	vld [tilespmem:s21+$0xFFFFFFF0];
	v4 =	vadd.s32 s28, v4  }
0xab: {  	v5 =	vadd.s32 s28, v5;
	v0 =	vld.idx.msk [tilespmem:v0+s19+$0x0], $0xffff  }
0xac: {  	v17 =	vmov s28;
	v6 =	vadd.s32 s28, v6;
	v1 =	vld.idx.msk [tilespmem:v1+s19+$0x0], $0xffff  }
0xad: {  	v35 =	vor.u32 $0x100, v17;
	v7 =	vadd.s32 s28, v7;
	v2 =	vld.idx.msk [tilespmem:v2+s19+$0x0], $0xffff  }
0xae: {  	v8 =	vadd.s32 v35, v8;
	v3 =	vld.idx.msk [tilespmem:v3+s19+$0x0], $0xffff  }
0xaf: {  	v36 =	vld.idx.msk [tilespmem:v4+s19+$0x0], $0xffff;
	v4 =	vadd.s32 v35, v9  }
0xb0: {  	v5 =	vld.idx.msk [tilespmem:v5+s19+$0x0], $0xffff;
	v9 =	vadd.s32 v35, v10  }
0xb1: {  	v37 =	vld.idx.msk [tilespmem:v6+s19+$0x0], $0xffff;
	v6 =	vadd.s32 v35, v11  }
0xb2: {  	v38 =	vld.idx.msk [tilespmem:v7+s19+$0x0], $0xffff;
	v7 =	vadd.s32 v35, v12  }
0xb3: {  	v17 =	vld.idx.msk [tilespmem:v8+s19+$0x0], $0xffff;
	v8 =	vadd.s32 v35, v13  }
0xb4: {  	v10 =	vadd.s32 s30, v16;
	v20 =	vld.idx.msk [tilespmem:v4+s19+$0x0], $0xffff  }
0xb5: {  	v16 =	vadd.s32 s30, v25;
	v19 =	vld.idx.msk [tilespmem:v9+s19+$0x0], $0xffff  }
0xb6: {  	v4 =	vadd.s32 s30, v18;
	v9 =	vadd.s32 s30, v21;
	v21 =	vld.idx.msk [tilespmem:v6+s19+$0x0], $0xffff  }
0xb7: {  	v12 =	vld.idx.msk [tilespmem:v7+s19+$0x0], $0xffff  }
0xb8: {  	v6 =	vadd.s32 s30, v22;
	v18 =	vld.idx.msk [tilespmem:v8+s19+$0x0], $0xffff  }
0xb9: {  	v11 =	vmov s30;
	v7 =	vadd.s32 s30, v23;
	v8 =	vld.idx.msk [tilespmem:v10+s19+$0x0], $0xffff  }
0xba: {  	v22 =	vor.u32 $0x100, v11;
	v11 =	vadd.s32 s30, v26;
	v16 =	vld.idx.msk [tilespmem:v16+s19+$0x0], $0xffff  }
0xbb: {  	v10 =	vadd.s32 s30, v24;
	v13 =	vld.idx.msk [tilespmem:v4+s19+$0x0], $0xffff  }
0xbc: {  	v26 =	vadd.s32 v22, v29;
	v9 =	vld.idx.msk [tilespmem:v9+s19+$0x0], $0xffff  }
0xbd: {  	v63 =	vadd.s32 v22, v33;
	v6 =	vld.idx.msk [tilespmem:v6+s19+$0x0], $0xffff  }
0xbe: {  	v23 =	vadd.s32 v22, v27;
	v24 =	vld.idx.msk [tilespmem:v7+s19+$0x0], $0xffff;
	v4 =	vimm.f32 $0.0e+00  }
0xbf: {  	v7 =	vadd.s32 v22, v28;
	v28 =	vld.idx.msk [tilespmem:v11+s19+$0x0], $0xffff;
	v8 =	vadd.f32 v8, v4  }
0xc0: {  	v27 =	vadd.s32 v22, v30;
	v29 =	vadd.s32 v22, v31;
	v25 =	vld.idx.msk [tilespmem:v10+s19+$0x0], $0xffff  }
0xc1: {  	v30 =	vadd.s32 v22, v32;
	v16 =	vadd.f32 v16, v4;
	v10 =	vadd.f32 v0, v8;
	v8 =	vld.idx.msk [tilespmem:v26+s19+$0x0], $0xffff  }
0xc2: {  	v26 =	vadd.s32 v22, v34;
	v22 =	vld.idx.msk [tilespmem:v63+s19+$0x0], $0xffff;
	v11 =	vadd.f32 v13, v4;
	v9 =	vadd.f32 v9, v4  }
0xc3: {  	v15 =	vadd.s32 v35, v15;
	v13 =	vld.idx.msk [tilespmem:v23+s19+$0x0], $0xffff;
	v23 =	vadd.f32 v6, v4;
	v0 =	vadd.f32 v24, v4  }
0xc4: {  	v31 =	vld.idx.msk [tilespmem:v7+s19+$0x0], $0xffff;
	v24 =	vadd.f32 v28, v4;
	v11 =	vadd.f32 v1, v11  }
0xc5: {  	v14 =	vadd.s32 v35, v14;
	v6 =	vadd.f32 v2, v9;
	v7 =	vadd.f32 v3, v23;
	v9 =	vld.idx.msk [tilespmem:v27+s19+$0x0], $0xffff  }
0xc6: {  	v1 =	vadd.f32 v25, v4;
	v23 =	vld.idx.msk [tilespmem:v29+s19+$0x0], $0xffff;
	v2 =	vadd.f32 v36, v0  }
0xc7: {  	v25 =	vld.idx.msk [tilespmem:v30+s19+$0x0], $0xffff;
	v0 =	vadd.f32 v37, v16;
	v28 =	vadd.f32 v8, v4  }
0xc8: {  	v27 =	vld.idx.msk [tilespmem:v15+s19+$0x0], $0xffff;
	v3 =	vadd.f32 v5, v1;
	v1 =	vadd.f32 v38, v24  }
0xc9: {  	v26 =	vld.idx.msk [tilespmem:v26+s19+$0x0], $0xffff;
	v8 =	vimm.f32 $0.0e+00;
	v13 =	vadd.f32 v13, v4;
	v30 =	vadd.f32 v31, v4  }
0xca: {  	s31 =	simm.s32 $0x0;
	s0 =	simm.s32 $0x14300;
	v24 =	vld.idx.msk [tilespmem:v14+s19+$0x0], $0xffff;
	v5 =	vimm.f32 $0.0e+00;
	v29 =	vadd.f32 v9, v4;
	v9 =	vimm.f32 $0.0e+00  }
.LBB2_6:
0xcb: {  	v31 =	vld [tilespmem:s0+$0x0];
	v13 =	vadd.f32 v17, v13;
	v14 =	vadd.f32 v20, v30  }
0xcc: {  	v17 =	vld [tilespmem:s0+$0x10];
	v15 =	vadd.f32 v19, v28;
	v16 =	vadd.f32 v21, v29  }
0xcd: {  	v4 =	vadd.f32 v23, v4;
	v9 =	vadd.f32 v25, v9;
	v19 =	vld [tilespmem:s0+$0x20]  }
0xce: {  	v5 =	vadd.f32 v22, v5;
	v8 =	vadd.f32 v26, v8;
	v20 =	vld [tilespmem:s0+$0x30]  }
0xcf: {  	v4 =	vadd.f32 v12, v4;
	v9 =	vadd.f32 v18, v9;
	v21 =	vld [tilespmem:s0+$0x40]  }
0xd0: {  	v5 =	vadd.f32 v24, v5;
	v8 =	vadd.f32 v27, v8;
	v12 =	vld [tilespmem:s0+$0x50]  }
0xd1: {  	v18 =	vld [tilespmem:s0+$0x60]  }
0xd2: {  	v24 =	vld [tilespmem:s0+$0x70]  }
0xd3: {  	v25 =	vld [tilespmem:s0+$0x80]  }
0xd4: {  	v26 =	vld [tilespmem:s0+$0x90]  }
0xd5: {  	v27 =	vld [tilespmem:s0+$0xA0]  }
0xd6: {  	v28 =	vld [tilespmem:s0+$0xB0]  }
0xd7: {  	v29 =	vld [tilespmem:s0+$0xC0]  }
0xd8: {  	v30 =	vld [tilespmem:s0+$0xD0]  }
0xd9: {  	v23 =	vld [tilespmem:s0+$0xE0]  }
0xda: {  	v22 =	vld [tilespmem:s0+$0xF0]  }
0xdb: {  	v32 =	vld [tilespmem:s0+$0xFFFFFF00]  }
0xdc: {  	v33 =	vld [tilespmem:s0+$0xFFFFFF10]  }
0xdd: {  	v34 =	vld [tilespmem:s0+$0xFFFFFF20]  }
0xde: {  	v35 =	vld [tilespmem:s0+$0xFFFFFF30]  }
0xdf: {  	v36 =	vld [tilespmem:s0+$0xFFFFFF40]  }
0xe0: {  	v37 =	vld [tilespmem:s0+$0xFFFFFF50]  }
0xe1: {  	v38 =	vld [tilespmem:s0+$0xFFFFFF60]  }
0xe2: {  	v39 =	vld [tilespmem:s0+$0xFFFFFF70]  }
0xe3: {  	v40 =	vld [tilespmem:s0+$0xFFFFFF80]  }
0xe4: {  	s30 =	sadd.s32 $0x400, s30;
	v41 =	vld [tilespmem:s0+$0xFFFFFF90]  }
0xe5: {  	s1 =	sadd.s32 $0x200, s30;
	v42 =	vld [tilespmem:s0+$0xFFFFFFA0]  }
0xe6: {  	v31 =	vadd.s32 s1, v31;
	v43 =	vld [tilespmem:s0+$0xFFFFFFB0]  }
0xe7: {  	v17 =	vadd.s32 s1, v17;
	v44 =	vld [tilespmem:s0+$0xFFFFFFC0]  }
0xe8: {  	v19 =	vadd.s32 s1, v19;
	v45 =	vld [tilespmem:s0+$0xFFFFFFD0]  }
0xe9: {  	v20 =	vadd.s32 s1, v20;
	v46 =	vld [tilespmem:s0+$0xFFFFFFE0]  }
0xea: {  	v21 =	vadd.s32 s1, v21;
	v47 =	vld [tilespmem:s0+$0xFFFFFFF0]  }
0xeb: {  	v12 =	vadd.s32 s1, v12;
	v31 =	vld.idx.msk [tilespmem:v31+s19+$0x0], $0xffff  }
0xec: {  	v48 =	vmov s1;
	v49 =	vld.idx.msk [tilespmem:v17+s19+$0x0], $0xffff;
	v17 =	vadd.s32 s1, v18  }
0xed: {  	v48 =	vor.u32 $0x100, v48;
	v18 =	vadd.s32 s1, v24;
	v50 =	vld.idx.msk [tilespmem:v19+s19+$0x0], $0xffff  }
0xee: {  	v19 =	vadd.s32 v48, v25;
	v24 =	vld.idx.msk [tilespmem:v20+s19+$0x0], $0xffff  }
0xef: {  	v20 =	vadd.s32 v48, v26;
	v51 =	vld.idx.msk [tilespmem:v21+s19+$0x0], $0xffff  }
0xf0: {  	v26 =	vld.idx.msk [tilespmem:v12+s19+$0x0], $0xffff;
	v12 =	vadd.s32 v48, v27  }
0xf1: {  	v21 =	vadd.s32 v48, v28;
	v27 =	vld.idx.msk [tilespmem:v17+s19+$0x0], $0xffff  }
0xf2: {  	v28 =	vld.idx.msk [tilespmem:v18+s19+$0x0], $0xffff;
	v18 =	vadd.s32 v48, v29  }
0xf3: {  	v25 =	vadd.s32 v48, v30;
	v17 =	vld.idx.msk [tilespmem:v19+s19+$0x0], $0xffff  }
0xf4: {  	v29 =	vadd.s32 s30, v32;
	v20 =	vld.idx.msk [tilespmem:v20+s19+$0x0], $0xffff  }
0xf5: {  	v30 =	vadd.s32 s30, v33;
	v19 =	vld.idx.msk [tilespmem:v12+s19+$0x0], $0xffff  }
0xf6: {  	v32 =	vadd.s32 s30, v34;
	v21 =	vld.idx.msk [tilespmem:v21+s19+$0x0], $0xffff  }
0xf7: {  	v33 =	vadd.s32 s30, v35;
	v12 =	vld.idx.msk [tilespmem:v18+s19+$0x0], $0xffff  }
0xf8: {  	v34 =	vadd.s32 s30, v36;
	v18 =	vld.idx.msk [tilespmem:v25+s19+$0x0], $0xffff  }
0xf9: {  	v25 =	vld.idx.msk [tilespmem:v29+s19+$0x0], $0xffff;
	v29 =	vadd.s32 s30, v37  }
0xfa: {  	v35 =	vmov s30;
	v36 =	vadd.s32 s30, v38;
	v30 =	vld.idx.msk [tilespmem:v30+s19+$0x0], $0xffff  }
0xfb: {  	v35 =	vor.u32 $0x100, v35;
	v37 =	vadd.s32 s30, v39;
	v32 =	vld.idx.msk [tilespmem:v32+s19+$0x0], $0xffff  }
0xfc: {  	v38 =	vadd.s32 v35, v40;
	v33 =	vld.idx.msk [tilespmem:v33+s19+$0x0], $0xffff  }
0xfd: {  	v39 =	vadd.s32 v35, v41;
	v34 =	vld.idx.msk [tilespmem:v34+s19+$0x0], $0xffff  }
0xfe: {  	s31 =	sadd.s32 $0x2, s31;
	v40 =	vadd.s32 v35, v42;
	v29 =	vld.idx.msk [tilespmem:v29+s19+$0x0], $0xffff  }
0xff: {  	p0 =	slt.u32 s31, $0x3E;
	v41 =	vadd.s32 v35, v43;
	v36 =	vld.idx.msk [tilespmem:v36+s19+$0x0], $0xffff  }
0x100: {  	v42 =	vadd.s32 v35, v44;
	v37 =	vld.idx.msk [tilespmem:v37+s19+$0x0], $0xffff  }
0x101: {  	v10 =	vadd.f32 v25, v10;
	v25 =	vadd.s32 v35, v45;
	v11 =	vadd.f32 v30, v11;
	v30 =	vld.idx.msk [tilespmem:v38+s19+$0x0], $0xffff  }
0x102: {  	v6 =	vadd.f32 v32, v6;
	v7 =	vadd.f32 v33, v7;
	v33 =	vadd.s32 v35, v46;
	v32 =	vld.idx.msk [tilespmem:v39+s19+$0x0], $0xffff  }
0x103: {  	v10 =	vadd.f32 v31, v10;
	v35 =	vadd.s32 v35, v47;
	v11 =	vadd.f32 v49, v11;
	v38 =	vld.idx.msk [tilespmem:v40+s19+$0x0], $0xffff  }
0x104: {  	v6 =	vadd.f32 v50, v6;
	v7 =	vadd.f32 v24, v7;
	v24 =	vadd.s32 v48, v23;
	v31 =	vld.idx.msk [tilespmem:v41+s19+$0x0], $0xffff  }
0x105: {  	v2 =	vadd.f32 v34, v2;
	v34 =	vadd.s32 v48, v22;
	v3 =	vadd.f32 v29, v3;
	v23 =	vld.idx.msk [tilespmem:v42+s19+$0x0], $0xffff  }
.Ltmp2:
0x106: {  	v0 =	vadd.f32 v36, v0;
	v1 =	vadd.f32 v37, v1;
	v25 =	vld.idx.msk [tilespmem:v25+s19+$0x0], $0xffff;
	(pc) =	sbr.rel @p0 .LBB2_6-.Ltmp2, $4  }
0x107: {  	v2 =	vadd.f32 v51, v2;
	v3 =	vadd.f32 v26, v3;
	v22 =	vld.idx.msk [tilespmem:v33+s19+$0x0], $0xffff  }
0x108: {  	v0 =	vadd.f32 v27, v0;
	v1 =	vadd.f32 v28, v1;
	v26 =	vld.idx.msk [tilespmem:v35+s19+$0x0], $0xffff  }
0x109: {  	v13 =	vadd.f32 v30, v13;
	v30 =	vadd.f32 v32, v14;
	v24 =	vld.idx.msk [tilespmem:v24+s19+$0x0], $0xffff  }
0x10a: {  	s0 =	sadd.s32 $0x200, s0;
	v28 =	vadd.f32 v38, v15;
	v29 =	vadd.f32 v31, v16;
	v27 =	vld.idx.msk [tilespmem:v34+s19+$0x0], $0xffff  }
0x10b: {  	[tilespmem:s19], [sflag:$0x1] =	stream.linear.gather [spmem:s8], $0x8000, $0x38;
	[tilespmem:$0x1C100] =	vst v63  }
0x10c: {  	s1 =	sadd.s32 $0x0, s16  }
0x10d: {  	s0 =	simm.s32 $0x14000;
	s2 =	sadd.s32 $0x20000, s1  }
0x10e: {  	[tilespmem:s0], [sflag:$0x3] =	stream.linear.gather [hbm4b:s2+s3], $0x100, $0x38;
	[tilespmem:$0x1C100] =	vst v63  }
0x10f: {  	s4 =	sadd.s32 $0x20400, s1;
	s2 =	simm.s32 $0x14100  }
0x110: {  	[tilespmem:s2], [sflag:$0x3] =	stream.linear.gather [hbm4b:s4+s3], $0x100, $0x38;
	[tilespmem:$0x1C100] =	vst v63  }
0x111: {  	s5 =	simm.s32 $0x14200;
	s21 =	sadd.s32 $0x20800, s1  }
0x112: {  	[tilespmem:s5], [sflag:$0x3] =	stream.linear.gather [hbm4b:s21+s3], $0x100, $0x38;
	[tilespmem:$0x1C100] =	vst v63  }
0x113: {  	s2 =	simm.s32 $0x14300;
	s4 =	sadd.s32 $0x20C00, s1  }
0x114: {  	[tilespmem:s2], [sflag:$0x3] =	stream.linear.gather [hbm4b:s4+s3], $0x100, $0x38;
	[tilespmem:$0x1C100] =	vst v63  }
0x115: {  	s30 =	simm.s32 $0x800;
	s5 =	simm.s32 $0x14400;
	s21 =	sadd.s32 $0x21000, s1  }
0x116: {  	v14 =	vadd.f32 v17, v13;
	v15 =	vadd.f32 v20, v30;
	[tilespmem:s5], [sflag:$0x3] =	stream.linear.gather [hbm4b:s21+s3], $0x100, $0x38;
	[tilespmem:$0x1C100] =	vst v63  }
0x117: {  	v4 =	vadd.f32 v23, v4;
	v9 =	vadd.f32 v25, v9;
	s31 =	simm.s32 $0x8;
	s2 =	simm.s32 $0x14500;
	s4 =	sadd.s32 $0x21400, s1  }
0x118: {  	v16 =	vadd.f32 v19, v28;
	v17 =	vadd.f32 v21, v29;
	[tilespmem:s2], [sflag:$0x3] =	stream.linear.gather [hbm4b:s4+s3], $0x100, $0x38;
	[tilespmem:$0x1C100] =	vst v63  }
0x119: {  	v13 =	vadd.f32 v22, v5;
	s28 =	sadd.s32 $0x21C00, s1;
	v19 =	vadd.f32 v26, v8;
	s5 =	simm.s32 $0x14600;
	s21 =	sadd.s32 $0x21800, s1  }
0x11a: {  	v4 =	vadd.f32 v12, v4;
	v5 =	vadd.f32 v18, v9;
	[tilespmem:s5], [sflag:$0x3] =	stream.linear.gather [hbm4b:s21+s3], $0x100, $0x38;
	[tilespmem:$0x1C100] =	vst v63  }
0x11b: {  	s0 =	sadd.s32 $0x2000, s16;
	v8 =	vadd.f32 v24, v13;
	v9 =	vadd.f32 v27, v19;
	s2 =	simm.s32 $0x4000;
	s21 =	simm.s32 $0x14700  }
.LBB2_8:
0x11c: {  	[tilespmem:s21], [sflag:$0x3] =	stream.linear.gather [hbm4b:s28+s3], $0x100, $0x38;
	[tilespmem:$0x1C100] =	vst v63  }
0x11d: {  	s1 =	smov.u32 s0;
	s4 =	smov.u32 s30  }
0x11e: {  	s0 =	sadd.s32 s2, s16;
	s5 =	sadd.s32 $0x14000, s4;
	s21 =	sadd.s32 $0x20000, s1  }
0x11f: {  	[tilespmem:s5], [sflag:$0x3] =	stream.linear.gather [hbm4b:s21+s3], $0x100, $0x38;
	[tilespmem:$0x1C100] =	vst v63  }
0x120: {  	s30 =	sshra.s32 s2, $0x2;
	s5 =	sadd.s32 $0x14100, s4;
	s21 =	sadd.s32 $0x20400, s1  }
0x121: {  	[tilespmem:s5], [sflag:$0x3] =	stream.linear.gather [hbm4b:s21+s3], $0x100, $0x38;
	[tilespmem:$0x1C100] =	vst v63  }
0x122: {  	s31 =	sadd.s32 $0x8, s31;
	s5 =	sadd.s32 $0x14200, s4;
	s21 =	sadd.s32 $0x20800, s1  }
0x123: {  	[tilespmem:s5], [sflag:$0x3] =	stream.linear.gather [hbm4b:s21+s3], $0x100, $0x38;
	[tilespmem:$0x1C100] =	vst v63  }
0x124: {  	p0 =	slt.u32 s31, $0x38;
	s5 =	sadd.s32 $0x14300, s4;
	s21 =	sadd.s32 $0x20C00, s1  }
0x125: {  	[tilespmem:s5], [sflag:$0x3] =	stream.linear.gather [hbm4b:s21+s3], $0x100, $0x38;
	[tilespmem:$0x1C100] =	vst v63  }
0x126: {  	s5 =	sadd.s32 $0x14400, s4;
	s21 =	sadd.s32 $0x21000, s1  }
0x127: {  	[tilespmem:s5], [sflag:$0x3] =	stream.linear.gather [hbm4b:s21+s3], $0x100, $0x38;
	[tilespmem:$0x1C100] =	vst v63  }
.Ltmp3:
0x128: {  	s5 =	sadd.s32 $0x14500, s4;
	s21 =	sadd.s32 $0x21400, s1;
	(pc) =	sbr.rel @p0 .LBB2_8-.Ltmp3, $4  }
0x129: {  	[tilespmem:s5], [sflag:$0x3] =	stream.linear.gather [hbm4b:s21+s3], $0x100, $0x38;
	[tilespmem:$0x1C100] =	vst v63  }
0x12a: {  	s5 =	sadd.s32 $0x14600, s4;
	s21 =	sadd.s32 $0x21800, s1  }
0x12b: {  	[tilespmem:s5], [sflag:$0x3] =	stream.linear.gather [hbm4b:s21+s3], $0x100, $0x38;
	[tilespmem:$0x1C100] =	vst v63  }
0x12c: {  	s2 =	sadd.s32 $0x2000, s2;
	s28 =	sadd.s32 $0x21C00, s1;
	s21 =	sadd.s32 $0x14700, s4  }
0x12d: {  	[tilespmem:s21], [sflag:$0x3] =	stream.linear.gather [hbm4b:s28+s3], $0x100, $0x38;
	[tilespmem:$0x1C100] =	vst v63  }
0x12e: {  	s1 =	sadd.s32 $0x14000, s30;
	s2 =	sadd.s32 $0x20000, s0  }
0x12f: {  	[tilespmem:s1], [sflag:$0x3] =	stream.linear.gather [hbm4b:s2+s3], $0x100, $0x38;
	[tilespmem:$0x1C100] =	vst v63  }
0x130: {  	s4 =	sadd.s32 $0x14100, s30;
	s5 =	sadd.s32 $0x20400, s0  }
0x131: {  	[tilespmem:s4], [sflag:$0x3] =	stream.linear.gather [hbm4b:s5+s3], $0x100, $0x38;
	[tilespmem:$0x1C100] =	vst v63  }
0x132: {  	s21 =	sadd.s32 $0x14200, s30;
	s28 =	sadd.s32 $0x20800, s0  }
0x133: {  	[tilespmem:s21], [sflag:$0x3] =	stream.linear.gather [hbm4b:s28+s3], $0x100, $0x38;
	[tilespmem:$0x1C100] =	vst v63  }
0x134: {  	s4 =	sadd.s32 $0x14300, s30;
	s5 =	sadd.s32 $0x20C00, s0  }
0x135: {  	[tilespmem:s4], [sflag:$0x3] =	stream.linear.gather [hbm4b:s5+s3], $0x100, $0x38;
	[tilespmem:$0x1C100] =	vst v63  }
0x136: {  	s21 =	sadd.s32 $0x14400, s30;
	s28 =	sadd.s32 $0x21000, s0  }
0x137: {  	[tilespmem:s21], [sflag:$0x3] =	stream.linear.gather [hbm4b:s28+s3], $0x100, $0x38;
	[tilespmem:$0x1C100] =	vst v63  }
0x138: {  	s4 =	sadd.s32 $0x14500, s30;
	s5 =	sadd.s32 $0x21400, s0  }
0x139: {  	[tilespmem:s4], [sflag:$0x3] =	stream.linear.gather [hbm4b:s5+s3], $0x100, $0x38;
	[tilespmem:$0x1C100] =	vst v63  }
0x13a: {  	s21 =	sadd.s32 $0x14600, s30;
	s28 =	sadd.s32 $0x21800, s0  }
0x13b: {  	[tilespmem:s21], [sflag:$0x3] =	stream.linear.gather [hbm4b:s28+s3], $0x100, $0x38;
	[tilespmem:$0x1C100] =	vst v63  }
0x13c: {  	s4 =	sadd.s32 $0x14700, s30;
	s5 =	sadd.s32 $0x21C00, s0  }
0x13d: {  	[tilespmem:s4], [sflag:$0x3] =	stream.linear.gather [hbm4b:s5+s3], $0x100, $0x38;
	[tilespmem:$0x1C100] =	vst v63  }
0x13e: {  	_ =	swait.ge [sflag:s25], $0x8000  }
0x13f: {  	[sflag:s25] =	ssyncset.done $0x0  }
0x140: {  	[sflag:s25] =	ssyncadd.s32 $0xFFFF8000  }
0x141: {  	_ =	swait.ge [sflag:s26], $0x4000  }
0x142: {  	[sflag:s26] =	ssyncset.done $0x0  }
0x143: {  	s21 =	simm.s32 $0x18100;
	[sflag:s26] =	ssyncadd.s32 $0xFFFFC000  }
0x144: {  	v12 =	vld [tilespmem:s21+$0x0]  }
0x145: {  	v13 =	vld [tilespmem:s21+$0x10]  }
0x146: {  	v18 =	vld [tilespmem:s21+$0x20]  }
0x147: {  	v19 =	vld [tilespmem:s21+$0x30]  }
0x148: {  	v20 =	vld [tilespmem:s21+$0x40]  }
0x149: {  	v21 =	vld [tilespmem:s21+$0x50]  }
0x14a: {  	v22 =	vld [tilespmem:s21+$0x60]  }
0x14b: {  	v23 =	vld [tilespmem:s21+$0x70]  }
0x14c: {  	v24 =	vld [tilespmem:s21+$0x80]  }
0x14d: {  	v25 =	vld [tilespmem:s21+$0x90]  }
0x14e: {  	v26 =	vld [tilespmem:s21+$0xA0]  }
0x14f: {  	v27 =	vld [tilespmem:s21+$0xB0]  }
0x150: {  	v28 =	vld [tilespmem:s21+$0xC0]  }
0x151: {  	v29 =	vld [tilespmem:s21+$0xD0]  }
0x152: {  	v30 =	vld [tilespmem:s21+$0xE0]  }
0x153: {  	v31 =	vld [tilespmem:s21+$0xF0]  }
0x154: {  	v32 =	vld [tilespmem:s21+$0xFFFFFF00]  }
0x155: {  	v33 =	vld [tilespmem:s21+$0xFFFFFF10]  }
0x156: {  	v34 =	vld [tilespmem:s21+$0xFFFFFF20]  }
0x157: {  	v35 =	vld [tilespmem:s21+$0xFFFFFF30]  }
0x158: {  	v36 =	vld [tilespmem:s21+$0xFFFFFF40]  }
0x159: {  	v37 =	vld [tilespmem:s21+$0xFFFFFF50]  }
0x15a: {  	v38 =	vld [tilespmem:s21+$0xFFFFFF60]  }
0x15b: {  	v39 =	vld [tilespmem:s21+$0xFFFFFF70]  }
0x15c: {  	v40 =	vld [tilespmem:s21+$0xFFFFFF80]  }
0x15d: {  	v41 =	vld [tilespmem:s21+$0xFFFFFF90]  }
0x15e: {  	s28 =	simm.s32 $0x200;
	v42 =	vld [tilespmem:s21+$0xFFFFFFA0]  }
0x15f: {  	v43 =	vld [tilespmem:s21+$0xFFFFFFB0];
	v12 =	vadd.s32 s28, v12  }
0x160: {  	v44 =	vld [tilespmem:s21+$0xFFFFFFC0];
	v13 =	vadd.s32 s28, v13  }
0x161: {  	v45 =	vld [tilespmem:s21+$0xFFFFFFD0];
	v18 =	vadd.s32 s28, v18  }
0x162: {  	v46 =	vld [tilespmem:s21+$0xFFFFFFE0];
	v19 =	vadd.s32 s28, v19  }
0x163: {  	v47 =	vld [tilespmem:s21+$0xFFFFFFF0];
	v20 =	vadd.s32 s28, v20  }
0x164: {  	v21 =	vadd.s32 s28, v21;
	v12 =	vld.idx.msk [tilespmem:v12+s20+$0x0], $0xffff  }
0x165: {  	s30 =	simm.s32 $0x0;
	v22 =	vadd.s32 s28, v22;
	v13 =	vld.idx.msk [tilespmem:v13+s20+$0x0], $0xffff  }
0x166: {  	v48 =	vmov s28;
	v55 =	vadd.s32 s30, v37;
	v49 =	vld.idx.msk [tilespmem:v18+s20+$0x0], $0xffff  }
0x167: {  	v48 =	vor.u32 $0x100, v48;
	v18 =	vadd.s32 s28, v23;
	v50 =	vld.idx.msk [tilespmem:v19+s20+$0x0], $0xffff  }
0x168: {  	v19 =	vadd.s32 v48, v24;
	v51 =	vld.idx.msk [tilespmem:v20+s20+$0x0], $0xffff  }
0x169: {  	v23 =	vadd.s32 v48, v25;
	v52 =	vld.idx.msk [tilespmem:v21+s20+$0x0], $0xffff  }
0x16a: {  	v21 =	vadd.s32 v48, v26;
	v26 =	vld.idx.msk [tilespmem:v22+s20+$0x0], $0xffff  }
0x16b: {  	v24 =	vadd.s32 v48, v27;
	v25 =	vadd.s32 s30, v32;
	v32 =	vld.idx.msk [tilespmem:v55+s20+$0x0], $0xffff  }
0x16c: {  	v53 =	vld.idx.msk [tilespmem:v18+s20+$0x0], $0xffff  }
0x16d: {  	v27 =	vadd.s32 s30, v33;
	v20 =	vld.idx.msk [tilespmem:v19+s20+$0x0], $0xffff  }
0x16e: {  	v56 =	vmov s30;
	v57 =	vadd.s32 s30, v38;
	v22 =	vld.idx.msk [tilespmem:v23+s20+$0x0], $0xffff  }
0x16f: {  	v58 =	vadd.s32 s30, v39;
	v33 =	vor.u32 $0x100, v56;
	v21 =	vld.idx.msk [tilespmem:v21+s20+$0x0], $0xffff  }
0x170: {  	v59 =	vadd.s32 v33, v40;
	v23 =	vld.idx.msk [tilespmem:v24+s20+$0x0], $0xffff  }
0x171: {  	v60 =	vadd.s32 v33, v41;
	v25 =	vld.idx.msk [tilespmem:v25+s20+$0x0], $0xffff  }
0x172: {  	v18 =	vadd.s32 v48, v28;
	v28 =	vadd.s32 s30, v34;
	v27 =	vld.idx.msk [tilespmem:v27+s20+$0x0], $0xffff  }
0x173: {  	v24 =	vadd.s32 s30, v35;
	v34 =	vld.idx.msk [tilespmem:v57+s20+$0x0], $0xffff  }
0x174: {  	v19 =	vadd.s32 v48, v29;
	v29 =	vadd.s32 s30, v36;
	v35 =	vld.idx.msk [tilespmem:v58+s20+$0x0], $0xffff  }
0x175: {  	v61 =	vadd.s32 v33, v42;
	v36 =	vld.idx.msk [tilespmem:v59+s20+$0x0], $0xffff  }
0x176: {  	v62 =	vadd.s32 v33, v43;
	v37 =	vld.idx.msk [tilespmem:v60+s20+$0x0], $0xffff  }
0x177: {  	v28 =	vld.idx.msk [tilespmem:v28+s20+$0x0], $0xffff  }
0x178: {  	v24 =	vld.idx.msk [tilespmem:v24+s20+$0x0], $0xffff  }
0x179: {  	v63 =	vadd.s32 v33, v44;
	v29 =	vld.idx.msk [tilespmem:v29+s20+$0x0], $0xffff  }
0x17a: {  	v3 =	vadd.f32 v32, v3;
	v38 =	vld.idx.msk [tilespmem:v61+s20+$0x0], $0xffff;
	v10 =	vadd.f32 v25, v10;
	v25 =	vadd.s32 v33, v45  }
0x17b: {  	v30 =	vadd.s32 v48, v30;
	v39 =	vld.idx.msk [tilespmem:v62+s20+$0x0], $0xffff;
	v11 =	vadd.f32 v27, v11;
	v0 =	vadd.f32 v34, v0  }
0x17c: {  	v18 =	vld.idx.msk [tilespmem:v18+s20+$0x0], $0xffff;
	v1 =	vadd.f32 v35, v1;
	v6 =	vadd.f32 v28, v6;
	v28 =	vadd.s32 v33, v46  }
0x17d: {  	v19 =	vld.idx.msk [tilespmem:v19+s20+$0x0], $0xffff;
	v12 =	vadd.f32 v12, v10;
	v7 =	vadd.f32 v24, v7;
	v33 =	vadd.s32 v33, v47  }
0x17e: {  	v13 =	vadd.f32 v13, v11;
	v2 =	vadd.f32 v29, v2;
	v24 =	vld.idx.msk [tilespmem:v63+s20+$0x0], $0xffff;
	v29 =	vadd.s32 v48, v31  }
0x17f: {  	v27 =	vld.idx.msk [tilespmem:v25+s20+$0x0], $0xffff;
	v10 =	vadd.f32 v49, v6;
	v11 =	vadd.f32 v50, v7  }
0x180: {  	v6 =	vadd.f32 v51, v2;
	v2 =	vadd.f32 v26, v0;
	v26 =	vld.idx.msk [tilespmem:v30+s20+$0x0], $0xffff  }
0x181: {  	v7 =	vadd.f32 v52, v3;
	v3 =	vadd.f32 v53, v1;
	v25 =	vld.idx.msk [tilespmem:v28+s20+$0x0], $0xffff  }
0x182: {  	v0 =	vadd.f32 v36, v14;
	v1 =	vadd.f32 v37, v15;
	v28 =	vld.idx.msk [tilespmem:v33+s20+$0x0], $0xffff  }
0x183: {  	s31 =	simm.s32 $0x0;
	s0 =	simm.s32 $0x18300;
	v16 =	vadd.f32 v38, v16;
	v17 =	vadd.f32 v39, v17;
	v29 =	vld.idx.msk [tilespmem:v29+s20+$0x0], $0xffff  }
.LBB2_10:
0x184: {  	v30 =	vld [tilespmem:s0+$0x0];
	v0 =	vadd.f32 v20, v0;
	v1 =	vadd.f32 v22, v1  }
0x185: {  	v20 =	vld [tilespmem:s0+$0x10];
	v14 =	vadd.f32 v21, v16;
	v15 =	vadd.f32 v23, v17  }
0x186: {  	v4 =	vadd.f32 v24, v4;
	v5 =	vadd.f32 v27, v5;
	v21 =	vld [tilespmem:s0+$0x20]  }
0x187: {  	v8 =	vadd.f32 v25, v8;
	v9 =	vadd.f32 v28, v9;
	v22 =	vld [tilespmem:s0+$0x30]  }
0x188: {  	v4 =	vadd.f32 v18, v4;
	v5 =	vadd.f32 v19, v5;
	v23 =	vld [tilespmem:s0+$0x40]  }
0x189: {  	v8 =	vadd.f32 v26, v8;
	v9 =	vadd.f32 v29, v9;
	v18 =	vld [tilespmem:s0+$0x50]  }
0x18a: {  	v19 =	vld [tilespmem:s0+$0x60]  }
0x18b: {  	v24 =	vld [tilespmem:s0+$0x70]  }
0x18c: {  	v25 =	vld [tilespmem:s0+$0x80]  }
0x18d: {  	v26 =	vld [tilespmem:s0+$0x90]  }
0x18e: {  	v27 =	vld [tilespmem:s0+$0xA0]  }
0x18f: {  	v28 =	vld [tilespmem:s0+$0xB0]  }
0x190: {  	v29 =	vld [tilespmem:s0+$0xC0]  }
0x191: {  	v31 =	vld [tilespmem:s0+$0xD0]  }
0x192: {  	v17 =	vld [tilespmem:s0+$0xE0]  }
0x193: {  	v16 =	vld [tilespmem:s0+$0xF0]  }
0x194: {  	v32 =	vld [tilespmem:s0+$0xFFFFFF00]  }
0x195: {  	v33 =	vld [tilespmem:s0+$0xFFFFFF10]  }
0x196: {  	v34 =	vld [tilespmem:s0+$0xFFFFFF20]  }
0x197: {  	v35 =	vld [tilespmem:s0+$0xFFFFFF30]  }
0x198: {  	v36 =	vld [tilespmem:s0+$0xFFFFFF40]  }
0x199: {  	v37 =	vld [tilespmem:s0+$0xFFFFFF50]  }
0x19a: {  	v38 =	vld [tilespmem:s0+$0xFFFFFF60]  }
0x19b: {  	v39 =	vld [tilespmem:s0+$0xFFFFFF70]  }
0x19c: {  	v40 =	vld [tilespmem:s0+$0xFFFFFF80]  }
0x19d: {  	s30 =	sadd.s32 $0x400, s30;
	v41 =	vld [tilespmem:s0+$0xFFFFFF90]  }
0x19e: {  	s1 =	sadd.s32 $0x200, s30;
	v42 =	vld [tilespmem:s0+$0xFFFFFFA0]  }
0x19f: {  	v30 =	vadd.s32 s1, v30;
	v43 =	vld [tilespmem:s0+$0xFFFFFFB0]  }
0x1a0: {  	v20 =	vadd.s32 s1, v20;
	v44 =	vld [tilespmem:s0+$0xFFFFFFC0]  }
0x1a1: {  	v21 =	vadd.s32 s1, v21;
	v45 =	vld [tilespmem:s0+$0xFFFFFFD0]  }
0x1a2: {  	v22 =	vadd.s32 s1, v22;
	v46 =	vld [tilespmem:s0+$0xFFFFFFE0]  }
0x1a3: {  	v23 =	vadd.s32 s1, v23;
	v47 =	vld [tilespmem:s0+$0xFFFFFFF0]  }
0x1a4: {  	v18 =	vadd.s32 s1, v18;
	v30 =	vld.idx.msk [tilespmem:v30+s20+$0x0], $0xffff  }
0x1a5: {  	v48 =	vmov s1;
	v19 =	vadd.s32 s1, v19;
	v49 =	vld.idx.msk [tilespmem:v20+s20+$0x0], $0xffff  }
0x1a6: {  	v48 =	vor.u32 $0x100, v48;
	v20 =	vadd.s32 s1, v24;
	v50 =	vld.idx.msk [tilespmem:v21+s20+$0x0], $0xffff  }
0x1a7: {  	v21 =	vadd.s32 v48, v25;
	v24 =	vld.idx.msk [tilespmem:v22+s20+$0x0], $0xffff  }
0x1a8: {  	v22 =	vadd.s32 v48, v26;
	v51 =	vld.idx.msk [tilespmem:v23+s20+$0x0], $0xffff  }
0x1a9: {  	v26 =	vld.idx.msk [tilespmem:v18+s20+$0x0], $0xffff;
	v18 =	vadd.s32 v48, v27  }
0x1aa: {  	v52 =	vld.idx.msk [tilespmem:v19+s20+$0x0], $0xffff;
	v19 =	vadd.s32 v48, v28  }
0x1ab: {  	v25 =	vadd.s32 v48, v29;
	v53 =	vld.idx.msk [tilespmem:v20+s20+$0x0], $0xffff  }
0x1ac: {  	v27 =	vadd.s32 v48, v31;
	v20 =	vld.idx.msk [tilespmem:v21+s20+$0x0], $0xffff  }
0x1ad: {  	v28 =	vadd.s32 s30, v32;
	v22 =	vld.idx.msk [tilespmem:v22+s20+$0x0], $0xffff  }
0x1ae: {  	v29 =	vadd.s32 s30, v33;
	v21 =	vld.idx.msk [tilespmem:v18+s20+$0x0], $0xffff  }
0x1af: {  	v31 =	vadd.s32 s30, v34;
	v23 =	vld.idx.msk [tilespmem:v19+s20+$0x0], $0xffff  }
0x1b0: {  	v32 =	vadd.s32 s30, v35;
	v18 =	vld.idx.msk [tilespmem:v25+s20+$0x0], $0xffff  }
0x1b1: {  	v25 =	vadd.s32 s30, v36;
	v19 =	vld.idx.msk [tilespmem:v27+s20+$0x0], $0xffff  }
0x1b2: {  	v27 =	vld.idx.msk [tilespmem:v28+s20+$0x0], $0xffff;
	v28 =	vadd.s32 s30, v37  }
0x1b3: {  	v33 =	vmov s30;
	v34 =	vadd.s32 s30, v38;
	v29 =	vld.idx.msk [tilespmem:v29+s20+$0x0], $0xffff  }
0x1b4: {  	v33 =	vor.u32 $0x100, v33;
	v35 =	vadd.s32 s30, v39;
	v31 =	vld.idx.msk [tilespmem:v31+s20+$0x0], $0xffff  }
0x1b5: {  	v36 =	vadd.s32 v33, v40;
	v32 =	vld.idx.msk [tilespmem:v32+s20+$0x0], $0xffff  }
0x1b6: {  	v37 =	vadd.s32 v33, v41;
	v25 =	vld.idx.msk [tilespmem:v25+s20+$0x0], $0xffff  }
0x1b7: {  	s31 =	sadd.s32 $0x2, s31;
	v38 =	vadd.s32 v33, v42;
	v28 =	vld.idx.msk [tilespmem:v28+s20+$0x0], $0xffff  }
0x1b8: {  	p0 =	slt.u32 s31, $0x3E;
	v39 =	vadd.s32 v33, v43;
	v34 =	vld.idx.msk [tilespmem:v34+s20+$0x0], $0xffff  }
0x1b9: {  	v40 =	vadd.s32 v33, v44;
	v35 =	vld.idx.msk [tilespmem:v35+s20+$0x0], $0xffff  }
0x1ba: {  	v12 =	vadd.f32 v27, v12;
	v27 =	vadd.s32 v33, v45;
	v13 =	vadd.f32 v29, v13;
	v29 =	vld.idx.msk [tilespmem:v36+s20+$0x0], $0xffff  }
0x1bb: {  	v10 =	vadd.f32 v31, v10;
	v11 =	vadd.f32 v32, v11;
	v32 =	vadd.s32 v33, v46;
	v31 =	vld.idx.msk [tilespmem:v37+s20+$0x0], $0xffff  }
0x1bc: {  	v12 =	vadd.f32 v30, v12;
	v33 =	vadd.s32 v33, v47;
	v13 =	vadd.f32 v49, v13;
	v36 =	vld.idx.msk [tilespmem:v38+s20+$0x0], $0xffff  }
0x1bd: {  	v17 =	vadd.s32 v48, v17;
	v10 =	vadd.f32 v50, v10;
	v11 =	vadd.f32 v24, v11;
	v30 =	vld.idx.msk [tilespmem:v39+s20+$0x0], $0xffff  }
0x1be: {  	v6 =	vadd.f32 v25, v6;
	v37 =	vadd.s32 v48, v16;
	v7 =	vadd.f32 v28, v7;
	v24 =	vld.idx.msk [tilespmem:v40+s20+$0x0], $0xffff  }
.Ltmp4:
0x1bf: {  	v2 =	vadd.f32 v34, v2;
	v3 =	vadd.f32 v35, v3;
	v27 =	vld.idx.msk [tilespmem:v27+s20+$0x0], $0xffff;
	(pc) =	sbr.rel @p0 .LBB2_10-.Ltmp4, $4  }
0x1c0: {  	v6 =	vadd.f32 v51, v6;
	v7 =	vadd.f32 v26, v7;
	v25 =	vld.idx.msk [tilespmem:v32+s20+$0x0], $0xffff  }
0x1c1: {  	v2 =	vadd.f32 v52, v2;
	v3 =	vadd.f32 v53, v3;
	v28 =	vld.idx.msk [tilespmem:v33+s20+$0x0], $0xffff  }
0x1c2: {  	v0 =	vadd.f32 v29, v0;
	v1 =	vadd.f32 v31, v1;
	v26 =	vld.idx.msk [tilespmem:v17+s20+$0x0], $0xffff  }
0x1c3: {  	s0 =	sadd.s32 $0x200, s0;
	v16 =	vadd.f32 v36, v14;
	v17 =	vadd.f32 v30, v15;
	v29 =	vld.idx.msk [tilespmem:v37+s20+$0x0], $0xffff  }
0x1c4: {  	[tilespmem:s20], [sflag:$0x2] =	stream.linear.gather [spmem:s9], $0x8000, $0x38;
	[tilespmem:$0x1C100] =	vst v63  }
0x1c5: {  	s1 =	sadd.s32 $0x0, s16  }
0x1c6: {  	s0 =	simm.s32 $0x18000;
	s2 =	sadd.s32 $0x30000, s1  }
0x1c7: {  	[tilespmem:s0], [sflag:$0x4] =	stream.linear.gather [hbm4b:s2+s3], $0x100, $0x38;
	[tilespmem:$0x1C100] =	vst v63  }
0x1c8: {  	s4 =	sadd.s32 $0x30400, s1;
	s2 =	simm.s32 $0x18100  }
0x1c9: {  	[tilespmem:s2], [sflag:$0x4] =	stream.linear.gather [hbm4b:s4+s3], $0x100, $0x38;
	[tilespmem:$0x1C100] =	vst v63  }
0x1ca: {  	s5 =	simm.s32 $0x18200;
	s21 =	sadd.s32 $0x30800, s1  }
0x1cb: {  	[tilespmem:s5], [sflag:$0x4] =	stream.linear.gather [hbm4b:s21+s3], $0x100, $0x38;
	[tilespmem:$0x1C100] =	vst v63  }
0x1cc: {  	s2 =	simm.s32 $0x18300;
	s4 =	sadd.s32 $0x30C00, s1  }
0x1cd: {  	[tilespmem:s2], [sflag:$0x4] =	stream.linear.gather [hbm4b:s4+s3], $0x100, $0x38;
	[tilespmem:$0x1C100] =	vst v63  }
0x1ce: {  	s30 =	simm.s32 $0x800;
	s5 =	simm.s32 $0x18400;
	s21 =	sadd.s32 $0x31000, s1  }
0x1cf: {  	v14 =	vadd.f32 v20, v0;
	v15 =	vadd.f32 v22, v1;
	[tilespmem:s5], [sflag:$0x4] =	stream.linear.gather [hbm4b:s21+s3], $0x100, $0x38;
	[tilespmem:$0x1C100] =	vst v63  }
0x1d0: {  	v0 =	vadd.f32 v24, v4;
	v1 =	vadd.f32 v27, v5;
	s31 =	simm.s32 $0x8;
	s2 =	simm.s32 $0x18500;
	s4 =	sadd.s32 $0x31400, s1  }
0x1d1: {  	v16 =	vadd.f32 v21, v16;
	v17 =	vadd.f32 v23, v17;
	[tilespmem:s2], [sflag:$0x4] =	stream.linear.gather [hbm4b:s4+s3], $0x100, $0x38;
	[tilespmem:$0x1C100] =	vst v63  }
0x1d2: {  	v4 =	vadd.f32 v25, v8;
	s28 =	sadd.s32 $0x31C00, s1;
	v5 =	vadd.f32 v28, v9;
	s5 =	simm.s32 $0x18600;
	s21 =	sadd.s32 $0x31800, s1  }
0x1d3: {  	v0 =	vadd.f32 v18, v0;
	v1 =	vadd.f32 v19, v1;
	[tilespmem:s5], [sflag:$0x4] =	stream.linear.gather [hbm4b:s21+s3], $0x100, $0x38;
	[tilespmem:$0x1C100] =	vst v63  }
0x1d4: {  	s0 =	sadd.s32 $0x2000, s16;
	v4 =	vadd.f32 v26, v4;
	v5 =	vadd.f32 v29, v5;
	s2 =	simm.s32 $0x4000;
	s21 =	simm.s32 $0x18700  }
.LBB2_12:
0x1d5: {  	[tilespmem:s21], [sflag:$0x4] =	stream.linear.gather [hbm4b:s28+s3], $0x100, $0x38;
	[tilespmem:$0x1C100] =	vst v63  }
0x1d6: {  	s1 =	smov.u32 s0;
	s4 =	smov.u32 s30  }
0x1d7: {  	s0 =	sadd.s32 s2, s16;
	s5 =	sadd.s32 $0x18000, s4;
	s21 =	sadd.s32 $0x30000, s1  }
0x1d8: {  	[tilespmem:s5], [sflag:$0x4] =	stream.linear.gather [hbm4b:s21+s3], $0x100, $0x38;
	[tilespmem:$0x1C100] =	vst v63  }
0x1d9: {  	s30 =	sshra.s32 s2, $0x2;
	s5 =	sadd.s32 $0x18100, s4;
	s21 =	sadd.s32 $0x30400, s1  }
0x1da: {  	[tilespmem:s5], [sflag:$0x4] =	stream.linear.gather [hbm4b:s21+s3], $0x100, $0x38;
	[tilespmem:$0x1C100] =	vst v63  }
0x1db: {  	s31 =	sadd.s32 $0x8, s31;
	s5 =	sadd.s32 $0x18200, s4;
	s21 =	sadd.s32 $0x30800, s1  }
0x1dc: {  	[tilespmem:s5], [sflag:$0x4] =	stream.linear.gather [hbm4b:s21+s3], $0x100, $0x38;
	[tilespmem:$0x1C100] =	vst v63  }
0x1dd: {  	p0 =	slt.u32 s31, $0x38;
	s5 =	sadd.s32 $0x18300, s4;
	s21 =	sadd.s32 $0x30C00, s1  }
0x1de: {  	[tilespmem:s5], [sflag:$0x4] =	stream.linear.gather [hbm4b:s21+s3], $0x100, $0x38;
	[tilespmem:$0x1C100] =	vst v63  }
0x1df: {  	s5 =	sadd.s32 $0x18400, s4;
	s21 =	sadd.s32 $0x31000, s1  }
0x1e0: {  	[tilespmem:s5], [sflag:$0x4] =	stream.linear.gather [hbm4b:s21+s3], $0x100, $0x38;
	[tilespmem:$0x1C100] =	vst v63  }
.Ltmp5:
0x1e1: {  	s5 =	sadd.s32 $0x18500, s4;
	s21 =	sadd.s32 $0x31400, s1;
	(pc) =	sbr.rel @p0 .LBB2_12-.Ltmp5, $4  }
0x1e2: {  	[tilespmem:s5], [sflag:$0x4] =	stream.linear.gather [hbm4b:s21+s3], $0x100, $0x38;
	[tilespmem:$0x1C100] =	vst v63  }
0x1e3: {  	s5 =	sadd.s32 $0x18600, s4;
	s21 =	sadd.s32 $0x31800, s1  }
0x1e4: {  	[tilespmem:s5], [sflag:$0x4] =	stream.linear.gather [hbm4b:s21+s3], $0x100, $0x38;
	[tilespmem:$0x1C100] =	vst v63  }
0x1e5: {  	s2 =	sadd.s32 $0x2000, s2;
	s28 =	sadd.s32 $0x31C00, s1;
	s21 =	sadd.s32 $0x18700, s4  }
0x1e6: {  	[tilespmem:s21], [sflag:$0x4] =	stream.linear.gather [hbm4b:s28+s3], $0x100, $0x38;
	[tilespmem:$0x1C100] =	vst v63  }
0x1e7: {  	s1 =	sadd.s32 $0x18000, s30;
	s2 =	sadd.s32 $0x30000, s0  }
0x1e8: {  	[tilespmem:s1], [sflag:$0x4] =	stream.linear.gather [hbm4b:s2+s3], $0x100, $0x38;
	[tilespmem:$0x1C100] =	vst v63  }
0x1e9: {  	s4 =	sadd.s32 $0x18100, s30;
	s5 =	sadd.s32 $0x30400, s0  }
0x1ea: {  	[tilespmem:s4], [sflag:$0x4] =	stream.linear.gather [hbm4b:s5+s3], $0x100, $0x38;
	[tilespmem:$0x1C100] =	vst v63  }
0x1eb: {  	s21 =	sadd.s32 $0x18200, s30;
	s28 =	sadd.s32 $0x30800, s0  }
0x1ec: {  	[tilespmem:s21], [sflag:$0x4] =	stream.linear.gather [hbm4b:s28+s3], $0x100, $0x38;
	[tilespmem:$0x1C100] =	vst v63  }
0x1ed: {  	s4 =	sadd.s32 $0x18300, s30;
	s5 =	sadd.s32 $0x30C00, s0  }
0x1ee: {  	[tilespmem:s4], [sflag:$0x4] =	stream.linear.gather [hbm4b:s5+s3], $0x100, $0x38;
	[tilespmem:$0x1C100] =	vst v63  }
0x1ef: {  	s21 =	sadd.s32 $0x18400, s30;
	s28 =	sadd.s32 $0x31000, s0  }
0x1f0: {  	[tilespmem:s21], [sflag:$0x4] =	stream.linear.gather [hbm4b:s28+s3], $0x100, $0x38;
	[tilespmem:$0x1C100] =	vst v63  }
0x1f1: {  	s4 =	sadd.s32 $0x18500, s30;
	s5 =	sadd.s32 $0x31400, s0  }
0x1f2: {  	[tilespmem:s4], [sflag:$0x4] =	stream.linear.gather [hbm4b:s5+s3], $0x100, $0x38;
	[tilespmem:$0x1C100] =	vst v63  }
0x1f3: {  	s21 =	sadd.s32 $0x18600, s30;
	s28 =	sadd.s32 $0x31800, s0  }
0x1f4: {  	[tilespmem:s21], [sflag:$0x4] =	stream.linear.gather [hbm4b:s28+s3], $0x100, $0x38;
	[tilespmem:$0x1C100] =	vst v63  }
0x1f5: {  	s4 =	sadd.s32 $0x18700, s30;
	s5 =	sadd.s32 $0x31C00, s0  }
0x1f6: {  	[tilespmem:s4], [sflag:$0x4] =	stream.linear.gather [hbm4b:s5+s3], $0x100, $0x38;
	[tilespmem:$0x1C100] =	vst v63  }
0x1f7: {  	_ =	swait.ge [sflag:s23], $0x8000  }
0x1f8: {  	[sflag:s23] =	ssyncset.done $0x0  }
0x1f9: {  	[sflag:s23] =	ssyncadd.s32 $0xFFFF8000  }
0x1fa: {  	_ =	swait.ge [sflag:s24], $0x4000  }
0x1fb: {  	[sflag:s24] =	ssyncset.done $0x0  }
0x1fc: {  	s21 =	simm.s32 $0x14100;
	[sflag:s24] =	ssyncadd.s32 $0xFFFFC000  }
0x1fd: {  	v8 =	vld [tilespmem:s21+$0x0]  }
0x1fe: {  	v9 =	vld [tilespmem:s21+$0x10]  }
0x1ff: {  	v18 =	vld [tilespmem:s21+$0x20]  }
0x200: {  	v19 =	vld [tilespmem:s21+$0x30]  }
0x201: {  	v20 =	vld [tilespmem:s21+$0x40]  }
0x202: {  	v21 =	vld [tilespmem:s21+$0x50]  }
0x203: {  	v22 =	vld [tilespmem:s21+$0x60]  }
0x204: {  	v23 =	vld [tilespmem:s21+$0x70]  }
0x205: {  	v24 =	vld [tilespmem:s21+$0x80]  }
0x206: {  	v25 =	vld [tilespmem:s21+$0x90]  }
0x207: {  	v26 =	vld [tilespmem:s21+$0xA0]  }
0x208: {  	v27 =	vld [tilespmem:s21+$0xB0]  }
0x209: {  	v28 =	vld [tilespmem:s21+$0xC0]  }
0x20a: {  	v29 =	vld [tilespmem:s21+$0xD0]  }
0x20b: {  	v30 =	vld [tilespmem:s21+$0xE0]  }
0x20c: {  	v31 =	vld [tilespmem:s21+$0xF0]  }
0x20d: {  	v32 =	vld [tilespmem:s21+$0xFFFFFF00]  }
0x20e: {  	v33 =	vld [tilespmem:s21+$0xFFFFFF10]  }
0x20f: {  	v34 =	vld [tilespmem:s21+$0xFFFFFF20]  }
0x210: {  	v35 =	vld [tilespmem:s21+$0xFFFFFF30]  }
0x211: {  	v36 =	vld [tilespmem:s21+$0xFFFFFF40]  }
0x212: {  	v37 =	vld [tilespmem:s21+$0xFFFFFF50]  }
0x213: {  	v38 =	vld [tilespmem:s21+$0xFFFFFF60]  }
0x214: {  	v39 =	vld [tilespmem:s21+$0xFFFFFF70]  }
0x215: {  	v40 =	vld [tilespmem:s21+$0xFFFFFF80]  }
0x216: {  	v41 =	vld [tilespmem:s21+$0xFFFFFF90]  }
0x217: {  	s28 =	simm.s32 $0x200;
	v42 =	vld [tilespmem:s21+$0xFFFFFFA0]  }
0x218: {  	v43 =	vld [tilespmem:s21+$0xFFFFFFB0];
	v8 =	vadd.s32 s28, v8  }
0x219: {  	v44 =	vld [tilespmem:s21+$0xFFFFFFC0];
	v9 =	vadd.s32 s28, v9  }
0x21a: {  	v45 =	vld [tilespmem:s21+$0xFFFFFFD0];
	v18 =	vadd.s32 s28, v18  }
0x21b: {  	v46 =	vld [tilespmem:s21+$0xFFFFFFE0];
	v19 =	vadd.s32 s28, v19  }
0x21c: {  	v47 =	vld [tilespmem:s21+$0xFFFFFFF0];
	v20 =	vadd.s32 s28, v20  }
0x21d: {  	v21 =	vadd.s32 s28, v21;
	v8 =	vld.idx.msk [tilespmem:v8+s19+$0x0], $0xffff  }
0x21e: {  	s30 =	simm.s32 $0x0;
	v22 =	vadd.s32 s28, v22;
	v9 =	vld.idx.msk [tilespmem:v9+s19+$0x0], $0xffff  }
0x21f: {  	v48 =	vmov s28;
	v55 =	vadd.s32 s30, v37;
	v49 =	vld.idx.msk [tilespmem:v18+s19+$0x0], $0xffff  }
0x220: {  	v48 =	vor.u32 $0x100, v48;
	v18 =	vadd.s32 s28, v23;
	v50 =	vld.idx.msk [tilespmem:v19+s19+$0x0], $0xffff  }
0x221: {  	v19 =	vadd.s32 v48, v24;
	v51 =	vld.idx.msk [tilespmem:v20+s19+$0x0], $0xffff  }
0x222: {  	v23 =	vadd.s32 v48, v25;
	v52 =	vld.idx.msk [tilespmem:v21+s19+$0x0], $0xffff  }
0x223: {  	v21 =	vadd.s32 v48, v26;
	v26 =	vld.idx.msk [tilespmem:v22+s19+$0x0], $0xffff  }
0x224: {  	v24 =	vadd.s32 v48, v27;
	v25 =	vadd.s32 s30, v32;
	v32 =	vld.idx.msk [tilespmem:v55+s19+$0x0], $0xffff  }
0x225: {  	v53 =	vld.idx.msk [tilespmem:v18+s19+$0x0], $0xffff  }
0x226: {  	v27 =	vadd.s32 s30, v33;
	v20 =	vld.idx.msk [tilespmem:v19+s19+$0x0], $0xffff  }
0x227: {  	v56 =	vmov s30;
	v57 =	vadd.s32 s30, v38;
	v22 =	vld.idx.msk [tilespmem:v23+s19+$0x0], $0xffff  }
0x228: {  	v58 =	vadd.s32 s30, v39;
	v33 =	vor.u32 $0x100, v56;
	v21 =	vld.idx.msk [tilespmem:v21+s19+$0x0], $0xffff  }
0x229: {  	v59 =	vadd.s32 v33, v40;
	v23 =	vld.idx.msk [tilespmem:v24+s19+$0x0], $0xffff  }
0x22a: {  	v60 =	vadd.s32 v33, v41;
	v25 =	vld.idx.msk [tilespmem:v25+s19+$0x0], $0xffff  }
0x22b: {  	v18 =	vadd.s32 v48, v28;
	v28 =	vadd.s32 s30, v34;
	v27 =	vld.idx.msk [tilespmem:v27+s19+$0x0], $0xffff  }
0x22c: {  	v24 =	vadd.s32 s30, v35;
	v34 =	vld.idx.msk [tilespmem:v57+s19+$0x0], $0xffff  }
0x22d: {  	v19 =	vadd.s32 v48, v29;
	v29 =	vadd.s32 s30, v36;
	v35 =	vld.idx.msk [tilespmem:v58+s19+$0x0], $0xffff  }
0x22e: {  	v61 =	vadd.s32 v33, v42;
	v36 =	vld.idx.msk [tilespmem:v59+s19+$0x0], $0xffff  }
0x22f: {  	v62 =	vadd.s32 v33, v43;
	v37 =	vld.idx.msk [tilespmem:v60+s19+$0x0], $0xffff  }
0x230: {  	v28 =	vld.idx.msk [tilespmem:v28+s19+$0x0], $0xffff  }
0x231: {  	v7 =	vadd.f32 v32, v7;
	v24 =	vld.idx.msk [tilespmem:v24+s19+$0x0], $0xffff  }
0x232: {  	v30 =	vadd.s32 v48, v30;
	v29 =	vld.idx.msk [tilespmem:v29+s19+$0x0], $0xffff  }
0x233: {  	v63 =	vadd.s32 v33, v44;
	v38 =	vld.idx.msk [tilespmem:v61+s19+$0x0], $0xffff;
	v7 =	vadd.f32 v52, v7  }
0x234: {  	v39 =	vld.idx.msk [tilespmem:v62+s19+$0x0], $0xffff;
	v12 =	vadd.f32 v25, v12;
	v13 =	vadd.f32 v27, v13;
	v25 =	vadd.s32 v33, v45  }
0x235: {  	v18 =	vld.idx.msk [tilespmem:v18+s19+$0x0], $0xffff;
	v2 =	vadd.f32 v34, v2;
	v27 =	vadd.f32 v28, v10;
	v28 =	vadd.s32 v33, v46  }
0x236: {  	v19 =	vld.idx.msk [tilespmem:v19+s19+$0x0], $0xffff;
	v3 =	vadd.f32 v35, v3;
	v24 =	vadd.f32 v24, v11;
	v33 =	vadd.s32 v33, v47  }
0x237: {  	v2 =	vadd.f32 v26, v2;
	v26 =	vld.idx.msk [tilespmem:v30+s19+$0x0], $0xffff;
	v6 =	vadd.f32 v29, v6;
	v29 =	vadd.s32 v48, v31  }
0x238: {  	v11 =	vadd.f32 v9, v13;
	v9 =	vadd.f32 v50, v24;
	v24 =	vld.idx.msk [tilespmem:v63+s19+$0x0], $0xffff  }
0x239: {  	v10 =	vadd.f32 v8, v12;
	v8 =	vadd.f32 v49, v27;
	v27 =	vld.idx.msk [tilespmem:v25+s19+$0x0], $0xffff  }
0x23a: {  	v3 =	vadd.f32 v53, v3;
	v12 =	vadd.f32 v36, v14;
	v25 =	vld.idx.msk [tilespmem:v28+s19+$0x0], $0xffff  }
0x23b: {  	v13 =	vadd.f32 v37, v15;
	v14 =	vadd.f32 v38, v16;
	v28 =	vld.idx.msk [tilespmem:v33+s19+$0x0], $0xffff  }
0x23c: {  	s31 =	simm.s32 $0x0;
	s0 =	simm.s32 $0x14300;
	v15 =	vadd.f32 v39, v17;
	v6 =	vadd.f32 v51, v6;
	v16 =	vld.idx.msk [tilespmem:v29+s19+$0x0], $0xffff  }
.LBB2_14:
0x23d: {  	v29 =	vld [tilespmem:s0+$0x0];
	v12 =	vadd.f32 v20, v12;
	v13 =	vadd.f32 v22, v13  }
0x23e: {  	v20 =	vld [tilespmem:s0+$0x10];
	v14 =	vadd.f32 v21, v14;
	v15 =	vadd.f32 v23, v15  }
0x23f: {  	v0 =	vadd.f32 v24, v0;
	v1 =	vadd.f32 v27, v1;
	v21 =	vld [tilespmem:s0+$0x20]  }
0x240: {  	v4 =	vadd.f32 v25, v4;
	v5 =	vadd.f32 v28, v5;
	v22 =	vld [tilespmem:s0+$0x30]  }
0x241: {  	v0 =	vadd.f32 v18, v0;
	v1 =	vadd.f32 v19, v1;
	v23 =	vld [tilespmem:s0+$0x40]  }
0x242: {  	v4 =	vadd.f32 v26, v4;
	v5 =	vadd.f32 v16, v5;
	v18 =	vld [tilespmem:s0+$0x50]  }
0x243: {  	v19 =	vld [tilespmem:s0+$0x60]  }
0x244: {  	v24 =	vld [tilespmem:s0+$0x70]  }
0x245: {  	v25 =	vld [tilespmem:s0+$0x80]  }
0x246: {  	v26 =	vld [tilespmem:s0+$0x90]  }
0x247: {  	v27 =	vld [tilespmem:s0+$0xA0]  }
0x248: {  	v28 =	vld [tilespmem:s0+$0xB0]  }
0x249: {  	v30 =	vld [tilespmem:s0+$0xC0]  }
0x24a: {  	v31 =	vld [tilespmem:s0+$0xD0]  }
0x24b: {  	v17 =	vld [tilespmem:s0+$0xE0]  }
0x24c: {  	v16 =	vld [tilespmem:s0+$0xF0]  }
0x24d: {  	v32 =	vld [tilespmem:s0+$0xFFFFFF00]  }
0x24e: {  	v33 =	vld [tilespmem:s0+$0xFFFFFF10]  }
0x24f: {  	v34 =	vld [tilespmem:s0+$0xFFFFFF20]  }
0x250: {  	v35 =	vld [tilespmem:s0+$0xFFFFFF30]  }
0x251: {  	v36 =	vld [tilespmem:s0+$0xFFFFFF40]  }
0x252: {  	v37 =	vld [tilespmem:s0+$0xFFFFFF50]  }
0x253: {  	v38 =	vld [tilespmem:s0+$0xFFFFFF60]  }
0x254: {  	v39 =	vld [tilespmem:s0+$0xFFFFFF70]  }
0x255: {  	v40 =	vld [tilespmem:s0+$0xFFFFFF80]  }
0x256: {  	s30 =	sadd.s32 $0x400, s30;
	v41 =	vld [tilespmem:s0+$0xFFFFFF90]  }
0x257: {  	s1 =	sadd.s32 $0x200, s30;
	v42 =	vld [tilespmem:s0+$0xFFFFFFA0]  }
0x258: {  	v29 =	vadd.s32 s1, v29;
	v43 =	vld [tilespmem:s0+$0xFFFFFFB0]  }
0x259: {  	v20 =	vadd.s32 s1, v20;
	v44 =	vld [tilespmem:s0+$0xFFFFFFC0]  }
0x25a: {  	v21 =	vadd.s32 s1, v21;
	v45 =	vld [tilespmem:s0+$0xFFFFFFD0]  }
0x25b: {  	v22 =	vadd.s32 s1, v22;
	v46 =	vld [tilespmem:s0+$0xFFFFFFE0]  }
0x25c: {  	v23 =	vadd.s32 s1, v23;
	v47 =	vld [tilespmem:s0+$0xFFFFFFF0]  }
0x25d: {  	v18 =	vadd.s32 s1, v18;
	v29 =	vld.idx.msk [tilespmem:v29+s19+$0x0], $0xffff  }
0x25e: {  	v48 =	vmov s1;
	v19 =	vadd.s32 s1, v19;
	v49 =	vld.idx.msk [tilespmem:v20+s19+$0x0], $0xffff  }
0x25f: {  	v48 =	vor.u32 $0x100, v48;
	v20 =	vadd.s32 s1, v24;
	v50 =	vld.idx.msk [tilespmem:v21+s19+$0x0], $0xffff  }
0x260: {  	v21 =	vadd.s32 v48, v25;
	v24 =	vld.idx.msk [tilespmem:v22+s19+$0x0], $0xffff  }
0x261: {  	v22 =	vadd.s32 v48, v26;
	v51 =	vld.idx.msk [tilespmem:v23+s19+$0x0], $0xffff  }
0x262: {  	v26 =	vld.idx.msk [tilespmem:v18+s19+$0x0], $0xffff;
	v18 =	vadd.s32 v48, v27  }
0x263: {  	v52 =	vld.idx.msk [tilespmem:v19+s19+$0x0], $0xffff;
	v19 =	vadd.s32 v48, v28  }
0x264: {  	v25 =	vadd.s32 v48, v30;
	v53 =	vld.idx.msk [tilespmem:v20+s19+$0x0], $0xffff  }
0x265: {  	v27 =	vadd.s32 v48, v31;
	v20 =	vld.idx.msk [tilespmem:v21+s19+$0x0], $0xffff  }
0x266: {  	v28 =	vadd.s32 s30, v32;
	v22 =	vld.idx.msk [tilespmem:v22+s19+$0x0], $0xffff  }
0x267: {  	v30 =	vadd.s32 s30, v33;
	v21 =	vld.idx.msk [tilespmem:v18+s19+$0x0], $0xffff  }
0x268: {  	v31 =	vadd.s32 s30, v34;
	v23 =	vld.idx.msk [tilespmem:v19+s19+$0x0], $0xffff  }
0x269: {  	v32 =	vadd.s32 s30, v35;
	v18 =	vld.idx.msk [tilespmem:v25+s19+$0x0], $0xffff  }
0x26a: {  	v25 =	vadd.s32 s30, v36;
	v19 =	vld.idx.msk [tilespmem:v27+s19+$0x0], $0xffff  }
0x26b: {  	v27 =	vld.idx.msk [tilespmem:v28+s19+$0x0], $0xffff;
	v28 =	vadd.s32 s30, v37  }
0x26c: {  	v33 =	vmov s30;
	v34 =	vadd.s32 s30, v38;
	v30 =	vld.idx.msk [tilespmem:v30+s19+$0x0], $0xffff  }
0x26d: {  	v33 =	vor.u32 $0x100, v33;
	v35 =	vadd.s32 s30, v39;
	v31 =	vld.idx.msk [tilespmem:v31+s19+$0x0], $0xffff  }
0x26e: {  	v36 =	vadd.s32 v33, v40;
	v32 =	vld.idx.msk [tilespmem:v32+s19+$0x0], $0xffff  }
0x26f: {  	v37 =	vadd.s32 v33, v41;
	v25 =	vld.idx.msk [tilespmem:v25+s19+$0x0], $0xffff  }
0x270: {  	s31 =	sadd.s32 $0x2, s31;
	v38 =	vadd.s32 v33, v42;
	v28 =	vld.idx.msk [tilespmem:v28+s19+$0x0], $0xffff  }
0x271: {  	p0 =	slt.u32 s31, $0x3E;
	v39 =	vadd.s32 v33, v43;
	v34 =	vld.idx.msk [tilespmem:v34+s19+$0x0], $0xffff  }
0x272: {  	v40 =	vadd.s32 v33, v44;
	v35 =	vld.idx.msk [tilespmem:v35+s19+$0x0], $0xffff  }
0x273: {  	v10 =	vadd.f32 v27, v10;
	v27 =	vadd.s32 v33, v45;
	v11 =	vadd.f32 v30, v11;
	v30 =	vld.idx.msk [tilespmem:v36+s19+$0x0], $0xffff  }
0x274: {  	v8 =	vadd.f32 v31, v8;
	v9 =	vadd.f32 v32, v9;
	v32 =	vadd.s32 v33, v46;
	v31 =	vld.idx.msk [tilespmem:v37+s19+$0x0], $0xffff  }
0x275: {  	v10 =	vadd.f32 v29, v10;
	v33 =	vadd.s32 v33, v47;
	v11 =	vadd.f32 v49, v11;
	v36 =	vld.idx.msk [tilespmem:v38+s19+$0x0], $0xffff  }
0x276: {  	v17 =	vadd.s32 v48, v17;
	v8 =	vadd.f32 v50, v8;
	v9 =	vadd.f32 v24, v9;
	v29 =	vld.idx.msk [tilespmem:v39+s19+$0x0], $0xffff  }
0x277: {  	v16 =	vadd.s32 v48, v16;
	v6 =	vadd.f32 v25, v6;
	v7 =	vadd.f32 v28, v7;
	v24 =	vld.idx.msk [tilespmem:v40+s19+$0x0], $0xffff  }
.Ltmp6:
0x278: {  	v2 =	vadd.f32 v34, v2;
	v3 =	vadd.f32 v35, v3;
	v27 =	vld.idx.msk [tilespmem:v27+s19+$0x0], $0xffff;
	(pc) =	sbr.rel @p0 .LBB2_14-.Ltmp6, $4  }
0x279: {  	v6 =	vadd.f32 v51, v6;
	v7 =	vadd.f32 v26, v7;
	v25 =	vld.idx.msk [tilespmem:v32+s19+$0x0], $0xffff  }
0x27a: {  	v2 =	vadd.f32 v52, v2;
	v3 =	vadd.f32 v53, v3;
	v28 =	vld.idx.msk [tilespmem:v33+s19+$0x0], $0xffff  }
0x27b: {  	v12 =	vadd.f32 v30, v12;
	v13 =	vadd.f32 v31, v13;
	v26 =	vld.idx.msk [tilespmem:v17+s19+$0x0], $0xffff  }
0x27c: {  	s0 =	sadd.s32 $0x200, s0;
	v14 =	vadd.f32 v36, v14;
	v15 =	vadd.f32 v29, v15;
	v16 =	vld.idx.msk [tilespmem:v16+s19+$0x0], $0xffff  }
0x27d: {  	[tilespmem:s19], [sflag:$0x1] =	stream.linear.gather [spmem:s10], $0x8000, $0x38;
	[tilespmem:$0x1C100] =	vst v63  }
0x27e: {  	s1 =	sadd.s32 $0x0, s16  }
0x27f: {  	s0 =	simm.s32 $0x14000;
	s2 =	sadd.s32 $0x40000, s1  }
0x280: {  	[tilespmem:s0], [sflag:$0x3] =	stream.linear.gather [hbm4b:s2+s3], $0x100, $0x38;
	[tilespmem:$0x1C100] =	vst v63  }
0x281: {  	s4 =	sadd.s32 $0x40400, s1;
	s2 =	simm.s32 $0x14100  }
0x282: {  	[tilespmem:s2], [sflag:$0x3] =	stream.linear.gather [hbm4b:s4+s3], $0x100, $0x38;
	[tilespmem:$0x1C100] =	vst v63  }
0x283: {  	s5 =	simm.s32 $0x14200;
	s21 =	sadd.s32 $0x40800, s1  }
0x284: {  	[tilespmem:s5], [sflag:$0x3] =	stream.linear.gather [hbm4b:s21+s3], $0x100, $0x38;
	[tilespmem:$0x1C100] =	vst v63  }
0x285: {  	s2 =	simm.s32 $0x14300;
	s4 =	sadd.s32 $0x40C00, s1  }
0x286: {  	[tilespmem:s2], [sflag:$0x3] =	stream.linear.gather [hbm4b:s4+s3], $0x100, $0x38;
	[tilespmem:$0x1C100] =	vst v63  }
0x287: {  	s30 =	simm.s32 $0x800;
	s5 =	simm.s32 $0x14400;
	s21 =	sadd.s32 $0x41000, s1  }
0x288: {  	v12 =	vadd.f32 v20, v12;
	v13 =	vadd.f32 v22, v13;
	[tilespmem:s5], [sflag:$0x3] =	stream.linear.gather [hbm4b:s21+s3], $0x100, $0x38;
	[tilespmem:$0x1C100] =	vst v63  }
0x289: {  	v0 =	vadd.f32 v24, v0;
	v1 =	vadd.f32 v27, v1;
	s31 =	simm.s32 $0x8;
	s2 =	simm.s32 $0x14500;
	s4 =	sadd.s32 $0x41400, s1  }
0x28a: {  	v14 =	vadd.f32 v21, v14;
	v15 =	vadd.f32 v23, v15;
	[tilespmem:s2], [sflag:$0x3] =	stream.linear.gather [hbm4b:s4+s3], $0x100, $0x38;
	[tilespmem:$0x1C100] =	vst v63  }
0x28b: {  	v4 =	vadd.f32 v25, v4;
	s28 =	sadd.s32 $0x41C00, s1;
	v5 =	vadd.f32 v28, v5;
	s5 =	simm.s32 $0x14600;
	s21 =	sadd.s32 $0x41800, s1  }
0x28c: {  	v0 =	vadd.f32 v18, v0;
	v1 =	vadd.f32 v19, v1;
	[tilespmem:s5], [sflag:$0x3] =	stream.linear.gather [hbm4b:s21+s3], $0x100, $0x38;
	[tilespmem:$0x1C100] =	vst v63  }
0x28d: {  	s0 =	sadd.s32 $0x2000, s16;
	v4 =	vadd.f32 v26, v4;
	v5 =	vadd.f32 v16, v5;
	s2 =	simm.s32 $0x4000;
	s21 =	simm.s32 $0x14700  }
.LBB2_16:
0x28e: {  	[tilespmem:s21], [sflag:$0x3] =	stream.linear.gather [hbm4b:s28+s3], $0x100, $0x38;
	[tilespmem:$0x1C100] =	vst v63  }
0x28f: {  	s1 =	smov.u32 s0;
	s4 =	smov.u32 s30  }
0x290: {  	s0 =	sadd.s32 s2, s16;
	s5 =	sadd.s32 $0x14000, s4;
	s21 =	sadd.s32 $0x40000, s1  }
0x291: {  	[tilespmem:s5], [sflag:$0x3] =	stream.linear.gather [hbm4b:s21+s3], $0x100, $0x38;
	[tilespmem:$0x1C100] =	vst v63  }
0x292: {  	s30 =	sshra.s32 s2, $0x2;
	s5 =	sadd.s32 $0x14100, s4;
	s21 =	sadd.s32 $0x40400, s1  }
0x293: {  	[tilespmem:s5], [sflag:$0x3] =	stream.linear.gather [hbm4b:s21+s3], $0x100, $0x38;
	[tilespmem:$0x1C100] =	vst v63  }
0x294: {  	s31 =	sadd.s32 $0x8, s31;
	s5 =	sadd.s32 $0x14200, s4;
	s21 =	sadd.s32 $0x40800, s1  }
0x295: {  	[tilespmem:s5], [sflag:$0x3] =	stream.linear.gather [hbm4b:s21+s3], $0x100, $0x38;
	[tilespmem:$0x1C100] =	vst v63  }
0x296: {  	p0 =	slt.u32 s31, $0x38;
	s5 =	sadd.s32 $0x14300, s4;
	s21 =	sadd.s32 $0x40C00, s1  }
0x297: {  	[tilespmem:s5], [sflag:$0x3] =	stream.linear.gather [hbm4b:s21+s3], $0x100, $0x38;
	[tilespmem:$0x1C100] =	vst v63  }
0x298: {  	s5 =	sadd.s32 $0x14400, s4;
	s21 =	sadd.s32 $0x41000, s1  }
0x299: {  	[tilespmem:s5], [sflag:$0x3] =	stream.linear.gather [hbm4b:s21+s3], $0x100, $0x38;
	[tilespmem:$0x1C100] =	vst v63  }
.Ltmp7:
0x29a: {  	s5 =	sadd.s32 $0x14500, s4;
	s21 =	sadd.s32 $0x41400, s1;
	(pc) =	sbr.rel @p0 .LBB2_16-.Ltmp7, $4  }
0x29b: {  	[tilespmem:s5], [sflag:$0x3] =	stream.linear.gather [hbm4b:s21+s3], $0x100, $0x38;
	[tilespmem:$0x1C100] =	vst v63  }
0x29c: {  	s5 =	sadd.s32 $0x14600, s4;
	s21 =	sadd.s32 $0x41800, s1  }
0x29d: {  	[tilespmem:s5], [sflag:$0x3] =	stream.linear.gather [hbm4b:s21+s3], $0x100, $0x38;
	[tilespmem:$0x1C100] =	vst v63  }
0x29e: {  	s2 =	sadd.s32 $0x2000, s2;
	s28 =	sadd.s32 $0x41C00, s1;
	s21 =	sadd.s32 $0x14700, s4  }
0x29f: {  	[tilespmem:s21], [sflag:$0x3] =	stream.linear.gather [hbm4b:s28+s3], $0x100, $0x38;
	[tilespmem:$0x1C100] =	vst v63  }
0x2a0: {  	s1 =	sadd.s32 $0x14000, s30;
	s2 =	sadd.s32 $0x40000, s0  }
0x2a1: {  	[tilespmem:s1], [sflag:$0x3] =	stream.linear.gather [hbm4b:s2+s3], $0x100, $0x38;
	[tilespmem:$0x1C100] =	vst v63  }
0x2a2: {  	s4 =	sadd.s32 $0x14100, s30;
	s5 =	sadd.s32 $0x40400, s0  }
0x2a3: {  	[tilespmem:s4], [sflag:$0x3] =	stream.linear.gather [hbm4b:s5+s3], $0x100, $0x38;
	[tilespmem:$0x1C100] =	vst v63  }
0x2a4: {  	s21 =	sadd.s32 $0x14200, s30;
	s28 =	sadd.s32 $0x40800, s0  }
0x2a5: {  	[tilespmem:s21], [sflag:$0x3] =	stream.linear.gather [hbm4b:s28+s3], $0x100, $0x38;
	[tilespmem:$0x1C100] =	vst v63  }
0x2a6: {  	s4 =	sadd.s32 $0x14300, s30;
	s5 =	sadd.s32 $0x40C00, s0  }
0x2a7: {  	[tilespmem:s4], [sflag:$0x3] =	stream.linear.gather [hbm4b:s5+s3], $0x100, $0x38;
	[tilespmem:$0x1C100] =	vst v63  }
0x2a8: {  	s21 =	sadd.s32 $0x14400, s30;
	s28 =	sadd.s32 $0x41000, s0  }
0x2a9: {  	[tilespmem:s21], [sflag:$0x3] =	stream.linear.gather [hbm4b:s28+s3], $0x100, $0x38;
	[tilespmem:$0x1C100] =	vst v63  }
0x2aa: {  	s4 =	sadd.s32 $0x14500, s30;
	s5 =	sadd.s32 $0x41400, s0  }
0x2ab: {  	[tilespmem:s4], [sflag:$0x3] =	stream.linear.gather [hbm4b:s5+s3], $0x100, $0x38;
	[tilespmem:$0x1C100] =	vst v63  }
0x2ac: {  	s21 =	sadd.s32 $0x14600, s30;
	s28 =	sadd.s32 $0x41800, s0  }
0x2ad: {  	[tilespmem:s21], [sflag:$0x3] =	stream.linear.gather [hbm4b:s28+s3], $0x100, $0x38;
	[tilespmem:$0x1C100] =	vst v63  }
0x2ae: {  	s4 =	sadd.s32 $0x14700, s30;
	s5 =	sadd.s32 $0x41C00, s0  }
0x2af: {  	[tilespmem:s4], [sflag:$0x3] =	stream.linear.gather [hbm4b:s5+s3], $0x100, $0x38;
	[tilespmem:$0x1C100] =	vst v63  }
0x2b0: {  	_ =	swait.ge [sflag:s25], $0x8000  }
0x2b1: {  	[sflag:s25] =	ssyncset.done $0x0  }
0x2b2: {  	[sflag:s25] =	ssyncadd.s32 $0xFFFF8000  }
0x2b3: {  	_ =	swait.ge [sflag:s26], $0x4000  }
0x2b4: {  	[sflag:s26] =	ssyncset.done $0x0  }
0x2b5: {  	s21 =	simm.s32 $0x18100;
	[sflag:s26] =	ssyncadd.s32 $0xFFFFC000  }
0x2b6: {  	v16 =	vld [tilespmem:s21+$0x0]  }
0x2b7: {  	v17 =	vld [tilespmem:s21+$0x10]  }
0x2b8: {  	v18 =	vld [tilespmem:s21+$0x20]  }
0x2b9: {  	v19 =	vld [tilespmem:s21+$0x30]  }
0x2ba: {  	v20 =	vld [tilespmem:s21+$0x40]  }
0x2bb: {  	v21 =	vld [tilespmem:s21+$0x50]  }
0x2bc: {  	v22 =	vld [tilespmem:s21+$0x60]  }
0x2bd: {  	v23 =	vld [tilespmem:s21+$0x70]  }
0x2be: {  	v24 =	vld [tilespmem:s21+$0x80]  }
0x2bf: {  	v25 =	vld [tilespmem:s21+$0x90]  }
0x2c0: {  	v26 =	vld [tilespmem:s21+$0xA0]  }
0x2c1: {  	v27 =	vld [tilespmem:s21+$0xB0]  }
0x2c2: {  	v28 =	vld [tilespmem:s21+$0xC0]  }
0x2c3: {  	v29 =	vld [tilespmem:s21+$0xD0]  }
0x2c4: {  	v30 =	vld [tilespmem:s21+$0xE0]  }
0x2c5: {  	v31 =	vld [tilespmem:s21+$0xF0]  }
0x2c6: {  	v32 =	vld [tilespmem:s21+$0xFFFFFF00]  }
0x2c7: {  	v33 =	vld [tilespmem:s21+$0xFFFFFF10]  }
0x2c8: {  	v34 =	vld [tilespmem:s21+$0xFFFFFF20]  }
0x2c9: {  	v35 =	vld [tilespmem:s21+$0xFFFFFF30]  }
0x2ca: {  	v36 =	vld [tilespmem:s21+$0xFFFFFF40]  }
0x2cb: {  	v37 =	vld [tilespmem:s21+$0xFFFFFF50]  }
0x2cc: {  	v38 =	vld [tilespmem:s21+$0xFFFFFF60]  }
0x2cd: {  	v39 =	vld [tilespmem:s21+$0xFFFFFF70]  }
0x2ce: {  	v40 =	vld [tilespmem:s21+$0xFFFFFF80]  }
0x2cf: {  	v41 =	vld [tilespmem:s21+$0xFFFFFF90]  }
0x2d0: {  	s28 =	simm.s32 $0x200;
	v42 =	vld [tilespmem:s21+$0xFFFFFFA0]  }
0x2d1: {  	v43 =	vld [tilespmem:s21+$0xFFFFFFB0];
	v16 =	vadd.s32 s28, v16  }
0x2d2: {  	v44 =	vld [tilespmem:s21+$0xFFFFFFC0];
	v17 =	vadd.s32 s28, v17  }
0x2d3: {  	v45 =	vld [tilespmem:s21+$0xFFFFFFD0];
	v18 =	vadd.s32 s28, v18  }
0x2d4: {  	s30 =	simm.s32 $0x0;
	v46 =	vld [tilespmem:s21+$0xFFFFFFE0];
	v19 =	vadd.s32 s28, v19  }
0x2d5: {  	v47 =	vld [tilespmem:s21+$0xFFFFFFF0];
	v53 =	vadd.s32 s30, v38  }
0x2d6: {  	v20 =	vadd.s32 s28, v20;
	v48 =	vld.idx.msk [tilespmem:v16+s20+$0x0], $0xffff  }
0x2d7: {  	v16 =	vadd.s32 s28, v21;
	v49 =	vld.idx.msk [tilespmem:v17+s20+$0x0], $0xffff  }
0x2d8: {  	v17 =	vadd.s32 s28, v22;
	v50 =	vld.idx.msk [tilespmem:v18+s20+$0x0], $0xffff  }
0x2d9: {  	v62 =	vadd.s32 s30, v34;
	v21 =	vmov s28;
	v18 =	vadd.s32 s28, v23;
	v23 =	vld.idx.msk [tilespmem:v19+s20+$0x0], $0xffff  }
0x2da: {  	v63 =	vadd.s32 s30, v35;
	v35 =	vld.idx.msk [tilespmem:v53+s20+$0x0], $0xffff;
	v22 =	vor.u32 $0x100, v21  }
0x2db: {  	v19 =	vadd.s32 v22, v24;
	v24 =	vld.idx.msk [tilespmem:v20+s20+$0x0], $0xffff  }
0x2dc: {  	v51 =	vld.idx.msk [tilespmem:v16+s20+$0x0], $0xffff;
	v16 =	vadd.s32 v22, v26  }
0x2dd: {  	v52 =	vld.idx.msk [tilespmem:v17+s20+$0x0], $0xffff;
	v17 =	vadd.s32 v22, v27  }
0x2de: {  	v20 =	vadd.s32 v22, v25;
	v25 =	vadd.s32 v22, v28;
	v28 =	vadd.s32 s30, v32;
	v32 =	vld.idx.msk [tilespmem:v62+s20+$0x0], $0xffff  }
0x2df: {  	v27 =	vld.idx.msk [tilespmem:v18+s20+$0x0], $0xffff;
	v26 =	vadd.s32 v22, v29  }
0x2e0: {  	v18 =	vld.idx.msk [tilespmem:v19+s20+$0x0], $0xffff  }
0x2e1: {  	v19 =	vld.idx.msk [tilespmem:v16+s20+$0x0], $0xffff  }
0x2e2: {  	v29 =	vadd.s32 s30, v33;
	v21 =	vld.idx.msk [tilespmem:v17+s20+$0x0], $0xffff  }
0x2e3: {  	v16 =	vld.idx.msk [tilespmem:v25+s20+$0x0], $0xffff  }
0x2e4: {  	v54 =	vadd.s32 s30, v39;
	v17 =	vld.idx.msk [tilespmem:v26+s20+$0x0], $0xffff  }
0x2e5: {  	v25 =	vadd.s32 s30, v36;
	v26 =	vld.idx.msk [tilespmem:v28+s20+$0x0], $0xffff;
	v28 =	vadd.s32 s30, v37;
	v37 =	vmov s30  }
0x2e6: {  	v33 =	vld.idx.msk [tilespmem:v63+s20+$0x0], $0xffff;
	v34 =	vor.u32 $0x100, v37  }
0x2e7: {  	v29 =	vld.idx.msk [tilespmem:v29+s20+$0x0], $0xffff;
	v55 =	vadd.s32 v34, v40  }
0x2e8: {  	v20 =	vld.idx.msk [tilespmem:v20+s20+$0x0], $0xffff;
	v56 =	vadd.s32 v34, v41  }
0x2e9: {  	v36 =	vld.idx.msk [tilespmem:v54+s20+$0x0], $0xffff;
	v57 =	vadd.s32 v34, v42  }
0x2ea: {  	v58 =	vadd.s32 v34, v43;
	v25 =	vld.idx.msk [tilespmem:v25+s20+$0x0], $0xffff  }
0x2eb: {  	v8 =	vadd.f32 v32, v8;
	v59 =	vadd.s32 v34, v44;
	v28 =	vld.idx.msk [tilespmem:v28+s20+$0x0], $0xffff  }
0x2ec: {  	v10 =	vadd.f32 v26, v10;
	v11 =	vadd.f32 v29, v11;
	v26 =	vadd.s32 v34, v45;
	v29 =	vld.idx.msk [tilespmem:v55+s20+$0x0], $0xffff  }
0x2ed: {  	v2 =	vadd.f32 v35, v2;
	v9 =	vadd.f32 v33, v9;
	v61 =	vadd.s32 v34, v46;
	v60 =	vld.idx.msk [tilespmem:v56+s20+$0x0], $0xffff  }
0x2ee: {  	v8 =	vadd.f32 v50, v8;
	v34 =	vadd.s32 v34, v47;
	v62 =	vld.idx.msk [tilespmem:v57+s20+$0x0], $0xffff  }
0x2ef: {  	v30 =	vadd.s32 v22, v30;
	v2 =	vadd.f32 v52, v2;
	v9 =	vadd.f32 v23, v9;
	v63 =	vld.idx.msk [tilespmem:v58+s20+$0x0], $0xffff  }
0x2f0: {  	v3 =	vadd.f32 v36, v3;
	v23 =	vld.idx.msk [tilespmem:v59+s20+$0x0], $0xffff;
	v7 =	vadd.f32 v28, v7;
	v28 =	vadd.s32 v22, v31  }
0x2f1: {  	v10 =	vadd.f32 v48, v10;
	v6 =	vadd.f32 v25, v6;
	v25 =	vld.idx.msk [tilespmem:v26+s20+$0x0], $0xffff  }
0x2f2: {  	v11 =	vadd.f32 v49, v11;
	v3 =	vadd.f32 v27, v3;
	v22 =	vld.idx.msk [tilespmem:v61+s20+$0x0], $0xffff  }
0x2f3: {  	v26 =	vld.idx.msk [tilespmem:v34+s20+$0x0], $0xffff;
	v6 =	vadd.f32 v24, v6;
	v7 =	vadd.f32 v51, v7  }
0x2f4: {  	v12 =	vadd.f32 v29, v12;
	v13 =	vadd.f32 v60, v13;
	v24 =	vld.idx.msk [tilespmem:v30+s20+$0x0], $0xffff  }
0x2f5: {  	s31 =	simm.s32 $0x0;
	s0 =	simm.s32 $0x18300;
	v14 =	vadd.f32 v62, v14;
	v15 =	vadd.f32 v63, v15;
	v27 =	vld.idx.msk [tilespmem:v28+s20+$0x0], $0xffff  }
.LBB2_18:
0x2f6: {  	v28 =	vld [tilespmem:s0+$0x0];
	v12 =	vadd.f32 v18, v12;
	v13 =	vadd.f32 v20, v13  }
0x2f7: {  	v18 =	vld [tilespmem:s0+$0x10];
	v14 =	vadd.f32 v19, v14;
	v15 =	vadd.f32 v21, v15  }
0x2f8: {  	v0 =	vadd.f32 v23, v0;
	v1 =	vadd.f32 v25, v1;
	v19 =	vld [tilespmem:s0+$0x20]  }
0x2f9: {  	v4 =	vadd.f32 v22, v4;
	v5 =	vadd.f32 v26, v5;
	v20 =	vld [tilespmem:s0+$0x30]  }
0x2fa: {  	v0 =	vadd.f32 v16, v0;
	v1 =	vadd.f32 v17, v1;
	v21 =	vld [tilespmem:s0+$0x40]  }
0x2fb: {  	v4 =	vadd.f32 v24, v4;
	v5 =	vadd.f32 v27, v5;
	v16 =	vld [tilespmem:s0+$0x50]  }
0x2fc: {  	v17 =	vld [tilespmem:s0+$0x60]  }
0x2fd: {  	v24 =	vld [tilespmem:s0+$0x70]  }
0x2fe: {  	v25 =	vld [tilespmem:s0+$0x80]  }
0x2ff: {  	v26 =	vld [tilespmem:s0+$0x90]  }
0x300: {  	v27 =	vld [tilespmem:s0+$0xA0]  }
0x301: {  	v29 =	vld [tilespmem:s0+$0xB0]  }
0x302: {  	v30 =	vld [tilespmem:s0+$0xC0]  }
0x303: {  	v31 =	vld [tilespmem:s0+$0xD0]  }
0x304: {  	v23 =	vld [tilespmem:s0+$0xE0]  }
0x305: {  	v22 =	vld [tilespmem:s0+$0xF0]  }
0x306: {  	v32 =	vld [tilespmem:s0+$0xFFFFFF00]  }
0x307: {  	v33 =	vld [tilespmem:s0+$0xFFFFFF10]  }
0x308: {  	v34 =	vld [tilespmem:s0+$0xFFFFFF20]  }
0x309: {  	v35 =	vld [tilespmem:s0+$0xFFFFFF30]  }
0x30a: {  	v36 =	vld [tilespmem:s0+$0xFFFFFF40]  }
0x30b: {  	v37 =	vld [tilespmem:s0+$0xFFFFFF50]  }
0x30c: {  	v38 =	vld [tilespmem:s0+$0xFFFFFF60]  }
0x30d: {  	v39 =	vld [tilespmem:s0+$0xFFFFFF70]  }
0x30e: {  	v40 =	vld [tilespmem:s0+$0xFFFFFF80]  }
0x30f: {  	s30 =	sadd.s32 $0x400, s30;
	v41 =	vld [tilespmem:s0+$0xFFFFFF90]  }
0x310: {  	s1 =	sadd.s32 $0x200, s30;
	v42 =	vld [tilespmem:s0+$0xFFFFFFA0]  }
0x311: {  	v28 =	vadd.s32 s1, v28;
	v43 =	vld [tilespmem:s0+$0xFFFFFFB0]  }
0x312: {  	v18 =	vadd.s32 s1, v18;
	v44 =	vld [tilespmem:s0+$0xFFFFFFC0]  }
0x313: {  	v19 =	vadd.s32 s1, v19;
	v45 =	vld [tilespmem:s0+$0xFFFFFFD0]  }
0x314: {  	v20 =	vadd.s32 s1, v20;
	v46 =	vld [tilespmem:s0+$0xFFFFFFE0]  }
0x315: {  	v21 =	vadd.s32 s1, v21;
	v47 =	vld [tilespmem:s0+$0xFFFFFFF0]  }
0x316: {  	v16 =	vadd.s32 s1, v16;
	v28 =	vld.idx.msk [tilespmem:v28+s20+$0x0], $0xffff  }
0x317: {  	v48 =	vmov s1;
	v17 =	vadd.s32 s1, v17;
	v49 =	vld.idx.msk [tilespmem:v18+s20+$0x0], $0xffff  }
0x318: {  	v48 =	vor.u32 $0x100, v48;
	v18 =	vadd.s32 s1, v24;
	v50 =	vld.idx.msk [tilespmem:v19+s20+$0x0], $0xffff  }
0x319: {  	v19 =	vadd.s32 v48, v25;
	v24 =	vld.idx.msk [tilespmem:v20+s20+$0x0], $0xffff  }
0x31a: {  	v20 =	vadd.s32 v48, v26;
	v51 =	vld.idx.msk [tilespmem:v21+s20+$0x0], $0xffff  }
0x31b: {  	v26 =	vld.idx.msk [tilespmem:v16+s20+$0x0], $0xffff;
	v16 =	vadd.s32 v48, v27  }
0x31c: {  	v27 =	vld.idx.msk [tilespmem:v17+s20+$0x0], $0xffff;
	v17 =	vadd.s32 v48, v29  }
0x31d: {  	v25 =	vadd.s32 v48, v30;
	v29 =	vld.idx.msk [tilespmem:v18+s20+$0x0], $0xffff  }
0x31e: {  	v30 =	vadd.s32 v48, v31;
	v18 =	vld.idx.msk [tilespmem:v19+s20+$0x0], $0xffff  }
0x31f: {  	v31 =	vadd.s32 s30, v32;
	v20 =	vld.idx.msk [tilespmem:v20+s20+$0x0], $0xffff  }
0x320: {  	v32 =	vadd.s32 s30, v33;
	v19 =	vld.idx.msk [tilespmem:v16+s20+$0x0], $0xffff  }
0x321: {  	v33 =	vadd.s32 s30, v34;
	v21 =	vld.idx.msk [tilespmem:v17+s20+$0x0], $0xffff  }
0x322: {  	v34 =	vadd.s32 s30, v35;
	v16 =	vld.idx.msk [tilespmem:v25+s20+$0x0], $0xffff  }
0x323: {  	v25 =	vadd.s32 s30, v36;
	v17 =	vld.idx.msk [tilespmem:v30+s20+$0x0], $0xffff  }
0x324: {  	v30 =	vld.idx.msk [tilespmem:v31+s20+$0x0], $0xffff;
	v31 =	vadd.s32 s30, v37  }
0x325: {  	v35 =	vmov s30;
	v36 =	vadd.s32 s30, v38;
	v32 =	vld.idx.msk [tilespmem:v32+s20+$0x0], $0xffff  }
0x326: {  	v35 =	vor.u32 $0x100, v35;
	v37 =	vadd.s32 s30, v39;
	v33 =	vld.idx.msk [tilespmem:v33+s20+$0x0], $0xffff  }
0x327: {  	v38 =	vadd.s32 v35, v40;
	v34 =	vld.idx.msk [tilespmem:v34+s20+$0x0], $0xffff  }
0x328: {  	v39 =	vadd.s32 v35, v41;
	v25 =	vld.idx.msk [tilespmem:v25+s20+$0x0], $0xffff  }
0x329: {  	s31 =	sadd.s32 $0x2, s31;
	v40 =	vadd.s32 v35, v42;
	v31 =	vld.idx.msk [tilespmem:v31+s20+$0x0], $0xffff  }
0x32a: {  	p0 =	slt.u32 s31, $0x3E;
	v41 =	vadd.s32 v35, v43;
	v36 =	vld.idx.msk [tilespmem:v36+s20+$0x0], $0xffff  }
0x32b: {  	v42 =	vadd.s32 v35, v44;
	v37 =	vld.idx.msk [tilespmem:v37+s20+$0x0], $0xffff  }
0x32c: {  	v10 =	vadd.f32 v30, v10;
	v11 =	vadd.f32 v32, v11;
	v32 =	vadd.s32 v35, v45;
	v30 =	vld.idx.msk [tilespmem:v38+s20+$0x0], $0xffff  }
0x32d: {  	v8 =	vadd.f32 v33, v8;
	v9 =	vadd.f32 v34, v9;
	v34 =	vadd.s32 v35, v46;
	v33 =	vld.idx.msk [tilespmem:v39+s20+$0x0], $0xffff  }
0x32e: {  	v10 =	vadd.f32 v28, v10;
	v35 =	vadd.s32 v35, v47;
	v11 =	vadd.f32 v49, v11;
	v38 =	vld.idx.msk [tilespmem:v40+s20+$0x0], $0xffff  }
0x32f: {  	v8 =	vadd.f32 v50, v8;
	v9 =	vadd.f32 v24, v9;
	v24 =	vadd.s32 v48, v23;
	v28 =	vld.idx.msk [tilespmem:v41+s20+$0x0], $0xffff  }
0x330: {  	v6 =	vadd.f32 v25, v6;
	v7 =	vadd.f32 v31, v7;
	v31 =	vadd.s32 v48, v22;
	v23 =	vld.idx.msk [tilespmem:v42+s20+$0x0], $0xffff  }
.Ltmp8:
0x331: {  	v2 =	vadd.f32 v36, v2;
	v3 =	vadd.f32 v37, v3;
	v25 =	vld.idx.msk [tilespmem:v32+s20+$0x0], $0xffff;
	(pc) =	sbr.rel @p0 .LBB2_18-.Ltmp8, $4  }
0x332: {  	v6 =	vadd.f32 v51, v6;
	v7 =	vadd.f32 v26, v7;
	v22 =	vld.idx.msk [tilespmem:v34+s20+$0x0], $0xffff  }
0x333: {  	v2 =	vadd.f32 v27, v2;
	v3 =	vadd.f32 v29, v3;
	v26 =	vld.idx.msk [tilespmem:v35+s20+$0x0], $0xffff  }
0x334: {  	v12 =	vadd.f32 v30, v12;
	v13 =	vadd.f32 v33, v13;
	v24 =	vld.idx.msk [tilespmem:v24+s20+$0x0], $0xffff  }
0x335: {  	s0 =	sadd.s32 $0x200, s0;
	v14 =	vadd.f32 v38, v14;
	v15 =	vadd.f32 v28, v15;
	v27 =	vld.idx.msk [tilespmem:v31+s20+$0x0], $0xffff  }
0x336: {  	[tilespmem:s20], [sflag:$0x2] =	stream.linear.gather [spmem:s11], $0x8000, $0x38;
	[tilespmem:$0x1C100] =	vst v63  }
0x337: {  	s1 =	sadd.s32 $0x0, s16  }
0x338: {  	s0 =	simm.s32 $0x18000;
	s2 =	sadd.s32 $0x50000, s1  }
0x339: {  	[tilespmem:s0], [sflag:$0x4] =	stream.linear.gather [hbm4b:s2+s3], $0x100, $0x38;
	[tilespmem:$0x1C100] =	vst v63  }
0x33a: {  	s4 =	sadd.s32 $0x50400, s1;
	s2 =	simm.s32 $0x18100  }
0x33b: {  	[tilespmem:s2], [sflag:$0x4] =	stream.linear.gather [hbm4b:s4+s3], $0x100, $0x38;
	[tilespmem:$0x1C100] =	vst v63  }
0x33c: {  	s5 =	simm.s32 $0x18200;
	s21 =	sadd.s32 $0x50800, s1  }
0x33d: {  	[tilespmem:s5], [sflag:$0x4] =	stream.linear.gather [hbm4b:s21+s3], $0x100, $0x38;
	[tilespmem:$0x1C100] =	vst v63  }
0x33e: {  	s2 =	simm.s32 $0x18300;
	s4 =	sadd.s32 $0x50C00, s1  }
0x33f: {  	[tilespmem:s2], [sflag:$0x4] =	stream.linear.gather [hbm4b:s4+s3], $0x100, $0x38;
	[tilespmem:$0x1C100] =	vst v63  }
0x340: {  	s30 =	simm.s32 $0x800;
	s5 =	simm.s32 $0x18400;
	s21 =	sadd.s32 $0x51000, s1  }
0x341: {  	v12 =	vadd.f32 v18, v12;
	v13 =	vadd.f32 v20, v13;
	[tilespmem:s5], [sflag:$0x4] =	stream.linear.gather [hbm4b:s21+s3], $0x100, $0x38;
	[tilespmem:$0x1C100] =	vst v63  }
0x342: {  	v0 =	vadd.f32 v23, v0;
	v1 =	vadd.f32 v25, v1;
	s31 =	simm.s32 $0x8;
	s2 =	simm.s32 $0x18500;
	s4 =	sadd.s32 $0x51400, s1  }
0x343: {  	v14 =	vadd.f32 v19, v14;
	v15 =	vadd.f32 v21, v15;
	[tilespmem:s2], [sflag:$0x4] =	stream.linear.gather [hbm4b:s4+s3], $0x100, $0x38;
	[tilespmem:$0x1C100] =	vst v63  }
0x344: {  	v4 =	vadd.f32 v22, v4;
	s28 =	sadd.s32 $0x51C00, s1;
	v5 =	vadd.f32 v26, v5;
	s5 =	simm.s32 $0x18600;
	s21 =	sadd.s32 $0x51800, s1  }
0x345: {  	v0 =	vadd.f32 v16, v0;
	v1 =	vadd.f32 v17, v1;
	[tilespmem:s5], [sflag:$0x4] =	stream.linear.gather [hbm4b:s21+s3], $0x100, $0x38;
	[tilespmem:$0x1C100] =	vst v63  }
0x346: {  	s0 =	sadd.s32 $0x2000, s16;
	v4 =	vadd.f32 v24, v4;
	v5 =	vadd.f32 v27, v5;
	s2 =	simm.s32 $0x4000;
	s21 =	simm.s32 $0x18700  }
.LBB2_20:
0x347: {  	[tilespmem:s21], [sflag:$0x4] =	stream.linear.gather [hbm4b:s28+s3], $0x100, $0x38;
	[tilespmem:$0x1C100] =	vst v63  }
0x348: {  	s1 =	smov.u32 s0;
	s4 =	smov.u32 s30  }
0x349: {  	s0 =	sadd.s32 s2, s16;
	s5 =	sadd.s32 $0x18000, s4;
	s21 =	sadd.s32 $0x50000, s1  }
0x34a: {  	[tilespmem:s5], [sflag:$0x4] =	stream.linear.gather [hbm4b:s21+s3], $0x100, $0x38;
	[tilespmem:$0x1C100] =	vst v63  }
0x34b: {  	s30 =	sshra.s32 s2, $0x2;
	s5 =	sadd.s32 $0x18100, s4;
	s21 =	sadd.s32 $0x50400, s1  }
0x34c: {  	[tilespmem:s5], [sflag:$0x4] =	stream.linear.gather [hbm4b:s21+s3], $0x100, $0x38;
	[tilespmem:$0x1C100] =	vst v63  }
0x34d: {  	s31 =	sadd.s32 $0x8, s31;
	s5 =	sadd.s32 $0x18200, s4;
	s21 =	sadd.s32 $0x50800, s1  }
0x34e: {  	[tilespmem:s5], [sflag:$0x4] =	stream.linear.gather [hbm4b:s21+s3], $0x100, $0x38;
	[tilespmem:$0x1C100] =	vst v63  }
0x34f: {  	p0 =	slt.u32 s31, $0x38;
	s5 =	sadd.s32 $0x18300, s4;
	s21 =	sadd.s32 $0x50C00, s1  }
0x350: {  	[tilespmem:s5], [sflag:$0x4] =	stream.linear.gather [hbm4b:s21+s3], $0x100, $0x38;
	[tilespmem:$0x1C100] =	vst v63  }
0x351: {  	s5 =	sadd.s32 $0x18400, s4;
	s21 =	sadd.s32 $0x51000, s1  }
0x352: {  	[tilespmem:s5], [sflag:$0x4] =	stream.linear.gather [hbm4b:s21+s3], $0x100, $0x38;
	[tilespmem:$0x1C100] =	vst v63  }
.Ltmp9:
0x353: {  	s5 =	sadd.s32 $0x18500, s4;
	s21 =	sadd.s32 $0x51400, s1;
	(pc) =	sbr.rel @p0 .LBB2_20-.Ltmp9, $4  }
0x354: {  	[tilespmem:s5], [sflag:$0x4] =	stream.linear.gather [hbm4b:s21+s3], $0x100, $0x38;
	[tilespmem:$0x1C100] =	vst v63  }
0x355: {  	s5 =	sadd.s32 $0x18600, s4;
	s21 =	sadd.s32 $0x51800, s1  }
0x356: {  	[tilespmem:s5], [sflag:$0x4] =	stream.linear.gather [hbm4b:s21+s3], $0x100, $0x38;
	[tilespmem:$0x1C100] =	vst v63  }
0x357: {  	s2 =	sadd.s32 $0x2000, s2;
	s28 =	sadd.s32 $0x51C00, s1;
	s21 =	sadd.s32 $0x18700, s4  }
0x358: {  	[tilespmem:s21], [sflag:$0x4] =	stream.linear.gather [hbm4b:s28+s3], $0x100, $0x38;
	[tilespmem:$0x1C100] =	vst v63  }
0x359: {  	s1 =	sadd.s32 $0x18000, s30;
	s2 =	sadd.s32 $0x50000, s0  }
0x35a: {  	[tilespmem:s1], [sflag:$0x4] =	stream.linear.gather [hbm4b:s2+s3], $0x100, $0x38;
	[tilespmem:$0x1C100] =	vst v63  }
0x35b: {  	s4 =	sadd.s32 $0x18100, s30;
	s5 =	sadd.s32 $0x50400, s0  }
0x35c: {  	[tilespmem:s4], [sflag:$0x4] =	stream.linear.gather [hbm4b:s5+s3], $0x100, $0x38;
	[tilespmem:$0x1C100] =	vst v63  }
0x35d: {  	s21 =	sadd.s32 $0x18200, s30;
	s28 =	sadd.s32 $0x50800, s0  }
0x35e: {  	[tilespmem:s21], [sflag:$0x4] =	stream.linear.gather [hbm4b:s28+s3], $0x100, $0x38;
	[tilespmem:$0x1C100] =	vst v63  }
0x35f: {  	s4 =	sadd.s32 $0x18300, s30;
	s5 =	sadd.s32 $0x50C00, s0  }
0x360: {  	[tilespmem:s4], [sflag:$0x4] =	stream.linear.gather [hbm4b:s5+s3], $0x100, $0x38;
	[tilespmem:$0x1C100] =	vst v63  }
0x361: {  	s21 =	sadd.s32 $0x18400, s30;
	s28 =	sadd.s32 $0x51000, s0  }
0x362: {  	[tilespmem:s21], [sflag:$0x4] =	stream.linear.gather [hbm4b:s28+s3], $0x100, $0x38;
	[tilespmem:$0x1C100] =	vst v63  }
0x363: {  	s4 =	sadd.s32 $0x18500, s30;
	s5 =	sadd.s32 $0x51400, s0  }
0x364: {  	[tilespmem:s4], [sflag:$0x4] =	stream.linear.gather [hbm4b:s5+s3], $0x100, $0x38;
	[tilespmem:$0x1C100] =	vst v63  }
0x365: {  	s21 =	sadd.s32 $0x18600, s30;
	s28 =	sadd.s32 $0x51800, s0  }
0x366: {  	[tilespmem:s21], [sflag:$0x4] =	stream.linear.gather [hbm4b:s28+s3], $0x100, $0x38;
	[tilespmem:$0x1C100] =	vst v63  }
0x367: {  	s4 =	sadd.s32 $0x18700, s30;
	s5 =	sadd.s32 $0x51C00, s0  }
0x368: {  	[tilespmem:s4], [sflag:$0x4] =	stream.linear.gather [hbm4b:s5+s3], $0x100, $0x38;
	[tilespmem:$0x1C100] =	vst v63  }
0x369: {  	_ =	swait.ge [sflag:s23], $0x8000  }
0x36a: {  	[sflag:s23] =	ssyncset.done $0x0  }
0x36b: {  	[sflag:s23] =	ssyncadd.s32 $0xFFFF8000  }
0x36c: {  	_ =	swait.ge [sflag:s24], $0x4000  }
0x36d: {  	[sflag:s24] =	ssyncset.done $0x0  }
0x36e: {  	s21 =	simm.s32 $0x14100;
	[sflag:s24] =	ssyncadd.s32 $0xFFFFC000  }
0x36f: {  	v16 =	vld [tilespmem:s21+$0x0]  }
0x370: {  	v17 =	vld [tilespmem:s21+$0x10]  }
0x371: {  	v18 =	vld [tilespmem:s21+$0x20]  }
0x372: {  	v19 =	vld [tilespmem:s21+$0x30]  }
0x373: {  	v20 =	vld [tilespmem:s21+$0x40]  }
0x374: {  	v21 =	vld [tilespmem:s21+$0x50]  }
0x375: {  	v22 =	vld [tilespmem:s21+$0x60]  }
0x376: {  	v23 =	vld [tilespmem:s21+$0x70]  }
0x377: {  	v24 =	vld [tilespmem:s21+$0x80]  }
0x378: {  	v25 =	vld [tilespmem:s21+$0x90]  }
0x379: {  	v26 =	vld [tilespmem:s21+$0xA0]  }
0x37a: {  	v27 =	vld [tilespmem:s21+$0xB0]  }
0x37b: {  	v28 =	vld [tilespmem:s21+$0xC0]  }
0x37c: {  	v29 =	vld [tilespmem:s21+$0xD0]  }
0x37d: {  	v30 =	vld [tilespmem:s21+$0xE0]  }
0x37e: {  	v31 =	vld [tilespmem:s21+$0xF0]  }
0x37f: {  	v32 =	vld [tilespmem:s21+$0xFFFFFF00]  }
0x380: {  	v33 =	vld [tilespmem:s21+$0xFFFFFF10]  }
0x381: {  	v34 =	vld [tilespmem:s21+$0xFFFFFF20]  }
0x382: {  	v35 =	vld [tilespmem:s21+$0xFFFFFF30]  }
0x383: {  	v36 =	vld [tilespmem:s21+$0xFFFFFF40]  }
0x384: {  	v37 =	vld [tilespmem:s21+$0xFFFFFF50]  }
0x385: {  	v38 =	vld [tilespmem:s21+$0xFFFFFF60]  }
0x386: {  	v39 =	vld [tilespmem:s21+$0xFFFFFF70]  }
0x387: {  	v40 =	vld [tilespmem:s21+$0xFFFFFF80]  }
0x388: {  	v41 =	vld [tilespmem:s21+$0xFFFFFF90]  }
0x389: {  	s28 =	simm.s32 $0x200;
	v42 =	vld [tilespmem:s21+$0xFFFFFFA0]  }
0x38a: {  	v43 =	vld [tilespmem:s21+$0xFFFFFFB0];
	v16 =	vadd.s32 s28, v16  }
0x38b: {  	v44 =	vld [tilespmem:s21+$0xFFFFFFC0];
	v17 =	vadd.s32 s28, v17  }
0x38c: {  	v45 =	vld [tilespmem:s21+$0xFFFFFFD0];
	v18 =	vadd.s32 s28, v18  }
0x38d: {  	s30 =	simm.s32 $0x0;
	v46 =	vld [tilespmem:s21+$0xFFFFFFE0];
	v19 =	vadd.s32 s28, v19  }
0x38e: {  	v47 =	vld [tilespmem:s21+$0xFFFFFFF0];
	v55 =	vadd.s32 s30, v39  }
0x38f: {  	v20 =	vadd.s32 s28, v20;
	v48 =	vld.idx.msk [tilespmem:v16+s19+$0x0], $0xffff  }
0x390: {  	v62 =	vadd.s32 s30, v36;
	v49 =	vld.idx.msk [tilespmem:v17+s19+$0x0], $0xffff  }
0x391: {  	v16 =	vadd.s32 s28, v21;
	v50 =	vld.idx.msk [tilespmem:v18+s19+$0x0], $0xffff  }
0x392: {  	v21 =	vmov s28;
	v17 =	vadd.s32 s28, v22;
	v18 =	vadd.s32 s28, v23;
	v23 =	vld.idx.msk [tilespmem:v19+s19+$0x0], $0xffff  }
0x393: {  	v36 =	vld.idx.msk [tilespmem:v55+s19+$0x0], $0xffff;
	v22 =	vor.u32 $0x100, v21  }
0x394: {  	v63 =	vadd.s32 s30, v37;
	v19 =	vadd.s32 v22, v24;
	v24 =	vld.idx.msk [tilespmem:v20+s19+$0x0], $0xffff  }
0x395: {  	v21 =	vadd.s32 v22, v26;
	v26 =	vadd.s32 s30, v32;
	v32 =	vld.idx.msk [tilespmem:v62+s19+$0x0], $0xffff  }
0x396: {  	v20 =	vadd.s32 v22, v25;
	v51 =	vld.idx.msk [tilespmem:v16+s19+$0x0], $0xffff  }
0x397: {  	v52 =	vld.idx.msk [tilespmem:v17+s19+$0x0], $0xffff  }
0x398: {  	v25 =	vadd.s32 v22, v27;
	v27 =	vld.idx.msk [tilespmem:v18+s19+$0x0], $0xffff  }
0x399: {  	v18 =	vadd.s32 v22, v28;
	v28 =	vadd.s32 s30, v33;
	v33 =	vld.idx.msk [tilespmem:v63+s19+$0x0], $0xffff  }
0x39a: {  	v54 =	vadd.s32 s30, v38;
	v16 =	vld.idx.msk [tilespmem:v19+s19+$0x0], $0xffff  }
0x39b: {  	v30 =	vadd.s32 v22, v30;
	v20 =	vld.idx.msk [tilespmem:v20+s19+$0x0], $0xffff  }
0x39c: {  	v17 =	vld.idx.msk [tilespmem:v21+s19+$0x0], $0xffff  }
0x39d: {  	v21 =	vld.idx.msk [tilespmem:v25+s19+$0x0], $0xffff  }
0x39e: {  	v19 =	vadd.s32 v22, v29;
	v29 =	vadd.s32 s30, v34;
	v26 =	vld.idx.msk [tilespmem:v26+s19+$0x0], $0xffff;
	v6 =	vadd.f32 v32, v6  }
0x39f: {  	v53 =	vmov s30;
	v31 =	vadd.s32 v22, v31;
	v25 =	vadd.s32 s30, v35;
	v35 =	vld.idx.msk [tilespmem:v54+s19+$0x0], $0xffff  }
0x3a0: {  	v34 =	vor.u32 $0x100, v53;
	v6 =	vadd.f32 v24, v6;
	v24 =	vld.idx.msk [tilespmem:v30+s19+$0x0], $0xffff  }
0x3a1: {  	v58 =	vadd.s32 v34, v42;
	v18 =	vld.idx.msk [tilespmem:v18+s19+$0x0], $0xffff  }
0x3a2: {  	v3 =	vadd.f32 v36, v3;
	v56 =	vadd.s32 v34, v40;
	v28 =	vld.idx.msk [tilespmem:v28+s19+$0x0], $0xffff  }
0x3a3: {  	v57 =	vadd.s32 v34, v41;
	v29 =	vld.idx.msk [tilespmem:v29+s19+$0x0], $0xffff  }
0x3a4: {  	v59 =	vadd.s32 v34, v43;
	v3 =	vadd.f32 v27, v3;
	v27 =	vld.idx.msk [tilespmem:v31+s19+$0x0], $0xffff  }
0x3a5: {  	v61 =	vadd.s32 v34, v46;
	v25 =	vld.idx.msk [tilespmem:v25+s19+$0x0], $0xffff  }
0x3a6: {  	v10 =	vadd.f32 v26, v10;
	v26 =	vadd.s32 v34, v45;
	v62 =	vld.idx.msk [tilespmem:v58+s19+$0x0], $0xffff  }
0x3a7: {  	v60 =	vadd.s32 v34, v44;
	v7 =	vadd.f32 v33, v7;
	v11 =	vadd.f32 v28, v11;
	v28 =	vld.idx.msk [tilespmem:v56+s19+$0x0], $0xffff  }
0x3a8: {  	v34 =	vadd.s32 v34, v47;
	v8 =	vadd.f32 v29, v8;
	v29 =	vld.idx.msk [tilespmem:v57+s19+$0x0], $0xffff  }
0x3a9: {  	v2 =	vadd.f32 v35, v2;
	v7 =	vadd.f32 v51, v7;
	v63 =	vld.idx.msk [tilespmem:v59+s19+$0x0], $0xffff  }
0x3aa: {  	v22 =	vld.idx.msk [tilespmem:v61+s19+$0x0], $0xffff;
	v10 =	vadd.f32 v48, v10;
	v9 =	vadd.f32 v25, v9  }
0x3ab: {  	v2 =	vadd.f32 v52, v2;
	v11 =	vadd.f32 v49, v11;
	v25 =	vld.idx.msk [tilespmem:v26+s19+$0x0], $0xffff  }
0x3ac: {  	v8 =	vadd.f32 v50, v8;
	v9 =	vadd.f32 v23, v9;
	v23 =	vld.idx.msk [tilespmem:v60+s19+$0x0], $0xffff  }
0x3ad: {  	v26 =	vld.idx.msk [tilespmem:v34+s19+$0x0], $0xffff;
	v12 =	vadd.f32 v28, v12;
	v13 =	vadd.f32 v29, v13  }
0x3ae: {  	s31 =	simm.s32 $0x0;
	s0 =	simm.s32 $0x14300;
	v19 =	vld.idx.msk [tilespmem:v19+s19+$0x0], $0xffff;
	v28 =	vadd.f32 v62, v14;
	v29 =	vadd.f32 v63, v15  }
.LBB2_22:
0x3af: {  	v30 =	vld [tilespmem:s0+$0x0];
	v12 =	vadd.f32 v16, v12;
	v13 =	vadd.f32 v20, v13  }
0x3b0: {  	v16 =	vld [tilespmem:s0+$0x10];
	v14 =	vadd.f32 v17, v28;
	v15 =	vadd.f32 v21, v29  }
0x3b1: {  	v0 =	vadd.f32 v23, v0;
	v1 =	vadd.f32 v25, v1;
	v17 =	vld [tilespmem:s0+$0x20]  }
0x3b2: {  	v4 =	vadd.f32 v22, v4;
	v5 =	vadd.f32 v26, v5;
	v20 =	vld [tilespmem:s0+$0x30]  }
0x3b3: {  	v0 =	vadd.f32 v18, v0;
	v1 =	vadd.f32 v19, v1;
	v21 =	vld [tilespmem:s0+$0x40]  }
0x3b4: {  	v4 =	vadd.f32 v24, v4;
	v5 =	vadd.f32 v27, v5;
	v18 =	vld [tilespmem:s0+$0x50]  }
0x3b5: {  	v19 =	vld [tilespmem:s0+$0x60]  }
0x3b6: {  	v24 =	vld [tilespmem:s0+$0x70]  }
0x3b7: {  	v25 =	vld [tilespmem:s0+$0x80]  }
0x3b8: {  	v26 =	vld [tilespmem:s0+$0x90]  }
0x3b9: {  	v27 =	vld [tilespmem:s0+$0xA0]  }
0x3ba: {  	v28 =	vld [tilespmem:s0+$0xB0]  }
0x3bb: {  	v29 =	vld [tilespmem:s0+$0xC0]  }
0x3bc: {  	v31 =	vld [tilespmem:s0+$0xD0]  }
0x3bd: {  	v23 =	vld [tilespmem:s0+$0xE0]  }
0x3be: {  	v22 =	vld [tilespmem:s0+$0xF0]  }
0x3bf: {  	v32 =	vld [tilespmem:s0+$0xFFFFFF00]  }
0x3c0: {  	v33 =	vld [tilespmem:s0+$0xFFFFFF10]  }
0x3c1: {  	v34 =	vld [tilespmem:s0+$0xFFFFFF20]  }
0x3c2: {  	v35 =	vld [tilespmem:s0+$0xFFFFFF30]  }
0x3c3: {  	v36 =	vld [tilespmem:s0+$0xFFFFFF40]  }
0x3c4: {  	v37 =	vld [tilespmem:s0+$0xFFFFFF50]  }
0x3c5: {  	v38 =	vld [tilespmem:s0+$0xFFFFFF60]  }
0x3c6: {  	v39 =	vld [tilespmem:s0+$0xFFFFFF70]  }
0x3c7: {  	v40 =	vld [tilespmem:s0+$0xFFFFFF80]  }
0x3c8: {  	s30 =	sadd.s32 $0x400, s30;
	v41 =	vld [tilespmem:s0+$0xFFFFFF90]  }
0x3c9: {  	s1 =	sadd.s32 $0x200, s30;
	v42 =	vld [tilespmem:s0+$0xFFFFFFA0]  }
0x3ca: {  	v30 =	vadd.s32 s1, v30;
	v43 =	vld [tilespmem:s0+$0xFFFFFFB0]  }
0x3cb: {  	v16 =	vadd.s32 s1, v16;
	v44 =	vld [tilespmem:s0+$0xFFFFFFC0]  }
0x3cc: {  	v17 =	vadd.s32 s1, v17;
	v45 =	vld [tilespmem:s0+$0xFFFFFFD0]  }
0x3cd: {  	v20 =	vadd.s32 s1, v20;
	v46 =	vld [tilespmem:s0+$0xFFFFFFE0]  }
0x3ce: {  	v21 =	vadd.s32 s1, v21;
	v47 =	vld [tilespmem:s0+$0xFFFFFFF0]  }
0x3cf: {  	v18 =	vadd.s32 s1, v18;
	v30 =	vld.idx.msk [tilespmem:v30+s19+$0x0], $0xffff  }
0x3d0: {  	v48 =	vmov s1;
	v49 =	vld.idx.msk [tilespmem:v16+s19+$0x0], $0xffff;
	v16 =	vadd.s32 s1, v19  }
0x3d1: {  	v48 =	vor.u32 $0x100, v48;
	v50 =	vld.idx.msk [tilespmem:v17+s19+$0x0], $0xffff;
	v17 =	vadd.s32 s1, v24  }
0x3d2: {  	v19 =	vadd.s32 v48, v25;
	v24 =	vld.idx.msk [tilespmem:v20+s19+$0x0], $0xffff  }
0x3d3: {  	v20 =	vadd.s32 v48, v26;
	v51 =	vld.idx.msk [tilespmem:v21+s19+$0x0], $0xffff  }
0x3d4: {  	v26 =	vld.idx.msk [tilespmem:v18+s19+$0x0], $0xffff;
	v18 =	vadd.s32 v48, v27  }
0x3d5: {  	v21 =	vadd.s32 v48, v28;
	v27 =	vld.idx.msk [tilespmem:v16+s19+$0x0], $0xffff  }
0x3d6: {  	v25 =	vadd.s32 v48, v29;
	v28 =	vld.idx.msk [tilespmem:v17+s19+$0x0], $0xffff  }
0x3d7: {  	v16 =	vld.idx.msk [tilespmem:v19+s19+$0x0], $0xffff;
	v19 =	vadd.s32 v48, v31  }
0x3d8: {  	v29 =	vadd.s32 s30, v32;
	v20 =	vld.idx.msk [tilespmem:v20+s19+$0x0], $0xffff  }
0x3d9: {  	v31 =	vadd.s32 s30, v33;
	v17 =	vld.idx.msk [tilespmem:v18+s19+$0x0], $0xffff  }
0x3da: {  	v32 =	vadd.s32 s30, v34;
	v21 =	vld.idx.msk [tilespmem:v21+s19+$0x0], $0xffff  }
0x3db: {  	v33 =	vadd.s32 s30, v35;
	v18 =	vld.idx.msk [tilespmem:v25+s19+$0x0], $0xffff  }
0x3dc: {  	v25 =	vadd.s32 s30, v36;
	v19 =	vld.idx.msk [tilespmem:v19+s19+$0x0], $0xffff  }
0x3dd: {  	v34 =	vadd.s32 s30, v37;
	v29 =	vld.idx.msk [tilespmem:v29+s19+$0x0], $0xffff  }
0x3de: {  	v35 =	vmov s30;
	v36 =	vadd.s32 s30, v38;
	v31 =	vld.idx.msk [tilespmem:v31+s19+$0x0], $0xffff  }
0x3df: {  	v37 =	vadd.s32 s30, v39;
	v35 =	vor.u32 $0x100, v35;
	v32 =	vld.idx.msk [tilespmem:v32+s19+$0x0], $0xffff  }
0x3e0: {  	v38 =	vadd.s32 v35, v40;
	v33 =	vld.idx.msk [tilespmem:v33+s19+$0x0], $0xffff  }
0x3e1: {  	v39 =	vadd.s32 v35, v41;
	v25 =	vld.idx.msk [tilespmem:v25+s19+$0x0], $0xffff  }
0x3e2: {  	s31 =	sadd.s32 $0x2, s31;
	v40 =	vadd.s32 v35, v42;
	v34 =	vld.idx.msk [tilespmem:v34+s19+$0x0], $0xffff  }
0x3e3: {  	p0 =	slt.u32 s31, $0x3E;
	v41 =	vadd.s32 v35, v43;
	v36 =	vld.idx.msk [tilespmem:v36+s19+$0x0], $0xffff  }
0x3e4: {  	v42 =	vadd.s32 v35, v44;
	v37 =	vld.idx.msk [tilespmem:v37+s19+$0x0], $0xffff  }
0x3e5: {  	v10 =	vadd.f32 v29, v10;
	v11 =	vadd.f32 v31, v11;
	v31 =	vadd.s32 v35, v45;
	v29 =	vld.idx.msk [tilespmem:v38+s19+$0x0], $0xffff  }
0x3e6: {  	v8 =	vadd.f32 v32, v8;
	v9 =	vadd.f32 v33, v9;
	v33 =	vadd.s32 v35, v46;
	v32 =	vld.idx.msk [tilespmem:v39+s19+$0x0], $0xffff  }
0x3e7: {  	v10 =	vadd.f32 v30, v10;
	v35 =	vadd.s32 v35, v47;
	v11 =	vadd.f32 v49, v11;
	v38 =	vld.idx.msk [tilespmem:v40+s19+$0x0], $0xffff  }
0x3e8: {  	v8 =	vadd.f32 v50, v8;
	v9 =	vadd.f32 v24, v9;
	v24 =	vadd.s32 v48, v23;
	v30 =	vld.idx.msk [tilespmem:v41+s19+$0x0], $0xffff  }
0x3e9: {  	v6 =	vadd.f32 v25, v6;
	v7 =	vadd.f32 v34, v7;
	v34 =	vadd.s32 v48, v22;
	v23 =	vld.idx.msk [tilespmem:v42+s19+$0x0], $0xffff  }
.Ltmp10:
0x3ea: {  	v2 =	vadd.f32 v36, v2;
	v3 =	vadd.f32 v37, v3;
	v25 =	vld.idx.msk [tilespmem:v31+s19+$0x0], $0xffff;
	(pc) =	sbr.rel @p0 .LBB2_22-.Ltmp10, $4  }
0x3eb: {  	v6 =	vadd.f32 v51, v6;
	v7 =	vadd.f32 v26, v7;
	v22 =	vld.idx.msk [tilespmem:v33+s19+$0x0], $0xffff  }
0x3ec: {  	v2 =	vadd.f32 v27, v2;
	v3 =	vadd.f32 v28, v3;
	v26 =	vld.idx.msk [tilespmem:v35+s19+$0x0], $0xffff  }
0x3ed: {  	v12 =	vadd.f32 v29, v12;
	v13 =	vadd.f32 v32, v13;
	v24 =	vld.idx.msk [tilespmem:v24+s19+$0x0], $0xffff  }
0x3ee: {  	s0 =	sadd.s32 $0x200, s0;
	v28 =	vadd.f32 v38, v14;
	v29 =	vadd.f32 v30, v15;
	v27 =	vld.idx.msk [tilespmem:v34+s19+$0x0], $0xffff  }
0x3ef: {  	[tilespmem:s19], [sflag:$0x1] =	stream.linear.gather [spmem:s12], $0x8000, $0x38;
	[tilespmem:$0x1C100] =	vst v63  }
0x3f0: {  	s1 =	sadd.s32 $0x0, s16  }
0x3f1: {  	s0 =	simm.s32 $0x14000;
	s2 =	sadd.s32 $0x60000, s1  }
0x3f2: {  	[tilespmem:s0], [sflag:$0x3] =	stream.linear.gather [hbm4b:s2+s3], $0x100, $0x38;
	[tilespmem:$0x1C100] =	vst v63  }
0x3f3: {  	s4 =	sadd.s32 $0x60400, s1;
	s2 =	simm.s32 $0x14100  }
0x3f4: {  	[tilespmem:s2], [sflag:$0x3] =	stream.linear.gather [hbm4b:s4+s3], $0x100, $0x38;
	[tilespmem:$0x1C100] =	vst v63  }
0x3f5: {  	s5 =	simm.s32 $0x14200;
	s21 =	sadd.s32 $0x60800, s1  }
0x3f6: {  	[tilespmem:s5], [sflag:$0x3] =	stream.linear.gather [hbm4b:s21+s3], $0x100, $0x38;
	[tilespmem:$0x1C100] =	vst v63  }
0x3f7: {  	s2 =	simm.s32 $0x14300;
	s4 =	sadd.s32 $0x60C00, s1  }
0x3f8: {  	[tilespmem:s2], [sflag:$0x3] =	stream.linear.gather [hbm4b:s4+s3], $0x100, $0x38;
	[tilespmem:$0x1C100] =	vst v63  }
0x3f9: {  	s30 =	simm.s32 $0x800;
	s5 =	simm.s32 $0x14400;
	s21 =	sadd.s32 $0x61000, s1  }
0x3fa: {  	v14 =	vadd.f32 v16, v12;
	v15 =	vadd.f32 v20, v13;
	[tilespmem:s5], [sflag:$0x3] =	stream.linear.gather [hbm4b:s21+s3], $0x100, $0x38;
	[tilespmem:$0x1C100] =	vst v63  }
0x3fb: {  	v0 =	vadd.f32 v23, v0;
	v1 =	vadd.f32 v25, v1;
	s31 =	simm.s32 $0x8;
	s2 =	simm.s32 $0x14500;
	s4 =	sadd.s32 $0x61400, s1  }
0x3fc: {  	v16 =	vadd.f32 v17, v28;
	v17 =	vadd.f32 v21, v29;
	[tilespmem:s2], [sflag:$0x3] =	stream.linear.gather [hbm4b:s4+s3], $0x100, $0x38;
	[tilespmem:$0x1C100] =	vst v63  }
0x3fd: {  	v4 =	vadd.f32 v22, v4;
	s28 =	sadd.s32 $0x61C00, s1;
	v5 =	vadd.f32 v26, v5;
	s5 =	simm.s32 $0x14600;
	s21 =	sadd.s32 $0x61800, s1  }
0x3fe: {  	v0 =	vadd.f32 v18, v0;
	v1 =	vadd.f32 v19, v1;
	[tilespmem:s5], [sflag:$0x3] =	stream.linear.gather [hbm4b:s21+s3], $0x100, $0x38;
	[tilespmem:$0x1C100] =	vst v63  }
0x3ff: {  	s0 =	sadd.s32 $0x2000, s16;
	v4 =	vadd.f32 v24, v4;
	v5 =	vadd.f32 v27, v5;
	s2 =	simm.s32 $0x4000;
	s21 =	simm.s32 $0x14700  }
.LBB2_24:
0x400: {  	[tilespmem:s21], [sflag:$0x3] =	stream.linear.gather [hbm4b:s28+s3], $0x100, $0x38;
	[tilespmem:$0x1C100] =	vst v63  }
0x401: {  	s1 =	smov.u32 s0;
	s4 =	smov.u32 s30  }
0x402: {  	s0 =	sadd.s32 s2, s16;
	s5 =	sadd.s32 $0x14000, s4;
	s21 =	sadd.s32 $0x60000, s1  }
0x403: {  	[tilespmem:s5], [sflag:$0x3] =	stream.linear.gather [hbm4b:s21+s3], $0x100, $0x38;
	[tilespmem:$0x1C100] =	vst v63  }
0x404: {  	s30 =	sshra.s32 s2, $0x2;
	s5 =	sadd.s32 $0x14100, s4;
	s21 =	sadd.s32 $0x60400, s1  }
0x405: {  	[tilespmem:s5], [sflag:$0x3] =	stream.linear.gather [hbm4b:s21+s3], $0x100, $0x38;
	[tilespmem:$0x1C100] =	vst v63  }
0x406: {  	s31 =	sadd.s32 $0x8, s31;
	s5 =	sadd.s32 $0x14200, s4;
	s21 =	sadd.s32 $0x60800, s1  }
0x407: {  	[tilespmem:s5], [sflag:$0x3] =	stream.linear.gather [hbm4b:s21+s3], $0x100, $0x38;
	[tilespmem:$0x1C100] =	vst v63  }
0x408: {  	p0 =	slt.u32 s31, $0x38;
	s5 =	sadd.s32 $0x14300, s4;
	s21 =	sadd.s32 $0x60C00, s1  }
0x409: {  	[tilespmem:s5], [sflag:$0x3] =	stream.linear.gather [hbm4b:s21+s3], $0x100, $0x38;
	[tilespmem:$0x1C100] =	vst v63  }
0x40a: {  	s5 =	sadd.s32 $0x14400, s4;
	s21 =	sadd.s32 $0x61000, s1  }
0x40b: {  	[tilespmem:s5], [sflag:$0x3] =	stream.linear.gather [hbm4b:s21+s3], $0x100, $0x38;
	[tilespmem:$0x1C100] =	vst v63  }
.Ltmp11:
0x40c: {  	s5 =	sadd.s32 $0x14500, s4;
	s21 =	sadd.s32 $0x61400, s1;
	(pc) =	sbr.rel @p0 .LBB2_24-.Ltmp11, $4  }
0x40d: {  	[tilespmem:s5], [sflag:$0x3] =	stream.linear.gather [hbm4b:s21+s3], $0x100, $0x38;
	[tilespmem:$0x1C100] =	vst v63  }
0x40e: {  	s5 =	sadd.s32 $0x14600, s4;
	s21 =	sadd.s32 $0x61800, s1  }
0x40f: {  	[tilespmem:s5], [sflag:$0x3] =	stream.linear.gather [hbm4b:s21+s3], $0x100, $0x38;
	[tilespmem:$0x1C100] =	vst v63  }
0x410: {  	s2 =	sadd.s32 $0x2000, s2;
	s28 =	sadd.s32 $0x61C00, s1;
	s21 =	sadd.s32 $0x14700, s4  }
0x411: {  	[tilespmem:s21], [sflag:$0x3] =	stream.linear.gather [hbm4b:s28+s3], $0x100, $0x38;
	[tilespmem:$0x1C100] =	vst v63  }
0x412: {  	s1 =	sadd.s32 $0x14000, s30;
	s2 =	sadd.s32 $0x60000, s0  }
0x413: {  	[tilespmem:s1], [sflag:$0x3] =	stream.linear.gather [hbm4b:s2+s3], $0x100, $0x38;
	[tilespmem:$0x1C100] =	vst v63  }
0x414: {  	s4 =	sadd.s32 $0x14100, s30;
	s5 =	sadd.s32 $0x60400, s0  }
0x415: {  	[tilespmem:s4], [sflag:$0x3] =	stream.linear.gather [hbm4b:s5+s3], $0x100, $0x38;
	[tilespmem:$0x1C100] =	vst v63  }
0x416: {  	s21 =	sadd.s32 $0x14200, s30;
	s28 =	sadd.s32 $0x60800, s0  }
0x417: {  	[tilespmem:s21], [sflag:$0x3] =	stream.linear.gather [hbm4b:s28+s3], $0x100, $0x38;
	[tilespmem:$0x1C100] =	vst v63  }
0x418: {  	s4 =	sadd.s32 $0x14300, s30;
	s5 =	sadd.s32 $0x60C00, s0  }
0x419: {  	[tilespmem:s4], [sflag:$0x3] =	stream.linear.gather [hbm4b:s5+s3], $0x100, $0x38;
	[tilespmem:$0x1C100] =	vst v63  }
0x41a: {  	s21 =	sadd.s32 $0x14400, s30;
	s28 =	sadd.s32 $0x61000, s0  }
0x41b: {  	[tilespmem:s21], [sflag:$0x3] =	stream.linear.gather [hbm4b:s28+s3], $0x100, $0x38;
	[tilespmem:$0x1C100] =	vst v63  }
0x41c: {  	s4 =	sadd.s32 $0x14500, s30;
	s5 =	sadd.s32 $0x61400, s0  }
0x41d: {  	[tilespmem:s4], [sflag:$0x3] =	stream.linear.gather [hbm4b:s5+s3], $0x100, $0x38;
	[tilespmem:$0x1C100] =	vst v63  }
0x41e: {  	s21 =	sadd.s32 $0x14600, s30;
	s28 =	sadd.s32 $0x61800, s0  }
0x41f: {  	[tilespmem:s21], [sflag:$0x3] =	stream.linear.gather [hbm4b:s28+s3], $0x100, $0x38;
	[tilespmem:$0x1C100] =	vst v63  }
0x420: {  	s4 =	sadd.s32 $0x14700, s30;
	s5 =	sadd.s32 $0x61C00, s0  }
0x421: {  	[tilespmem:s4], [sflag:$0x3] =	stream.linear.gather [hbm4b:s5+s3], $0x100, $0x38;
	[tilespmem:$0x1C100] =	vst v63  }
0x422: {  	_ =	swait.ge [sflag:s25], $0x8000  }
0x423: {  	[sflag:s25] =	ssyncset.done $0x0  }
0x424: {  	[sflag:s25] =	ssyncadd.s32 $0xFFFF8000  }
0x425: {  	_ =	swait.ge [sflag:s26], $0x4000  }
0x426: {  	[sflag:s26] =	ssyncset.done $0x0  }
0x427: {  	s21 =	simm.s32 $0x18100;
	[sflag:s26] =	ssyncadd.s32 $0xFFFFC000  }
0x428: {  	v12 =	vld [tilespmem:s21+$0x0]  }
0x429: {  	v13 =	vld [tilespmem:s21+$0x10]  }
0x42a: {  	v18 =	vld [tilespmem:s21+$0x20]  }
0x42b: {  	v19 =	vld [tilespmem:s21+$0x30]  }
0x42c: {  	v20 =	vld [tilespmem:s21+$0x40]  }
0x42d: {  	v21 =	vld [tilespmem:s21+$0x50]  }
0x42e: {  	v22 =	vld [tilespmem:s21+$0x60]  }
0x42f: {  	v23 =	vld [tilespmem:s21+$0x70]  }
0x430: {  	v24 =	vld [tilespmem:s21+$0x80]  }
0x431: {  	v25 =	vld [tilespmem:s21+$0x90]  }
0x432: {  	v26 =	vld [tilespmem:s21+$0xA0]  }
0x433: {  	v27 =	vld [tilespmem:s21+$0xB0]  }
0x434: {  	v28 =	vld [tilespmem:s21+$0xC0]  }
0x435: {  	v29 =	vld [tilespmem:s21+$0xD0]  }
0x436: {  	v30 =	vld [tilespmem:s21+$0xE0]  }
0x437: {  	v31 =	vld [tilespmem:s21+$0xF0]  }
0x438: {  	v32 =	vld [tilespmem:s21+$0xFFFFFF00]  }
0x439: {  	v33 =	vld [tilespmem:s21+$0xFFFFFF10]  }
0x43a: {  	v34 =	vld [tilespmem:s21+$0xFFFFFF20]  }
0x43b: {  	v35 =	vld [tilespmem:s21+$0xFFFFFF30]  }
0x43c: {  	v36 =	vld [tilespmem:s21+$0xFFFFFF40]  }
0x43d: {  	v37 =	vld [tilespmem:s21+$0xFFFFFF50]  }
0x43e: {  	v38 =	vld [tilespmem:s21+$0xFFFFFF60]  }
0x43f: {  	v39 =	vld [tilespmem:s21+$0xFFFFFF70]  }
0x440: {  	v40 =	vld [tilespmem:s21+$0xFFFFFF80]  }
0x441: {  	v41 =	vld [tilespmem:s21+$0xFFFFFF90]  }
0x442: {  	s28 =	simm.s32 $0x200;
	v42 =	vld [tilespmem:s21+$0xFFFFFFA0]  }
0x443: {  	v43 =	vld [tilespmem:s21+$0xFFFFFFB0];
	v12 =	vadd.s32 s28, v12  }
0x444: {  	v44 =	vld [tilespmem:s21+$0xFFFFFFC0];
	v13 =	vadd.s32 s28, v13  }
0x445: {  	v45 =	vld [tilespmem:s21+$0xFFFFFFD0];
	v18 =	vadd.s32 s28, v18  }
0x446: {  	v46 =	vld [tilespmem:s21+$0xFFFFFFE0];
	v19 =	vadd.s32 s28, v19  }
0x447: {  	v47 =	vld [tilespmem:s21+$0xFFFFFFF0];
	v20 =	vadd.s32 s28, v20  }
0x448: {  	v21 =	vadd.s32 s28, v21;
	v12 =	vld.idx.msk [tilespmem:v12+s20+$0x0], $0xffff  }
0x449: {  	s30 =	simm.s32 $0x0;
	v22 =	vadd.s32 s28, v22;
	v13 =	vld.idx.msk [tilespmem:v13+s20+$0x0], $0xffff  }
0x44a: {  	v48 =	vmov s28;
	v54 =	vadd.s32 s30, v37;
	v49 =	vld.idx.msk [tilespmem:v18+s20+$0x0], $0xffff  }
0x44b: {  	v48 =	vor.u32 $0x100, v48;
	v18 =	vadd.s32 s28, v23;
	v50 =	vld.idx.msk [tilespmem:v19+s20+$0x0], $0xffff  }
0x44c: {  	v19 =	vadd.s32 v48, v24;
	v51 =	vld.idx.msk [tilespmem:v20+s20+$0x0], $0xffff  }
0x44d: {  	v23 =	vadd.s32 v48, v25;
	v52 =	vld.idx.msk [tilespmem:v21+s20+$0x0], $0xffff  }
0x44e: {  	v24 =	vadd.s32 v48, v26;
	v26 =	vld.idx.msk [tilespmem:v22+s20+$0x0], $0xffff  }
0x44f: {  	v25 =	vadd.s32 v48, v27;
	v27 =	vadd.s32 s30, v32;
	v32 =	vld.idx.msk [tilespmem:v54+s20+$0x0], $0xffff  }
0x450: {  	v53 =	vld.idx.msk [tilespmem:v18+s20+$0x0], $0xffff  }
0x451: {  	v56 =	vadd.s32 s30, v38;
	v20 =	vld.idx.msk [tilespmem:v19+s20+$0x0], $0xffff  }
0x452: {  	v57 =	vadd.s32 s30, v39;
	v21 =	vld.idx.msk [tilespmem:v23+s20+$0x0], $0xffff  }
0x453: {  	v18 =	vadd.s32 v48, v28;
	v22 =	vld.idx.msk [tilespmem:v24+s20+$0x0], $0xffff  }
0x454: {  	v19 =	vadd.s32 v48, v29;
	v23 =	vld.idx.msk [tilespmem:v25+s20+$0x0], $0xffff  }
0x455: {  	v28 =	vadd.s32 s30, v33;
	v27 =	vld.idx.msk [tilespmem:v27+s20+$0x0], $0xffff  }
0x456: {  	v24 =	vadd.s32 s30, v34;
	v25 =	vadd.s32 s30, v35;
	v34 =	vld.idx.msk [tilespmem:v56+s20+$0x0], $0xffff  }
0x457: {  	v55 =	vmov s30;
	v35 =	vld.idx.msk [tilespmem:v57+s20+$0x0], $0xffff  }
0x458: {  	v29 =	vadd.s32 s30, v36;
	v33 =	vor.u32 $0x100, v55;
	v18 =	vld.idx.msk [tilespmem:v18+s20+$0x0], $0xffff  }
0x459: {  	v58 =	vadd.s32 v33, v40;
	v19 =	vld.idx.msk [tilespmem:v19+s20+$0x0], $0xffff  }
0x45a: {  	v59 =	vadd.s32 v33, v41;
	v28 =	vld.idx.msk [tilespmem:v28+s20+$0x0], $0xffff  }
0x45b: {  	v60 =	vadd.s32 v33, v42;
	v25 =	vld.idx.msk [tilespmem:v25+s20+$0x0], $0xffff  }
0x45c: {  	v61 =	vadd.s32 v33, v43;
	v24 =	vld.idx.msk [tilespmem:v24+s20+$0x0], $0xffff  }
0x45d: {  	v62 =	vadd.s32 v33, v44;
	v29 =	vld.idx.msk [tilespmem:v29+s20+$0x0], $0xffff  }
0x45e: {  	v7 =	vadd.f32 v32, v7;
	v10 =	vadd.f32 v27, v10;
	v27 =	vadd.s32 v33, v45;
	v36 =	vld.idx.msk [tilespmem:v58+s20+$0x0], $0xffff  }
0x45f: {  	v30 =	vadd.s32 v48, v30;
	v2 =	vadd.f32 v34, v2;
	v3 =	vadd.f32 v35, v3;
	v37 =	vld.idx.msk [tilespmem:v59+s20+$0x0], $0xffff  }
0x460: {  	v38 =	vld.idx.msk [tilespmem:v60+s20+$0x0], $0xffff;
	v11 =	vadd.f32 v28, v11;
	v9 =	vadd.f32 v25, v9;
	v25 =	vadd.s32 v33, v46  }
0x461: {  	v63 =	vld.idx.msk [tilespmem:v61+s20+$0x0], $0xffff;
	v12 =	vadd.f32 v12, v10;
	v8 =	vadd.f32 v24, v8;
	v28 =	vadd.s32 v33, v47  }
0x462: {  	v6 =	vadd.f32 v29, v6;
	v24 =	vld.idx.msk [tilespmem:v62+s20+$0x0], $0xffff;
	v29 =	vadd.s32 v48, v31;
	v13 =	vadd.f32 v13, v11  }
0x463: {  	v27 =	vld.idx.msk [tilespmem:v27+s20+$0x0], $0xffff;
	v10 =	vadd.f32 v49, v8;
	v11 =	vadd.f32 v50, v9  }
0x464: {  	v8 =	vadd.f32 v51, v6;
	v6 =	vadd.f32 v26, v2;
	v26 =	vld.idx.msk [tilespmem:v30+s20+$0x0], $0xffff  }
0x465: {  	v9 =	vadd.f32 v52, v7;
	v7 =	vadd.f32 v53, v3;
	v25 =	vld.idx.msk [tilespmem:v25+s20+$0x0], $0xffff  }
0x466: {  	v2 =	vadd.f32 v36, v14;
	v3 =	vadd.f32 v37, v15;
	v28 =	vld.idx.msk [tilespmem:v28+s20+$0x0], $0xffff  }
0x467: {  	s31 =	simm.s32 $0x0;
	s0 =	simm.s32 $0x18300;
	v14 =	vadd.f32 v38, v16;
	v15 =	vadd.f32 v63, v17;
	v16 =	vld.idx.msk [tilespmem:v29+s20+$0x0], $0xffff  }
.LBB2_26:
0x468: {  	v29 =	vld [tilespmem:s0+$0x0];
	v2 =	vadd.f32 v20, v2;
	v3 =	vadd.f32 v21, v3  }
0x469: {  	v20 =	vld [tilespmem:s0+$0x10];
	v14 =	vadd.f32 v22, v14;
	v15 =	vadd.f32 v23, v15  }
0x46a: {  	v0 =	vadd.f32 v24, v0;
	v1 =	vadd.f32 v27, v1;
	v21 =	vld [tilespmem:s0+$0x20]  }
0x46b: {  	v4 =	vadd.f32 v25, v4;
	v5 =	vadd.f32 v28, v5;
	v22 =	vld [tilespmem:s0+$0x30]  }
0x46c: {  	v0 =	vadd.f32 v18, v0;
	v1 =	vadd.f32 v19, v1;
	v23 =	vld [tilespmem:s0+$0x40]  }
0x46d: {  	v4 =	vadd.f32 v26, v4;
	v5 =	vadd.f32 v16, v5;
	v18 =	vld [tilespmem:s0+$0x50]  }
0x46e: {  	v19 =	vld [tilespmem:s0+$0x60]  }
0x46f: {  	v24 =	vld [tilespmem:s0+$0x70]  }
0x470: {  	v25 =	vld [tilespmem:s0+$0x80]  }
0x471: {  	v26 =	vld [tilespmem:s0+$0x90]  }
0x472: {  	v27 =	vld [tilespmem:s0+$0xA0]  }
0x473: {  	v28 =	vld [tilespmem:s0+$0xB0]  }
0x474: {  	v30 =	vld [tilespmem:s0+$0xC0]  }
0x475: {  	v31 =	vld [tilespmem:s0+$0xD0]  }
0x476: {  	v17 =	vld [tilespmem:s0+$0xE0]  }
0x477: {  	v16 =	vld [tilespmem:s0+$0xF0]  }
0x478: {  	v32 =	vld [tilespmem:s0+$0xFFFFFF00]  }
0x479: {  	v33 =	vld [tilespmem:s0+$0xFFFFFF10]  }
0x47a: {  	v34 =	vld [tilespmem:s0+$0xFFFFFF20]  }
0x47b: {  	v35 =	vld [tilespmem:s0+$0xFFFFFF30]  }
0x47c: {  	v36 =	vld [tilespmem:s0+$0xFFFFFF40]  }
0x47d: {  	v37 =	vld [tilespmem:s0+$0xFFFFFF50]  }
0x47e: {  	v38 =	vld [tilespmem:s0+$0xFFFFFF60]  }
0x47f: {  	v39 =	vld [tilespmem:s0+$0xFFFFFF70]  }
0x480: {  	v40 =	vld [tilespmem:s0+$0xFFFFFF80]  }
0x481: {  	s30 =	sadd.s32 $0x400, s30;
	v41 =	vld [tilespmem:s0+$0xFFFFFF90]  }
0x482: {  	s1 =	sadd.s32 $0x200, s30;
	v42 =	vld [tilespmem:s0+$0xFFFFFFA0]  }
0x483: {  	v29 =	vadd.s32 s1, v29;
	v43 =	vld [tilespmem:s0+$0xFFFFFFB0]  }
0x484: {  	v20 =	vadd.s32 s1, v20;
	v44 =	vld [tilespmem:s0+$0xFFFFFFC0]  }
0x485: {  	v21 =	vadd.s32 s1, v21;
	v45 =	vld [tilespmem:s0+$0xFFFFFFD0]  }
0x486: {  	v22 =	vadd.s32 s1, v22;
	v46 =	vld [tilespmem:s0+$0xFFFFFFE0]  }
0x487: {  	v23 =	vadd.s32 s1, v23;
	v47 =	vld [tilespmem:s0+$0xFFFFFFF0]  }
0x488: {  	v18 =	vadd.s32 s1, v18;
	v29 =	vld.idx.msk [tilespmem:v29+s20+$0x0], $0xffff  }
0x489: {  	v48 =	vmov s1;
	v19 =	vadd.s32 s1, v19;
	v49 =	vld.idx.msk [tilespmem:v20+s20+$0x0], $0xffff  }
0x48a: {  	v48 =	vor.u32 $0x100, v48;
	v20 =	vadd.s32 s1, v24;
	v50 =	vld.idx.msk [tilespmem:v21+s20+$0x0], $0xffff  }
0x48b: {  	v21 =	vadd.s32 v48, v25;
	v24 =	vld.idx.msk [tilespmem:v22+s20+$0x0], $0xffff  }
0x48c: {  	v22 =	vadd.s32 v48, v26;
	v51 =	vld.idx.msk [tilespmem:v23+s20+$0x0], $0xffff  }
0x48d: {  	v26 =	vld.idx.msk [tilespmem:v18+s20+$0x0], $0xffff;
	v18 =	vadd.s32 v48, v27  }
0x48e: {  	v52 =	vld.idx.msk [tilespmem:v19+s20+$0x0], $0xffff;
	v19 =	vadd.s32 v48, v28  }
0x48f: {  	v25 =	vadd.s32 v48, v30;
	v53 =	vld.idx.msk [tilespmem:v20+s20+$0x0], $0xffff  }
0x490: {  	v27 =	vadd.s32 v48, v31;
	v20 =	vld.idx.msk [tilespmem:v21+s20+$0x0], $0xffff  }
0x491: {  	v28 =	vadd.s32 s30, v32;
	v21 =	vld.idx.msk [tilespmem:v22+s20+$0x0], $0xffff  }
0x492: {  	v30 =	vadd.s32 s30, v33;
	v22 =	vld.idx.msk [tilespmem:v18+s20+$0x0], $0xffff  }
0x493: {  	v31 =	vadd.s32 s30, v34;
	v23 =	vld.idx.msk [tilespmem:v19+s20+$0x0], $0xffff  }
0x494: {  	v32 =	vadd.s32 s30, v35;
	v18 =	vld.idx.msk [tilespmem:v25+s20+$0x0], $0xffff  }
0x495: {  	v25 =	vadd.s32 s30, v36;
	v19 =	vld.idx.msk [tilespmem:v27+s20+$0x0], $0xffff  }
0x496: {  	v27 =	vld.idx.msk [tilespmem:v28+s20+$0x0], $0xffff;
	v28 =	vadd.s32 s30, v37  }
0x497: {  	v33 =	vmov s30;
	v34 =	vadd.s32 s30, v38;
	v30 =	vld.idx.msk [tilespmem:v30+s20+$0x0], $0xffff  }
0x498: {  	v33 =	vor.u32 $0x100, v33;
	v35 =	vadd.s32 s30, v39;
	v31 =	vld.idx.msk [tilespmem:v31+s20+$0x0], $0xffff  }
0x499: {  	v36 =	vadd.s32 v33, v40;
	v32 =	vld.idx.msk [tilespmem:v32+s20+$0x0], $0xffff  }
0x49a: {  	v37 =	vadd.s32 v33, v41;
	v25 =	vld.idx.msk [tilespmem:v25+s20+$0x0], $0xffff  }
0x49b: {  	s31 =	sadd.s32 $0x2, s31;
	v38 =	vadd.s32 v33, v42;
	v28 =	vld.idx.msk [tilespmem:v28+s20+$0x0], $0xffff  }
0x49c: {  	p0 =	slt.u32 s31, $0x3E;
	v39 =	vadd.s32 v33, v43;
	v34 =	vld.idx.msk [tilespmem:v34+s20+$0x0], $0xffff  }
0x49d: {  	v40 =	vadd.s32 v33, v44;
	v35 =	vld.idx.msk [tilespmem:v35+s20+$0x0], $0xffff  }
0x49e: {  	v12 =	vadd.f32 v27, v12;
	v27 =	vadd.s32 v33, v45;
	v13 =	vadd.f32 v30, v13;
	v30 =	vld.idx.msk [tilespmem:v36+s20+$0x0], $0xffff  }
0x49f: {  	v10 =	vadd.f32 v31, v10;
	v11 =	vadd.f32 v32, v11;
	v32 =	vadd.s32 v33, v46;
	v31 =	vld.idx.msk [tilespmem:v37+s20+$0x0], $0xffff  }
0x4a0: {  	v12 =	vadd.f32 v29, v12;
	v33 =	vadd.s32 v33, v47;
	v13 =	vadd.f32 v49, v13;
	v36 =	vld.idx.msk [tilespmem:v38+s20+$0x0], $0xffff  }
0x4a1: {  	v17 =	vadd.s32 v48, v17;
	v10 =	vadd.f32 v50, v10;
	v11 =	vadd.f32 v24, v11;
	v29 =	vld.idx.msk [tilespmem:v39+s20+$0x0], $0xffff  }
0x4a2: {  	v16 =	vadd.s32 v48, v16;
	v8 =	vadd.f32 v25, v8;
	v9 =	vadd.f32 v28, v9;
	v24 =	vld.idx.msk [tilespmem:v40+s20+$0x0], $0xffff  }
.Ltmp12:
0x4a3: {  	v6 =	vadd.f32 v34, v6;
	v7 =	vadd.f32 v35, v7;
	v27 =	vld.idx.msk [tilespmem:v27+s20+$0x0], $0xffff;
	(pc) =	sbr.rel @p0 .LBB2_26-.Ltmp12, $4  }
0x4a4: {  	v8 =	vadd.f32 v51, v8;
	v9 =	vadd.f32 v26, v9;
	v25 =	vld.idx.msk [tilespmem:v32+s20+$0x0], $0xffff  }
0x4a5: {  	v6 =	vadd.f32 v52, v6;
	v7 =	vadd.f32 v53, v7;
	v28 =	vld.idx.msk [tilespmem:v33+s20+$0x0], $0xffff  }
0x4a6: {  	v2 =	vadd.f32 v30, v2;
	v3 =	vadd.f32 v31, v3;
	v26 =	vld.idx.msk [tilespmem:v17+s20+$0x0], $0xffff  }
0x4a7: {  	s0 =	sadd.s32 $0x200, s0;
	v14 =	vadd.f32 v36, v14;
	v15 =	vadd.f32 v29, v15;
	v16 =	vld.idx.msk [tilespmem:v16+s20+$0x0], $0xffff  }
0x4a8: {  	[tilespmem:s20], [sflag:$0x2] =	stream.linear.gather [spmem:s13], $0x8000, $0x38;
	[tilespmem:$0x1C100] =	vst v63  }
0x4a9: {  	s1 =	sadd.s32 $0x0, s16  }
0x4aa: {  	s0 =	simm.s32 $0x18000;
	s2 =	sadd.s32 $0x70000, s1  }
0x4ab: {  	[tilespmem:s0], [sflag:$0x4] =	stream.linear.gather [hbm4b:s2+s3], $0x100, $0x38;
	[tilespmem:$0x1C100] =	vst v63  }
0x4ac: {  	s4 =	sadd.s32 $0x70400, s1;
	s2 =	simm.s32 $0x18100  }
0x4ad: {  	[tilespmem:s2], [sflag:$0x4] =	stream.linear.gather [hbm4b:s4+s3], $0x100, $0x38;
	[tilespmem:$0x1C100] =	vst v63  }
0x4ae: {  	s5 =	simm.s32 $0x18200;
	s21 =	sadd.s32 $0x70800, s1  }
0x4af: {  	[tilespmem:s5], [sflag:$0x4] =	stream.linear.gather [hbm4b:s21+s3], $0x100, $0x38;
	[tilespmem:$0x1C100] =	vst v63  }
0x4b0: {  	s2 =	simm.s32 $0x18300;
	s4 =	sadd.s32 $0x70C00, s1  }
0x4b1: {  	[tilespmem:s2], [sflag:$0x4] =	stream.linear.gather [hbm4b:s4+s3], $0x100, $0x38;
	[tilespmem:$0x1C100] =	vst v63  }
0x4b2: {  	s30 =	simm.s32 $0x800;
	s5 =	simm.s32 $0x18400;
	s21 =	sadd.s32 $0x71000, s1  }
0x4b3: {  	v20 =	vadd.f32 v20, v2;
	v21 =	vadd.f32 v21, v3;
	[tilespmem:s5], [sflag:$0x4] =	stream.linear.gather [hbm4b:s21+s3], $0x100, $0x38;
	[tilespmem:$0x1C100] =	vst v63  }
0x4b4: {  	v0 =	vadd.f32 v24, v0;
	v1 =	vadd.f32 v27, v1;
	s31 =	simm.s32 $0x8;
	s2 =	simm.s32 $0x18500;
	s4 =	sadd.s32 $0x71400, s1  }
0x4b5: {  	v22 =	vadd.f32 v22, v14;
	v23 =	vadd.f32 v23, v15;
	[tilespmem:s2], [sflag:$0x4] =	stream.linear.gather [hbm4b:s4+s3], $0x100, $0x38;
	[tilespmem:$0x1C100] =	vst v63  }
0x4b6: {  	v2 =	vadd.f32 v25, v4;
	s28 =	sadd.s32 $0x71C00, s1;
	v3 =	vadd.f32 v28, v5;
	s5 =	simm.s32 $0x18600;
	s21 =	sadd.s32 $0x71800, s1  }
0x4b7: {  	v0 =	vadd.f32 v18, v0;
	v1 =	vadd.f32 v19, v1;
	[tilespmem:s5], [sflag:$0x4] =	stream.linear.gather [hbm4b:s21+s3], $0x100, $0x38;
	[tilespmem:$0x1C100] =	vst v63  }
0x4b8: {  	s0 =	sadd.s32 $0x2000, s16;
	v2 =	vadd.f32 v26, v2;
	v3 =	vadd.f32 v16, v3;
	s2 =	simm.s32 $0x4000;
	s21 =	simm.s32 $0x18700  }
.LBB2_28:
0x4b9: {  	[tilespmem:s21], [sflag:$0x4] =	stream.linear.gather [hbm4b:s28+s3], $0x100, $0x38;
	[tilespmem:$0x1C100] =	vst v63  }
0x4ba: {  	s1 =	smov.u32 s0;
	s4 =	smov.u32 s30  }
0x4bb: {  	s0 =	sadd.s32 s2, s16;
	s5 =	sadd.s32 $0x18000, s4;
	s21 =	sadd.s32 $0x70000, s1  }
0x4bc: {  	[tilespmem:s5], [sflag:$0x4] =	stream.linear.gather [hbm4b:s21+s3], $0x100, $0x38;
	[tilespmem:$0x1C100] =	vst v63  }
0x4bd: {  	s30 =	sshra.s32 s2, $0x2;
	s5 =	sadd.s32 $0x18100, s4;
	s21 =	sadd.s32 $0x70400, s1  }
0x4be: {  	[tilespmem:s5], [sflag:$0x4] =	stream.linear.gather [hbm4b:s21+s3], $0x100, $0x38;
	[tilespmem:$0x1C100] =	vst v63  }
0x4bf: {  	s31 =	sadd.s32 $0x8, s31;
	s5 =	sadd.s32 $0x18200, s4;
	s21 =	sadd.s32 $0x70800, s1  }
0x4c0: {  	[tilespmem:s5], [sflag:$0x4] =	stream.linear.gather [hbm4b:s21+s3], $0x100, $0x38;
	[tilespmem:$0x1C100] =	vst v63  }
0x4c1: {  	p0 =	slt.u32 s31, $0x38;
	s5 =	sadd.s32 $0x18300, s4;
	s21 =	sadd.s32 $0x70C00, s1  }
0x4c2: {  	[tilespmem:s5], [sflag:$0x4] =	stream.linear.gather [hbm4b:s21+s3], $0x100, $0x38;
	[tilespmem:$0x1C100] =	vst v63  }
0x4c3: {  	s5 =	sadd.s32 $0x18400, s4;
	s21 =	sadd.s32 $0x71000, s1  }
0x4c4: {  	[tilespmem:s5], [sflag:$0x4] =	stream.linear.gather [hbm4b:s21+s3], $0x100, $0x38;
	[tilespmem:$0x1C100] =	vst v63  }
.Ltmp13:
0x4c5: {  	s5 =	sadd.s32 $0x18500, s4;
	s21 =	sadd.s32 $0x71400, s1;
	(pc) =	sbr.rel @p0 .LBB2_28-.Ltmp13, $4  }
0x4c6: {  	[tilespmem:s5], [sflag:$0x4] =	stream.linear.gather [hbm4b:s21+s3], $0x100, $0x38;
	[tilespmem:$0x1C100] =	vst v63  }
0x4c7: {  	s5 =	sadd.s32 $0x18600, s4;
	s21 =	sadd.s32 $0x71800, s1  }
0x4c8: {  	[tilespmem:s5], [sflag:$0x4] =	stream.linear.gather [hbm4b:s21+s3], $0x100, $0x38;
	[tilespmem:$0x1C100] =	vst v63  }
0x4c9: {  	s2 =	sadd.s32 $0x2000, s2;
	s28 =	sadd.s32 $0x71C00, s1;
	s21 =	sadd.s32 $0x18700, s4  }
0x4ca: {  	[tilespmem:s21], [sflag:$0x4] =	stream.linear.gather [hbm4b:s28+s3], $0x100, $0x38;
	[tilespmem:$0x1C100] =	vst v63  }
0x4cb: {  	s1 =	sadd.s32 $0x18000, s30;
	s2 =	sadd.s32 $0x70000, s0  }
0x4cc: {  	[tilespmem:s1], [sflag:$0x4] =	stream.linear.gather [hbm4b:s2+s3], $0x100, $0x38;
	[tilespmem:$0x1C100] =	vst v63  }
0x4cd: {  	s4 =	sadd.s32 $0x18100, s30;
	s5 =	sadd.s32 $0x70400, s0  }
0x4ce: {  	[tilespmem:s4], [sflag:$0x4] =	stream.linear.gather [hbm4b:s5+s3], $0x100, $0x38;
	[tilespmem:$0x1C100] =	vst v63  }
0x4cf: {  	s21 =	sadd.s32 $0x18200, s30;
	s28 =	sadd.s32 $0x70800, s0  }
0x4d0: {  	[tilespmem:s21], [sflag:$0x4] =	stream.linear.gather [hbm4b:s28+s3], $0x100, $0x38;
	[tilespmem:$0x1C100] =	vst v63  }
0x4d1: {  	s4 =	sadd.s32 $0x18300, s30;
	s5 =	sadd.s32 $0x70C00, s0  }
0x4d2: {  	[tilespmem:s4], [sflag:$0x4] =	stream.linear.gather [hbm4b:s5+s3], $0x100, $0x38;
	[tilespmem:$0x1C100] =	vst v63  }
0x4d3: {  	s21 =	sadd.s32 $0x18400, s30;
	s28 =	sadd.s32 $0x71000, s0  }
0x4d4: {  	[tilespmem:s21], [sflag:$0x4] =	stream.linear.gather [hbm4b:s28+s3], $0x100, $0x38;
	[tilespmem:$0x1C100] =	vst v63  }
0x4d5: {  	s4 =	sadd.s32 $0x18500, s30;
	s5 =	sadd.s32 $0x71400, s0  }
0x4d6: {  	[tilespmem:s4], [sflag:$0x4] =	stream.linear.gather [hbm4b:s5+s3], $0x100, $0x38;
	[tilespmem:$0x1C100] =	vst v63  }
0x4d7: {  	s21 =	sadd.s32 $0x18600, s30;
	s28 =	sadd.s32 $0x71800, s0  }
0x4d8: {  	[tilespmem:s21], [sflag:$0x4] =	stream.linear.gather [hbm4b:s28+s3], $0x100, $0x38;
	[tilespmem:$0x1C100] =	vst v63  }
0x4d9: {  	s4 =	sadd.s32 $0x18700, s30;
	s5 =	sadd.s32 $0x71C00, s0  }
0x4da: {  	[tilespmem:s4], [sflag:$0x4] =	stream.linear.gather [hbm4b:s5+s3], $0x100, $0x38;
	[tilespmem:$0x1C100] =	vst v63  }
0x4db: {  	_ =	swait.ge [sflag:s23], $0x8000  }
0x4dc: {  	[sflag:s23] =	ssyncset.done $0x0  }
0x4dd: {  	[sflag:s23] =	ssyncadd.s32 $0xFFFF8000  }
0x4de: {  	_ =	swait.ge [sflag:s24], $0x4000  }
0x4df: {  	[sflag:s24] =	ssyncset.done $0x0  }
0x4e0: {  	s21 =	simm.s32 $0x14100;
	[sflag:s24] =	ssyncadd.s32 $0xFFFFC000  }
0x4e1: {  	v4 =	vld [tilespmem:s21+$0x0]  }
0x4e2: {  	v5 =	vld [tilespmem:s21+$0x10]  }
0x4e3: {  	v14 =	vld [tilespmem:s21+$0x20]  }
0x4e4: {  	v15 =	vld [tilespmem:s21+$0x30]  }
0x4e5: {  	v16 =	vld [tilespmem:s21+$0x40]  }
0x4e6: {  	v17 =	vld [tilespmem:s21+$0x50]  }
0x4e7: {  	v18 =	vld [tilespmem:s21+$0x60]  }
0x4e8: {  	v19 =	vld [tilespmem:s21+$0x70]  }
0x4e9: {  	v24 =	vld [tilespmem:s21+$0x80]  }
0x4ea: {  	v25 =	vld [tilespmem:s21+$0x90]  }
0x4eb: {  	v26 =	vld [tilespmem:s21+$0xA0]  }
0x4ec: {  	v27 =	vld [tilespmem:s21+$0xB0]  }
0x4ed: {  	v28 =	vld [tilespmem:s21+$0xC0]  }
0x4ee: {  	v29 =	vld [tilespmem:s21+$0xD0]  }
0x4ef: {  	v30 =	vld [tilespmem:s21+$0xE0]  }
0x4f0: {  	v31 =	vld [tilespmem:s21+$0xF0]  }
0x4f1: {  	v32 =	vld [tilespmem:s21+$0xFFFFFF00]  }
0x4f2: {  	v33 =	vld [tilespmem:s21+$0xFFFFFF10]  }
0x4f3: {  	v34 =	vld [tilespmem:s21+$0xFFFFFF20]  }
0x4f4: {  	v35 =	vld [tilespmem:s21+$0xFFFFFF30]  }
0x4f5: {  	v36 =	vld [tilespmem:s21+$0xFFFFFF40]  }
0x4f6: {  	v37 =	vld [tilespmem:s21+$0xFFFFFF50]  }
0x4f7: {  	v38 =	vld [tilespmem:s21+$0xFFFFFF60]  }
0x4f8: {  	v39 =	vld [tilespmem:s21+$0xFFFFFF70]  }
0x4f9: {  	v40 =	vld [tilespmem:s21+$0xFFFFFF80]  }
0x4fa: {  	v41 =	vld [tilespmem:s21+$0xFFFFFF90]  }
0x4fb: {  	s28 =	simm.s32 $0x200;
	v42 =	vld [tilespmem:s21+$0xFFFFFFA0]  }
0x4fc: {  	v43 =	vld [tilespmem:s21+$0xFFFFFFB0];
	v4 =	vadd.s32 s28, v4  }
0x4fd: {  	v44 =	vld [tilespmem:s21+$0xFFFFFFC0];
	v5 =	vadd.s32 s28, v5  }
0x4fe: {  	v45 =	vld [tilespmem:s21+$0xFFFFFFD0];
	v14 =	vadd.s32 s28, v14  }
0x4ff: {  	v46 =	vld [tilespmem:s21+$0xFFFFFFE0];
	v15 =	vadd.s32 s28, v15  }
0x500: {  	v47 =	vld [tilespmem:s21+$0xFFFFFFF0];
	v16 =	vadd.s32 s28, v16  }
0x501: {  	v17 =	vadd.s32 s28, v17;
	v4 =	vld.idx.msk [tilespmem:v4+s19+$0x0], $0xffff  }
0x502: {  	s30 =	simm.s32 $0x0;
	v18 =	vadd.s32 s28, v18;
	v5 =	vld.idx.msk [tilespmem:v5+s19+$0x0], $0xffff  }
0x503: {  	v48 =	vmov s28;
	v62 =	vadd.s32 s30, v36;
	v49 =	vld.idx.msk [tilespmem:v14+s19+$0x0], $0xffff  }
0x504: {  	v48 =	vor.u32 $0x100, v48;
	v55 =	vadd.s32 s30, v39;
	v50 =	vld.idx.msk [tilespmem:v15+s19+$0x0], $0xffff  }
0x505: {  	v31 =	vadd.s32 v48, v31;
	v15 =	vadd.s32 v48, v24;
	v24 =	vld.idx.msk [tilespmem:v16+s19+$0x0], $0xffff  }
0x506: {  	v14 =	vadd.s32 s28, v19;
	v19 =	vadd.s32 v48, v25;
	v25 =	vld.idx.msk [tilespmem:v17+s19+$0x0], $0xffff  }
0x507: {  	v51 =	vld.idx.msk [tilespmem:v18+s19+$0x0], $0xffff  }
0x508: {  	v17 =	vadd.s32 v48, v26;
	v26 =	vadd.s32 v48, v27;
	v27 =	vadd.s32 s30, v32;
	v32 =	vld.idx.msk [tilespmem:v62+s19+$0x0], $0xffff  }
0x509: {  	v36 =	vld.idx.msk [tilespmem:v55+s19+$0x0], $0xffff  }
0x50a: {  	v31 =	vld.idx.msk [tilespmem:v31+s19+$0x0], $0xffff  }
0x50b: {  	v52 =	vld.idx.msk [tilespmem:v14+s19+$0x0], $0xffff  }
0x50c: {  	v63 =	vadd.s32 s30, v37;
	v16 =	vld.idx.msk [tilespmem:v15+s19+$0x0], $0xffff  }
0x50d: {  	v54 =	vadd.s32 s30, v38;
	v18 =	vld.idx.msk [tilespmem:v19+s19+$0x0], $0xffff  }
0x50e: {  	v14 =	vadd.s32 v48, v28;
	v17 =	vld.idx.msk [tilespmem:v17+s19+$0x0], $0xffff  }
0x50f: {  	v28 =	vadd.s32 s30, v33;
	v19 =	vld.idx.msk [tilespmem:v26+s19+$0x0], $0xffff  }
0x510: {  	v15 =	vadd.s32 v48, v29;
	v29 =	vadd.s32 s30, v34;
	v27 =	vld.idx.msk [tilespmem:v27+s19+$0x0], $0xffff  }
0x511: {  	v53 =	vmov s30;
	v26 =	vadd.s32 s30, v35;
	v33 =	vld.idx.msk [tilespmem:v63+s19+$0x0], $0xffff  }
0x512: {  	v34 =	vor.u32 $0x100, v53;
	v35 =	vld.idx.msk [tilespmem:v54+s19+$0x0], $0xffff  }
0x513: {  	v58 =	vadd.s32 v34, v42;
	v14 =	vld.idx.msk [tilespmem:v14+s19+$0x0], $0xffff  }
0x514: {  	v57 =	vadd.s32 v34, v41;
	v28 =	vld.idx.msk [tilespmem:v28+s19+$0x0], $0xffff  }
0x515: {  	v56 =	vadd.s32 v34, v40;
	v29 =	vld.idx.msk [tilespmem:v29+s19+$0x0], $0xffff;
	v12 =	vadd.f32 v27, v12  }
0x516: {  	v59 =	vadd.s32 v34, v43;
	v26 =	vld.idx.msk [tilespmem:v26+s19+$0x0], $0xffff  }
0x517: {  	v60 =	vadd.s32 v34, v44;
	v15 =	vld.idx.msk [tilespmem:v15+s19+$0x0], $0xffff;
	v12 =	vadd.f32 v4, v12;
	v4 =	vadd.f32 v32, v8  }
0x518: {  	v27 =	vadd.s32 v34, v45;
	v39 =	vld.idx.msk [tilespmem:v58+s19+$0x0], $0xffff;
	v8 =	vadd.f32 v35, v6  }
0x519: {  	v62 =	vadd.s32 v34, v46;
	v61 =	vld.idx.msk [tilespmem:v57+s19+$0x0], $0xffff;
	v6 =	vadd.f32 v24, v4;
	v13 =	vadd.f32 v28, v13  }
0x51a: {  	v34 =	vadd.s32 v34, v47;
	v4 =	vadd.f32 v51, v8;
	v28 =	vld.idx.msk [tilespmem:v56+s19+$0x0], $0xffff;
	v10 =	vadd.f32 v29, v10  }
0x51b: {  	v63 =	vadd.s32 v48, v30;
	v40 =	vld.idx.msk [tilespmem:v59+s19+$0x0], $0xffff;
	v11 =	vadd.f32 v26, v11;
	v13 =	vadd.f32 v5, v13  }
0x51c: {  	v26 =	vld.idx.msk [tilespmem:v60+s19+$0x0], $0xffff;
	v5 =	vadd.f32 v33, v9;
	v9 =	vadd.f32 v36, v7  }
0x51d: {  	v29 =	vld.idx.msk [tilespmem:v27+s19+$0x0], $0xffff;
	v32 =	vadd.f32 v39, v22;
	v10 =	vadd.f32 v49, v10  }
0x51e: {  	v27 =	vld.idx.msk [tilespmem:v62+s19+$0x0], $0xffff;
	v7 =	vadd.f32 v25, v5;
	v5 =	vadd.f32 v52, v9  }
0x51f: {  	v30 =	vld.idx.msk [tilespmem:v34+s19+$0x0], $0xffff;
	v9 =	vadd.f32 v61, v21;
	v8 =	vadd.f32 v28, v20  }
0x520: {  	s31 =	simm.s32 $0x0;
	s0 =	simm.s32 $0x14300;
	v11 =	vadd.f32 v50, v11;
	v33 =	vadd.f32 v40, v23;
	v28 =	vld.idx.msk [tilespmem:v63+s19+$0x0], $0xffff  }
.LBB2_30:
0x521: {  	v24 =	vld [tilespmem:s0+$0x0];
	v8 =	vadd.f32 v16, v8;
	v9 =	vadd.f32 v18, v9  }
0x522: {  	v16 =	vld [tilespmem:s0+$0x10];
	v20 =	vadd.f32 v17, v32;
	v21 =	vadd.f32 v19, v33  }
0x523: {  	v0 =	vadd.f32 v26, v0;
	v1 =	vadd.f32 v29, v1;
	v17 =	vld [tilespmem:s0+$0x20]  }
0x524: {  	v2 =	vadd.f32 v27, v2;
	v3 =	vadd.f32 v30, v3;
	v18 =	vld [tilespmem:s0+$0x30]  }
0x525: {  	v0 =	vadd.f32 v14, v0;
	v1 =	vadd.f32 v15, v1;
	v19 =	vld [tilespmem:s0+$0x40]  }
0x526: {  	v2 =	vadd.f32 v28, v2;
	v3 =	vadd.f32 v31, v3;
	v14 =	vld [tilespmem:s0+$0x50]  }
0x527: {  	v15 =	vld [tilespmem:s0+$0x60]  }
0x528: {  	v25 =	vld [tilespmem:s0+$0x70]  }
0x529: {  	v26 =	vld [tilespmem:s0+$0x80]  }
0x52a: {  	v27 =	vld [tilespmem:s0+$0x90]  }
0x52b: {  	v28 =	vld [tilespmem:s0+$0xA0]  }
0x52c: {  	v29 =	vld [tilespmem:s0+$0xB0]  }
0x52d: {  	v30 =	vld [tilespmem:s0+$0xC0]  }
0x52e: {  	v31 =	vld [tilespmem:s0+$0xD0]  }
0x52f: {  	v23 =	vld [tilespmem:s0+$0xE0]  }
0x530: {  	v22 =	vld [tilespmem:s0+$0xF0]  }
0x531: {  	v32 =	vld [tilespmem:s0+$0xFFFFFF00]  }
0x532: {  	v33 =	vld [tilespmem:s0+$0xFFFFFF10]  }
0x533: {  	v34 =	vld [tilespmem:s0+$0xFFFFFF20]  }
0x534: {  	v35 =	vld [tilespmem:s0+$0xFFFFFF30]  }
0x535: {  	v36 =	vld [tilespmem:s0+$0xFFFFFF40]  }
0x536: {  	v37 =	vld [tilespmem:s0+$0xFFFFFF50]  }
0x537: {  	v38 =	vld [tilespmem:s0+$0xFFFFFF60]  }
0x538: {  	v39 =	vld [tilespmem:s0+$0xFFFFFF70]  }
0x539: {  	v40 =	vld [tilespmem:s0+$0xFFFFFF80]  }
0x53a: {  	s30 =	sadd.s32 $0x400, s30;
	v41 =	vld [tilespmem:s0+$0xFFFFFF90]  }
0x53b: {  	s1 =	sadd.s32 $0x200, s30;
	v42 =	vld [tilespmem:s0+$0xFFFFFFA0]  }
0x53c: {  	v24 =	vadd.s32 s1, v24;
	v43 =	vld [tilespmem:s0+$0xFFFFFFB0]  }
0x53d: {  	v16 =	vadd.s32 s1, v16;
	v44 =	vld [tilespmem:s0+$0xFFFFFFC0]  }
0x53e: {  	v17 =	vadd.s32 s1, v17;
	v45 =	vld [tilespmem:s0+$0xFFFFFFD0]  }
0x53f: {  	v18 =	vadd.s32 s1, v18;
	v46 =	vld [tilespmem:s0+$0xFFFFFFE0]  }
0x540: {  	v19 =	vadd.s32 s1, v19;
	v47 =	vld [tilespmem:s0+$0xFFFFFFF0]  }
0x541: {  	v14 =	vadd.s32 s1, v14;
	v24 =	vld.idx.msk [tilespmem:v24+s19+$0x0], $0xffff  }
0x542: {  	v48 =	vmov s1;
	v15 =	vadd.s32 s1, v15;
	v49 =	vld.idx.msk [tilespmem:v16+s19+$0x0], $0xffff  }
0x543: {  	v48 =	vor.u32 $0x100, v48;
	v16 =	vadd.s32 s1, v25;
	v50 =	vld.idx.msk [tilespmem:v17+s19+$0x0], $0xffff  }
0x544: {  	v17 =	vadd.s32 v48, v26;
	v25 =	vld.idx.msk [tilespmem:v18+s19+$0x0], $0xffff  }
0x545: {  	v18 =	vadd.s32 v48, v27;
	v51 =	vld.idx.msk [tilespmem:v19+s19+$0x0], $0xffff  }
0x546: {  	v52 =	vld.idx.msk [tilespmem:v14+s19+$0x0], $0xffff;
	v14 =	vadd.s32 v48, v28  }
0x547: {  	v28 =	vld.idx.msk [tilespmem:v15+s19+$0x0], $0xffff;
	v15 =	vadd.s32 v48, v29  }
0x548: {  	v26 =	vadd.s32 v48, v30;
	v53 =	vld.idx.msk [tilespmem:v16+s19+$0x0], $0xffff  }
0x549: {  	v27 =	vadd.s32 v48, v31;
	v16 =	vld.idx.msk [tilespmem:v17+s19+$0x0], $0xffff  }
0x54a: {  	v29 =	vadd.s32 s30, v32;
	v18 =	vld.idx.msk [tilespmem:v18+s19+$0x0], $0xffff  }
0x54b: {  	v30 =	vadd.s32 s30, v33;
	v17 =	vld.idx.msk [tilespmem:v14+s19+$0x0], $0xffff  }
0x54c: {  	v31 =	vadd.s32 s30, v34;
	v19 =	vld.idx.msk [tilespmem:v15+s19+$0x0], $0xffff  }
0x54d: {  	v32 =	vadd.s32 s30, v35;
	v14 =	vld.idx.msk [tilespmem:v26+s19+$0x0], $0xffff  }
0x54e: {  	v26 =	vadd.s32 s30, v36;
	v15 =	vld.idx.msk [tilespmem:v27+s19+$0x0], $0xffff  }
0x54f: {  	v27 =	vld.idx.msk [tilespmem:v29+s19+$0x0], $0xffff;
	v29 =	vadd.s32 s30, v37  }
0x550: {  	v33 =	vmov s30;
	v34 =	vadd.s32 s30, v38;
	v30 =	vld.idx.msk [tilespmem:v30+s19+$0x0], $0xffff  }
0x551: {  	v33 =	vor.u32 $0x100, v33;
	v35 =	vadd.s32 s30, v39;
	v31 =	vld.idx.msk [tilespmem:v31+s19+$0x0], $0xffff  }
0x552: {  	v36 =	vadd.s32 v33, v40;
	v32 =	vld.idx.msk [tilespmem:v32+s19+$0x0], $0xffff  }
0x553: {  	v37 =	vadd.s32 v33, v41;
	v26 =	vld.idx.msk [tilespmem:v26+s19+$0x0], $0xffff  }
0x554: {  	s31 =	sadd.s32 $0x2, s31;
	v38 =	vadd.s32 v33, v42;
	v29 =	vld.idx.msk [tilespmem:v29+s19+$0x0], $0xffff  }
0x555: {  	p0 =	slt.u32 s31, $0x3E;
	v39 =	vadd.s32 v33, v43;
	v34 =	vld.idx.msk [tilespmem:v34+s19+$0x0], $0xffff  }
0x556: {  	v40 =	vadd.s32 v33, v44;
	v35 =	vld.idx.msk [tilespmem:v35+s19+$0x0], $0xffff  }
0x557: {  	v12 =	vadd.f32 v27, v12;
	v27 =	vadd.s32 v33, v45;
	v13 =	vadd.f32 v30, v13;
	v36 =	vld.idx.msk [tilespmem:v36+s19+$0x0], $0xffff  }
0x558: {  	v30 =	vadd.s32 v33, v46;
	v10 =	vadd.f32 v31, v10;
	v11 =	vadd.f32 v32, v11;
	v31 =	vld.idx.msk [tilespmem:v37+s19+$0x0], $0xffff  }
0x559: {  	v33 =	vadd.s32 v33, v47;
	v12 =	vadd.f32 v24, v12;
	v13 =	vadd.f32 v49, v13;
	v32 =	vld.idx.msk [tilespmem:v38+s19+$0x0], $0xffff  }
0x55a: {  	v23 =	vadd.s32 v48, v23;
	v10 =	vadd.f32 v50, v10;
	v11 =	vadd.f32 v25, v11;
	v24 =	vld.idx.msk [tilespmem:v39+s19+$0x0], $0xffff  }
0x55b: {  	v22 =	vadd.s32 v48, v22;
	v6 =	vadd.f32 v26, v6;
	v7 =	vadd.f32 v29, v7;
	v26 =	vld.idx.msk [tilespmem:v40+s19+$0x0], $0xffff  }
.Ltmp14:
0x55c: {  	v4 =	vadd.f32 v34, v4;
	v5 =	vadd.f32 v35, v5;
	v29 =	vld.idx.msk [tilespmem:v27+s19+$0x0], $0xffff;
	(pc) =	sbr.rel @p0 .LBB2_30-.Ltmp14, $4  }
0x55d: {  	v6 =	vadd.f32 v51, v6;
	v7 =	vadd.f32 v52, v7;
	v27 =	vld.idx.msk [tilespmem:v30+s19+$0x0], $0xffff  }
0x55e: {  	v4 =	vadd.f32 v28, v4;
	v5 =	vadd.f32 v53, v5;
	v30 =	vld.idx.msk [tilespmem:v33+s19+$0x0], $0xffff  }
0x55f: {  	v8 =	vadd.f32 v36, v8;
	v9 =	vadd.f32 v31, v9;
	v28 =	vld.idx.msk [tilespmem:v23+s19+$0x0], $0xffff  }
0x560: {  	s0 =	sadd.s32 $0x200, s0;
	v32 =	vadd.f32 v32, v20;
	v33 =	vadd.f32 v24, v21;
	v31 =	vld.idx.msk [tilespmem:v22+s19+$0x0], $0xffff  }
0x561: {  	_ =	swait.ge [sflag:s25], $0x8000  }
0x562: {  	[sflag:s25] =	ssyncset.done $0x0  }
0x563: {  	[sflag:s25] =	ssyncadd.s32 $0xFFFF8000  }
0x564: {  	_ =	swait.ge [sflag:s26], $0x4000  }
0x565: {  	[sflag:s26] =	ssyncset.done $0x0  }
0x566: {  	s0 =	simm.s32 $0x18100;
	[sflag:s26] =	ssyncadd.s32 $0xFFFFC000  }
0x567: {  	v20 =	vld [tilespmem:s0+$0x0]  }
0x568: {  	v21 =	vld [tilespmem:s0+$0x10]  }
0x569: {  	v22 =	vld [tilespmem:s0+$0x20]  }
0x56a: {  	v23 =	vld [tilespmem:s0+$0x30]  }
0x56b: {  	v24 =	vld [tilespmem:s0+$0x40]  }
0x56c: {  	v25 =	vld [tilespmem:s0+$0x50]  }
0x56d: {  	v34 =	vld [tilespmem:s0+$0x60]  }
0x56e: {  	v35 =	vld [tilespmem:s0+$0x70]  }
0x56f: {  	v36 =	vld [tilespmem:s0+$0x80]  }
0x570: {  	v37 =	vld [tilespmem:s0+$0x90]  }
0x571: {  	v38 =	vld [tilespmem:s0+$0xA0]  }
0x572: {  	v39 =	vld [tilespmem:s0+$0xB0]  }
0x573: {  	v40 =	vld [tilespmem:s0+$0xC0]  }
0x574: {  	v41 =	vld [tilespmem:s0+$0xD0]  }
0x575: {  	v42 =	vld [tilespmem:s0+$0xE0]  }
0x576: {  	v43 =	vld [tilespmem:s0+$0xF0]  }
0x577: {  	v44 =	vld [tilespmem:s0+$0xFFFFFF00]  }
0x578: {  	v45 =	vld [tilespmem:s0+$0xFFFFFF10]  }
0x579: {  	v46 =	vld [tilespmem:s0+$0xFFFFFF20]  }
0x57a: {  	v47 =	vld [tilespmem:s0+$0xFFFFFF30]  }
0x57b: {  	v48 =	vld [tilespmem:s0+$0xFFFFFF40]  }
0x57c: {  	v49 =	vld [tilespmem:s0+$0xFFFFFF50]  }
0x57d: {  	v50 =	vld [tilespmem:s0+$0xFFFFFF60]  }
0x57e: {  	v51 =	vld [tilespmem:s0+$0xFFFFFF70]  }
0x57f: {  	v52 =	vld [tilespmem:s0+$0xFFFFFF80]  }
0x580: {  	v53 =	vld [tilespmem:s0+$0xFFFFFF90]  }
0x581: {  	s1 =	simm.s32 $0x200;
	v54 =	vld [tilespmem:s0+$0xFFFFFFA0]  }
0x582: {  	v55 =	vld [tilespmem:s0+$0xFFFFFFB0];
	v20 =	vadd.s32 s1, v20  }
0x583: {  	v56 =	vld [tilespmem:s0+$0xFFFFFFC0];
	v21 =	vadd.s32 s1, v21  }
0x584: {  	v57 =	vld [tilespmem:s0+$0xFFFFFFD0];
	v22 =	vadd.s32 s1, v22  }
0x585: {  	s30 =	simm.s32 $0x0;
	v58 =	vld [tilespmem:s0+$0xFFFFFFE0];
	v23 =	vadd.s32 s1, v23  }
0x586: {  	v59 =	vld [tilespmem:s0+$0xFFFFFFF0];
	v45 =	vadd.s32 s30, v45  }
0x587: {  	v46 =	vadd.s32 s30, v46;
	v60 =	vld.idx.msk [tilespmem:v20+s20+$0x0], $0xffff  }
0x588: {  	v16 =	vadd.f32 v16, v8;
	v8 =	vmov s30;
	v47 =	vadd.s32 s30, v47;
	v61 =	vld.idx.msk [tilespmem:v21+s20+$0x0], $0xffff  }
0x589: {  	v8 =	vor.u32 $0x100, v8;
	v63 =	vadd.s32 s30, v50;
	v62 =	vld.idx.msk [tilespmem:v22+s20+$0x0], $0xffff  }
0x58a: {  	v33 =	vadd.f32 v19, v33;
	v19 =	vadd.s32 v8, v52;
	v22 =	vadd.s32 s1, v35;
	v35 =	vld.idx.msk [tilespmem:v23+s20+$0x0], $0xffff  }
0x58b: {  	v18 =	vadd.f32 v18, v9;
	v24 =	vadd.s32 s1, v24;
	v45 =	vld.idx.msk [tilespmem:v45+s20+$0x0], $0xffff  }
0x58c: {  	v0 =	vadd.f32 v26, v0;
	v32 =	vadd.f32 v17, v32;
	v20 =	vadd.s32 s1, v25;
	v9 =	vld.idx.msk [tilespmem:v46+s20+$0x0], $0xffff  }
0x58d: {  	v27 =	vadd.f32 v27, v2;
	v25 =	vmov s1;
	v21 =	vadd.s32 s1, v34;
	v17 =	vld.idx.msk [tilespmem:v47+s20+$0x0], $0xffff  }
0x58e: {  	v26 =	vadd.f32 v29, v1;
	v1 =	vadd.f32 v14, v0;
	v14 =	vld.idx.msk [tilespmem:v63+s20+$0x0], $0xffff;
	v34 =	vor.u32 $0x100, v25  }
0x58f: {  	v30 =	vadd.f32 v30, v3;
	v3 =	vadd.f32 v28, v27;
	v28 =	vld.idx.msk [tilespmem:v19+s20+$0x0], $0xffff;
	v23 =	vadd.s32 v34, v36  }
0x590: {  	v36 =	vld.idx.msk [tilespmem:v24+s20+$0x0], $0xffff;
	v24 =	vadd.s32 v34, v37  }
0x591: {  	v37 =	vld.idx.msk [tilespmem:v20+s20+$0x0], $0xffff;
	v20 =	vadd.s32 v34, v38  }
0x592: {  	v38 =	vld.idx.msk [tilespmem:v21+s20+$0x0], $0xffff;
	v21 =	vadd.s32 v34, v39  }
0x593: {  	v40 =	vadd.s32 v34, v40;
	v39 =	vld.idx.msk [tilespmem:v22+s20+$0x0], $0xffff  }
0x594: {  	v41 =	vadd.s32 v34, v41;
	v22 =	vld.idx.msk [tilespmem:v23+s20+$0x0], $0xffff  }
0x595: {  	v44 =	vadd.s32 s30, v44;
	v23 =	vld.idx.msk [tilespmem:v24+s20+$0x0], $0xffff  }
0x596: {  	v54 =	vadd.s32 v8, v54;
	v24 =	vld.idx.msk [tilespmem:v20+s20+$0x0], $0xffff  }
0x597: {  	v51 =	vadd.s32 s30, v51;
	v25 =	vld.idx.msk [tilespmem:v21+s20+$0x0], $0xffff  }
0x598: {  	v20 =	vld.idx.msk [tilespmem:v40+s20+$0x0], $0xffff;
	v40 =	vadd.s32 s30, v48  }
0x599: {  	v21 =	vld.idx.msk [tilespmem:v41+s20+$0x0], $0xffff  }
0x59a: {  	v41 =	vld.idx.msk [tilespmem:v44+s20+$0x0], $0xffff;
	v44 =	vadd.s32 s30, v49  }
0x59b: {  	v53 =	vadd.s32 v8, v53;
	v19 =	vadd.s32 v8, v57;
	v57 =	vadd.s32 v8, v58;
	v58 =	vld.idx.msk [tilespmem:v54+s20+$0x0], $0xffff  }
0x59c: {  	v2 =	vadd.f32 v15, v26;
	v15 =	vadd.s32 v8, v55;
	v26 =	vld.idx.msk [tilespmem:v51+s20+$0x0], $0xffff  }
0x59d: {  	v0 =	vadd.f32 v31, v30;
	v27 =	vadd.s32 v8, v56;
	v29 =	vld.idx.msk [tilespmem:v40+s20+$0x0], $0xffff  }
0x59e: {  	v13 =	vadd.f32 v45, v13;
	v9 =	vadd.f32 v9, v10  }
0x59f: {  	v17 =	vadd.f32 v17, v11;
	v4 =	vadd.f32 v14, v4;
	v44 =	vld.idx.msk [tilespmem:v44+s20+$0x0], $0xffff  }
0x5a0: {  	v59 =	vadd.s32 v8, v59;
	v56 =	vld.idx.msk [tilespmem:v53+s20+$0x0], $0xffff;
	v14 =	vadd.f32 v58, v32;
	v10 =	vadd.f32 v61, v13  }
0x5a1: {  	v15 =	vld.idx.msk [tilespmem:v15+s20+$0x0], $0xffff;
	v63 =	vadd.s32 v34, v42;
	v8 =	vadd.f32 v35, v17;
	v13 =	vadd.f32 v26, v5  }
0x5a2: {  	v17 =	vld.idx.msk [tilespmem:v27+s20+$0x0], $0xffff;
	v12 =	vadd.f32 v41, v12;
	v6 =	vadd.f32 v29, v6;
	v29 =	vadd.s32 v34, v43  }
0x5a3: {  	v26 =	vld.idx.msk [tilespmem:v19+s20+$0x0], $0xffff;
	v5 =	vadd.f32 v38, v4;
	v4 =	vadd.f32 v39, v13  }
0x5a4: {  	v19 =	vld.idx.msk [tilespmem:v57+s20+$0x0], $0xffff;
	v11 =	vadd.f32 v60, v12;
	v12 =	vadd.f32 v44, v7  }
0x5a5: {  	v27 =	vld.idx.msk [tilespmem:v59+s20+$0x0], $0xffff;
	v13 =	vadd.f32 v56, v18;
	v7 =	vadd.f32 v36, v6  }
0x5a6: {  	v6 =	vadd.f32 v37, v12;
	v12 =	vadd.f32 v28, v16;
	v16 =	vld.idx.msk [tilespmem:v63+s20+$0x0], $0xffff  }
0x5a7: {  	s31 =	simm.s32 $0x0;
	s0 =	simm.s32 $0x18300;
	v15 =	vadd.f32 v15, v33;
	v9 =	vadd.f32 v62, v9;
	v18 =	vld.idx.msk [tilespmem:v29+s20+$0x0], $0xffff  }
.LBB2_32:
0x5a8: {  	v28 =	vld [tilespmem:s0+$0x0];
	v12 =	vadd.f32 v22, v12;
	v13 =	vadd.f32 v23, v13  }
0x5a9: {  	v22 =	vld [tilespmem:s0+$0x10];
	v14 =	vadd.f32 v24, v14;
	v15 =	vadd.f32 v25, v15  }
0x5aa: {  	v1 =	vadd.f32 v17, v1;
	v2 =	vadd.f32 v26, v2;
	v23 =	vld [tilespmem:s0+$0x20]  }
0x5ab: {  	v3 =	vadd.f32 v19, v3;
	v0 =	vadd.f32 v27, v0;
	v24 =	vld [tilespmem:s0+$0x30]  }
0x5ac: {  	v1 =	vadd.f32 v20, v1;
	v2 =	vadd.f32 v21, v2;
	v19 =	vld [tilespmem:s0+$0x40]  }
0x5ad: {  	v3 =	vadd.f32 v16, v3;
	v0 =	vadd.f32 v18, v0;
	v20 =	vld [tilespmem:s0+$0x50]  }
0x5ae: {  	v18 =	vld [tilespmem:s0+$0x60]  }
0x5af: {  	v21 =	vld [tilespmem:s0+$0x70]  }
0x5b0: {  	v25 =	vld [tilespmem:s0+$0x80]  }
0x5b1: {  	v26 =	vld [tilespmem:s0+$0x90]  }
0x5b2: {  	v27 =	vld [tilespmem:s0+$0xA0]  }
0x5b3: {  	v29 =	vld [tilespmem:s0+$0xB0]  }
0x5b4: {  	v30 =	vld [tilespmem:s0+$0xC0]  }
0x5b5: {  	v31 =	vld [tilespmem:s0+$0xD0]  }
0x5b6: {  	v17 =	vld [tilespmem:s0+$0xE0]  }
0x5b7: {  	v16 =	vld [tilespmem:s0+$0xF0]  }
0x5b8: {  	v32 =	vld [tilespmem:s0+$0xFFFFFF00]  }
0x5b9: {  	v33 =	vld [tilespmem:s0+$0xFFFFFF10]  }
0x5ba: {  	v34 =	vld [tilespmem:s0+$0xFFFFFF20]  }
0x5bb: {  	v35 =	vld [tilespmem:s0+$0xFFFFFF30]  }
0x5bc: {  	v36 =	vld [tilespmem:s0+$0xFFFFFF40]  }
0x5bd: {  	v37 =	vld [tilespmem:s0+$0xFFFFFF50]  }
0x5be: {  	v38 =	vld [tilespmem:s0+$0xFFFFFF60]  }
0x5bf: {  	v39 =	vld [tilespmem:s0+$0xFFFFFF70]  }
0x5c0: {  	v40 =	vld [tilespmem:s0+$0xFFFFFF80]  }
0x5c1: {  	s30 =	sadd.s32 $0x400, s30;
	v41 =	vld [tilespmem:s0+$0xFFFFFF90]  }
0x5c2: {  	s1 =	sadd.s32 $0x200, s30;
	v42 =	vld [tilespmem:s0+$0xFFFFFFA0]  }
0x5c3: {  	v28 =	vadd.s32 s1, v28;
	v43 =	vld [tilespmem:s0+$0xFFFFFFB0]  }
0x5c4: {  	v22 =	vadd.s32 s1, v22;
	v44 =	vld [tilespmem:s0+$0xFFFFFFC0]  }
0x5c5: {  	v23 =	vadd.s32 s1, v23;
	v45 =	vld [tilespmem:s0+$0xFFFFFFD0]  }
0x5c6: {  	v24 =	vadd.s32 s1, v24;
	v46 =	vld [tilespmem:s0+$0xFFFFFFE0]  }
0x5c7: {  	v19 =	vadd.s32 s1, v19;
	v47 =	vld [tilespmem:s0+$0xFFFFFFF0]  }
0x5c8: {  	v20 =	vadd.s32 s1, v20;
	v28 =	vld.idx.msk [tilespmem:v28+s20+$0x0], $0xffff  }
0x5c9: {  	v48 =	vmov s1;
	v18 =	vadd.s32 s1, v18;
	v49 =	vld.idx.msk [tilespmem:v22+s20+$0x0], $0xffff  }
0x5ca: {  	v48 =	vor.u32 $0x100, v48;
	v21 =	vadd.s32 s1, v21;
	v50 =	vld.idx.msk [tilespmem:v23+s20+$0x0], $0xffff  }
0x5cb: {  	v22 =	vadd.s32 v48, v25;
	v51 =	vld.idx.msk [tilespmem:v24+s20+$0x0], $0xffff  }
0x5cc: {  	v52 =	vld.idx.msk [tilespmem:v19+s20+$0x0], $0xffff;
	v19 =	vadd.s32 v48, v26  }
0x5cd: {  	v53 =	vld.idx.msk [tilespmem:v20+s20+$0x0], $0xffff;
	v20 =	vadd.s32 v48, v27  }
0x5ce: {  	v25 =	vadd.s32 v48, v29;
	v18 =	vld.idx.msk [tilespmem:v18+s20+$0x0], $0xffff  }
0x5cf: {  	v29 =	vld.idx.msk [tilespmem:v21+s20+$0x0], $0xffff;
	v21 =	vadd.s32 v48, v30  }
0x5d0: {  	v26 =	vadd.s32 v48, v31;
	v22 =	vld.idx.msk [tilespmem:v22+s20+$0x0], $0xffff  }
0x5d1: {  	v27 =	vadd.s32 s30, v32;
	v23 =	vld.idx.msk [tilespmem:v19+s20+$0x0], $0xffff  }
0x5d2: {  	v19 =	vadd.s32 s30, v33;
	v24 =	vld.idx.msk [tilespmem:v20+s20+$0x0], $0xffff  }
0x5d3: {  	v30 =	vadd.s32 s30, v34;
	v25 =	vld.idx.msk [tilespmem:v25+s20+$0x0], $0xffff  }
0x5d4: {  	v31 =	vadd.s32 s30, v35;
	v20 =	vld.idx.msk [tilespmem:v21+s20+$0x0], $0xffff  }
0x5d5: {  	v32 =	vadd.s32 s30, v36;
	v21 =	vld.idx.msk [tilespmem:v26+s20+$0x0], $0xffff  }
0x5d6: {  	v26 =	vld.idx.msk [tilespmem:v27+s20+$0x0], $0xffff;
	v27 =	vadd.s32 s30, v37  }
0x5d7: {  	v34 =	vadd.s32 s30, v38;
	v33 =	vmov s30;
	v19 =	vld.idx.msk [tilespmem:v19+s20+$0x0], $0xffff  }
0x5d8: {  	v35 =	vadd.s32 s30, v39;
	v33 =	vor.u32 $0x100, v33;
	v30 =	vld.idx.msk [tilespmem:v30+s20+$0x0], $0xffff  }
0x5d9: {  	v36 =	vadd.s32 v33, v40;
	v31 =	vld.idx.msk [tilespmem:v31+s20+$0x0], $0xffff  }
0x5da: {  	v37 =	vadd.s32 v33, v41;
	v32 =	vld.idx.msk [tilespmem:v32+s20+$0x0], $0xffff  }
0x5db: {  	s31 =	sadd.s32 $0x2, s31;
	v38 =	vadd.s32 v33, v42;
	v27 =	vld.idx.msk [tilespmem:v27+s20+$0x0], $0xffff  }
0x5dc: {  	p0 =	slt.u32 s31, $0x3E;
	v39 =	vadd.s32 v33, v43;
	v34 =	vld.idx.msk [tilespmem:v34+s20+$0x0], $0xffff  }
0x5dd: {  	v40 =	vadd.s32 v33, v44;
	v35 =	vld.idx.msk [tilespmem:v35+s20+$0x0], $0xffff  }
0x5de: {  	v11 =	vadd.f32 v26, v11;
	v10 =	vadd.f32 v19, v10;
	v19 =	vadd.s32 v33, v45;
	v36 =	vld.idx.msk [tilespmem:v36+s20+$0x0], $0xffff  }
0x5df: {  	v9 =	vadd.f32 v30, v9;
	v8 =	vadd.f32 v31, v8;
	v31 =	vadd.s32 v33, v46;
	v30 =	vld.idx.msk [tilespmem:v37+s20+$0x0], $0xffff  }
0x5e0: {  	v11 =	vadd.f32 v28, v11;
	v33 =	vadd.s32 v33, v47;
	v10 =	vadd.f32 v49, v10;
	v37 =	vld.idx.msk [tilespmem:v38+s20+$0x0], $0xffff  }
0x5e1: {  	v9 =	vadd.f32 v50, v9;
	v8 =	vadd.f32 v51, v8;
	v38 =	vadd.s32 v48, v17;
	v28 =	vld.idx.msk [tilespmem:v39+s20+$0x0], $0xffff  }
0x5e2: {  	v7 =	vadd.f32 v32, v7;
	v32 =	vadd.s32 v48, v16;
	v6 =	vadd.f32 v27, v6;
	v17 =	vld.idx.msk [tilespmem:v40+s20+$0x0], $0xffff  }
.Ltmp15:
0x5e3: {  	v5 =	vadd.f32 v34, v5;
	v4 =	vadd.f32 v35, v4;
	v26 =	vld.idx.msk [tilespmem:v19+s20+$0x0], $0xffff;
	(pc) =	sbr.rel @p0 .LBB2_32-.Ltmp15, $4  }
0x5e4: {  	v7 =	vadd.f32 v52, v7;
	v6 =	vadd.f32 v53, v6;
	v19 =	vld.idx.msk [tilespmem:v31+s20+$0x0], $0xffff  }
0x5e5: {  	v5 =	vadd.f32 v18, v5;
	v4 =	vadd.f32 v29, v4;
	v27 =	vld.idx.msk [tilespmem:v33+s20+$0x0], $0xffff  }
0x5e6: {  	v12 =	vadd.f32 v36, v12;
	v13 =	vadd.f32 v30, v13;
	v16 =	vld.idx.msk [tilespmem:v38+s20+$0x0], $0xffff  }
0x5e7: {  	s0 =	sadd.s32 $0x200, s0;
	v14 =	vadd.f32 v37, v14;
	v15 =	vadd.f32 v28, v15;
	v18 =	vld.idx.msk [tilespmem:v32+s20+$0x0], $0xffff  }
0x5e8: {  	v12 =	vadd.f32 v22, v12;
	v13 =	vadd.f32 v23, v13;
	v55 =	vld [tilespmem:$0x1C000]  }
0x5e9: {  	v56 =	vld [tilespmem:$0x1C010];
	v1 =	vadd.f32 v17, v1;
	v2 =	vadd.f32 v26, v2  }
0x5ea: {  	v57 =	vld [tilespmem:$0x1C020];
	v14 =	vadd.f32 v24, v14;
	v15 =	vadd.f32 v25, v15  }
0x5eb: {  	v58 =	vld [tilespmem:$0x1C030];
	v3 =	vadd.f32 v19, v3;
	v11 =	vadd.f32 v12, v11  }
0x5ec: {  	v59 =	vld [tilespmem:$0x1C040];
	v0 =	vadd.f32 v27, v0;
	v10 =	vadd.f32 v13, v10  }
0x5ed: {  	v60 =	vld [tilespmem:$0x1C050];
	v1 =	vadd.f32 v20, v1;
	v9 =	vadd.f32 v14, v9;
	v11 =	vmul.f32 v55, v11  }
0x5ee: {  	v61 =	vld [tilespmem:$0x1C060];
	v2 =	vadd.f32 v21, v2;
	v8 =	vadd.f32 v15, v8;
	v10 =	vmul.f32 v56, v10  }
0x5ef: {  	v62 =	vld [tilespmem:$0x1C070];
	v3 =	vadd.f32 v16, v3;
	v1 =	vadd.f32 v1, v7;
	v9 =	vmul.f32 v57, v9;
	[tilespmem:$0x1C080] =	vst v11  }
0x5f0: {  	v0 =	vadd.f32 v18, v0;
	v2 =	vadd.f32 v2, v6;
	v8 =	vmul.f32 v58, v8;
	[tilespmem:$0x1C090] =	vst v10  }
0x5f1: {  	v3 =	vadd.f32 v3, v5;
	v1 =	vmul.f32 v59, v1;
	[tilespmem:$0x1C0A0] =	vst v9  }
0x5f2: {  	v2 =	vmul.f32 v60, v2;
	v0 =	vadd.f32 v0, v4;
	[tilespmem:$0x1C0B0] =	vst v8  }
0x5f3: {  	v63 =	vmul.f32 v61, v3;
	[tilespmem:$0x1C0C0] =	vst v1  }
0x5f4: {  	s29 =	sadd.s32 $0x1, s29;
	[tilespmem:$0x1C0D0] =	vst v2;
	v0 =	vmul.f32 v62, v0  }
0x5f5: {  	p0 =	sne.s32 s29, s15;
	[tilespmem:$0x1C0E0] =	vst v63  }
.Ltmp16:
0x5f6: {  	s0 =	simm.s32 $0x1C080;
	[tilespmem:$0x1C0F0] =	vst v0;
	(pc) =	sbr.rel @p0 .LBB2_1-.Ltmp16, $4  }
0x5f7: {  	[hbm4b:s14+s3] =	stream.linear.scatter [tilespmem:s0], [sflag:$0x6], $0x80, $0x38;
	[tilespmem:$0x1C100] =	vst v63  }
0x5f8: {  	_ =	swait.ge [sflag:s22], $0x80  }
0x5f9: {  	[sflag:s22] =	ssyncset.done $0x0  }
0x5fa: {  	[sflag:s22] =	ssyncadd.s32 $0xFFFFFF80  }
0x5fb: {  	_ =	sfence.sel $0x180000  }
0x5fc: {  	[bflag:$0x0] =	sbarrier.arrive $0xFFFF  }
0x5fd: {  	_ =	strace $0x90000047  }
0x5fe: {  	s0 =	stileid.u32;
	[bflag:$0x2] =	sbarrier.arrive $0xFFFF  }
0x5ff: {  	p0 =	sne.s32 s0, $0x0;
	s0 =	rddreg [dreg:$0x5]  }
0x600: {  	s0 =	sadd.s32 @!p0 $0x100000, s0  }
0x601: {  	[sflag:s0] =	ssyncadd.tile.s32 @!p0 $0x1;
	_ =	shalt  }
.Lfunc_end2:
_tile_overlayer_lowered:
.L_overlay_start_2:
0x602: {  	(tag) =	ssettag $0x2  }
0x603: {  	s0 =	rddreg [dreg:$0x0];
	s2 =	stileid.u32  }
0x604: {  	s1 =	rddreg [dreg:$0x1];
	p0 =	sne.s32 s2, $0x0  }
0x605: {  	s3 =	rddreg [dreg:$0x2];
	[bflag:$0x3] =	sbarrier.arrive $0xFFFF;
	s2 =	simm.s32 @!p0 $0x1C06  }
0x606: {  	[timem:s3], [sflag:s2] =	dma.local @!p0 [hbm:s0], s1  }
0x607: {  	s0 =	simm.s32 @!p0 $0x6  }
0x608: {  	_ =	swait.ge @!p0 [sflag:s0], s1  }
0x609: {  	s1 =	ssub.s32 @!p0 $0x0, s1;
	[sflag:s0] =	ssyncset.done @!p0 $0x0  }
0x60a: {  	[sflag:s0] =	ssyncadd.s32 @!p0 s1  }
0x60b: {  	[bflag:$0x3] =	sbarrier.arrive $0xFFFF  }
0x60c: {  	_ =	shalt  }

</sc_bundles>
